<compile_context>
chip_gen: v7x
topology: tpu7x:2x2x1
jax: 0.10.2.dev20260603
libtpu: 0.0.44.dev20260713+nightly
codegen_flags: <defaults>
</compile_context>

<pallas_src>
import jax
import jax.numpy as jnp
from jax import lax
from jax.experimental import pallas as pl
from jax.experimental.pallas import tpu as pltpu
from jax.experimental.pallas import tpu_sc as plsc

N = 10000
D = 128
E = 320000
OUT = 3
FC_IN = (N + 3) * 3
AD = 10000

NPT = 640
NP = 16 * NPT
EPT = E // 16
B = 128
NFULL = EPT // B
TAIL = EPT - NFULL * B

ROWB = 2048
NROWB = NP // ROWB

COLB = 128
NCOLB = (AD + COLB - 1) // COLB



def _proj_body(x_ref, w_ref, b_ref, o_ref):
    o_ref[0] = (
        jnp.dot(x_ref[...], w_ref[0], preferred_element_type=jnp.float32)
        + b_ref[0]
    )


def _project(x, wcat, bias):
    return pl.pallas_call(
        _proj_body,
        grid=(2, NROWB),
        in_specs=[
            pl.BlockSpec((ROWB, D), lambda i, j: (j, 0)),
            pl.BlockSpec((1, D, 9), lambda i, j: (i, 0, 0)),
            pl.BlockSpec((1, 1, 9), lambda i, j: (i, 0, 0)),
        ],
        out_specs=pl.BlockSpec((1, ROWB, 9), lambda i, j: (i, j, 0)),
        out_shape=jax.ShapeDtypeStruct((2, NP, 9), jnp.float32),
    )(x, wcat, bias)



def _sc_body(row_h, col_h, y, tab_h, z1, ones_h, out,
             deg_sh, s1c, a1c, s2c, a2c,
             rowi, rowt, colb, oneb,
             degb, degi, disb, ybT, s1T, valb, vA, vB, a1T, s2T, a2T, oT,
             ysem, gsem, ssem):
    cid = lax.axis_index("c")
    sid = lax.axis_index("s")
    n0 = sid * NPT
    e0 = sid * EPT

    for c9 in range(9):
        pltpu.async_copy(y.at[pl.ds((cid * 9 + c9) * NP + n0, NPT)],
                         ybT.at[pl.ds(c9 * NPT, NPT)], ysem)

    pltpu.sync_copy(z1, deg_sh.at[pl.ds(n0, NPT)])
    for r in a1c:
        pltpu.sync_copy(z1, r.at[pl.ds(n0, NPT)])
    for r in a2c:
        pltpu.sync_copy(z1, r.at[pl.ds(n0, NPT)])
    pltpu.sync_copy(ones_h, oneb)
    pltpu.sync_copy(col_h.at[pl.ds(e0, EPT)], colb)

    def load_row(j, c):
        pltpu.async_copy(row_h.at[pl.ds(e0 + j * B, B)], rowi.at[j], gsem)
        return c
    lax.fori_loop(0, NFULL, load_row, 0)

    def drain_row(j, c):
        pltpu.make_async_copy(row_h.at[pl.ds(e0 + j * B, B)], rowi.at[j],
                              gsem).wait()
        return c
    lax.fori_loop(0, NFULL, drain_row, 0)
    pltpu.sync_copy(row_h.at[pl.ds(e0 + NFULL * B, TAIL)], rowt)
    plsc.subcore_barrier()

    def deg_chunk(j, c):
        pltpu.async_copy(oneb, deg_sh.at[rowi.at[j]], ssem, add=True)
        return c
    lax.fori_loop(0, NFULL, deg_chunk, 0)
    pltpu.sync_copy(oneb.at[pl.ds(0, TAIL)], deg_sh.at[rowt], add=True)

    def deg_drain(j, c):
        pltpu.make_async_copy(tab_h.at[pl.ds(0, B)], oneb, ssem).wait()
        return c
    lax.fori_loop(0, NFULL, deg_drain, 0)
    plsc.subcore_barrier()

    pltpu.sync_copy(deg_sh.at[pl.ds(n0, NPT)], degb)

    def cvt_iter(i, c):
        j = i // (B // 16)
        k = i - j * (B // 16)
        degi[j, pl.ds(k * 16, 16)] = degb[pl.ds(i * 16, 16)].astype(jnp.int32)
        return c
    lax.fori_loop(0, NPT // 16, cvt_iter, 0)

    def dis_iter(j, c):
        pltpu.async_copy(tab_h.at[degi.at[j]], disb.at[pl.ds(j * B, B)], gsem)
        return c
    lax.fori_loop(0, NPT // B, dis_iter, 0)

    def dis_drain(j, c):
        pltpu.make_async_copy(tab_h.at[pl.ds(0, B)],
                              disb.at[pl.ds(j * B, B)], gsem).wait()
        return c
    lax.fori_loop(0, NPT // B, dis_drain, 0)

    for c9 in range(9):
        pltpu.make_async_copy(y.at[pl.ds((cid * 9 + c9) * NP + n0, NPT)],
                              ybT.at[pl.ds(c9 * NPT, NPT)], ysem).wait()

    def s1_iter(i, c):
        dv = disb[pl.ds(i * 16, 16)]
        for c6 in range(6):
            s1T[pl.ds(c6 * NPT + i * 16, 16)] = (
                dv * ybT[pl.ds((c6 + 3) * NPT + i * 16, 16)])
        return c
    lax.fori_loop(0, NPT // 16, s1_iter, 0)
    for c6 in range(6):
        pltpu.sync_copy(s1T.at[pl.ds(c6 * NPT, NPT)],
                        s1c[c6].at[pl.ds(n0, NPT)])
    plsc.subcore_barrier()

    def edge_pass(srcs, accs):
        ncol = len(srcs)

        def fire_gathers(j, bufs):
            cidx = colb.at[pl.ds(j * B, B)]
            return [pltpu.async_copy(srcs[c].at[cidx], bufs[c], gsem)
                    for c in range(ncol)]

        def fire_scatters(j, bufs):
            ridx = rowi.at[j]
            for c in range(ncol):
                pltpu.async_copy(bufs[c], accs[c].at[ridx], ssem, add=True)

        def drain_scatters():
            for c in range(ncol):
                pltpu.make_async_copy(tab_h.at[pl.ds(0, B)], vA[c],
                                      ssem).wait()

        def pair(jj, c):
            @pl.when(jj > 0)
            def _():
                drain_scatters()
                drain_scatters()
            dg0 = fire_gathers(2 * jj, vA)
            dg1 = fire_gathers(2 * jj + 1, vB)
            for d in dg0:
                d.wait()
            fire_scatters(2 * jj, vA)
            for d in dg1:
                d.wait()
            fire_scatters(2 * jj + 1, vB)
            return c
        lax.fori_loop(0, NFULL // 2, pair, 0)
        drain_scatters()
        drain_scatters()

        tidx = colb.at[pl.ds(NFULL * B, TAIL)]
        for c in range(ncol):
            vt = vA[c].at[pl.ds(0, TAIL)]
            pltpu.sync_copy(srcs[c].at[tidx], vt)
            pltpu.sync_copy(vt, accs[c].at[rowt], add=True)

    edge_pass(s1c, a1c)
    plsc.subcore_barrier()

    for c6 in range(6):
        pltpu.async_copy(a1c[c6].at[pl.ds(n0, NPT)],
                         a1T.at[pl.ds(c6 * NPT, NPT)], ysem)
    for c6 in range(6):
        pltpu.make_async_copy(a1c[c6].at[pl.ds(n0, NPT)],
                              a1T.at[pl.ds(c6 * NPT, NPT)], ysem).wait()

    def s2_iter(i, c):
        dv = disb[pl.ds(i * 16, 16)]
        for c3 in range(3):
            s2T[pl.ds(c3 * NPT + i * 16, 16)] = (
                dv * dv * a1T[pl.ds((c3 + 3) * NPT + i * 16, 16)])
        return c
    lax.fori_loop(0, NPT // 16, s2_iter, 0)
    for c3 in range(3):
        pltpu.sync_copy(s2T.at[pl.ds(c3 * NPT, NPT)],
                        s2c[c3].at[pl.ds(n0, NPT)])
    plsc.subcore_barrier()

    edge_pass(s2c, a2c)
    plsc.subcore_barrier()

    for c3 in range(3):
        pltpu.sync_copy(a2c[c3].at[pl.ds(n0, NPT)],
                        a2T.at[pl.ds(c3 * NPT, NPT)])

    def out_iter(i, c):
        o16 = i * 16
        dv = disb[pl.ds(o16, 16)]
        for c3 in range(3):
            pre = (ybT[pl.ds(c3 * NPT + o16, 16)]
                   - ybT[pl.ds((c3 + 6) * NPT + o16, 16)]
                   - dv * a1T[pl.ds(c3 * NPT + o16, 16)]
                   + 2.0 * dv * a2T[pl.ds(c3 * NPT + o16, 16)])
            ex = jnp.exp(2.0 * pre)
            oT[pl.ds(c3 * NPT + o16, 16)] = 1.0 - 2.0 / (ex + 1.0)
        return c
    lax.fori_loop(0, NPT // 16, out_iter, 0)

    for c3 in range(3):
        pltpu.sync_copy(oT.at[pl.ds(c3 * NPT, NPT)],
                        out.at[pl.ds((cid * 3 + c3) * NP + n0, NPT)])


def _sc_conv(row, col, yproj):
    mesh = plsc.VectorSubcoreMesh(
        core_axis_name="c", subcore_axis_name="s", num_cores=2,
        num_subcores=16)
    z1 = jnp.zeros((NPT,), jnp.float32)
    ones_h = jnp.ones((B,), jnp.float32)
    t = jnp.arange(E + 8, dtype=jnp.float32)
    tab = jnp.where(t > 0, 1.0 / jnp.sqrt(jnp.maximum(t, 1e-12)), 0.0)
    return pl.kernel(
        _sc_body,
        out_type=jax.ShapeDtypeStruct((2 * 3 * NP,), jnp.float32),
        mesh=mesh,
        scratch_types=[
            pltpu.VMEM_SHARED((NP,), jnp.float32),
            [pltpu.VMEM_SHARED((NP,), jnp.float32)] * 6,
            [pltpu.VMEM_SHARED((NP,), jnp.float32)] * 6,
            [pltpu.VMEM_SHARED((NP,), jnp.float32)] * 3,
            [pltpu.VMEM_SHARED((NP,), jnp.float32)] * 3,
            pltpu.VMEM((NFULL, B), jnp.int32),
            pltpu.VMEM((TAIL,), jnp.int32),
            pltpu.VMEM((EPT,), jnp.int32),
            pltpu.VMEM((B,), jnp.float32),
            pltpu.VMEM((NPT,), jnp.float32),
            pltpu.VMEM((NPT // B, B), jnp.int32),
            pltpu.VMEM((NPT,), jnp.float32),
            pltpu.VMEM((9 * NPT,), jnp.float32),
            pltpu.VMEM((6 * NPT,), jnp.float32),
            pltpu.VMEM((B,), jnp.float32),
            [pltpu.VMEM((B,), jnp.float32)] * 6,
            [pltpu.VMEM((B,), jnp.float32)] * 6,
            pltpu.VMEM((6 * NPT,), jnp.float32),
            pltpu.VMEM((3 * NPT,), jnp.float32),
            pltpu.VMEM((3 * NPT,), jnp.float32),
            pltpu.VMEM((3 * NPT,), jnp.float32),
            pltpu.SemaphoreType.DMA,
            pltpu.SemaphoreType.DMA,
            pltpu.SemaphoreType.DMA,
        ],
    )(row, col, yproj, tab, z1, ones_h)



def _fc_body(fa_ref, w_ref, ab_ref, fcv_ref, cw_ref, cb_ref, lo_ref, va_ref):
    lo_ref[...] = (
        jnp.dot(fa_ref[...], w_ref[...], preferred_element_type=jnp.float32)
        + ab_ref[...]
    )

    @pl.when(pl.program_id(0) == 0)
    def _():
        va_ref[...] = (
            jnp.dot(fcv_ref[...], cw_ref[...],
                    preferred_element_type=jnp.float32)
            + cb_ref[...]
        )


def _fc(fa, w, ab, fcv, cw, cb):
    return pl.pallas_call(
        _fc_body,
        grid=(NCOLB,),
        in_specs=[
            pl.BlockSpec((1, FC_IN), lambda j: (0, 0)),
            pl.BlockSpec((FC_IN, COLB), lambda j: (0, j)),
            pl.BlockSpec((1, COLB), lambda j: (0, j)),
            pl.BlockSpec((1, FC_IN), lambda j: (0, 0)),
            pl.BlockSpec((FC_IN, 1), lambda j: (0, 0)),
            pl.BlockSpec((1, 1), lambda j: (0, 0)),
        ],
        out_specs=[
            pl.BlockSpec((1, COLB), lambda j: (0, j)),
            pl.BlockSpec((1, 1), lambda j: (0, 0)),
        ],
        out_shape=[
            jax.ShapeDtypeStruct((1, AD), jnp.float32),
            jax.ShapeDtypeStruct((1, 1), jnp.float32),
        ],
    )(fa, w, ab, fcv, cw, cb)



def kernel(substrate_features, substrate_edge_index, vnr_features,
           actor_conv_W, actor_conv_b, critic_conv_W, critic_conv_b,
           a1_w, a1_b, a2_w, a2_b, a3_w, a3_b,
           c1_w, c1_b, c2_w, c2_b, c3_w, c3_b,
           actor_fc_w, actor_fc_b, critic_fc_w, critic_fc_b):
    x = substrate_features
    ei = substrate_edge_index.astype(jnp.int32)
    row = ei[0]
    col = ei[1]

    wa = jnp.transpose(actor_conv_W, (1, 0, 2)).reshape(D, 9)
    wc = jnp.transpose(critic_conv_W, (1, 0, 2)).reshape(D, 9)
    wcat = jnp.stack([wa, wc])
    z6 = jnp.zeros((6,), jnp.float32)
    bias = jnp.stack([
        jnp.concatenate([actor_conv_b, z6]),
        jnp.concatenate([critic_conv_b, z6]),
    ])[:, None, :]

    yproj = _project(x, wcat, bias)
    yt = jnp.transpose(yproj, (0, 2, 1)).reshape(-1)
    conv = _sc_conv(row, col, yt)
    conv3 = conv.reshape(2, 3, NP)
    ga = jnp.transpose(conv3[0, :, :N], (1, 0)).reshape(-1)
    gc = jnp.transpose(conv3[1, :, :N], (1, 0)).reshape(-1)

    vnr = vnr_features
    va = jnp.concatenate([
        vnr[0] * a1_w[0] + a1_b,
        vnr[1] * a2_w[0] + a2_b,
        vnr[2] * a3_w[0] + a3_b,
    ])
    vc = jnp.concatenate([
        vnr[0] * c1_w[0] + c1_b,
        vnr[1] * c2_w[0] + c2_b,
        vnr[2] * c3_w[0] + c3_b,
    ])
    fa = jnp.concatenate([ga, va])[None]
    fcv = jnp.concatenate([gc, vc])[None]

    logits, values = _fc(
        fa, actor_fc_w, actor_fc_b[None],
        fcv, critic_fc_w, critic_fc_b[None])
    return logits, values

# --- scband reference (transcript-rebuilt; emitter-appended) ---
"""Pipeline reference for scband-a3-c-model-3745211482551 (READ-ONLY COPY).

The authoritative reference and input builder live on the scoring server;
editing this copy changes nothing except your own understanding.
"""

import jax, jax.numpy as jnp
import numpy as np

N = 10000
D = 128
E = 320000
OUT = 3
K = 3
ACTION_DIM = 10000
FC_IN = (N + 3) * 3


def setup_inputs(seed: int = 0):
    key = jax.random.key(seed)
    ks = jax.random.split(key, 32)
    s = 0.1
    inp = {}
    inp['substrate_features'] = jax.random.normal(ks[0], (N, D), jnp.float32)
    inp['substrate_edge_index'] = jax.random.randint(ks[1], (2, E), 0, N)
    inp['vnr_features'] = jax.random.uniform(ks[2], (3,), jnp.float32)
    inp['actor_conv_W'] = jax.random.normal(ks[3], (K, D, OUT), jnp.float32) * s
    inp['actor_conv_b'] = jnp.zeros((OUT,), jnp.float32)
    inp['critic_conv_W'] = jax.random.normal(ks[4], (K, D, OUT), jnp.float32) * s
    inp['critic_conv_b'] = jnp.zeros((OUT,), jnp.float32)
    for i, name in enumerate(['a1', 'a2', 'a3', 'c1', 'c2', 'c3']):
        inp[name + '_w'] = jax.random.normal(ks[5 + i], (1, 3), jnp.float32) * s
        inp[name + '_b'] = jnp.zeros((3,), jnp.float32)
    inp['actor_fc_w'] = jax.random.normal(ks[12], (FC_IN, ACTION_DIM), jnp.float32) * 0.01
    inp['actor_fc_b'] = jnp.zeros((ACTION_DIM,), jnp.float32)
    inp['critic_fc_w'] = jax.random.normal(ks[13], (FC_IN, 1), jnp.float32) * 0.01
    inp['critic_fc_b'] = jnp.zeros((1,), jnp.float32)
    return inp


def _cheb_conv(x, row, col, W, b):
    ones = jnp.ones(row.shape[0], x.dtype)
    deg = jnp.zeros((N,), x.dtype).at[row].add(ones)
    dis = jnp.where(deg > 0, 1.0 / jnp.sqrt(jnp.maximum(deg, 1e-12)), 0.0)
    norm = -dis[row] * dis[col]

    def lap(h):
        return jnp.zeros_like(h).at[row].add(norm[:, None] * h[col])

    Tx0 = x
    Tx1 = lap(Tx0)
    Tx2 = 2.0 * lap(Tx1) - Tx0
    return Tx0 @ W[0] + Tx1 @ W[1] + Tx2 @ W[2] + b


def _forward(substrate_features, vnr_features, actor_conv_W, actor_conv_b, critic_conv_W, critic_conv_b, a1_w, a1_b, a2_w, a2_b, a3_w, a3_b, c1_w, c1_b, c2_w, c2_b, c3_w, c3_b, actor_fc_w, actor_fc_b, critic_fc_w, critic_fc_b, row, col):
    vnr = vnr_features.reshape(-1, 3)
    ga = jnp.tanh(_cheb_conv(substrate_features, row, col, actor_conv_W, actor_conv_b)).reshape(1, N, 3)
    va1 = (vnr[:, 0:1] @ a1_w + a1_b).reshape(-1, 1, 3)
    va2 = (vnr[:, 1:2] @ a2_w + a2_b).reshape(-1, 1, 3)
    va3 = (vnr[:, 2:3] @ a3_w + a3_b).reshape(-1, 1, 3)
    fa = jnp.concatenate([ga, va1, va2, va3], axis=1).reshape(-1, FC_IN)
    gc = jnp.tanh(_cheb_conv(substrate_features, row, col, critic_conv_W, critic_conv_b)).reshape(1, N, 3)
    vc1 = (vnr[:, 0:1] @ c1_w + c1_b).reshape(-1, 1, 3)
    vc2 = (vnr[:, 1:2] @ c2_w + c2_b).reshape(-1, 1, 3)
    vc3 = (vnr[:, 2:3] @ c3_w + c3_b).reshape(-1, 1, 3)
    fc = jnp.concatenate([gc, vc1, vc2, vc3], axis=1).reshape(-1, FC_IN)
    logits = fa @ actor_fc_w + actor_fc_b
    values = fc @ critic_fc_w + critic_fc_b
    return logits, values


def reference(substrate_features, substrate_edge_index, vnr_features, actor_conv_W, actor_conv_b, critic_conv_W, critic_conv_b, a1_w, a1_b, a2_w, a2_b, a3_w, a3_b, c1_w, c1_b, c2_w, c2_b, c3_w, c3_b, actor_fc_w, actor_fc_b, critic_fc_w, critic_fc_b):
    row = substrate_edge_index[0]
    col = substrate_edge_index[1]
    return _forward(substrate_features, vnr_features, actor_conv_W, actor_conv_b, critic_conv_W, critic_conv_b, a1_w, a1_b, a2_w, a2_b, a3_w, a3_b, c1_w, c1_b, c2_w, c2_b, c3_w, c3_b, actor_fc_w, actor_fc_b, critic_fc_w, critic_fc_b, row, col)

if __name__ == "__main__":
    import jax
    _d = setup_inputs()
    print(jax.jit(kernel)(*tuple(_d.values())))

</pallas_src>

<mosaic_0001>
#map = affine_map<(d0, d1) -> (0)>
module attributes {stable_mosaic.version = 14 : i64} {
  func.func @_sc_body(%arg0: i32, %arg1: i32, %arg2: memref<320000xi32, #tpu.memory_space<hbm>>, %arg3: memref<320000xi32, #tpu.memory_space<hbm>>, %arg4: memref<184320xf32, #tpu.memory_space<hbm>>, %arg5: memref<320008xf32, #tpu.memory_space<hbm>>, %arg6: memref<640xf32, #tpu.memory_space<hbm>>, %arg7: memref<128xf32, #tpu.memory_space<hbm>>, %arg8: memref<61440xf32, #tpu.memory_space<hbm>>, %arg9: memref<10240xf32, #tpu.memory_space<vmem_shared>>, %arg10: memref<10240xf32, #tpu.memory_space<vmem_shared>>, %arg11: memref<10240xf32, #tpu.memory_space<vmem_shared>>, %arg12: memref<10240xf32, #tpu.memory_space<vmem_shared>>, %arg13: memref<10240xf32, #tpu.memory_space<vmem_shared>>, %arg14: memref<10240xf32, #tpu.memory_space<vmem_shared>>, %arg15: memref<10240xf32, #tpu.memory_space<vmem_shared>>, %arg16: memref<10240xf32, #tpu.memory_space<vmem_shared>>, %arg17: memref<10240xf32, #tpu.memory_space<vmem_shared>>, %arg18: memref<10240xf32, #tpu.memory_space<vmem_shared>>, %arg19: memref<10240xf32, #tpu.memory_space<vmem_shared>>, %arg20: memref<10240xf32, #tpu.memory_space<vmem_shared>>, %arg21: memref<10240xf32, #tpu.memory_space<vmem_shared>>, %arg22: memref<10240xf32, #tpu.memory_space<vmem_shared>>, %arg23: memref<10240xf32, #tpu.memory_space<vmem_shared>>, %arg24: memref<10240xf32, #tpu.memory_space<vmem_shared>>, %arg25: memref<10240xf32, #tpu.memory_space<vmem_shared>>, %arg26: memref<10240xf32, #tpu.memory_space<vmem_shared>>, %arg27: memref<10240xf32, #tpu.memory_space<vmem_shared>>, %arg28: memref<156x128xi32, #tpu.memory_space<vmem>>, %arg29: memref<32xi32, #tpu.memory_space<vmem>>, %arg30: memref<20000xi32, #tpu.memory_space<vmem>>, %arg31: memref<128xf32, #tpu.memory_space<vmem>>, %arg32: memref<640xf32, #tpu.memory_space<vmem>>, %arg33: memref<5x128xi32, #tpu.memory_space<vmem>>, %arg34: memref<640xf32, #tpu.memory_space<vmem>>, %arg35: memref<5760xf32, #tpu.memory_space<vmem>>, %arg36: memref<3840xf32, #tpu.memory_space<vmem>>, %arg37: memref<128xf32, #tpu.memory_space<vmem>>, %arg38: memref<128xf32, #tpu.memory_space<vmem>>, %arg39: memref<128xf32, #tpu.memory_space<vmem>>, %arg40: memref<128xf32, #tpu.memory_space<vmem>>, %arg41: memref<128xf32, #tpu.memory_space<vmem>>, %arg42: memref<128xf32, #tpu.memory_space<vmem>>, %arg43: memref<128xf32, #tpu.memory_space<vmem>>, %arg44: memref<128xf32, #tpu.memory_space<vmem>>, %arg45: memref<128xf32, #tpu.memory_space<vmem>>, %arg46: memref<128xf32, #tpu.memory_space<vmem>>, %arg47: memref<128xf32, #tpu.memory_space<vmem>>, %arg48: memref<128xf32, #tpu.memory_space<vmem>>, %arg49: memref<128xf32, #tpu.memory_space<vmem>>, %arg50: memref<3840xf32, #tpu.memory_space<vmem>>, %arg51: memref<1920xf32, #tpu.memory_space<vmem>>, %arg52: memref<1920xf32, #tpu.memory_space<vmem>>, %arg53: memref<1920xf32, #tpu.memory_space<vmem>>, %arg54: memref<!tpu.dma_semaphore, #tpu.memory_space<semaphore_mem>>, %arg55: memref<!tpu.dma_semaphore, #tpu.memory_space<semaphore_mem>>, %arg56: memref<!tpu.dma_semaphore, #tpu.memory_space<semaphore_mem>>) attributes {dimension_semantics = [#tpu.dimension_semantics<core_parallel>, #tpu.dimension_semantics<subcore_parallel>], iteration_bounds = array<i64: 2, 16>, scalar_prefetch = 0 : i64, scratch_operands = 48 : i64, tpu.core_type = #tpu.core_type<sc_vector_subcore>, window_params = [{transform_indices = #map}, {transform_indices = #map}, {transform_indices = #map}, {transform_indices = #map}, {transform_indices = #map}, {transform_indices = #map}, {transform_indices = #map}]} {
    %mul3A = arith.constant 640 : i32
    %mul3A_0 = arith.muli %arg1, %mul3A : i32
    %mul3A_1 = arith.constant 20000 : i32
    %mul3A_2 = arith.muli %arg1, %mul3A_1 : i32
    %mul3A_3 = arith.constant 9 : i32
    %mul3A_4 = arith.muli %arg0, %mul3A_3 : i32
    %add3A = arith.constant 0 : i32
    %add3A_5 = arith.addi %mul3A_4, %add3A : i32
    %mul3A_6 = arith.constant 10240 : i32
    %mul3A_7 = arith.muli %add3A_5, %mul3A_6 : i32
    %add3A_8 = arith.addi %mul3A_7, %mul3A_0 : i32
    %dma_start3A = arith.constant 0 : i32
    %dma_start3A_9 = tpu.memref_slice %arg35[%dma_start3A] : memref<5760xf32, #tpu.memory_space<vmem>> -> memref<640xf32, #tpu.memory_space<vmem>>
    %dma_start3A_10 = tpu.memref_slice %arg4[%add3A_8] : memref<184320xf32, #tpu.memory_space<hbm>> -> memref<640xf32, #tpu.memory_space<hbm>>
    %dma_start3A_11 = arith.constant 0 : i32
    %dma_start3A_12 = tpu.memref_slice %arg35[%dma_start3A_11] : memref<5760xf32, #tpu.memory_space<vmem>> -> memref<640xf32, #tpu.memory_space<vmem>>
    %dma_start3A_13 = tpu.memref_slice %arg4[%add3A_8] : memref<184320xf32, #tpu.memory_space<hbm>> -> memref<640xf32, #tpu.memory_space<hbm>>
    tpu.enqueue_dma source(%dma_start3A_13 : memref<640xf32, #tpu.memory_space<hbm>>) target(%dma_start3A_12 : memref<640xf32, #tpu.memory_space<vmem>>) target_semaphore(%arg54 : memref<!tpu.dma_semaphore, #tpu.memory_space<semaphore_mem>>)
    %mul3A_14 = arith.constant 9 : i32
    %mul3A_15 = arith.muli %arg0, %mul3A_14 : i32
    %add3A_16 = arith.constant 1 : i32
    %add3A_17 = arith.addi %mul3A_15, %add3A_16 : i32
    %mul3A_18 = arith.constant 10240 : i32
    %mul3A_19 = arith.muli %add3A_17, %mul3A_18 : i32
    %add3A_20 = arith.addi %mul3A_19, %mul3A_0 : i32
    %dma_start3A_21 = arith.constant 640 : i32
    %dma_start3A_22 = tpu.memref_slice %arg35[%dma_start3A_21] : memref<5760xf32, #tpu.memory_space<vmem>> -> memref<640xf32, #tpu.memory_space<vmem>>
    %dma_start3A_23 = tpu.memref_slice %arg4[%add3A_20] : memref<184320xf32, #tpu.memory_space<hbm>> -> memref<640xf32, #tpu.memory_space<hbm>>
    %dma_start3A_24 = arith.constant 640 : i32
    %dma_start3A_25 = tpu.memref_slice %arg35[%dma_start3A_24] : memref<5760xf32, #tpu.memory_space<vmem>> -> memref<640xf32, #tpu.memory_space<vmem>>
    %dma_start3A_26 = tpu.memref_slice %arg4[%add3A_20] : memref<184320xf32, #tpu.memory_space<hbm>> -> memref<640xf32, #tpu.memory_space<hbm>>
    tpu.enqueue_dma source(%dma_start3A_26 : memref<640xf32, #tpu.memory_space<hbm>>) target(%dma_start3A_25 : memref<640xf32, #tpu.memory_space<vmem>>) target_semaphore(%arg54 : memref<!tpu.dma_semaphore, #tpu.memory_space<semaphore_mem>>)
    %mul3A_27 = arith.constant 9 : i32
    %mul3A_28 = arith.muli %arg0, %mul3A_27 : i32
    %add3A_29 = arith.constant 2 : i32
    %add3A_30 = arith.addi %mul3A_28, %add3A_29 : i32
    %mul3A_31 = arith.constant 10240 : i32
    %mul3A_32 = arith.muli %add3A_30, %mul3A_31 : i32
    %add3A_33 = arith.addi %mul3A_32, %mul3A_0 : i32
    %dma_start3A_34 = arith.constant 1280 : i32
    %dma_start3A_35 = tpu.memref_slice %arg35[%dma_start3A_34] : memref<5760xf32, #tpu.memory_space<vmem>> -> memref<640xf32, #tpu.memory_space<vmem>>
    %dma_start3A_36 = tpu.memref_slice %arg4[%add3A_33] : memref<184320xf32, #tpu.memory_space<hbm>> -> memref<640xf32, #tpu.memory_space<hbm>>
    %dma_start3A_37 = arith.constant 1280 : i32
    %dma_start3A_38 = tpu.memref_slice %arg35[%dma_start3A_37] : memref<5760xf32, #tpu.memory_space<vmem>> -> memref<640xf32, #tpu.memory_space<vmem>>
    %dma_start3A_39 = tpu.memref_slice %arg4[%add3A_33] : memref<184320xf32, #tpu.memory_space<hbm>> -> memref<640xf32, #tpu.memory_space<hbm>>
    tpu.enqueue_dma source(%dma_start3A_39 : memref<640xf32, #tpu.memory_space<hbm>>) target(%dma_start3A_38 : memref<640xf32, #tpu.memory_space<vmem>>) target_semaphore(%arg54 : memref<!tpu.dma_semaphore, #tpu.memory_space<semaphore_mem>>)
    %mul3A_40 = arith.constant 9 : i32
    %mul3A_41 = arith.muli %arg0, %mul3A_40 : i32
    %add3A_42 = arith.constant 3 : i32
    %add3A_43 = arith.addi %mul3A_41, %add3A_42 : i32
    %mul3A_44 = arith.constant 10240 : i32
    %mul3A_45 = arith.muli %add3A_43, %mul3A_44 : i32
    %add3A_46 = arith.addi %mul3A_45, %mul3A_0 : i32
    %dma_start3A_47 = arith.constant 1920 : i32
    %dma_start3A_48 = tpu.memref_slice %arg35[%dma_start3A_47] : memref<5760xf32, #tpu.memory_space<vmem>> -> memref<640xf32, #tpu.memory_space<vmem>>
    %dma_start3A_49 = tpu.memref_slice %arg4[%add3A_46] : memref<184320xf32, #tpu.memory_space<hbm>> -> memref<640xf32, #tpu.memory_space<hbm>>
    %dma_start3A_50 = arith.constant 1920 : i32
    %dma_start3A_51 = tpu.memref_slice %arg35[%dma_start3A_50] : memref<5760xf32, #tpu.memory_space<vmem>> -> memref<640xf32, #tpu.memory_space<vmem>>
    %dma_start3A_52 = tpu.memref_slice %arg4[%add3A_46] : memref<184320xf32, #tpu.memory_space<hbm>> -> memref<640xf32, #tpu.memory_space<hbm>>
    tpu.enqueue_dma source(%dma_start3A_52 : memref<640xf32, #tpu.memory_space<hbm>>) target(%dma_start3A_51 : memref<640xf32, #tpu.memory_space<vmem>>) target_semaphore(%arg54 : memref<!tpu.dma_semaphore, #tpu.memory_space<semaphore_mem>>)
    %mul3A_53 = arith.constant 9 : i32
    %mul3A_54 = arith.muli %arg0, %mul3A_53 : i32
    %add3A_55 = arith.constant 4 : i32
    %add3A_56 = arith.addi %mul3A_54, %add3A_55 : i32
    %mul3A_57 = arith.constant 10240 : i32
    %mul3A_58 = arith.muli %add3A_56, %mul3A_57 : i32
    %add3A_59 = arith.addi %mul3A_58, %mul3A_0 : i32
    %dma_start3A_60 = arith.constant 2560 : i32
    %dma_start3A_61 = tpu.memref_slice %arg35[%dma_start3A_60] : memref<5760xf32, #tpu.memory_space<vmem>> -> memref<640xf32, #tpu.memory_space<vmem>>
    %dma_start3A_62 = tpu.memref_slice %arg4[%add3A_59] : memref<184320xf32, #tpu.memory_space<hbm>> -> memref<640xf32, #tpu.memory_space<hbm>>
    %dma_start3A_63 = arith.constant 2560 : i32
    %dma_start3A_64 = tpu.memref_slice %arg35[%dma_start3A_63] : memref<5760xf32, #tpu.memory_space<vmem>> -> memref<640xf32, #tpu.memory_space<vmem>>
    %dma_start3A_65 = tpu.memref_slice %arg4[%add3A_59] : memref<184320xf32, #tpu.memory_space<hbm>> -> memref<640xf32, #tpu.memory_space<hbm>>
    tpu.enqueue_dma source(%dma_start3A_65 : memref<640xf32, #tpu.memory_space<hbm>>) target(%dma_start3A_64 : memref<640xf32, #tpu.memory_space<vmem>>) target_semaphore(%arg54 : memref<!tpu.dma_semaphore, #tpu.memory_space<semaphore_mem>>)
    %mul3A_66 = arith.constant 9 : i32
    %mul3A_67 = arith.muli %arg0, %mul3A_66 : i32
    %add3A_68 = arith.constant 5 : i32
    %add3A_69 = arith.addi %mul3A_67, %add3A_68 : i32
    %mul3A_70 = arith.constant 10240 : i32
    %mul3A_71 = arith.muli %add3A_69, %mul3A_70 : i32
    %add3A_72 = arith.addi %mul3A_71, %mul3A_0 : i32
    %dma_start3A_73 = arith.constant 3200 : i32
    %dma_start3A_74 = tpu.memref_slice %arg35[%dma_start3A_73] : memref<5760xf32, #tpu.memory_space<vmem>> -> memref<640xf32, #tpu.memory_space<vmem>>
    %dma_start3A_75 = tpu.memref_slice %arg4[%add3A_72] : memref<184320xf32, #tpu.memory_space<hbm>> -> memref<640xf32, #tpu.memory_space<hbm>>
    %dma_start3A_76 = arith.constant 3200 : i32
    %dma_start3A_77 = tpu.memref_slice %arg35[%dma_start3A_76] : memref<5760xf32, #tpu.memory_space<vmem>> -> memref<640xf32, #tpu.memory_space<vmem>>
    %dma_start3A_78 = tpu.memref_slice %arg4[%add3A_72] : memref<184320xf32, #tpu.memory_space<hbm>> -> memref<640xf32, #tpu.memory_space<hbm>>
    tpu.enqueue_dma source(%dma_start3A_78 : memref<640xf32, #tpu.memory_space<hbm>>) target(%dma_start3A_77 : memref<640xf32, #tpu.memory_space<vmem>>) target_semaphore(%arg54 : memref<!tpu.dma_semaphore, #tpu.memory_space<semaphore_mem>>)
    %mul3A_79 = arith.constant 9 : i32
    %mul3A_80 = arith.muli %arg0, %mul3A_79 : i32
    %add3A_81 = arith.constant 6 : i32
    %add3A_82 = arith.addi %mul3A_80, %add3A_81 : i32
    %mul3A_83 = arith.constant 10240 : i32
    %mul3A_84 = arith.muli %add3A_82, %mul3A_83 : i32
    %add3A_85 = arith.addi %mul3A_84, %mul3A_0 : i32
    %dma_start3A_86 = arith.constant 3840 : i32
    %dma_start3A_87 = tpu.memref_slice %arg35[%dma_start3A_86] : memref<5760xf32, #tpu.memory_space<vmem>> -> memref<640xf32, #tpu.memory_space<vmem>>
    %dma_start3A_88 = tpu.memref_slice %arg4[%add3A_85] : memref<184320xf32, #tpu.memory_space<hbm>> -> memref<640xf32, #tpu.memory_space<hbm>>
    %dma_start3A_89 = arith.constant 3840 : i32
    %dma_start3A_90 = tpu.memref_slice %arg35[%dma_start3A_89] : memref<5760xf32, #tpu.memory_space<vmem>> -> memref<640xf32, #tpu.memory_space<vmem>>
    %dma_start3A_91 = tpu.memref_slice %arg4[%add3A_85] : memref<184320xf32, #tpu.memory_space<hbm>> -> memref<640xf32, #tpu.memory_space<hbm>>
    tpu.enqueue_dma source(%dma_start3A_91 : memref<640xf32, #tpu.memory_space<hbm>>) target(%dma_start3A_90 : memref<640xf32, #tpu.memory_space<vmem>>) target_semaphore(%arg54 : memref<!tpu.dma_semaphore, #tpu.memory_space<semaphore_mem>>)
    %mul3A_92 = arith.constant 9 : i32
    %mul3A_93 = arith.muli %arg0, %mul3A_92 : i32
    %add3A_94 = arith.constant 7 : i32
    %add3A_95 = arith.addi %mul3A_93, %add3A_94 : i32
    %mul3A_96 = arith.constant 10240 : i32
    %mul3A_97 = arith.muli %add3A_95, %mul3A_96 : i32
    %add3A_98 = arith.addi %mul3A_97, %mul3A_0 : i32
    %dma_start3A_99 = arith.constant 4480 : i32
    %dma_start3A_100 = tpu.memref_slice %arg35[%dma_start3A_99] : memref<5760xf32, #tpu.memory_space<vmem>> -> memref<640xf32, #tpu.memory_space<vmem>>
    %dma_start3A_101 = tpu.memref_slice %arg4[%add3A_98] : memref<184320xf32, #tpu.memory_space<hbm>> -> memref<640xf32, #tpu.memory_space<hbm>>
    %dma_start3A_102 = arith.constant 4480 : i32
    %dma_start3A_103 = tpu.memref_slice %arg35[%dma_start3A_102] : memref<5760xf32, #tpu.memory_space<vmem>> -> memref<640xf32, #tpu.memory_space<vmem>>
    %dma_start3A_104 = tpu.memref_slice %arg4[%add3A_98] : memref<184320xf32, #tpu.memory_space<hbm>> -> memref<640xf32, #tpu.memory_space<hbm>>
    tpu.enqueue_dma source(%dma_start3A_104 : memref<640xf32, #tpu.memory_space<hbm>>) target(%dma_start3A_103 : memref<640xf32, #tpu.memory_space<vmem>>) target_semaphore(%arg54 : memref<!tpu.dma_semaphore, #tpu.memory_space<semaphore_mem>>)
    %mul3A_105 = arith.constant 9 : i32
    %mul3A_106 = arith.muli %arg0, %mul3A_105 : i32
    %add3A_107 = arith.constant 8 : i32
    %add3A_108 = arith.addi %mul3A_106, %add3A_107 : i32
    %mul3A_109 = arith.constant 10240 : i32
    %mul3A_110 = arith.muli %add3A_108, %mul3A_109 : i32
    %add3A_111 = arith.addi %mul3A_110, %mul3A_0 : i32
    %dma_start3A_112 = arith.constant 5120 : i32
    %dma_start3A_113 = tpu.memref_slice %arg35[%dma_start3A_112] : memref<5760xf32, #tpu.memory_space<vmem>> -> memref<640xf32, #tpu.memory_space<vmem>>
    %dma_start3A_114 = tpu.memref_slice %arg4[%add3A_111] : memref<184320xf32, #tpu.memory_space<hbm>> -> memref<640xf32, #tpu.memory_space<hbm>>
    %dma_start3A_115 = arith.constant 5120 : i32
    %dma_start3A_116 = tpu.memref_slice %arg35[%dma_start3A_115] : memref<5760xf32, #tpu.memory_space<vmem>> -> memref<640xf32, #tpu.memory_space<vmem>>
    %dma_start3A_117 = tpu.memref_slice %arg4[%add3A_111] : memref<184320xf32, #tpu.memory_space<hbm>> -> memref<640xf32, #tpu.memory_space<hbm>>
    tpu.enqueue_dma source(%dma_start3A_117 : memref<640xf32, #tpu.memory_space<hbm>>) target(%dma_start3A_116 : memref<640xf32, #tpu.memory_space<vmem>>) target_semaphore(%arg54 : memref<!tpu.dma_semaphore, #tpu.memory_space<semaphore_mem>>)
    "tpu.region"() ({
      %run_scoped3A = tpu.sem_alloc : memref<!tpu.dma_semaphore, #tpu.memory_space<semaphore_mem>>
      %dma_start3A_477 = tpu.memref_slice %arg9[%mul3A_0] : memref<10240xf32, #tpu.memory_space<vmem_shared>> -> memref<640xf32, #tpu.memory_space<vmem_shared>>
      tpu.enqueue_dma source(%arg6 : memref<640xf32, #tpu.memory_space<hbm>>) target(%dma_start3A_477 : memref<640xf32, #tpu.memory_space<vmem_shared>>) target_semaphore(%run_scoped3A : memref<!tpu.dma_semaphore, #tpu.memory_space<semaphore_mem>>)
      %dma_wait3A_478 = tpu.memref_slice %arg9[%mul3A_0] : memref<10240xf32, #tpu.memory_space<vmem_shared>> -> memref<640xf32, #tpu.memory_space<vmem_shared>>
      tpu.wait_dma2 semaphore(%run_scoped3A : memref<!tpu.dma_semaphore, #tpu.memory_space<semaphore_mem>>) src(%arg6 : memref<640xf32, #tpu.memory_space<hbm>>) dst(%dma_wait3A_478 : memref<640xf32, #tpu.memory_space<vmem_shared>>)
      tpu.yield
    }) : () -> ()
    "tpu.region"() ({
      %run_scoped3A = tpu.sem_alloc : memref<!tpu.dma_semaphore, #tpu.memory_space<semaphore_mem>>
      %dma_start3A_477 = tpu.memref_slice %arg16[%mul3A_0] : memref<10240xf32, #tpu.memory_space<vmem_shared>> -> memref<640xf32, #tpu.memory_space<vmem_shared>>
      tpu.enqueue_dma source(%arg6 : memref<640xf32, #tpu.memory_space<hbm>>) target(%dma_start3A_477 : memref<640xf32, #tpu.memory_space<vmem_shared>>) target_semaphore(%run_scoped3A : memref<!tpu.dma_semaphore, #tpu.memory_space<semaphore_mem>>)
      %dma_wait3A_478 = tpu.memref_slice %arg16[%mul3A_0] : memref<10240xf32, #tpu.memory_space<vmem_shared>> -> memref<640xf32, #tpu.memory_space<vmem_shared>>
      tpu.wait_dma2 semaphore(%run_scoped3A : memref<!tpu.dma_semaphore, #tpu.memory_space<semaphore_mem>>) src(%arg6 : memref<640xf32, #tpu.memory_space<hbm>>) dst(%dma_wait3A_478 : memref<640xf32, #tpu.memory_space<vmem_shared>>)
      tpu.yield
    }) : () -> ()
    "tpu.region"() ({
      %run_scoped3A = tpu.sem_alloc : memref<!tpu.dma_semaphore, #tpu.memory_space<semaphore_mem>>
      %dma_start3A_477 = tpu.memref_slice %arg17[%mul3A_0] : memref<10240xf32, #tpu.memory_space<vmem_shared>> -> memref<640xf32, #tpu.memory_space<vmem_shared>>
      tpu.enqueue_dma source(%arg6 : memref<640xf32, #tpu.memory_space<hbm>>) target(%dma_start3A_477 : memref<640xf32, #tpu.memory_space<vmem_shared>>) target_semaphore(%run_scoped3A : memref<!tpu.dma_semaphore, #tpu.memory_space<semaphore_mem>>)
      %dma_wait3A_478 = tpu.memref_slice %arg17[%mul3A_0] : memref<10240xf32, #tpu.memory_space<vmem_shared>> -> memref<640xf32, #tpu.memory_space<vmem_shared>>
      tpu.wait_dma2 semaphore(%run_scoped3A : memref<!tpu.dma_semaphore, #tpu.memory_space<semaphore_mem>>) src(%arg6 : memref<640xf32, #tpu.memory_space<hbm>>) dst(%dma_wait3A_478 : memref<640xf32, #tpu.memory_space<vmem_shared>>)
      tpu.yield
    }) : () -> ()
    "tpu.region"() ({
      %run_scoped3A = tpu.sem_alloc : memref<!tpu.dma_semaphore, #tpu.memory_space<semaphore_mem>>
      %dma_start3A_477 = tpu.memref_slice %arg18[%mul3A_0] : memref<10240xf32, #tpu.memory_space<vmem_shared>> -> memref<640xf32, #tpu.memory_space<vmem_shared>>
      tpu.enqueue_dma source(%arg6 : memref<640xf32, #tpu.memory_space<hbm>>) target(%dma_start3A_477 : memref<640xf32, #tpu.memory_space<vmem_shared>>) target_semaphore(%run_scoped3A : memref<!tpu.dma_semaphore, #tpu.memory_space<semaphore_mem>>)
      %dma_wait3A_478 = tpu.memref_slice %arg18[%mul3A_0] : memref<10240xf32, #tpu.memory_space<vmem_shared>> -> memref<640xf32, #tpu.memory_space<vmem_shared>>
      tpu.wait_dma2 semaphore(%run_scoped3A : memref<!tpu.dma_semaphore, #tpu.memory_space<semaphore_mem>>) src(%arg6 : memref<640xf32, #tpu.memory_space<hbm>>) dst(%dma_wait3A_478 : memref<640xf32, #tpu.memory_space<vmem_shared>>)
      tpu.yield
    }) : () -> ()
    "tpu.region"() ({
      %run_scoped3A = tpu.sem_alloc : memref<!tpu.dma_semaphore, #tpu.memory_space<semaphore_mem>>
      %dma_start3A_477 = tpu.memref_slice %arg19[%mul3A_0] : memref<10240xf32, #tpu.memory_space<vmem_shared>> -> memref<640xf32, #tpu.memory_space<vmem_shared>>
      tpu.enqueue_dma source(%arg6 : memref<640xf32, #tpu.memory_space<hbm>>) target(%dma_start3A_477 : memref<640xf32, #tpu.memory_space<vmem_shared>>) target_semaphore(%run_scoped3A : memref<!tpu.dma_semaphore, #tpu.memory_space<semaphore_mem>>)
      %dma_wait3A_478 = tpu.memref_slice %arg19[%mul3A_0] : memref<10240xf32, #tpu.memory_space<vmem_shared>> -> memref<640xf32, #tpu.memory_space<vmem_shared>>
      tpu.wait_dma2 semaphore(%run_scoped3A : memref<!tpu.dma_semaphore, #tpu.memory_space<semaphore_mem>>) src(%arg6 : memref<640xf32, #tpu.memory_space<hbm>>) dst(%dma_wait3A_478 : memref<640xf32, #tpu.memory_space<vmem_shared>>)
      tpu.yield
    }) : () -> ()
    "tpu.region"() ({
      %run_scoped3A = tpu.sem_alloc : memref<!tpu.dma_semaphore, #tpu.memory_space<semaphore_mem>>
      %dma_start3A_477 = tpu.memref_slice %arg20[%mul3A_0] : memref<10240xf32, #tpu.memory_space<vmem_shared>> -> memref<640xf32, #tpu.memory_space<vmem_shared>>
      tpu.enqueue_dma source(%arg6 : memref<640xf32, #tpu.memory_space<hbm>>) target(%dma_start3A_477 : memref<640xf32, #tpu.memory_space<vmem_shared>>) target_semaphore(%run_scoped3A : memref<!tpu.dma_semaphore, #tpu.memory_space<semaphore_mem>>)
      %dma_wait3A_478 = tpu.memref_slice %arg20[%mul3A_0] : memref<10240xf32, #tpu.memory_space<vmem_shared>> -> memref<640xf32, #tpu.memory_space<vmem_shared>>
      tpu.wait_dma2 semaphore(%run_scoped3A : memref<!tpu.dma_semaphore, #tpu.memory_space<semaphore_mem>>) src(%arg6 : memref<640xf32, #tpu.memory_space<hbm>>) dst(%dma_wait3A_478 : memref<640xf32, #tpu.memory_space<vmem_shared>>)
      tpu.yield
    }) : () -> ()
    "tpu.region"() ({
      %run_scoped3A = tpu.sem_alloc : memref<!tpu.dma_semaphore, #tpu.memory_space<semaphore_mem>>
      %dma_start3A_477 = tpu.memref_slice %arg21[%mul3A_0] : memref<10240xf32, #tpu.memory_space<vmem_shared>> -> memref<640xf32, #tpu.memory_space<vmem_shared>>
      tpu.enqueue_dma source(%arg6 : memref<640xf32, #tpu.memory_space<hbm>>) target(%dma_start3A_477 : memref<640xf32, #tpu.memory_space<vmem_shared>>) target_semaphore(%run_scoped3A : memref<!tpu.dma_semaphore, #tpu.memory_space<semaphore_mem>>)
      %dma_wait3A_478 = tpu.memref_slice %arg21[%mul3A_0] : memref<10240xf32, #tpu.memory_space<vmem_shared>> -> memref<640xf32, #tpu.memory_space<vmem_shared>>
      tpu.wait_dma2 semaphore(%run_scoped3A : memref<!tpu.dma_semaphore, #tpu.memory_space<semaphore_mem>>) src(%arg6 : memref<640xf32, #tpu.memory_space<hbm>>) dst(%dma_wait3A_478 : memref<640xf32, #tpu.memory_space<vmem_shared>>)
      tpu.yield
    }) : () -> ()
    "tpu.region"() ({
      %run_scoped3A = tpu.sem_alloc : memref<!tpu.dma_semaphore, #tpu.memory_space<semaphore_mem>>
      %dma_start3A_477 = tpu.memref_slice %arg25[%mul3A_0] : memref<10240xf32, #tpu.memory_space<vmem_shared>> -> memref<640xf32, #tpu.memory_space<vmem_shared>>
      tpu.enqueue_dma source(%arg6 : memref<640xf32, #tpu.memory_space<hbm>>) target(%dma_start3A_477 : memref<640xf32, #tpu.memory_space<vmem_shared>>) target_semaphore(%run_scoped3A : memref<!tpu.dma_semaphore, #tpu.memory_space<semaphore_mem>>)
      %dma_wait3A_478 = tpu.memref_slice %arg25[%mul3A_0] : memref<10240xf32, #tpu.memory_space<vmem_shared>> -> memref<640xf32, #tpu.memory_space<vmem_shared>>
      tpu.wait_dma2 semaphore(%run_scoped3A : memref<!tpu.dma_semaphore, #tpu.memory_space<semaphore_mem>>) src(%arg6 : memref<640xf32, #tpu.memory_space<hbm>>) dst(%dma_wait3A_478 : memref<640xf32, #tpu.memory_space<vmem_shared>>)
      tpu.yield
    }) : () -> ()
    "tpu.region"() ({
      %run_scoped3A = tpu.sem_alloc : memref<!tpu.dma_semaphore, #tpu.memory_space<semaphore_mem>>
      %dma_start3A_477 = tpu.memref_slice %arg26[%mul3A_0] : memref<10240xf32, #tpu.memory_space<vmem_shared>> -> memref<640xf32, #tpu.memory_space<vmem_shared>>
      tpu.enqueue_dma source(%arg6 : memref<640xf32, #tpu.memory_space<hbm>>) target(%dma_start3A_477 : memref<640xf32, #tpu.memory_space<vmem_shared>>) target_semaphore(%run_scoped3A : memref<!tpu.dma_semaphore, #tpu.memory_space<semaphore_mem>>)
      %dma_wait3A_478 = tpu.memref_slice %arg26[%mul3A_0] : memref<10240xf32, #tpu.memory_space<vmem_shared>> -> memref<640xf32, #tpu.memory_space<vmem_shared>>
      tpu.wait_dma2 semaphore(%run_scoped3A : memref<!tpu.dma_semaphore, #tpu.memory_space<semaphore_mem>>) src(%arg6 : memref<640xf32, #tpu.memory_space<hbm>>) dst(%dma_wait3A_478 : memref<640xf32, #tpu.memory_space<vmem_shared>>)
      tpu.yield
    }) : () -> ()
    "tpu.region"() ({
      %run_scoped3A = tpu.sem_alloc : memref<!tpu.dma_semaphore, #tpu.memory_space<semaphore_mem>>
      %dma_start3A_477 = tpu.memref_slice %arg27[%mul3A_0] : memref<10240xf32, #tpu.memory_space<vmem_shared>> -> memref<640xf32, #tpu.memory_space<vmem_shared>>
      tpu.enqueue_dma source(%arg6 : memref<640xf32, #tpu.memory_space<hbm>>) target(%dma_start3A_477 : memref<640xf32, #tpu.memory_space<vmem_shared>>) target_semaphore(%run_scoped3A : memref<!tpu.dma_semaphore, #tpu.memory_space<semaphore_mem>>)
      %dma_wait3A_478 = tpu.memref_slice %arg27[%mul3A_0] : memref<10240xf32, #tpu.memory_space<vmem_shared>> -> memref<640xf32, #tpu.memory_space<vmem_shared>>
      tpu.wait_dma2 semaphore(%run_scoped3A : memref<!tpu.dma_semaphore, #tpu.memory_space<semaphore_mem>>) src(%arg6 : memref<640xf32, #tpu.memory_space<hbm>>) dst(%dma_wait3A_478 : memref<640xf32, #tpu.memory_space<vmem_shared>>)
      tpu.yield
    }) : () -> ()
    "tpu.region"() ({
      %run_scoped3A = tpu.sem_alloc : memref<!tpu.dma_semaphore, #tpu.memory_space<semaphore_mem>>
      tpu.enqueue_dma source(%arg7 : memref<128xf32, #tpu.memory_space<hbm>>) target(%arg31 : memref<128xf32, #tpu.memory_space<vmem>>) target_semaphore(%run_scoped3A : memref<!tpu.dma_semaphore, #tpu.memory_space<semaphore_mem>>)
      tpu.wait_dma2 semaphore(%run_scoped3A : memref<!tpu.dma_semaphore, #tpu.memory_space<semaphore_mem>>) src(%arg7 : memref<128xf32, #tpu.memory_space<hbm>>) dst(%arg31 : memref<128xf32, #tpu.memory_space<vmem>>)
      tpu.yield
    }) : () -> ()
    "tpu.region"() ({
      %run_scoped3A = tpu.sem_alloc : memref<!tpu.dma_semaphore, #tpu.memory_space<semaphore_mem>>
      %dma_start3A_477 = tpu.memref_slice %arg3[%mul3A_2] : memref<320000xi32, #tpu.memory_space<hbm>> -> memref<20000xi32, #tpu.memory_space<hbm>>
      %dma_start3A_478 = tpu.memref_slice %arg3[%mul3A_2] : memref<320000xi32, #tpu.memory_space<hbm>> -> memref<20000xi32, #tpu.memory_space<hbm>>
      tpu.enqueue_dma source(%dma_start3A_478 : memref<20000xi32, #tpu.memory_space<hbm>>) target(%arg30 : memref<20000xi32, #tpu.memory_space<vmem>>) target_semaphore(%run_scoped3A : memref<!tpu.dma_semaphore, #tpu.memory_space<semaphore_mem>>)
      %dma_wait3A_479 = tpu.memref_slice %arg3[%mul3A_2] : memref<320000xi32, #tpu.memory_space<hbm>> -> memref<20000xi32, #tpu.memory_space<hbm>>
      %dma_wait3A_480 = tpu.memref_slice %arg3[%mul3A_2] : memref<320000xi32, #tpu.memory_space<hbm>> -> memref<20000xi32, #tpu.memory_space<hbm>>
      tpu.wait_dma2 semaphore(%run_scoped3A : memref<!tpu.dma_semaphore, #tpu.memory_space<semaphore_mem>>) src(%dma_wait3A_480 : memref<20000xi32, #tpu.memory_space<hbm>>) dst(%arg30 : memref<20000xi32, #tpu.memory_space<vmem>>)
      tpu.yield
    }) : () -> ()
    %scan3A = arith.constant 0 : i32
    %scan3A_118 = arith.constant 0 : i32
    %scan3A_119 = arith.constant 156 : i32
    %scan3A_120 = arith.addi %scan3A_118, %scan3A_119 : i32
    %scan3A_121 = arith.constant 1 : i32
    scf.for %scan3A_477 = %scan3A_118 to %scan3A_120 step %scan3A_121  : i32 {
      %mul3A_478 = arith.constant 128 : i32
      %mul3A_479 = arith.muli %scan3A_477, %mul3A_478 : i32
      %add3A_480 = arith.addi %mul3A_2, %mul3A_479 : i32
      %dma_start3A_481 = arith.constant 0 : i32
      %dma_start3A_482 = tpu.memref_slice %arg28[%scan3A_477, %dma_start3A_481] : memref<156x128xi32, #tpu.memory_space<vmem>> -> memref<1x128xi32, #tpu.memory_space<vmem>>
      %dma_start3A_483 = tpu.memref_squeeze %dma_start3A_482 : memref<1x128xi32, #tpu.memory_space<vmem>> -> memref<128xi32, #tpu.memory_space<vmem>>
      %dma_start3A_484 = tpu.memref_slice %arg2[%add3A_480] : memref<320000xi32, #tpu.memory_space<hbm>> -> memref<128xi32, #tpu.memory_space<hbm>>
      %dma_start3A_485 = arith.constant 0 : i32
      %dma_start3A_486 = tpu.memref_slice %arg28[%scan3A_477, %dma_start3A_485] : memref<156x128xi32, #tpu.memory_space<vmem>> -> memref<1x128xi32, #tpu.memory_space<vmem>>
      %dma_start3A_487 = tpu.memref_squeeze %dma_start3A_486 : memref<1x128xi32, #tpu.memory_space<vmem>> -> memref<128xi32, #tpu.memory_space<vmem>>
      %dma_start3A_488 = tpu.memref_slice %arg2[%add3A_480] : memref<320000xi32, #tpu.memory_space<hbm>> -> memref<128xi32, #tpu.memory_space<hbm>>
      tpu.enqueue_dma source(%dma_start3A_488 : memref<128xi32, #tpu.memory_space<hbm>>) target(%dma_start3A_487 : memref<128xi32, #tpu.memory_space<vmem>>) target_semaphore(%arg55 : memref<!tpu.dma_semaphore, #tpu.memory_space<semaphore_mem>>)
    }
    %scan3A_122 = arith.constant 156 : i32
    %scan3A_123 = arith.constant 0 : i32
    %scan3A_124 = arith.constant 0 : i32
    %scan3A_125 = arith.constant 156 : i32
    %scan3A_126 = arith.addi %scan3A_124, %scan3A_125 : i32
    %scan3A_127 = arith.constant 1 : i32
    scf.for %scan3A_477 = %scan3A_124 to %scan3A_126 step %scan3A_127  : i32 {
      %mul3A_478 = arith.constant 128 : i32
      %mul3A_479 = arith.muli %scan3A_477, %mul3A_478 : i32
      %add3A_480 = arith.addi %mul3A_2, %mul3A_479 : i32
      %dma_wait3A_481 = arith.constant 0 : i32
      %dma_wait3A_482 = tpu.memref_slice %arg28[%scan3A_477, %dma_wait3A_481] : memref<156x128xi32, #tpu.memory_space<vmem>> -> memref<1x128xi32, #tpu.memory_space<vmem>>
      %dma_wait3A_483 = tpu.memref_squeeze %dma_wait3A_482 : memref<1x128xi32, #tpu.memory_space<vmem>> -> memref<128xi32, #tpu.memory_space<vmem>>
      %dma_wait3A_484 = tpu.memref_slice %arg2[%add3A_480] : memref<320000xi32, #tpu.memory_space<hbm>> -> memref<128xi32, #tpu.memory_space<hbm>>
      %dma_wait3A_485 = arith.constant 0 : i32
      %dma_wait3A_486 = tpu.memref_slice %arg28[%scan3A_477, %dma_wait3A_485] : memref<156x128xi32, #tpu.memory_space<vmem>> -> memref<1x128xi32, #tpu.memory_space<vmem>>
      %dma_wait3A_487 = tpu.memref_squeeze %dma_wait3A_486 : memref<1x128xi32, #tpu.memory_space<vmem>> -> memref<128xi32, #tpu.memory_space<vmem>>
      %dma_wait3A_488 = tpu.memref_slice %arg2[%add3A_480] : memref<320000xi32, #tpu.memory_space<hbm>> -> memref<128xi32, #tpu.memory_space<hbm>>
      tpu.wait_dma2 semaphore(%arg55 : memref<!tpu.dma_semaphore, #tpu.memory_space<semaphore_mem>>) src(%dma_wait3A_488 : memref<128xi32, #tpu.memory_space<hbm>>) dst(%dma_wait3A_487 : memref<128xi32, #tpu.memory_space<vmem>>)
    }
    %scan3A_128 = arith.constant 156 : i32
    %add3A_129 = arith.constant 19968 : i32
    %add3A_130 = arith.addi %mul3A_2, %add3A_129 : i32
    "tpu.region"() ({
      %run_scoped3A = tpu.sem_alloc : memref<!tpu.dma_semaphore, #tpu.memory_space<semaphore_mem>>
      %dma_start3A_477 = tpu.memref_slice %arg2[%add3A_130] : memref<320000xi32, #tpu.memory_space<hbm>> -> memref<32xi32, #tpu.memory_space<hbm>>
      %dma_start3A_478 = tpu.memref_slice %arg2[%add3A_130] : memref<320000xi32, #tpu.memory_space<hbm>> -> memref<32xi32, #tpu.memory_space<hbm>>
      tpu.enqueue_dma source(%dma_start3A_478 : memref<32xi32, #tpu.memory_space<hbm>>) target(%arg29 : memref<32xi32, #tpu.memory_space<vmem>>) target_semaphore(%run_scoped3A : memref<!tpu.dma_semaphore, #tpu.memory_space<semaphore_mem>>)
      %dma_wait3A_479 = tpu.memref_slice %arg2[%add3A_130] : memref<320000xi32, #tpu.memory_space<hbm>> -> memref<32xi32, #tpu.memory_space<hbm>>
      %dma_wait3A_480 = tpu.memref_slice %arg2[%add3A_130] : memref<320000xi32, #tpu.memory_space<hbm>> -> memref<32xi32, #tpu.memory_space<hbm>>
      tpu.wait_dma2 semaphore(%run_scoped3A : memref<!tpu.dma_semaphore, #tpu.memory_space<semaphore_mem>>) src(%dma_wait3A_480 : memref<32xi32, #tpu.memory_space<hbm>>) dst(%arg29 : memref<32xi32, #tpu.memory_space<vmem>>)
      tpu.yield
    }) : () -> ()
    %barrier3A = arith.constant 0 : index
    tpu.barrier barrier_id(%barrier3A)
    %scan3A_131 = arith.constant 0 : i32
    %scan3A_132 = arith.constant 0 : i32
    %scan3A_133 = arith.constant 156 : i32
    %scan3A_134 = arith.addi %scan3A_132, %scan3A_133 : i32
    %scan3A_135 = arith.constant 1 : i32
    scf.for %scan3A_477 = %scan3A_132 to %scan3A_134 step %scan3A_135  : i32 {
      %dma_start3A_478 = arith.constant 0 : i32
      %dma_start3A_479 = tpu.memref_slice %arg28[%scan3A_477, %dma_start3A_478] : memref<156x128xi32, #tpu.memory_space<vmem>> -> memref<1x128xi32, #tpu.memory_space<vmem>>
      %dma_start3A_480 = tpu.memref_squeeze %dma_start3A_479 : memref<1x128xi32, #tpu.memory_space<vmem>> -> memref<128xi32, #tpu.memory_space<vmem>>
      %dma_start3A_481 = arith.constant 0 : i32
      %dma_start3A_482 = tpu.memref_slice %arg9[%dma_start3A_481] : memref<10240xf32, #tpu.memory_space<vmem_shared>> -> memref<10240xf32, #tpu.memory_space<vmem_shared>>
      tpu.enqueue_indirect_dma source(%arg31 : memref<128xf32, #tpu.memory_space<vmem>>) target(%dma_start3A_482 : memref<10240xf32, #tpu.memory_space<vmem_shared>>) offsets(%dma_start3A_480 : memref<128xi32, #tpu.memory_space<vmem>>) semaphore(%arg56 : memref<!tpu.dma_semaphore, #tpu.memory_space<semaphore_mem>>) {add = true}
    }
    %scan3A_136 = arith.constant 156 : i32
    "tpu.region"() ({
      %run_scoped3A = tpu.sem_alloc : memref<!tpu.dma_semaphore, #tpu.memory_space<semaphore_mem>>
      %dma_start3A_477 = arith.constant 0 : i32
      %dma_start3A_478 = tpu.memref_slice %arg31[%dma_start3A_477] : memref<128xf32, #tpu.memory_space<vmem>> -> memref<32xf32, #tpu.memory_space<vmem>>
      %dma_start3A_479 = arith.constant 0 : i32
      %dma_start3A_480 = tpu.memref_slice %arg9[%dma_start3A_479] : memref<10240xf32, #tpu.memory_space<vmem_shared>> -> memref<10240xf32, #tpu.memory_space<vmem_shared>>
      tpu.enqueue_indirect_dma source(%dma_start3A_478 : memref<32xf32, #tpu.memory_space<vmem>>) target(%dma_start3A_480 : memref<10240xf32, #tpu.memory_space<vmem_shared>>) offsets(%arg29 : memref<32xi32, #tpu.memory_space<vmem>>) semaphore(%run_scoped3A : memref<!tpu.dma_semaphore, #tpu.memory_space<semaphore_mem>>) {add = true}
      %dma_wait3A_481 = arith.constant 0 : i32
      %dma_wait3A_482 = tpu.memref_slice %arg31[%dma_wait3A_481] : memref<128xf32, #tpu.memory_space<vmem>> -> memref<32xf32, #tpu.memory_space<vmem>>
      %dma_wait3A_483 = arith.constant 0 : i32
      %dma_wait3A_484 = tpu.memref_slice %arg9[%dma_wait3A_483] : memref<10240xf32, #tpu.memory_space<vmem_shared>> -> memref<10240xf32, #tpu.memory_space<vmem_shared>>
      tpu.wait_indirect_dma semaphore(%run_scoped3A : memref<!tpu.dma_semaphore, #tpu.memory_space<semaphore_mem>>) src(%dma_wait3A_482 : memref<32xf32, #tpu.memory_space<vmem>>) dst(%dma_wait3A_484 : memref<10240xf32, #tpu.memory_space<vmem_shared>>)
      tpu.yield
    }) : () -> ()
    %scan3A_137 = arith.constant 0 : i32
    %scan3A_138 = arith.constant 0 : i32
    %scan3A_139 = arith.constant 156 : i32
    %scan3A_140 = arith.addi %scan3A_138, %scan3A_139 : i32
    %scan3A_141 = arith.constant 1 : i32
    scf.for %scan3A_477 = %scan3A_138 to %scan3A_140 step %scan3A_141  : i32 {
      %dma_wait3A_478 = arith.constant 0 : i32
      %dma_wait3A_479 = tpu.memref_slice %arg5[%dma_wait3A_478] : memref<320008xf32, #tpu.memory_space<hbm>> -> memref<128xf32, #tpu.memory_space<hbm>>
      %dma_wait3A_480 = arith.constant 0 : i32
      %dma_wait3A_481 = tpu.memref_slice %arg5[%dma_wait3A_480] : memref<320008xf32, #tpu.memory_space<hbm>> -> memref<128xf32, #tpu.memory_space<hbm>>
      tpu.wait_dma2 semaphore(%arg56 : memref<!tpu.dma_semaphore, #tpu.memory_space<semaphore_mem>>) src(%dma_wait3A_481 : memref<128xf32, #tpu.memory_space<hbm>>) dst(%arg31 : memref<128xf32, #tpu.memory_space<vmem>>)
    }
    %scan3A_142 = arith.constant 156 : i32
    %barrier3A_143 = arith.constant 0 : index
    tpu.barrier barrier_id(%barrier3A_143)
    "tpu.region"() ({
      %run_scoped3A = tpu.sem_alloc : memref<!tpu.dma_semaphore, #tpu.memory_space<semaphore_mem>>
      %dma_start3A_477 = tpu.memref_slice %arg9[%mul3A_0] : memref<10240xf32, #tpu.memory_space<vmem_shared>> -> memref<640xf32, #tpu.memory_space<vmem_shared>>
      %dma_start3A_478 = tpu.memref_slice %arg9[%mul3A_0] : memref<10240xf32, #tpu.memory_space<vmem_shared>> -> memref<640xf32, #tpu.memory_space<vmem_shared>>
      tpu.enqueue_dma source(%dma_start3A_478 : memref<640xf32, #tpu.memory_space<vmem_shared>>) target(%arg32 : memref<640xf32, #tpu.memory_space<vmem>>) target_semaphore(%run_scoped3A : memref<!tpu.dma_semaphore, #tpu.memory_space<semaphore_mem>>)
      %dma_wait3A_479 = tpu.memref_slice %arg9[%mul3A_0] : memref<10240xf32, #tpu.memory_space<vmem_shared>> -> memref<640xf32, #tpu.memory_space<vmem_shared>>
      %dma_wait3A_480 = tpu.memref_slice %arg9[%mul3A_0] : memref<10240xf32, #tpu.memory_space<vmem_shared>> -> memref<640xf32, #tpu.memory_space<vmem_shared>>
      tpu.wait_dma2 semaphore(%run_scoped3A : memref<!tpu.dma_semaphore, #tpu.memory_space<semaphore_mem>>) src(%dma_wait3A_480 : memref<640xf32, #tpu.memory_space<vmem_shared>>) dst(%arg32 : memref<640xf32, #tpu.memory_space<vmem>>)
      tpu.yield
    }) : () -> ()
    %scan3A_144 = arith.constant 0 : i32
    %scan3A_145 = arith.constant 0 : i32
    %scan3A_146 = arith.constant 40 : i32
    %scan3A_147 = arith.addi %scan3A_145, %scan3A_146 : i32
    %scan3A_148 = arith.constant 1 : i32
    scf.for %scan3A_477 = %scan3A_145 to %scan3A_147 step %scan3A_148  : i32 {
      %jit3A = arith.constant 8 : i32
      %div3A = arith.divsi %scan3A_477, %jit3A : i32
      %sign3A = arith.constant 0 : i32
      %sign3A_478 = arith.cmpi sgt, %scan3A_477, %sign3A : i32
      %sign3A_479 = arith.extui %sign3A_478 : i1 to i32
      %sign3A_480 = arith.constant 0 : i32
      %sign3A_481 = arith.cmpi slt, %scan3A_477, %sign3A_480 : i32
      %sign3A_482 = arith.extui %sign3A_481 : i1 to i32
      %sign3A_483 = arith.subi %sign3A_479, %sign3A_482 : i32
      %sign3A_484 = arith.constant 0 : i32
      %sign3A_485 = arith.cmpi sgt, %jit3A, %sign3A_484 : i32
      %sign3A_486 = arith.extui %sign3A_485 : i1 to i32
      %sign3A_487 = arith.constant 0 : i32
      %sign3A_488 = arith.cmpi slt, %jit3A, %sign3A_487 : i32
      %sign3A_489 = arith.extui %sign3A_488 : i1 to i32
      %sign3A_490 = arith.subi %sign3A_486, %sign3A_489 : i32
      %ne3A = arith.cmpi ne, %sign3A_483, %sign3A_490 : i32
      %rem3A = arith.remsi %scan3A_477, %jit3A : i32
      %ne3A_491 = arith.constant 0 : i32
      %ne3A_492 = arith.cmpi ne, %rem3A, %ne3A_491 : i32
      %and3A = arith.andi %ne3A, %ne3A_492 : i1
      %sub3A = arith.constant 1 : i32
      %sub3A_493 = arith.subi %div3A, %sub3A : i32
      %select_n3A = arith.select %and3A, %sub3A_493, %div3A : i32
      %mul3A_494 = arith.constant 8 : i32
      %mul3A_495 = arith.muli %select_n3A, %mul3A_494 : i32
      %sub3A_496 = arith.subi %scan3A_477, %mul3A_495 : i32
      %mul3A_497 = arith.constant 16 : i32
      %mul3A_498 = arith.muli %scan3A_477, %mul3A_497 : i32
      %get3A = arith.index_cast %mul3A_498 : i32 to index
      %get3A_499 = tpu.vector_load %arg32[%get3A] {strides = array<i32>} : memref<640xf32, #tpu.memory_space<vmem>>, vector<16xf32>,
      %get3A_500 = vector.shape_cast %get3A_499 : vector<16xf32> to vector<16xf32>
      %convert_element_type3A = arith.fptosi %get3A_500 : vector<16xf32> to vector<16xi32>
      %mul3A_501 = arith.constant 16 : i32
      %mul3A_502 = arith.muli %sub3A_496, %mul3A_501 : i32
      %swap3A = arith.index_cast %select_n3A : i32 to index
      %swap3A_503 = arith.index_cast %mul3A_502 : i32 to index
      %swap3A_504 = tpu.vector_load %arg33[%swap3A, %swap3A_503] {strides = array<i32>} : memref<5x128xi32, #tpu.memory_space<vmem>>, vector<1x16xi32>,
      %swap3A_505 = vector.shape_cast %swap3A_504 : vector<1x16xi32> to vector<16xi32>
      %swap3A_506 = vector.shape_cast %convert_element_type3A : vector<16xi32> to vector<1x16xi32>
      tpu.vector_store %arg33[%swap3A, %swap3A_503], %swap3A_506 {strides = array<i32>} : memref<5x128xi32, #tpu.memory_space<vmem>>, vector<1x16xi32>,
    }
    %scan3A_149 = arith.constant 40 : i32
    %scan3A_150 = arith.constant 0 : i32
    %scan3A_151 = arith.constant 0 : i32
    %scan3A_152 = arith.constant 5 : i32
    %scan3A_153 = arith.addi %scan3A_151, %scan3A_152 : i32
    %scan3A_154 = arith.constant 1 : i32
    scf.for %scan3A_477 = %scan3A_151 to %scan3A_153 step %scan3A_154  : i32 {
      %mul3A_478 = arith.constant 128 : i32
      %mul3A_479 = arith.muli %scan3A_477, %mul3A_478 : i32
      %dma_start3A_480 = tpu.memref_slice %arg34[%mul3A_479] : memref<640xf32, #tpu.memory_space<vmem>> -> memref<128xf32, #tpu.memory_space<vmem>>
      %dma_start3A_481 = arith.constant 0 : i32
      %dma_start3A_482 = tpu.memref_slice %arg33[%scan3A_477, %dma_start3A_481] : memref<5x128xi32, #tpu.memory_space<vmem>> -> memref<1x128xi32, #tpu.memory_space<vmem>>
      %dma_start3A_483 = tpu.memref_squeeze %dma_start3A_482 : memref<1x128xi32, #tpu.memory_space<vmem>> -> memref<128xi32, #tpu.memory_space<vmem>>
      %dma_start3A_484 = arith.constant 0 : i32
      %dma_start3A_485 = tpu.memref_slice %arg5[%dma_start3A_484] : memref<320008xf32, #tpu.memory_space<hbm>> -> memref<320008xf32, #tpu.memory_space<hbm>>
      tpu.enqueue_indirect_dma source(%dma_start3A_485 : memref<320008xf32, #tpu.memory_space<hbm>>) target(%dma_start3A_480 : memref<128xf32, #tpu.memory_space<vmem>>) offsets(%dma_start3A_483 : memref<128xi32, #tpu.memory_space<vmem>>) semaphore(%arg55 : memref<!tpu.dma_semaphore, #tpu.memory_space<semaphore_mem>>)
    }
    %scan3A_155 = arith.constant 5 : i32
    %scan3A_156 = arith.constant 0 : i32
    %scan3A_157 = arith.constant 0 : i32
    %scan3A_158 = arith.constant 5 : i32
    %scan3A_159 = arith.addi %scan3A_157, %scan3A_158 : i32
    %scan3A_160 = arith.constant 1 : i32
    scf.for %scan3A_477 = %scan3A_157 to %scan3A_159 step %scan3A_160  : i32 {
      %mul3A_478 = arith.constant 128 : i32
      %mul3A_479 = arith.muli %scan3A_477, %mul3A_478 : i32
      %dma_wait3A_480 = tpu.memref_slice %arg34[%mul3A_479] : memref<640xf32, #tpu.memory_space<vmem>> -> memref<128xf32, #tpu.memory_space<vmem>>
      %dma_wait3A_481 = arith.constant 0 : i32
      %dma_wait3A_482 = tpu.memref_slice %arg5[%dma_wait3A_481] : memref<320008xf32, #tpu.memory_space<hbm>> -> memref<128xf32, #tpu.memory_space<hbm>>
      %dma_wait3A_483 = tpu.memref_slice %arg34[%mul3A_479] : memref<640xf32, #tpu.memory_space<vmem>> -> memref<128xf32, #tpu.memory_space<vmem>>
      %dma_wait3A_484 = arith.constant 0 : i32
      %dma_wait3A_485 = tpu.memref_slice %arg5[%dma_wait3A_484] : memref<320008xf32, #tpu.memory_space<hbm>> -> memref<128xf32, #tpu.memory_space<hbm>>
      tpu.wait_dma2 semaphore(%arg55 : memref<!tpu.dma_semaphore, #tpu.memory_space<semaphore_mem>>) src(%dma_wait3A_485 : memref<128xf32, #tpu.memory_space<hbm>>) dst(%dma_wait3A_483 : memref<128xf32, #tpu.memory_space<vmem>>)
    }
    %scan3A_161 = arith.constant 5 : i32
    %mul3A_162 = arith.constant 9 : i32
    %mul3A_163 = arith.muli %arg0, %mul3A_162 : i32
    %add3A_164 = arith.constant 0 : i32
    %add3A_165 = arith.addi %mul3A_163, %add3A_164 : i32
    %mul3A_166 = arith.constant 10240 : i32
    %mul3A_167 = arith.muli %add3A_165, %mul3A_166 : i32
    %add3A_168 = arith.addi %mul3A_167, %mul3A_0 : i32
    %dma_wait3A = arith.constant 0 : i32
    %dma_wait3A_169 = tpu.memref_slice %arg35[%dma_wait3A] : memref<5760xf32, #tpu.memory_space<vmem>> -> memref<640xf32, #tpu.memory_space<vmem>>
    %dma_wait3A_170 = tpu.memref_slice %arg4[%add3A_168] : memref<184320xf32, #tpu.memory_space<hbm>> -> memref<640xf32, #tpu.memory_space<hbm>>
    %dma_wait3A_171 = arith.constant 0 : i32
    %dma_wait3A_172 = tpu.memref_slice %arg35[%dma_wait3A_171] : memref<5760xf32, #tpu.memory_space<vmem>> -> memref<640xf32, #tpu.memory_space<vmem>>
    %dma_wait3A_173 = tpu.memref_slice %arg4[%add3A_168] : memref<184320xf32, #tpu.memory_space<hbm>> -> memref<640xf32, #tpu.memory_space<hbm>>
    tpu.wait_dma2 semaphore(%arg54 : memref<!tpu.dma_semaphore, #tpu.memory_space<semaphore_mem>>) src(%dma_wait3A_173 : memref<640xf32, #tpu.memory_space<hbm>>) dst(%dma_wait3A_172 : memref<640xf32, #tpu.memory_space<vmem>>)
    %mul3A_174 = arith.constant 9 : i32
    %mul3A_175 = arith.muli %arg0, %mul3A_174 : i32
    %add3A_176 = arith.constant 1 : i32
    %add3A_177 = arith.addi %mul3A_175, %add3A_176 : i32
    %mul3A_178 = arith.constant 10240 : i32
    %mul3A_179 = arith.muli %add3A_177, %mul3A_178 : i32
    %add3A_180 = arith.addi %mul3A_179, %mul3A_0 : i32
    %dma_wait3A_181 = arith.constant 640 : i32
    %dma_wait3A_182 = tpu.memref_slice %arg35[%dma_wait3A_181] : memref<5760xf32, #tpu.memory_space<vmem>> -> memref<640xf32, #tpu.memory_space<vmem>>
    %dma_wait3A_183 = tpu.memref_slice %arg4[%add3A_180] : memref<184320xf32, #tpu.memory_space<hbm>> -> memref<640xf32, #tpu.memory_space<hbm>>
    %dma_wait3A_184 = arith.constant 640 : i32
    %dma_wait3A_185 = tpu.memref_slice %arg35[%dma_wait3A_184] : memref<5760xf32, #tpu.memory_space<vmem>> -> memref<640xf32, #tpu.memory_space<vmem>>
    %dma_wait3A_186 = tpu.memref_slice %arg4[%add3A_180] : memref<184320xf32, #tpu.memory_space<hbm>> -> memref<640xf32, #tpu.memory_space<hbm>>
    tpu.wait_dma2 semaphore(%arg54 : memref<!tpu.dma_semaphore, #tpu.memory_space<semaphore_mem>>) src(%dma_wait3A_186 : memref<640xf32, #tpu.memory_space<hbm>>) dst(%dma_wait3A_185 : memref<640xf32, #tpu.memory_space<vmem>>)
    %mul3A_187 = arith.constant 9 : i32
    %mul3A_188 = arith.muli %arg0, %mul3A_187 : i32
    %add3A_189 = arith.constant 2 : i32
    %add3A_190 = arith.addi %mul3A_188, %add3A_189 : i32
    %mul3A_191 = arith.constant 10240 : i32
    %mul3A_192 = arith.muli %add3A_190, %mul3A_191 : i32
    %add3A_193 = arith.addi %mul3A_192, %mul3A_0 : i32
    %dma_wait3A_194 = arith.constant 1280 : i32
    %dma_wait3A_195 = tpu.memref_slice %arg35[%dma_wait3A_194] : memref<5760xf32, #tpu.memory_space<vmem>> -> memref<640xf32, #tpu.memory_space<vmem>>
    %dma_wait3A_196 = tpu.memref_slice %arg4[%add3A_193] : memref<184320xf32, #tpu.memory_space<hbm>> -> memref<640xf32, #tpu.memory_space<hbm>>
    %dma_wait3A_197 = arith.constant 1280 : i32
    %dma_wait3A_198 = tpu.memref_slice %arg35[%dma_wait3A_197] : memref<5760xf32, #tpu.memory_space<vmem>> -> memref<640xf32, #tpu.memory_space<vmem>>
    %dma_wait3A_199 = tpu.memref_slice %arg4[%add3A_193] : memref<184320xf32, #tpu.memory_space<hbm>> -> memref<640xf32, #tpu.memory_space<hbm>>
    tpu.wait_dma2 semaphore(%arg54 : memref<!tpu.dma_semaphore, #tpu.memory_space<semaphore_mem>>) src(%dma_wait3A_199 : memref<640xf32, #tpu.memory_space<hbm>>) dst(%dma_wait3A_198 : memref<640xf32, #tpu.memory_space<vmem>>)
    %mul3A_200 = arith.constant 9 : i32
    %mul3A_201 = arith.muli %arg0, %mul3A_200 : i32
    %add3A_202 = arith.constant 3 : i32
    %add3A_203 = arith.addi %mul3A_201, %add3A_202 : i32
    %mul3A_204 = arith.constant 10240 : i32
    %mul3A_205 = arith.muli %add3A_203, %mul3A_204 : i32
    %add3A_206 = arith.addi %mul3A_205, %mul3A_0 : i32
    %dma_wait3A_207 = arith.constant 1920 : i32
    %dma_wait3A_208 = tpu.memref_slice %arg35[%dma_wait3A_207] : memref<5760xf32, #tpu.memory_space<vmem>> -> memref<640xf32, #tpu.memory_space<vmem>>
    %dma_wait3A_209 = tpu.memref_slice %arg4[%add3A_206] : memref<184320xf32, #tpu.memory_space<hbm>> -> memref<640xf32, #tpu.memory_space<hbm>>
    %dma_wait3A_210 = arith.constant 1920 : i32
    %dma_wait3A_211 = tpu.memref_slice %arg35[%dma_wait3A_210] : memref<5760xf32, #tpu.memory_space<vmem>> -> memref<640xf32, #tpu.memory_space<vmem>>
    %dma_wait3A_212 = tpu.memref_slice %arg4[%add3A_206] : memref<184320xf32, #tpu.memory_space<hbm>> -> memref<640xf32, #tpu.memory_space<hbm>>
    tpu.wait_dma2 semaphore(%arg54 : memref<!tpu.dma_semaphore, #tpu.memory_space<semaphore_mem>>) src(%dma_wait3A_212 : memref<640xf32, #tpu.memory_space<hbm>>) dst(%dma_wait3A_211 : memref<640xf32, #tpu.memory_space<vmem>>)
    %mul3A_213 = arith.constant 9 : i32
    %mul3A_214 = arith.muli %arg0, %mul3A_213 : i32
    %add3A_215 = arith.constant 4 : i32
    %add3A_216 = arith.addi %mul3A_214, %add3A_215 : i32
    %mul3A_217 = arith.constant 10240 : i32
    %mul3A_218 = arith.muli %add3A_216, %mul3A_217 : i32
    %add3A_219 = arith.addi %mul3A_218, %mul3A_0 : i32
    %dma_wait3A_220 = arith.constant 2560 : i32
    %dma_wait3A_221 = tpu.memref_slice %arg35[%dma_wait3A_220] : memref<5760xf32, #tpu.memory_space<vmem>> -> memref<640xf32, #tpu.memory_space<vmem>>
    %dma_wait3A_222 = tpu.memref_slice %arg4[%add3A_219] : memref<184320xf32, #tpu.memory_space<hbm>> -> memref<640xf32, #tpu.memory_space<hbm>>
    %dma_wait3A_223 = arith.constant 2560 : i32
    %dma_wait3A_224 = tpu.memref_slice %arg35[%dma_wait3A_223] : memref<5760xf32, #tpu.memory_space<vmem>> -> memref<640xf32, #tpu.memory_space<vmem>>
    %dma_wait3A_225 = tpu.memref_slice %arg4[%add3A_219] : memref<184320xf32, #tpu.memory_space<hbm>> -> memref<640xf32, #tpu.memory_space<hbm>>
    tpu.wait_dma2 semaphore(%arg54 : memref<!tpu.dma_semaphore, #tpu.memory_space<semaphore_mem>>) src(%dma_wait3A_225 : memref<640xf32, #tpu.memory_space<hbm>>) dst(%dma_wait3A_224 : memref<640xf32, #tpu.memory_space<vmem>>)
    %mul3A_226 = arith.constant 9 : i32
    %mul3A_227 = arith.muli %arg0, %mul3A_226 : i32
    %add3A_228 = arith.constant 5 : i32
    %add3A_229 = arith.addi %mul3A_227, %add3A_228 : i32
    %mul3A_230 = arith.constant 10240 : i32
    %mul3A_231 = arith.muli %add3A_229, %mul3A_230 : i32
    %add3A_232 = arith.addi %mul3A_231, %mul3A_0 : i32
    %dma_wait3A_233 = arith.constant 3200 : i32
    %dma_wait3A_234 = tpu.memref_slice %arg35[%dma_wait3A_233] : memref<5760xf32, #tpu.memory_space<vmem>> -> memref<640xf32, #tpu.memory_space<vmem>>
    %dma_wait3A_235 = tpu.memref_slice %arg4[%add3A_232] : memref<184320xf32, #tpu.memory_space<hbm>> -> memref<640xf32, #tpu.memory_space<hbm>>
    %dma_wait3A_236 = arith.constant 3200 : i32
    %dma_wait3A_237 = tpu.memref_slice %arg35[%dma_wait3A_236] : memref<5760xf32, #tpu.memory_space<vmem>> -> memref<640xf32, #tpu.memory_space<vmem>>
    %dma_wait3A_238 = tpu.memref_slice %arg4[%add3A_232] : memref<184320xf32, #tpu.memory_space<hbm>> -> memref<640xf32, #tpu.memory_space<hbm>>
    tpu.wait_dma2 semaphore(%arg54 : memref<!tpu.dma_semaphore, #tpu.memory_space<semaphore_mem>>) src(%dma_wait3A_238 : memref<640xf32, #tpu.memory_space<hbm>>) dst(%dma_wait3A_237 : memref<640xf32, #tpu.memory_space<vmem>>)
    %mul3A_239 = arith.constant 9 : i32
    %mul3A_240 = arith.muli %arg0, %mul3A_239 : i32
    %add3A_241 = arith.constant 6 : i32
    %add3A_242 = arith.addi %mul3A_240, %add3A_241 : i32
    %mul3A_243 = arith.constant 10240 : i32
    %mul3A_244 = arith.muli %add3A_242, %mul3A_243 : i32
    %add3A_245 = arith.addi %mul3A_244, %mul3A_0 : i32
    %dma_wait3A_246 = arith.constant 3840 : i32
    %dma_wait3A_247 = tpu.memref_slice %arg35[%dma_wait3A_246] : memref<5760xf32, #tpu.memory_space<vmem>> -> memref<640xf32, #tpu.memory_space<vmem>>
    %dma_wait3A_248 = tpu.memref_slice %arg4[%add3A_245] : memref<184320xf32, #tpu.memory_space<hbm>> -> memref<640xf32, #tpu.memory_space<hbm>>
    %dma_wait3A_249 = arith.constant 3840 : i32
    %dma_wait3A_250 = tpu.memref_slice %arg35[%dma_wait3A_249] : memref<5760xf32, #tpu.memory_space<vmem>> -> memref<640xf32, #tpu.memory_space<vmem>>
    %dma_wait3A_251 = tpu.memref_slice %arg4[%add3A_245] : memref<184320xf32, #tpu.memory_space<hbm>> -> memref<640xf32, #tpu.memory_space<hbm>>
    tpu.wait_dma2 semaphore(%arg54 : memref<!tpu.dma_semaphore, #tpu.memory_space<semaphore_mem>>) src(%dma_wait3A_251 : memref<640xf32, #tpu.memory_space<hbm>>) dst(%dma_wait3A_250 : memref<640xf32, #tpu.memory_space<vmem>>)
    %mul3A_252 = arith.constant 9 : i32
    %mul3A_253 = arith.muli %arg0, %mul3A_252 : i32
    %add3A_254 = arith.constant 7 : i32
    %add3A_255 = arith.addi %mul3A_253, %add3A_254 : i32
    %mul3A_256 = arith.constant 10240 : i32
    %mul3A_257 = arith.muli %add3A_255, %mul3A_256 : i32
    %add3A_258 = arith.addi %mul3A_257, %mul3A_0 : i32
    %dma_wait3A_259 = arith.constant 4480 : i32
    %dma_wait3A_260 = tpu.memref_slice %arg35[%dma_wait3A_259] : memref<5760xf32, #tpu.memory_space<vmem>> -> memref<640xf32, #tpu.memory_space<vmem>>
    %dma_wait3A_261 = tpu.memref_slice %arg4[%add3A_258] : memref<184320xf32, #tpu.memory_space<hbm>> -> memref<640xf32, #tpu.memory_space<hbm>>
    %dma_wait3A_262 = arith.constant 4480 : i32
    %dma_wait3A_263 = tpu.memref_slice %arg35[%dma_wait3A_262] : memref<5760xf32, #tpu.memory_space<vmem>> -> memref<640xf32, #tpu.memory_space<vmem>>
    %dma_wait3A_264 = tpu.memref_slice %arg4[%add3A_258] : memref<184320xf32, #tpu.memory_space<hbm>> -> memref<640xf32, #tpu.memory_space<hbm>>
    tpu.wait_dma2 semaphore(%arg54 : memref<!tpu.dma_semaphore, #tpu.memory_space<semaphore_mem>>) src(%dma_wait3A_264 : memref<640xf32, #tpu.memory_space<hbm>>) dst(%dma_wait3A_263 : memref<640xf32, #tpu.memory_space<vmem>>)
    %mul3A_265 = arith.constant 9 : i32
    %mul3A_266 = arith.muli %arg0, %mul3A_265 : i32
    %add3A_267 = arith.constant 8 : i32
    %add3A_268 = arith.addi %mul3A_266, %add3A_267 : i32
    %mul3A_269 = arith.constant 10240 : i32
    %mul3A_270 = arith.muli %add3A_268, %mul3A_269 : i32
    %add3A_271 = arith.addi %mul3A_270, %mul3A_0 : i32
    %dma_wait3A_272 = arith.constant 5120 : i32
    %dma_wait3A_273 = tpu.memref_slice %arg35[%dma_wait3A_272] : memref<5760xf32, #tpu.memory_space<vmem>> -> memref<640xf32, #tpu.memory_space<vmem>>
    %dma_wait3A_274 = tpu.memref_slice %arg4[%add3A_271] : memref<184320xf32, #tpu.memory_space<hbm>> -> memref<640xf32, #tpu.memory_space<hbm>>
    %dma_wait3A_275 = arith.constant 5120 : i32
    %dma_wait3A_276 = tpu.memref_slice %arg35[%dma_wait3A_275] : memref<5760xf32, #tpu.memory_space<vmem>> -> memref<640xf32, #tpu.memory_space<vmem>>
    %dma_wait3A_277 = tpu.memref_slice %arg4[%add3A_271] : memref<184320xf32, #tpu.memory_space<hbm>> -> memref<640xf32, #tpu.memory_space<hbm>>
    tpu.wait_dma2 semaphore(%arg54 : memref<!tpu.dma_semaphore, #tpu.memory_space<semaphore_mem>>) src(%dma_wait3A_277 : memref<640xf32, #tpu.memory_space<hbm>>) dst(%dma_wait3A_276 : memref<640xf32, #tpu.memory_space<vmem>>)
    %scan3A_278 = arith.constant 0 : i32
    %scan3A_279 = arith.constant 0 : i32
    %scan3A_280 = arith.constant 40 : i32
    %scan3A_281 = arith.addi %scan3A_279, %scan3A_280 : i32
    %scan3A_282 = arith.constant 1 : i32
    scf.for %scan3A_477 = %scan3A_279 to %scan3A_281 step %scan3A_282  : i32 {
      %mul3A_478 = arith.constant 16 : i32
      %mul3A_479 = arith.muli %scan3A_477, %mul3A_478 : i32
      %get3A = arith.index_cast %mul3A_479 : i32 to index
      %get3A_480 = tpu.vector_load %arg34[%get3A] {strides = array<i32>} : memref<640xf32, #tpu.memory_space<vmem>>, vector<16xf32>,
      %get3A_481 = vector.shape_cast %get3A_480 : vector<16xf32> to vector<16xf32>
      %mul3A_482 = arith.constant 16 : i32
      %mul3A_483 = arith.muli %scan3A_477, %mul3A_482 : i32
      %add3A_484 = arith.constant 1920 : i32
      %add3A_485 = arith.addi %add3A_484, %mul3A_483 : i32
      %get3A_486 = arith.index_cast %add3A_485 : i32 to index
      %get3A_487 = tpu.vector_load %arg35[%get3A_486] {strides = array<i32>} : memref<5760xf32, #tpu.memory_space<vmem>>, vector<16xf32>,
      %get3A_488 = vector.shape_cast %get3A_487 : vector<16xf32> to vector<16xf32>
      %mul3A_489 = arith.mulf %get3A_481, %get3A_488 : vector<16xf32>
      %mul3A_490 = arith.constant 16 : i32
      %mul3A_491 = arith.muli %scan3A_477, %mul3A_490 : i32
      %add3A_492 = arith.constant 0 : i32
      %add3A_493 = arith.addi %add3A_492, %mul3A_491 : i32
      %swap3A = arith.index_cast %add3A_493 : i32 to index
      %swap3A_494 = tpu.vector_load %arg36[%swap3A] {strides = array<i32>} : memref<3840xf32, #tpu.memory_space<vmem>>, vector<16xf32>,
      %swap3A_495 = vector.shape_cast %swap3A_494 : vector<16xf32> to vector<16xf32>
      %swap3A_496 = vector.shape_cast %mul3A_489 : vector<16xf32> to vector<16xf32>
      tpu.vector_store %arg36[%swap3A], %swap3A_496 {strides = array<i32>} : memref<3840xf32, #tpu.memory_space<vmem>>, vector<16xf32>,
      %mul3A_497 = arith.constant 16 : i32
      %mul3A_498 = arith.muli %scan3A_477, %mul3A_497 : i32
      %add3A_499 = arith.constant 2560 : i32
      %add3A_500 = arith.addi %add3A_499, %mul3A_498 : i32
      %get3A_501 = arith.index_cast %add3A_500 : i32 to index
      %get3A_502 = tpu.vector_load %arg35[%get3A_501] {strides = array<i32>} : memref<5760xf32, #tpu.memory_space<vmem>>, vector<16xf32>,
      %get3A_503 = vector.shape_cast %get3A_502 : vector<16xf32> to vector<16xf32>
      %mul3A_504 = arith.mulf %get3A_481, %get3A_503 : vector<16xf32>
      %mul3A_505 = arith.constant 16 : i32
      %mul3A_506 = arith.muli %scan3A_477, %mul3A_505 : i32
      %add3A_507 = arith.constant 640 : i32
      %add3A_508 = arith.addi %add3A_507, %mul3A_506 : i32
      %swap3A_509 = arith.index_cast %add3A_508 : i32 to index
      %swap3A_510 = tpu.vector_load %arg36[%swap3A_509] {strides = array<i32>} : memref<3840xf32, #tpu.memory_space<vmem>>, vector<16xf32>,
      %swap3A_511 = vector.shape_cast %swap3A_510 : vector<16xf32> to vector<16xf32>
      %swap3A_512 = vector.shape_cast %mul3A_504 : vector<16xf32> to vector<16xf32>
      tpu.vector_store %arg36[%swap3A_509], %swap3A_512 {strides = array<i32>} : memref<3840xf32, #tpu.memory_space<vmem>>, vector<16xf32>,
      %mul3A_513 = arith.constant 16 : i32
      %mul3A_514 = arith.muli %scan3A_477, %mul3A_513 : i32
      %add3A_515 = arith.constant 3200 : i32
      %add3A_516 = arith.addi %add3A_515, %mul3A_514 : i32
      %get3A_517 = arith.index_cast %add3A_516 : i32 to index
      %get3A_518 = tpu.vector_load %arg35[%get3A_517] {strides = array<i32>} : memref<5760xf32, #tpu.memory_space<vmem>>, vector<16xf32>,
      %get3A_519 = vector.shape_cast %get3A_518 : vector<16xf32> to vector<16xf32>
      %mul3A_520 = arith.mulf %get3A_481, %get3A_519 : vector<16xf32>
      %mul3A_521 = arith.constant 16 : i32
      %mul3A_522 = arith.muli %scan3A_477, %mul3A_521 : i32
      %add3A_523 = arith.constant 1280 : i32
      %add3A_524 = arith.addi %add3A_523, %mul3A_522 : i32
      %swap3A_525 = arith.index_cast %add3A_524 : i32 to index
      %swap3A_526 = tpu.vector_load %arg36[%swap3A_525] {strides = array<i32>} : memref<3840xf32, #tpu.memory_space<vmem>>, vector<16xf32>,
      %swap3A_527 = vector.shape_cast %swap3A_526 : vector<16xf32> to vector<16xf32>
      %swap3A_528 = vector.shape_cast %mul3A_520 : vector<16xf32> to vector<16xf32>
      tpu.vector_store %arg36[%swap3A_525], %swap3A_528 {strides = array<i32>} : memref<3840xf32, #tpu.memory_space<vmem>>, vector<16xf32>,
      %mul3A_529 = arith.constant 16 : i32
      %mul3A_530 = arith.muli %scan3A_477, %mul3A_529 : i32
      %add3A_531 = arith.constant 3840 : i32
      %add3A_532 = arith.addi %add3A_531, %mul3A_530 : i32
      %get3A_533 = arith.index_cast %add3A_532 : i32 to index
      %get3A_534 = tpu.vector_load %arg35[%get3A_533] {strides = array<i32>} : memref<5760xf32, #tpu.memory_space<vmem>>, vector<16xf32>,
      %get3A_535 = vector.shape_cast %get3A_534 : vector<16xf32> to vector<16xf32>
      %mul3A_536 = arith.mulf %get3A_481, %get3A_535 : vector<16xf32>
      %mul3A_537 = arith.constant 16 : i32
      %mul3A_538 = arith.muli %scan3A_477, %mul3A_537 : i32
      %add3A_539 = arith.constant 1920 : i32
      %add3A_540 = arith.addi %add3A_539, %mul3A_538 : i32
      %swap3A_541 = arith.index_cast %add3A_540 : i32 to index
      %swap3A_542 = tpu.vector_load %arg36[%swap3A_541] {strides = array<i32>} : memref<3840xf32, #tpu.memory_space<vmem>>, vector<16xf32>,
      %swap3A_543 = vector.shape_cast %swap3A_542 : vector<16xf32> to vector<16xf32>
      %swap3A_544 = vector.shape_cast %mul3A_536 : vector<16xf32> to vector<16xf32>
      tpu.vector_store %arg36[%swap3A_541], %swap3A_544 {strides = array<i32>} : memref<3840xf32, #tpu.memory_space<vmem>>, vector<16xf32>,
      %mul3A_545 = arith.constant 16 : i32
      %mul3A_546 = arith.muli %scan3A_477, %mul3A_545 : i32
      %add3A_547 = arith.constant 4480 : i32
      %add3A_548 = arith.addi %add3A_547, %mul3A_546 : i32
      %get3A_549 = arith.index_cast %add3A_548 : i32 to index
      %get3A_550 = tpu.vector_load %arg35[%get3A_549] {strides = array<i32>} : memref<5760xf32, #tpu.memory_space<vmem>>, vector<16xf32>,
      %get3A_551 = vector.shape_cast %get3A_550 : vector<16xf32> to vector<16xf32>
      %mul3A_552 = arith.mulf %get3A_481, %get3A_551 : vector<16xf32>
      %mul3A_553 = arith.constant 16 : i32
      %mul3A_554 = arith.muli %scan3A_477, %mul3A_553 : i32
      %add3A_555 = arith.constant 2560 : i32
      %add3A_556 = arith.addi %add3A_555, %mul3A_554 : i32
      %swap3A_557 = arith.index_cast %add3A_556 : i32 to index
      %swap3A_558 = tpu.vector_load %arg36[%swap3A_557] {strides = array<i32>} : memref<3840xf32, #tpu.memory_space<vmem>>, vector<16xf32>,
      %swap3A_559 = vector.shape_cast %swap3A_558 : vector<16xf32> to vector<16xf32>
      %swap3A_560 = vector.shape_cast %mul3A_552 : vector<16xf32> to vector<16xf32>
      tpu.vector_store %arg36[%swap3A_557], %swap3A_560 {strides = array<i32>} : memref<3840xf32, #tpu.memory_space<vmem>>, vector<16xf32>,
      %mul3A_561 = arith.constant 16 : i32
      %mul3A_562 = arith.muli %scan3A_477, %mul3A_561 : i32
      %add3A_563 = arith.constant 5120 : i32
      %add3A_564 = arith.addi %add3A_563, %mul3A_562 : i32
      %get3A_565 = arith.index_cast %add3A_564 : i32 to index
      %get3A_566 = tpu.vector_load %arg35[%get3A_565] {strides = array<i32>} : memref<5760xf32, #tpu.memory_space<vmem>>, vector<16xf32>,
      %get3A_567 = vector.shape_cast %get3A_566 : vector<16xf32> to vector<16xf32>
      %mul3A_568 = arith.mulf %get3A_481, %get3A_567 : vector<16xf32>
      %mul3A_569 = arith.constant 16 : i32
      %mul3A_570 = arith.muli %scan3A_477, %mul3A_569 : i32
      %add3A_571 = arith.constant 3200 : i32
      %add3A_572 = arith.addi %add3A_571, %mul3A_570 : i32
      %swap3A_573 = arith.index_cast %add3A_572 : i32 to index
      %swap3A_574 = tpu.vector_load %arg36[%swap3A_573] {strides = array<i32>} : memref<3840xf32, #tpu.memory_space<vmem>>, vector<16xf32>,
      %swap3A_575 = vector.shape_cast %swap3A_574 : vector<16xf32> to vector<16xf32>
      %swap3A_576 = vector.shape_cast %mul3A_568 : vector<16xf32> to vector<16xf32>
      tpu.vector_store %arg36[%swap3A_573], %swap3A_576 {strides = array<i32>} : memref<3840xf32, #tpu.memory_space<vmem>>, vector<16xf32>,
    }
    %scan3A_283 = arith.constant 40 : i32
    "tpu.region"() ({
      %run_scoped3A = tpu.sem_alloc : memref<!tpu.dma_semaphore, #tpu.memory_space<semaphore_mem>>
      %dma_start3A_477 = arith.constant 0 : i32
      %dma_start3A_478 = tpu.memref_slice %arg36[%dma_start3A_477] : memref<3840xf32, #tpu.memory_space<vmem>> -> memref<640xf32, #tpu.memory_space<vmem>>
      %dma_start3A_479 = tpu.memref_slice %arg10[%mul3A_0] : memref<10240xf32, #tpu.memory_space<vmem_shared>> -> memref<640xf32, #tpu.memory_space<vmem_shared>>
      %dma_start3A_480 = tpu.memref_slice %arg10[%mul3A_0] : memref<10240xf32, #tpu.memory_space<vmem_shared>> -> memref<640xf32, #tpu.memory_space<vmem_shared>>
      %dma_start3A_481 = arith.constant 0 : i32
      %dma_start3A_482 = tpu.memref_slice %arg36[%dma_start3A_481] : memref<3840xf32, #tpu.memory_space<vmem>> -> memref<640xf32, #tpu.memory_space<vmem>>
      tpu.enqueue_dma source(%dma_start3A_482 : memref<640xf32, #tpu.memory_space<vmem>>) target(%dma_start3A_480 : memref<640xf32, #tpu.memory_space<vmem_shared>>) target_semaphore(%run_scoped3A : memref<!tpu.dma_semaphore, #tpu.memory_space<semaphore_mem>>)
      %dma_wait3A_483 = arith.constant 0 : i32
      %dma_wait3A_484 = tpu.memref_slice %arg36[%dma_wait3A_483] : memref<3840xf32, #tpu.memory_space<vmem>> -> memref<640xf32, #tpu.memory_space<vmem>>
      %dma_wait3A_485 = tpu.memref_slice %arg10[%mul3A_0] : memref<10240xf32, #tpu.memory_space<vmem_shared>> -> memref<640xf32, #tpu.memory_space<vmem_shared>>
      %dma_wait3A_486 = tpu.memref_slice %arg10[%mul3A_0] : memref<10240xf32, #tpu.memory_space<vmem_shared>> -> memref<640xf32, #tpu.memory_space<vmem_shared>>
      %dma_wait3A_487 = arith.constant 0 : i32
      %dma_wait3A_488 = tpu.memref_slice %arg36[%dma_wait3A_487] : memref<3840xf32, #tpu.memory_space<vmem>> -> memref<640xf32, #tpu.memory_space<vmem>>
      tpu.wait_dma2 semaphore(%run_scoped3A : memref<!tpu.dma_semaphore, #tpu.memory_space<semaphore_mem>>) src(%dma_wait3A_488 : memref<640xf32, #tpu.memory_space<vmem>>) dst(%dma_wait3A_486 : memref<640xf32, #tpu.memory_space<vmem_shared>>)
      tpu.yield
    }) : () -> ()
    "tpu.region"() ({
      %run_scoped3A = tpu.sem_alloc : memref<!tpu.dma_semaphore, #tpu.memory_space<semaphore_mem>>
      %dma_start3A_477 = arith.constant 640 : i32
      %dma_start3A_478 = tpu.memref_slice %arg36[%dma_start3A_477] : memref<3840xf32, #tpu.memory_space<vmem>> -> memref<640xf32, #tpu.memory_space<vmem>>
      %dma_start3A_479 = tpu.memref_slice %arg11[%mul3A_0] : memref<10240xf32, #tpu.memory_space<vmem_shared>> -> memref<640xf32, #tpu.memory_space<vmem_shared>>
      %dma_start3A_480 = tpu.memref_slice %arg11[%mul3A_0] : memref<10240xf32, #tpu.memory_space<vmem_shared>> -> memref<640xf32, #tpu.memory_space<vmem_shared>>
      %dma_start3A_481 = arith.constant 640 : i32
      %dma_start3A_482 = tpu.memref_slice %arg36[%dma_start3A_481] : memref<3840xf32, #tpu.memory_space<vmem>> -> memref<640xf32, #tpu.memory_space<vmem>>
      tpu.enqueue_dma source(%dma_start3A_482 : memref<640xf32, #tpu.memory_space<vmem>>) target(%dma_start3A_480 : memref<640xf32, #tpu.memory_space<vmem_shared>>) target_semaphore(%run_scoped3A : memref<!tpu.dma_semaphore, #tpu.memory_space<semaphore_mem>>)
      %dma_wait3A_483 = arith.constant 640 : i32
      %dma_wait3A_484 = tpu.memref_slice %arg36[%dma_wait3A_483] : memref<3840xf32, #tpu.memory_space<vmem>> -> memref<640xf32, #tpu.memory_space<vmem>>
      %dma_wait3A_485 = tpu.memref_slice %arg11[%mul3A_0] : memref<10240xf32, #tpu.memory_space<vmem_shared>> -> memref<640xf32, #tpu.memory_space<vmem_shared>>
      %dma_wait3A_486 = tpu.memref_slice %arg11[%mul3A_0] : memref<10240xf32, #tpu.memory_space<vmem_shared>> -> memref<640xf32, #tpu.memory_space<vmem_shared>>
      %dma_wait3A_487 = arith.constant 640 : i32
      %dma_wait3A_488 = tpu.memref_slice %arg36[%dma_wait3A_487] : memref<3840xf32, #tpu.memory_space<vmem>> -> memref<640xf32, #tpu.memory_space<vmem>>
      tpu.wait_dma2 semaphore(%run_scoped3A : memref<!tpu.dma_semaphore, #tpu.memory_space<semaphore_mem>>) src(%dma_wait3A_488 : memref<640xf32, #tpu.memory_space<vmem>>) dst(%dma_wait3A_486 : memref<640xf32, #tpu.memory_space<vmem_shared>>)
      tpu.yield
    }) : () -> ()
    "tpu.region"() ({
      %run_scoped3A = tpu.sem_alloc : memref<!tpu.dma_semaphore, #tpu.memory_space<semaphore_mem>>
      %dma_start3A_477 = arith.constant 1280 : i32
      %dma_start3A_478 = tpu.memref_slice %arg36[%dma_start3A_477] : memref<3840xf32, #tpu.memory_space<vmem>> -> memref<640xf32, #tpu.memory_space<vmem>>
      %dma_start3A_479 = tpu.memref_slice %arg12[%mul3A_0] : memref<10240xf32, #tpu.memory_space<vmem_shared>> -> memref<640xf32, #tpu.memory_space<vmem_shared>>
      %dma_start3A_480 = tpu.memref_slice %arg12[%mul3A_0] : memref<10240xf32, #tpu.memory_space<vmem_shared>> -> memref<640xf32, #tpu.memory_space<vmem_shared>>
      %dma_start3A_481 = arith.constant 1280 : i32
      %dma_start3A_482 = tpu.memref_slice %arg36[%dma_start3A_481] : memref<3840xf32, #tpu.memory_space<vmem>> -> memref<640xf32, #tpu.memory_space<vmem>>
      tpu.enqueue_dma source(%dma_start3A_482 : memref<640xf32, #tpu.memory_space<vmem>>) target(%dma_start3A_480 : memref<640xf32, #tpu.memory_space<vmem_shared>>) target_semaphore(%run_scoped3A : memref<!tpu.dma_semaphore, #tpu.memory_space<semaphore_mem>>)
      %dma_wait3A_483 = arith.constant 1280 : i32
      %dma_wait3A_484 = tpu.memref_slice %arg36[%dma_wait3A_483] : memref<3840xf32, #tpu.memory_space<vmem>> -> memref<640xf32, #tpu.memory_space<vmem>>
      %dma_wait3A_485 = tpu.memref_slice %arg12[%mul3A_0] : memref<10240xf32, #tpu.memory_space<vmem_shared>> -> memref<640xf32, #tpu.memory_space<vmem_shared>>
      %dma_wait3A_486 = tpu.memref_slice %arg12[%mul3A_0] : memref<10240xf32, #tpu.memory_space<vmem_shared>> -> memref<640xf32, #tpu.memory_space<vmem_shared>>
      %dma_wait3A_487 = arith.constant 1280 : i32
      %dma_wait3A_488 = tpu.memref_slice %arg36[%dma_wait3A_487] : memref<3840xf32, #tpu.memory_space<vmem>> -> memref<640xf32, #tpu.memory_space<vmem>>
      tpu.wait_dma2 semaphore(%run_scoped3A : memref<!tpu.dma_semaphore, #tpu.memory_space<semaphore_mem>>) src(%dma_wait3A_488 : memref<640xf32, #tpu.memory_space<vmem>>) dst(%dma_wait3A_486 : memref<640xf32, #tpu.memory_space<vmem_shared>>)
      tpu.yield
    }) : () -> ()
    "tpu.region"() ({
      %run_scoped3A = tpu.sem_alloc : memref<!tpu.dma_semaphore, #tpu.memory_space<semaphore_mem>>
      %dma_start3A_477 = arith.constant 1920 : i32
      %dma_start3A_478 = tpu.memref_slice %arg36[%dma_start3A_477] : memref<3840xf32, #tpu.memory_space<vmem>> -> memref<640xf32, #tpu.memory_space<vmem>>
      %dma_start3A_479 = tpu.memref_slice %arg13[%mul3A_0] : memref<10240xf32, #tpu.memory_space<vmem_shared>> -> memref<640xf32, #tpu.memory_space<vmem_shared>>
      %dma_start3A_480 = tpu.memref_slice %arg13[%mul3A_0] : memref<10240xf32, #tpu.memory_space<vmem_shared>> -> memref<640xf32, #tpu.memory_space<vmem_shared>>
      %dma_start3A_481 = arith.constant 1920 : i32
      %dma_start3A_482 = tpu.memref_slice %arg36[%dma_start3A_481] : memref<3840xf32, #tpu.memory_space<vmem>> -> memref<640xf32, #tpu.memory_space<vmem>>
      tpu.enqueue_dma source(%dma_start3A_482 : memref<640xf32, #tpu.memory_space<vmem>>) target(%dma_start3A_480 : memref<640xf32, #tpu.memory_space<vmem_shared>>) target_semaphore(%run_scoped3A : memref<!tpu.dma_semaphore, #tpu.memory_space<semaphore_mem>>)
      %dma_wait3A_483 = arith.constant 1920 : i32
      %dma_wait3A_484 = tpu.memref_slice %arg36[%dma_wait3A_483] : memref<3840xf32, #tpu.memory_space<vmem>> -> memref<640xf32, #tpu.memory_space<vmem>>
      %dma_wait3A_485 = tpu.memref_slice %arg13[%mul3A_0] : memref<10240xf32, #tpu.memory_space<vmem_shared>> -> memref<640xf32, #tpu.memory_space<vmem_shared>>
      %dma_wait3A_486 = tpu.memref_slice %arg13[%mul3A_0] : memref<10240xf32, #tpu.memory_space<vmem_shared>> -> memref<640xf32, #tpu.memory_space<vmem_shared>>
      %dma_wait3A_487 = arith.constant 1920 : i32
      %dma_wait3A_488 = tpu.memref_slice %arg36[%dma_wait3A_487] : memref<3840xf32, #tpu.memory_space<vmem>> -> memref<640xf32, #tpu.memory_space<vmem>>
      tpu.wait_dma2 semaphore(%run_scoped3A : memref<!tpu.dma_semaphore, #tpu.memory_space<semaphore_mem>>) src(%dma_wait3A_488 : memref<640xf32, #tpu.memory_space<vmem>>) dst(%dma_wait3A_486 : memref<640xf32, #tpu.memory_space<vmem_shared>>)
      tpu.yield
    }) : () -> ()
    "tpu.region"() ({
      %run_scoped3A = tpu.sem_alloc : memref<!tpu.dma_semaphore, #tpu.memory_space<semaphore_mem>>
      %dma_start3A_477 = arith.constant 2560 : i32
      %dma_start3A_478 = tpu.memref_slice %arg36[%dma_start3A_477] : memref<3840xf32, #tpu.memory_space<vmem>> -> memref<640xf32, #tpu.memory_space<vmem>>
      %dma_start3A_479 = tpu.memref_slice %arg14[%mul3A_0] : memref<10240xf32, #tpu.memory_space<vmem_shared>> -> memref<640xf32, #tpu.memory_space<vmem_shared>>
      %dma_start3A_480 = tpu.memref_slice %arg14[%mul3A_0] : memref<10240xf32, #tpu.memory_space<vmem_shared>> -> memref<640xf32, #tpu.memory_space<vmem_shared>>
      %dma_start3A_481 = arith.constant 2560 : i32
      %dma_start3A_482 = tpu.memref_slice %arg36[%dma_start3A_481] : memref<3840xf32, #tpu.memory_space<vmem>> -> memref<640xf32, #tpu.memory_space<vmem>>
      tpu.enqueue_dma source(%dma_start3A_482 : memref<640xf32, #tpu.memory_space<vmem>>) target(%dma_start3A_480 : memref<640xf32, #tpu.memory_space<vmem_shared>>) target_semaphore(%run_scoped3A : memref<!tpu.dma_semaphore, #tpu.memory_space<semaphore_mem>>)
      %dma_wait3A_483 = arith.constant 2560 : i32
      %dma_wait3A_484 = tpu.memref_slice %arg36[%dma_wait3A_483] : memref<3840xf32, #tpu.memory_space<vmem>> -> memref<640xf32, #tpu.memory_space<vmem>>
      %dma_wait3A_485 = tpu.memref_slice %arg14[%mul3A_0] : memref<10240xf32, #tpu.memory_space<vmem_shared>> -> memref<640xf32, #tpu.memory_space<vmem_shared>>
      %dma_wait3A_486 = tpu.memref_slice %arg14[%mul3A_0] : memref<10240xf32, #tpu.memory_space<vmem_shared>> -> memref<640xf32, #tpu.memory_space<vmem_shared>>
      %dma_wait3A_487 = arith.constant 2560 : i32
      %dma_wait3A_488 = tpu.memref_slice %arg36[%dma_wait3A_487] : memref<3840xf32, #tpu.memory_space<vmem>> -> memref<640xf32, #tpu.memory_space<vmem>>
      tpu.wait_dma2 semaphore(%run_scoped3A : memref<!tpu.dma_semaphore, #tpu.memory_space<semaphore_mem>>) src(%dma_wait3A_488 : memref<640xf32, #tpu.memory_space<vmem>>) dst(%dma_wait3A_486 : memref<640xf32, #tpu.memory_space<vmem_shared>>)
      tpu.yield
    }) : () -> ()
    "tpu.region"() ({
      %run_scoped3A = tpu.sem_alloc : memref<!tpu.dma_semaphore, #tpu.memory_space<semaphore_mem>>
      %dma_start3A_477 = arith.constant 3200 : i32
      %dma_start3A_478 = tpu.memref_slice %arg36[%dma_start3A_477] : memref<3840xf32, #tpu.memory_space<vmem>> -> memref<640xf32, #tpu.memory_space<vmem>>
      %dma_start3A_479 = tpu.memref_slice %arg15[%mul3A_0] : memref<10240xf32, #tpu.memory_space<vmem_shared>> -> memref<640xf32, #tpu.memory_space<vmem_shared>>
      %dma_start3A_480 = tpu.memref_slice %arg15[%mul3A_0] : memref<10240xf32, #tpu.memory_space<vmem_shared>> -> memref<640xf32, #tpu.memory_space<vmem_shared>>
      %dma_start3A_481 = arith.constant 3200 : i32
      %dma_start3A_482 = tpu.memref_slice %arg36[%dma_start3A_481] : memref<3840xf32, #tpu.memory_space<vmem>> -> memref<640xf32, #tpu.memory_space<vmem>>
      tpu.enqueue_dma source(%dma_start3A_482 : memref<640xf32, #tpu.memory_space<vmem>>) target(%dma_start3A_480 : memref<640xf32, #tpu.memory_space<vmem_shared>>) target_semaphore(%run_scoped3A : memref<!tpu.dma_semaphore, #tpu.memory_space<semaphore_mem>>)
      %dma_wait3A_483 = arith.constant 3200 : i32
      %dma_wait3A_484 = tpu.memref_slice %arg36[%dma_wait3A_483] : memref<3840xf32, #tpu.memory_space<vmem>> -> memref<640xf32, #tpu.memory_space<vmem>>
      %dma_wait3A_485 = tpu.memref_slice %arg15[%mul3A_0] : memref<10240xf32, #tpu.memory_space<vmem_shared>> -> memref<640xf32, #tpu.memory_space<vmem_shared>>
      %dma_wait3A_486 = tpu.memref_slice %arg15[%mul3A_0] : memref<10240xf32, #tpu.memory_space<vmem_shared>> -> memref<640xf32, #tpu.memory_space<vmem_shared>>
      %dma_wait3A_487 = arith.constant 3200 : i32
      %dma_wait3A_488 = tpu.memref_slice %arg36[%dma_wait3A_487] : memref<3840xf32, #tpu.memory_space<vmem>> -> memref<640xf32, #tpu.memory_space<vmem>>
      tpu.wait_dma2 semaphore(%run_scoped3A : memref<!tpu.dma_semaphore, #tpu.memory_space<semaphore_mem>>) src(%dma_wait3A_488 : memref<640xf32, #tpu.memory_space<vmem>>) dst(%dma_wait3A_486 : memref<640xf32, #tpu.memory_space<vmem_shared>>)
      tpu.yield
    }) : () -> ()
    %barrier3A_284 = arith.constant 0 : index
    tpu.barrier barrier_id(%barrier3A_284)
    %scan3A_285 = arith.constant 0 : i32
    %scan3A_286 = arith.constant 0 : i32
    %scan3A_287 = arith.constant 78 : i32
    %scan3A_288 = arith.addi %scan3A_286, %scan3A_287 : i32
    %scan3A_289 = arith.constant 1 : i32
    scf.for %scan3A_477 = %scan3A_286 to %scan3A_288 step %scan3A_289  : i32 {
      %gt3A = arith.constant 0 : i32
      %gt3A_478 = arith.cmpi sgt, %scan3A_477, %gt3A : i32
      %convert_element_type3A = arith.extui %gt3A_478 : i1 to i32
      %cond3A = arith.constant 0 : i32
      %cond3A_479 = arith.cmpi ne, %convert_element_type3A, %cond3A : i32
      scf.if %cond3A_479 {
        %dma_wait3A_628 = arith.constant 0 : i32
        %dma_wait3A_629 = tpu.memref_slice %arg5[%dma_wait3A_628] : memref<320008xf32, #tpu.memory_space<hbm>> -> memref<128xf32, #tpu.memory_space<hbm>>
        %dma_wait3A_630 = arith.constant 0 : i32
        %dma_wait3A_631 = tpu.memref_slice %arg5[%dma_wait3A_630] : memref<320008xf32, #tpu.memory_space<hbm>> -> memref<128xf32, #tpu.memory_space<hbm>>
        tpu.wait_dma2 semaphore(%arg56 : memref<!tpu.dma_semaphore, #tpu.memory_space<semaphore_mem>>) src(%dma_wait3A_631 : memref<128xf32, #tpu.memory_space<hbm>>) dst(%arg38 : memref<128xf32, #tpu.memory_space<vmem>>)
        %dma_wait3A_632 = arith.constant 0 : i32
        %dma_wait3A_633 = tpu.memref_slice %arg5[%dma_wait3A_632] : memref<320008xf32, #tpu.memory_space<hbm>> -> memref<128xf32, #tpu.memory_space<hbm>>
        %dma_wait3A_634 = arith.constant 0 : i32
        %dma_wait3A_635 = tpu.memref_slice %arg5[%dma_wait3A_634] : memref<320008xf32, #tpu.memory_space<hbm>> -> memref<128xf32, #tpu.memory_space<hbm>>
        tpu.wait_dma2 semaphore(%arg56 : memref<!tpu.dma_semaphore, #tpu.memory_space<semaphore_mem>>) src(%dma_wait3A_635 : memref<128xf32, #tpu.memory_space<hbm>>) dst(%arg39 : memref<128xf32, #tpu.memory_space<vmem>>)
        %dma_wait3A_636 = arith.constant 0 : i32
        %dma_wait3A_637 = tpu.memref_slice %arg5[%dma_wait3A_636] : memref<320008xf32, #tpu.memory_space<hbm>> -> memref<128xf32, #tpu.memory_space<hbm>>
        %dma_wait3A_638 = arith.constant 0 : i32
        %dma_wait3A_639 = tpu.memref_slice %arg5[%dma_wait3A_638] : memref<320008xf32, #tpu.memory_space<hbm>> -> memref<128xf32, #tpu.memory_space<hbm>>
        tpu.wait_dma2 semaphore(%arg56 : memref<!tpu.dma_semaphore, #tpu.memory_space<semaphore_mem>>) src(%dma_wait3A_639 : memref<128xf32, #tpu.memory_space<hbm>>) dst(%arg40 : memref<128xf32, #tpu.memory_space<vmem>>)
        %dma_wait3A_640 = arith.constant 0 : i32
        %dma_wait3A_641 = tpu.memref_slice %arg5[%dma_wait3A_640] : memref<320008xf32, #tpu.memory_space<hbm>> -> memref<128xf32, #tpu.memory_space<hbm>>
        %dma_wait3A_642 = arith.constant 0 : i32
        %dma_wait3A_643 = tpu.memref_slice %arg5[%dma_wait3A_642] : memref<320008xf32, #tpu.memory_space<hbm>> -> memref<128xf32, #tpu.memory_space<hbm>>
        tpu.wait_dma2 semaphore(%arg56 : memref<!tpu.dma_semaphore, #tpu.memory_space<semaphore_mem>>) src(%dma_wait3A_643 : memref<128xf32, #tpu.memory_space<hbm>>) dst(%arg41 : memref<128xf32, #tpu.memory_space<vmem>>)
        %dma_wait3A_644 = arith.constant 0 : i32
        %dma_wait3A_645 = tpu.memref_slice %arg5[%dma_wait3A_644] : memref<320008xf32, #tpu.memory_space<hbm>> -> memref<128xf32, #tpu.memory_space<hbm>>
        %dma_wait3A_646 = arith.constant 0 : i32
        %dma_wait3A_647 = tpu.memref_slice %arg5[%dma_wait3A_646] : memref<320008xf32, #tpu.memory_space<hbm>> -> memref<128xf32, #tpu.memory_space<hbm>>
        tpu.wait_dma2 semaphore(%arg56 : memref<!tpu.dma_semaphore, #tpu.memory_space<semaphore_mem>>) src(%dma_wait3A_647 : memref<128xf32, #tpu.memory_space<hbm>>) dst(%arg42 : memref<128xf32, #tpu.memory_space<vmem>>)
        %dma_wait3A_648 = arith.constant 0 : i32
        %dma_wait3A_649 = tpu.memref_slice %arg5[%dma_wait3A_648] : memref<320008xf32, #tpu.memory_space<hbm>> -> memref<128xf32, #tpu.memory_space<hbm>>
        %dma_wait3A_650 = arith.constant 0 : i32
        %dma_wait3A_651 = tpu.memref_slice %arg5[%dma_wait3A_650] : memref<320008xf32, #tpu.memory_space<hbm>> -> memref<128xf32, #tpu.memory_space<hbm>>
        tpu.wait_dma2 semaphore(%arg56 : memref<!tpu.dma_semaphore, #tpu.memory_space<semaphore_mem>>) src(%dma_wait3A_651 : memref<128xf32, #tpu.memory_space<hbm>>) dst(%arg43 : memref<128xf32, #tpu.memory_space<vmem>>)
        %dma_wait3A_652 = arith.constant 0 : i32
        %dma_wait3A_653 = tpu.memref_slice %arg5[%dma_wait3A_652] : memref<320008xf32, #tpu.memory_space<hbm>> -> memref<128xf32, #tpu.memory_space<hbm>>
        %dma_wait3A_654 = arith.constant 0 : i32
        %dma_wait3A_655 = tpu.memref_slice %arg5[%dma_wait3A_654] : memref<320008xf32, #tpu.memory_space<hbm>> -> memref<128xf32, #tpu.memory_space<hbm>>
        tpu.wait_dma2 semaphore(%arg56 : memref<!tpu.dma_semaphore, #tpu.memory_space<semaphore_mem>>) src(%dma_wait3A_655 : memref<128xf32, #tpu.memory_space<hbm>>) dst(%arg38 : memref<128xf32, #tpu.memory_space<vmem>>)
        %dma_wait3A_656 = arith.constant 0 : i32
        %dma_wait3A_657 = tpu.memref_slice %arg5[%dma_wait3A_656] : memref<320008xf32, #tpu.memory_space<hbm>> -> memref<128xf32, #tpu.memory_space<hbm>>
        %dma_wait3A_658 = arith.constant 0 : i32
        %dma_wait3A_659 = tpu.memref_slice %arg5[%dma_wait3A_658] : memref<320008xf32, #tpu.memory_space<hbm>> -> memref<128xf32, #tpu.memory_space<hbm>>
        tpu.wait_dma2 semaphore(%arg56 : memref<!tpu.dma_semaphore, #tpu.memory_space<semaphore_mem>>) src(%dma_wait3A_659 : memref<128xf32, #tpu.memory_space<hbm>>) dst(%arg39 : memref<128xf32, #tpu.memory_space<vmem>>)
        %dma_wait3A_660 = arith.constant 0 : i32
        %dma_wait3A_661 = tpu.memref_slice %arg5[%dma_wait3A_660] : memref<320008xf32, #tpu.memory_space<hbm>> -> memref<128xf32, #tpu.memory_space<hbm>>
        %dma_wait3A_662 = arith.constant 0 : i32
        %dma_wait3A_663 = tpu.memref_slice %arg5[%dma_wait3A_662] : memref<320008xf32, #tpu.memory_space<hbm>> -> memref<128xf32, #tpu.memory_space<hbm>>
        tpu.wait_dma2 semaphore(%arg56 : memref<!tpu.dma_semaphore, #tpu.memory_space<semaphore_mem>>) src(%dma_wait3A_663 : memref<128xf32, #tpu.memory_space<hbm>>) dst(%arg40 : memref<128xf32, #tpu.memory_space<vmem>>)
        %dma_wait3A_664 = arith.constant 0 : i32
        %dma_wait3A_665 = tpu.memref_slice %arg5[%dma_wait3A_664] : memref<320008xf32, #tpu.memory_space<hbm>> -> memref<128xf32, #tpu.memory_space<hbm>>
        %dma_wait3A_666 = arith.constant 0 : i32
        %dma_wait3A_667 = tpu.memref_slice %arg5[%dma_wait3A_666] : memref<320008xf32, #tpu.memory_space<hbm>> -> memref<128xf32, #tpu.memory_space<hbm>>
        tpu.wait_dma2 semaphore(%arg56 : memref<!tpu.dma_semaphore, #tpu.memory_space<semaphore_mem>>) src(%dma_wait3A_667 : memref<128xf32, #tpu.memory_space<hbm>>) dst(%arg41 : memref<128xf32, #tpu.memory_space<vmem>>)
        %dma_wait3A_668 = arith.constant 0 : i32
        %dma_wait3A_669 = tpu.memref_slice %arg5[%dma_wait3A_668] : memref<320008xf32, #tpu.memory_space<hbm>> -> memref<128xf32, #tpu.memory_space<hbm>>
        %dma_wait3A_670 = arith.constant 0 : i32
        %dma_wait3A_671 = tpu.memref_slice %arg5[%dma_wait3A_670] : memref<320008xf32, #tpu.memory_space<hbm>> -> memref<128xf32, #tpu.memory_space<hbm>>
        tpu.wait_dma2 semaphore(%arg56 : memref<!tpu.dma_semaphore, #tpu.memory_space<semaphore_mem>>) src(%dma_wait3A_671 : memref<128xf32, #tpu.memory_space<hbm>>) dst(%arg42 : memref<128xf32, #tpu.memory_space<vmem>>)
        %dma_wait3A_672 = arith.constant 0 : i32
        %dma_wait3A_673 = tpu.memref_slice %arg5[%dma_wait3A_672] : memref<320008xf32, #tpu.memory_space<hbm>> -> memref<128xf32, #tpu.memory_space<hbm>>
        %dma_wait3A_674 = arith.constant 0 : i32
        %dma_wait3A_675 = tpu.memref_slice %arg5[%dma_wait3A_674] : memref<320008xf32, #tpu.memory_space<hbm>> -> memref<128xf32, #tpu.memory_space<hbm>>
        tpu.wait_dma2 semaphore(%arg56 : memref<!tpu.dma_semaphore, #tpu.memory_space<semaphore_mem>>) src(%dma_wait3A_675 : memref<128xf32, #tpu.memory_space<hbm>>) dst(%arg43 : memref<128xf32, #tpu.memory_space<vmem>>)
      } else {
      }
      %mul3A_480 = arith.constant 2 : i32
      %mul3A_481 = arith.muli %mul3A_480, %scan3A_477 : i32
      %mul3A_482 = arith.constant 128 : i32
      %mul3A_483 = arith.muli %mul3A_481, %mul3A_482 : i32
      %dma_start3A_484 = tpu.memref_slice %arg30[%mul3A_483] : memref<20000xi32, #tpu.memory_space<vmem>> -> memref<128xi32, #tpu.memory_space<vmem>>
      %dma_start3A_485 = arith.constant 0 : i32
      %dma_start3A_486 = tpu.memref_slice %arg10[%dma_start3A_485] : memref<10240xf32, #tpu.memory_space<vmem_shared>> -> memref<10240xf32, #tpu.memory_space<vmem_shared>>
      tpu.enqueue_indirect_dma source(%dma_start3A_486 : memref<10240xf32, #tpu.memory_space<vmem_shared>>) target(%arg38 : memref<128xf32, #tpu.memory_space<vmem>>) offsets(%dma_start3A_484 : memref<128xi32, #tpu.memory_space<vmem>>) semaphore(%arg55 : memref<!tpu.dma_semaphore, #tpu.memory_space<semaphore_mem>>)
      %dma_start3A_487 = tpu.memref_slice %arg30[%mul3A_483] : memref<20000xi32, #tpu.memory_space<vmem>> -> memref<128xi32, #tpu.memory_space<vmem>>
      %dma_start3A_488 = arith.constant 0 : i32
      %dma_start3A_489 = tpu.memref_slice %arg11[%dma_start3A_488] : memref<10240xf32, #tpu.memory_space<vmem_shared>> -> memref<10240xf32, #tpu.memory_space<vmem_shared>>
      tpu.enqueue_indirect_dma source(%dma_start3A_489 : memref<10240xf32, #tpu.memory_space<vmem_shared>>) target(%arg39 : memref<128xf32, #tpu.memory_space<vmem>>) offsets(%dma_start3A_487 : memref<128xi32, #tpu.memory_space<vmem>>) semaphore(%arg55 : memref<!tpu.dma_semaphore, #tpu.memory_space<semaphore_mem>>)
      %dma_start3A_490 = tpu.memref_slice %arg30[%mul3A_483] : memref<20000xi32, #tpu.memory_space<vmem>> -> memref<128xi32, #tpu.memory_space<vmem>>
      %dma_start3A_491 = arith.constant 0 : i32
      %dma_start3A_492 = tpu.memref_slice %arg12[%dma_start3A_491] : memref<10240xf32, #tpu.memory_space<vmem_shared>> -> memref<10240xf32, #tpu.memory_space<vmem_shared>>
      tpu.enqueue_indirect_dma source(%dma_start3A_492 : memref<10240xf32, #tpu.memory_space<vmem_shared>>) target(%arg40 : memref<128xf32, #tpu.memory_space<vmem>>) offsets(%dma_start3A_490 : memref<128xi32, #tpu.memory_space<vmem>>) semaphore(%arg55 : memref<!tpu.dma_semaphore, #tpu.memory_space<semaphore_mem>>)
      %dma_start3A_493 = tpu.memref_slice %arg30[%mul3A_483] : memref<20000xi32, #tpu.memory_space<vmem>> -> memref<128xi32, #tpu.memory_space<vmem>>
      %dma_start3A_494 = arith.constant 0 : i32
      %dma_start3A_495 = tpu.memref_slice %arg13[%dma_start3A_494] : memref<10240xf32, #tpu.memory_space<vmem_shared>> -> memref<10240xf32, #tpu.memory_space<vmem_shared>>
      tpu.enqueue_indirect_dma source(%dma_start3A_495 : memref<10240xf32, #tpu.memory_space<vmem_shared>>) target(%arg41 : memref<128xf32, #tpu.memory_space<vmem>>) offsets(%dma_start3A_493 : memref<128xi32, #tpu.memory_space<vmem>>) semaphore(%arg55 : memref<!tpu.dma_semaphore, #tpu.memory_space<semaphore_mem>>)
      %dma_start3A_496 = tpu.memref_slice %arg30[%mul3A_483] : memref<20000xi32, #tpu.memory_space<vmem>> -> memref<128xi32, #tpu.memory_space<vmem>>
      %dma_start3A_497 = arith.constant 0 : i32
      %dma_start3A_498 = tpu.memref_slice %arg14[%dma_start3A_497] : memref<10240xf32, #tpu.memory_space<vmem_shared>> -> memref<10240xf32, #tpu.memory_space<vmem_shared>>
      tpu.enqueue_indirect_dma source(%dma_start3A_498 : memref<10240xf32, #tpu.memory_space<vmem_shared>>) target(%arg42 : memref<128xf32, #tpu.memory_space<vmem>>) offsets(%dma_start3A_496 : memref<128xi32, #tpu.memory_space<vmem>>) semaphore(%arg55 : memref<!tpu.dma_semaphore, #tpu.memory_space<semaphore_mem>>)
      %dma_start3A_499 = tpu.memref_slice %arg30[%mul3A_483] : memref<20000xi32, #tpu.memory_space<vmem>> -> memref<128xi32, #tpu.memory_space<vmem>>
      %dma_start3A_500 = arith.constant 0 : i32
      %dma_start3A_501 = tpu.memref_slice %arg15[%dma_start3A_500] : memref<10240xf32, #tpu.memory_space<vmem_shared>> -> memref<10240xf32, #tpu.memory_space<vmem_shared>>
      tpu.enqueue_indirect_dma source(%dma_start3A_501 : memref<10240xf32, #tpu.memory_space<vmem_shared>>) target(%arg43 : memref<128xf32, #tpu.memory_space<vmem>>) offsets(%dma_start3A_499 : memref<128xi32, #tpu.memory_space<vmem>>) semaphore(%arg55 : memref<!tpu.dma_semaphore, #tpu.memory_space<semaphore_mem>>)
      %mul3A_502 = arith.constant 2 : i32
      %mul3A_503 = arith.muli %mul3A_502, %scan3A_477 : i32
      %add3A_504 = arith.constant 1 : i32
      %add3A_505 = arith.addi %mul3A_503, %add3A_504 : i32
      %mul3A_506 = arith.constant 128 : i32
      %mul3A_507 = arith.muli %add3A_505, %mul3A_506 : i32
      %dma_start3A_508 = tpu.memref_slice %arg30[%mul3A_507] : memref<20000xi32, #tpu.memory_space<vmem>> -> memref<128xi32, #tpu.memory_space<vmem>>
      %dma_start3A_509 = arith.constant 0 : i32
      %dma_start3A_510 = tpu.memref_slice %arg10[%dma_start3A_509] : memref<10240xf32, #tpu.memory_space<vmem_shared>> -> memref<10240xf32, #tpu.memory_space<vmem_shared>>
      tpu.enqueue_indirect_dma source(%dma_start3A_510 : memref<10240xf32, #tpu.memory_space<vmem_shared>>) target(%arg44 : memref<128xf32, #tpu.memory_space<vmem>>) offsets(%dma_start3A_508 : memref<128xi32, #tpu.memory_space<vmem>>) semaphore(%arg55 : memref<!tpu.dma_semaphore, #tpu.memory_space<semaphore_mem>>)
      %dma_start3A_511 = tpu.memref_slice %arg30[%mul3A_507] : memref<20000xi32, #tpu.memory_space<vmem>> -> memref<128xi32, #tpu.memory_space<vmem>>
      %dma_start3A_512 = arith.constant 0 : i32
      %dma_start3A_513 = tpu.memref_slice %arg11[%dma_start3A_512] : memref<10240xf32, #tpu.memory_space<vmem_shared>> -> memref<10240xf32, #tpu.memory_space<vmem_shared>>
      tpu.enqueue_indirect_dma source(%dma_start3A_513 : memref<10240xf32, #tpu.memory_space<vmem_shared>>) target(%arg45 : memref<128xf32, #tpu.memory_space<vmem>>) offsets(%dma_start3A_511 : memref<128xi32, #tpu.memory_space<vmem>>) semaphore(%arg55 : memref<!tpu.dma_semaphore, #tpu.memory_space<semaphore_mem>>)
      %dma_start3A_514 = tpu.memref_slice %arg30[%mul3A_507] : memref<20000xi32, #tpu.memory_space<vmem>> -> memref<128xi32, #tpu.memory_space<vmem>>
      %dma_start3A_515 = arith.constant 0 : i32
      %dma_start3A_516 = tpu.memref_slice %arg12[%dma_start3A_515] : memref<10240xf32, #tpu.memory_space<vmem_shared>> -> memref<10240xf32, #tpu.memory_space<vmem_shared>>
      tpu.enqueue_indirect_dma source(%dma_start3A_516 : memref<10240xf32, #tpu.memory_space<vmem_shared>>) target(%arg46 : memref<128xf32, #tpu.memory_space<vmem>>) offsets(%dma_start3A_514 : memref<128xi32, #tpu.memory_space<vmem>>) semaphore(%arg55 : memref<!tpu.dma_semaphore, #tpu.memory_space<semaphore_mem>>)
      %dma_start3A_517 = tpu.memref_slice %arg30[%mul3A_507] : memref<20000xi32, #tpu.memory_space<vmem>> -> memref<128xi32, #tpu.memory_space<vmem>>
      %dma_start3A_518 = arith.constant 0 : i32
      %dma_start3A_519 = tpu.memref_slice %arg13[%dma_start3A_518] : memref<10240xf32, #tpu.memory_space<vmem_shared>> -> memref<10240xf32, #tpu.memory_space<vmem_shared>>
      tpu.enqueue_indirect_dma source(%dma_start3A_519 : memref<10240xf32, #tpu.memory_space<vmem_shared>>) target(%arg47 : memref<128xf32, #tpu.memory_space<vmem>>) offsets(%dma_start3A_517 : memref<128xi32, #tpu.memory_space<vmem>>) semaphore(%arg55 : memref<!tpu.dma_semaphore, #tpu.memory_space<semaphore_mem>>)
      %dma_start3A_520 = tpu.memref_slice %arg30[%mul3A_507] : memref<20000xi32, #tpu.memory_space<vmem>> -> memref<128xi32, #tpu.memory_space<vmem>>
      %dma_start3A_521 = arith.constant 0 : i32
      %dma_start3A_522 = tpu.memref_slice %arg14[%dma_start3A_521] : memref<10240xf32, #tpu.memory_space<vmem_shared>> -> memref<10240xf32, #tpu.memory_space<vmem_shared>>
      tpu.enqueue_indirect_dma source(%dma_start3A_522 : memref<10240xf32, #tpu.memory_space<vmem_shared>>) target(%arg48 : memref<128xf32, #tpu.memory_space<vmem>>) offsets(%dma_start3A_520 : memref<128xi32, #tpu.memory_space<vmem>>) semaphore(%arg55 : memref<!tpu.dma_semaphore, #tpu.memory_space<semaphore_mem>>)
      %dma_start3A_523 = tpu.memref_slice %arg30[%mul3A_507] : memref<20000xi32, #tpu.memory_space<vmem>> -> memref<128xi32, #tpu.memory_space<vmem>>
      %dma_start3A_524 = arith.constant 0 : i32
      %dma_start3A_525 = tpu.memref_slice %arg15[%dma_start3A_524] : memref<10240xf32, #tpu.memory_space<vmem_shared>> -> memref<10240xf32, #tpu.memory_space<vmem_shared>>
      tpu.enqueue_indirect_dma source(%dma_start3A_525 : memref<10240xf32, #tpu.memory_space<vmem_shared>>) target(%arg49 : memref<128xf32, #tpu.memory_space<vmem>>) offsets(%dma_start3A_523 : memref<128xi32, #tpu.memory_space<vmem>>) semaphore(%arg55 : memref<!tpu.dma_semaphore, #tpu.memory_space<semaphore_mem>>)
      %dma_wait3A_526 = tpu.memref_slice %arg30[%mul3A_483] : memref<20000xi32, #tpu.memory_space<vmem>> -> memref<128xi32, #tpu.memory_space<vmem>>
      %dma_wait3A_527 = arith.constant 0 : i32
      %dma_wait3A_528 = tpu.memref_slice %arg10[%dma_wait3A_527] : memref<10240xf32, #tpu.memory_space<vmem_shared>> -> memref<10240xf32, #tpu.memory_space<vmem_shared>>
      tpu.wait_indirect_dma semaphore(%arg55 : memref<!tpu.dma_semaphore, #tpu.memory_space<semaphore_mem>>) src(%dma_wait3A_528 : memref<10240xf32, #tpu.memory_space<vmem_shared>>) dst(%arg38 : memref<128xf32, #tpu.memory_space<vmem>>)
      %dma_wait3A_529 = tpu.memref_slice %arg30[%mul3A_483] : memref<20000xi32, #tpu.memory_space<vmem>> -> memref<128xi32, #tpu.memory_space<vmem>>
      %dma_wait3A_530 = arith.constant 0 : i32
      %dma_wait3A_531 = tpu.memref_slice %arg11[%dma_wait3A_530] : memref<10240xf32, #tpu.memory_space<vmem_shared>> -> memref<10240xf32, #tpu.memory_space<vmem_shared>>
      tpu.wait_indirect_dma semaphore(%arg55 : memref<!tpu.dma_semaphore, #tpu.memory_space<semaphore_mem>>) src(%dma_wait3A_531 : memref<10240xf32, #tpu.memory_space<vmem_shared>>) dst(%arg39 : memref<128xf32, #tpu.memory_space<vmem>>)
      %dma_wait3A_532 = tpu.memref_slice %arg30[%mul3A_483] : memref<20000xi32, #tpu.memory_space<vmem>> -> memref<128xi32, #tpu.memory_space<vmem>>
      %dma_wait3A_533 = arith.constant 0 : i32
      %dma_wait3A_534 = tpu.memref_slice %arg12[%dma_wait3A_533] : memref<10240xf32, #tpu.memory_space<vmem_shared>> -> memref<10240xf32, #tpu.memory_space<vmem_shared>>
      tpu.wait_indirect_dma semaphore(%arg55 : memref<!tpu.dma_semaphore, #tpu.memory_space<semaphore_mem>>) src(%dma_wait3A_534 : memref<10240xf32, #tpu.memory_space<vmem_shared>>) dst(%arg40 : memref<128xf32, #tpu.memory_space<vmem>>)
      %dma_wait3A_535 = tpu.memref_slice %arg30[%mul3A_483] : memref<20000xi32, #tpu.memory_space<vmem>> -> memref<128xi32, #tpu.memory_space<vmem>>
      %dma_wait3A_536 = arith.constant 0 : i32
      %dma_wait3A_537 = tpu.memref_slice %arg13[%dma_wait3A_536] : memref<10240xf32, #tpu.memory_space<vmem_shared>> -> memref<10240xf32, #tpu.memory_space<vmem_shared>>
      tpu.wait_indirect_dma semaphore(%arg55 : memref<!tpu.dma_semaphore, #tpu.memory_space<semaphore_mem>>) src(%dma_wait3A_537 : memref<10240xf32, #tpu.memory_space<vmem_shared>>) dst(%arg41 : memref<128xf32, #tpu.memory_space<vmem>>)
      %dma_wait3A_538 = tpu.memref_slice %arg30[%mul3A_483] : memref<20000xi32, #tpu.memory_space<vmem>> -> memref<128xi32, #tpu.memory_space<vmem>>
      %dma_wait3A_539 = arith.constant 0 : i32
      %dma_wait3A_540 = tpu.memref_slice %arg14[%dma_wait3A_539] : memref<10240xf32, #tpu.memory_space<vmem_shared>> -> memref<10240xf32, #tpu.memory_space<vmem_shared>>
      tpu.wait_indirect_dma semaphore(%arg55 : memref<!tpu.dma_semaphore, #tpu.memory_space<semaphore_mem>>) src(%dma_wait3A_540 : memref<10240xf32, #tpu.memory_space<vmem_shared>>) dst(%arg42 : memref<128xf32, #tpu.memory_space<vmem>>)
      %dma_wait3A_541 = tpu.memref_slice %arg30[%mul3A_483] : memref<20000xi32, #tpu.memory_space<vmem>> -> memref<128xi32, #tpu.memory_space<vmem>>
      %dma_wait3A_542 = arith.constant 0 : i32
      %dma_wait3A_543 = tpu.memref_slice %arg15[%dma_wait3A_542] : memref<10240xf32, #tpu.memory_space<vmem_shared>> -> memref<10240xf32, #tpu.memory_space<vmem_shared>>
      tpu.wait_indirect_dma semaphore(%arg55 : memref<!tpu.dma_semaphore, #tpu.memory_space<semaphore_mem>>) src(%dma_wait3A_543 : memref<10240xf32, #tpu.memory_space<vmem_shared>>) dst(%arg43 : memref<128xf32, #tpu.memory_space<vmem>>)
      %mul3A_544 = arith.constant 2 : i32
      %mul3A_545 = arith.muli %mul3A_544, %scan3A_477 : i32
      %dma_start3A_546 = arith.constant 0 : i32
      %dma_start3A_547 = tpu.memref_slice %arg28[%mul3A_545, %dma_start3A_546] : memref<156x128xi32, #tpu.memory_space<vmem>> -> memref<1x128xi32, #tpu.memory_space<vmem>>
      %dma_start3A_548 = tpu.memref_squeeze %dma_start3A_547 : memref<1x128xi32, #tpu.memory_space<vmem>> -> memref<128xi32, #tpu.memory_space<vmem>>
      %dma_start3A_549 = arith.constant 0 : i32
      %dma_start3A_550 = tpu.memref_slice %arg16[%dma_start3A_549] : memref<10240xf32, #tpu.memory_space<vmem_shared>> -> memref<10240xf32, #tpu.memory_space<vmem_shared>>
      tpu.enqueue_indirect_dma source(%arg38 : memref<128xf32, #tpu.memory_space<vmem>>) target(%dma_start3A_550 : memref<10240xf32, #tpu.memory_space<vmem_shared>>) offsets(%dma_start3A_548 : memref<128xi32, #tpu.memory_space<vmem>>) semaphore(%arg56 : memref<!tpu.dma_semaphore, #tpu.memory_space<semaphore_mem>>) {add = true}
      %dma_start3A_551 = arith.constant 0 : i32
      %dma_start3A_552 = tpu.memref_slice %arg28[%mul3A_545, %dma_start3A_551] : memref<156x128xi32, #tpu.memory_space<vmem>> -> memref<1x128xi32, #tpu.memory_space<vmem>>
      %dma_start3A_553 = tpu.memref_squeeze %dma_start3A_552 : memref<1x128xi32, #tpu.memory_space<vmem>> -> memref<128xi32, #tpu.memory_space<vmem>>
      %dma_start3A_554 = arith.constant 0 : i32
      %dma_start3A_555 = tpu.memref_slice %arg17[%dma_start3A_554] : memref<10240xf32, #tpu.memory_space<vmem_shared>> -> memref<10240xf32, #tpu.memory_space<vmem_shared>>
      tpu.enqueue_indirect_dma source(%arg39 : memref<128xf32, #tpu.memory_space<vmem>>) target(%dma_start3A_555 : memref<10240xf32, #tpu.memory_space<vmem_shared>>) offsets(%dma_start3A_553 : memref<128xi32, #tpu.memory_space<vmem>>) semaphore(%arg56 : memref<!tpu.dma_semaphore, #tpu.memory_space<semaphore_mem>>) {add = true}
      %dma_start3A_556 = arith.constant 0 : i32
      %dma_start3A_557 = tpu.memref_slice %arg28[%mul3A_545, %dma_start3A_556] : memref<156x128xi32, #tpu.memory_space<vmem>> -> memref<1x128xi32, #tpu.memory_space<vmem>>
      %dma_start3A_558 = tpu.memref_squeeze %dma_start3A_557 : memref<1x128xi32, #tpu.memory_space<vmem>> -> memref<128xi32, #tpu.memory_space<vmem>>
      %dma_start3A_559 = arith.constant 0 : i32
      %dma_start3A_560 = tpu.memref_slice %arg18[%dma_start3A_559] : memref<10240xf32, #tpu.memory_space<vmem_shared>> -> memref<10240xf32, #tpu.memory_space<vmem_shared>>
      tpu.enqueue_indirect_dma source(%arg40 : memref<128xf32, #tpu.memory_space<vmem>>) target(%dma_start3A_560 : memref<10240xf32, #tpu.memory_space<vmem_shared>>) offsets(%dma_start3A_558 : memref<128xi32, #tpu.memory_space<vmem>>) semaphore(%arg56 : memref<!tpu.dma_semaphore, #tpu.memory_space<semaphore_mem>>) {add = true}
      %dma_start3A_561 = arith.constant 0 : i32
      %dma_start3A_562 = tpu.memref_slice %arg28[%mul3A_545, %dma_start3A_561] : memref<156x128xi32, #tpu.memory_space<vmem>> -> memref<1x128xi32, #tpu.memory_space<vmem>>
      %dma_start3A_563 = tpu.memref_squeeze %dma_start3A_562 : memref<1x128xi32, #tpu.memory_space<vmem>> -> memref<128xi32, #tpu.memory_space<vmem>>
      %dma_start3A_564 = arith.constant 0 : i32
      %dma_start3A_565 = tpu.memref_slice %arg19[%dma_start3A_564] : memref<10240xf32, #tpu.memory_space<vmem_shared>> -> memref<10240xf32, #tpu.memory_space<vmem_shared>>
      tpu.enqueue_indirect_dma source(%arg41 : memref<128xf32, #tpu.memory_space<vmem>>) target(%dma_start3A_565 : memref<10240xf32, #tpu.memory_space<vmem_shared>>) offsets(%dma_start3A_563 : memref<128xi32, #tpu.memory_space<vmem>>) semaphore(%arg56 : memref<!tpu.dma_semaphore, #tpu.memory_space<semaphore_mem>>) {add = true}
      %dma_start3A_566 = arith.constant 0 : i32
      %dma_start3A_567 = tpu.memref_slice %arg28[%mul3A_545, %dma_start3A_566] : memref<156x128xi32, #tpu.memory_space<vmem>> -> memref<1x128xi32, #tpu.memory_space<vmem>>
      %dma_start3A_568 = tpu.memref_squeeze %dma_start3A_567 : memref<1x128xi32, #tpu.memory_space<vmem>> -> memref<128xi32, #tpu.memory_space<vmem>>
      %dma_start3A_569 = arith.constant 0 : i32
      %dma_start3A_570 = tpu.memref_slice %arg20[%dma_start3A_569] : memref<10240xf32, #tpu.memory_space<vmem_shared>> -> memref<10240xf32, #tpu.memory_space<vmem_shared>>
      tpu.enqueue_indirect_dma source(%arg42 : memref<128xf32, #tpu.memory_space<vmem>>) target(%dma_start3A_570 : memref<10240xf32, #tpu.memory_space<vmem_shared>>) offsets(%dma_start3A_568 : memref<128xi32, #tpu.memory_space<vmem>>) semaphore(%arg56 : memref<!tpu.dma_semaphore, #tpu.memory_space<semaphore_mem>>) {add = true}
      %dma_start3A_571 = arith.constant 0 : i32
      %dma_start3A_572 = tpu.memref_slice %arg28[%mul3A_545, %dma_start3A_571] : memref<156x128xi32, #tpu.memory_space<vmem>> -> memref<1x128xi32, #tpu.memory_space<vmem>>
      %dma_start3A_573 = tpu.memref_squeeze %dma_start3A_572 : memref<1x128xi32, #tpu.memory_space<vmem>> -> memref<128xi32, #tpu.memory_space<vmem>>
      %dma_start3A_574 = arith.constant 0 : i32
      %dma_start3A_575 = tpu.memref_slice %arg21[%dma_start3A_574] : memref<10240xf32, #tpu.memory_space<vmem_shared>> -> memref<10240xf32, #tpu.memory_space<vmem_shared>>
      tpu.enqueue_indirect_dma source(%arg43 : memref<128xf32, #tpu.memory_space<vmem>>) target(%dma_start3A_575 : memref<10240xf32, #tpu.memory_space<vmem_shared>>) offsets(%dma_start3A_573 : memref<128xi32, #tpu.memory_space<vmem>>) semaphore(%arg56 : memref<!tpu.dma_semaphore, #tpu.memory_space<semaphore_mem>>) {add = true}
      %dma_wait3A_576 = tpu.memref_slice %arg30[%mul3A_507] : memref<20000xi32, #tpu.memory_space<vmem>> -> memref<128xi32, #tpu.memory_space<vmem>>
      %dma_wait3A_577 = arith.constant 0 : i32
      %dma_wait3A_578 = tpu.memref_slice %arg10[%dma_wait3A_577] : memref<10240xf32, #tpu.memory_space<vmem_shared>> -> memref<10240xf32, #tpu.memory_space<vmem_shared>>
      tpu.wait_indirect_dma semaphore(%arg55 : memref<!tpu.dma_semaphore, #tpu.memory_space<semaphore_mem>>) src(%dma_wait3A_578 : memref<10240xf32, #tpu.memory_space<vmem_shared>>) dst(%arg44 : memref<128xf32, #tpu.memory_space<vmem>>)
      %dma_wait3A_579 = tpu.memref_slice %arg30[%mul3A_507] : memref<20000xi32, #tpu.memory_space<vmem>> -> memref<128xi32, #tpu.memory_space<vmem>>
      %dma_wait3A_580 = arith.constant 0 : i32
      %dma_wait3A_581 = tpu.memref_slice %arg11[%dma_wait3A_580] : memref<10240xf32, #tpu.memory_space<vmem_shared>> -> memref<10240xf32, #tpu.memory_space<vmem_shared>>
      tpu.wait_indirect_dma semaphore(%arg55 : memref<!tpu.dma_semaphore, #tpu.memory_space<semaphore_mem>>) src(%dma_wait3A_581 : memref<10240xf32, #tpu.memory_space<vmem_shared>>) dst(%arg45 : memref<128xf32, #tpu.memory_space<vmem>>)
      %dma_wait3A_582 = tpu.memref_slice %arg30[%mul3A_507] : memref<20000xi32, #tpu.memory_space<vmem>> -> memref<128xi32, #tpu.memory_space<vmem>>
      %dma_wait3A_583 = arith.constant 0 : i32
      %dma_wait3A_584 = tpu.memref_slice %arg12[%dma_wait3A_583] : memref<10240xf32, #tpu.memory_space<vmem_shared>> -> memref<10240xf32, #tpu.memory_space<vmem_shared>>
      tpu.wait_indirect_dma semaphore(%arg55 : memref<!tpu.dma_semaphore, #tpu.memory_space<semaphore_mem>>) src(%dma_wait3A_584 : memref<10240xf32, #tpu.memory_space<vmem_shared>>) dst(%arg46 : memref<128xf32, #tpu.memory_space<vmem>>)
      %dma_wait3A_585 = tpu.memref_slice %arg30[%mul3A_507] : memref<20000xi32, #tpu.memory_space<vmem>> -> memref<128xi32, #tpu.memory_space<vmem>>
      %dma_wait3A_586 = arith.constant 0 : i32
      %dma_wait3A_587 = tpu.memref_slice %arg13[%dma_wait3A_586] : memref<10240xf32, #tpu.memory_space<vmem_shared>> -> memref<10240xf32, #tpu.memory_space<vmem_shared>>
      tpu.wait_indirect_dma semaphore(%arg55 : memref<!tpu.dma_semaphore, #tpu.memory_space<semaphore_mem>>) src(%dma_wait3A_587 : memref<10240xf32, #tpu.memory_space<vmem_shared>>) dst(%arg47 : memref<128xf32, #tpu.memory_space<vmem>>)
      %dma_wait3A_588 = tpu.memref_slice %arg30[%mul3A_507] : memref<20000xi32, #tpu.memory_space<vmem>> -> memref<128xi32, #tpu.memory_space<vmem>>
      %dma_wait3A_589 = arith.constant 0 : i32
      %dma_wait3A_590 = tpu.memref_slice %arg14[%dma_wait3A_589] : memref<10240xf32, #tpu.memory_space<vmem_shared>> -> memref<10240xf32, #tpu.memory_space<vmem_shared>>
      tpu.wait_indirect_dma semaphore(%arg55 : memref<!tpu.dma_semaphore, #tpu.memory_space<semaphore_mem>>) src(%dma_wait3A_590 : memref<10240xf32, #tpu.memory_space<vmem_shared>>) dst(%arg48 : memref<128xf32, #tpu.memory_space<vmem>>)
      %dma_wait3A_591 = tpu.memref_slice %arg30[%mul3A_507] : memref<20000xi32, #tpu.memory_space<vmem>> -> memref<128xi32, #tpu.memory_space<vmem>>
      %dma_wait3A_592 = arith.constant 0 : i32
      %dma_wait3A_593 = tpu.memref_slice %arg15[%dma_wait3A_592] : memref<10240xf32, #tpu.memory_space<vmem_shared>> -> memref<10240xf32, #tpu.memory_space<vmem_shared>>
      tpu.wait_indirect_dma semaphore(%arg55 : memref<!tpu.dma_semaphore, #tpu.memory_space<semaphore_mem>>) src(%dma_wait3A_593 : memref<10240xf32, #tpu.memory_space<vmem_shared>>) dst(%arg49 : memref<128xf32, #tpu.memory_space<vmem>>)
      %mul3A_594 = arith.constant 2 : i32
      %mul3A_595 = arith.muli %mul3A_594, %scan3A_477 : i32
      %add3A_596 = arith.constant 1 : i32
      %add3A_597 = arith.addi %mul3A_595, %add3A_596 : i32
      %dma_start3A_598 = arith.constant 0 : i32
      %dma_start3A_599 = tpu.memref_slice %arg28[%add3A_597, %dma_start3A_598] : memref<156x128xi32, #tpu.memory_space<vmem>> -> memref<1x128xi32, #tpu.memory_space<vmem>>
      %dma_start3A_600 = tpu.memref_squeeze %dma_start3A_599 : memref<1x128xi32, #tpu.memory_space<vmem>> -> memref<128xi32, #tpu.memory_space<vmem>>
      %dma_start3A_601 = arith.constant 0 : i32
      %dma_start3A_602 = tpu.memref_slice %arg16[%dma_start3A_601] : memref<10240xf32, #tpu.memory_space<vmem_shared>> -> memref<10240xf32, #tpu.memory_space<vmem_shared>>
      tpu.enqueue_indirect_dma source(%arg44 : memref<128xf32, #tpu.memory_space<vmem>>) target(%dma_start3A_602 : memref<10240xf32, #tpu.memory_space<vmem_shared>>) offsets(%dma_start3A_600 : memref<128xi32, #tpu.memory_space<vmem>>) semaphore(%arg56 : memref<!tpu.dma_semaphore, #tpu.memory_space<semaphore_mem>>) {add = true}
      %dma_start3A_603 = arith.constant 0 : i32
      %dma_start3A_604 = tpu.memref_slice %arg28[%add3A_597, %dma_start3A_603] : memref<156x128xi32, #tpu.memory_space<vmem>> -> memref<1x128xi32, #tpu.memory_space<vmem>>
      %dma_start3A_605 = tpu.memref_squeeze %dma_start3A_604 : memref<1x128xi32, #tpu.memory_space<vmem>> -> memref<128xi32, #tpu.memory_space<vmem>>
      %dma_start3A_606 = arith.constant 0 : i32
      %dma_start3A_607 = tpu.memref_slice %arg17[%dma_start3A_606] : memref<10240xf32, #tpu.memory_space<vmem_shared>> -> memref<10240xf32, #tpu.memory_space<vmem_shared>>
      tpu.enqueue_indirect_dma source(%arg45 : memref<128xf32, #tpu.memory_space<vmem>>) target(%dma_start3A_607 : memref<10240xf32, #tpu.memory_space<vmem_shared>>) offsets(%dma_start3A_605 : memref<128xi32, #tpu.memory_space<vmem>>) semaphore(%arg56 : memref<!tpu.dma_semaphore, #tpu.memory_space<semaphore_mem>>) {add = true}
      %dma_start3A_608 = arith.constant 0 : i32
      %dma_start3A_609 = tpu.memref_slice %arg28[%add3A_597, %dma_start3A_608] : memref<156x128xi32, #tpu.memory_space<vmem>> -> memref<1x128xi32, #tpu.memory_space<vmem>>
      %dma_start3A_610 = tpu.memref_squeeze %dma_start3A_609 : memref<1x128xi32, #tpu.memory_space<vmem>> -> memref<128xi32, #tpu.memory_space<vmem>>
      %dma_start3A_611 = arith.constant 0 : i32
      %dma_start3A_612 = tpu.memref_slice %arg18[%dma_start3A_611] : memref<10240xf32, #tpu.memory_space<vmem_shared>> -> memref<10240xf32, #tpu.memory_space<vmem_shared>>
      tpu.enqueue_indirect_dma source(%arg46 : memref<128xf32, #tpu.memory_space<vmem>>) target(%dma_start3A_612 : memref<10240xf32, #tpu.memory_space<vmem_shared>>) offsets(%dma_start3A_610 : memref<128xi32, #tpu.memory_space<vmem>>) semaphore(%arg56 : memref<!tpu.dma_semaphore, #tpu.memory_space<semaphore_mem>>) {add = true}
      %dma_start3A_613 = arith.constant 0 : i32
      %dma_start3A_614 = tpu.memref_slice %arg28[%add3A_597, %dma_start3A_613] : memref<156x128xi32, #tpu.memory_space<vmem>> -> memref<1x128xi32, #tpu.memory_space<vmem>>
      %dma_start3A_615 = tpu.memref_squeeze %dma_start3A_614 : memref<1x128xi32, #tpu.memory_space<vmem>> -> memref<128xi32, #tpu.memory_space<vmem>>
      %dma_start3A_616 = arith.constant 0 : i32
      %dma_start3A_617 = tpu.memref_slice %arg19[%dma_start3A_616] : memref<10240xf32, #tpu.memory_space<vmem_shared>> -> memref<10240xf32, #tpu.memory_space<vmem_shared>>
      tpu.enqueue_indirect_dma source(%arg47 : memref<128xf32, #tpu.memory_space<vmem>>) target(%dma_start3A_617 : memref<10240xf32, #tpu.memory_space<vmem_shared>>) offsets(%dma_start3A_615 : memref<128xi32, #tpu.memory_space<vmem>>) semaphore(%arg56 : memref<!tpu.dma_semaphore, #tpu.memory_space<semaphore_mem>>) {add = true}
      %dma_start3A_618 = arith.constant 0 : i32
      %dma_start3A_619 = tpu.memref_slice %arg28[%add3A_597, %dma_start3A_618] : memref<156x128xi32, #tpu.memory_space<vmem>> -> memref<1x128xi32, #tpu.memory_space<vmem>>
      %dma_start3A_620 = tpu.memref_squeeze %dma_start3A_619 : memref<1x128xi32, #tpu.memory_space<vmem>> -> memref<128xi32, #tpu.memory_space<vmem>>
      %dma_start3A_621 = arith.constant 0 : i32
      %dma_start3A_622 = tpu.memref_slice %arg20[%dma_start3A_621] : memref<10240xf32, #tpu.memory_space<vmem_shared>> -> memref<10240xf32, #tpu.memory_space<vmem_shared>>
      tpu.enqueue_indirect_dma source(%arg48 : memref<128xf32, #tpu.memory_space<vmem>>) target(%dma_start3A_622 : memref<10240xf32, #tpu.memory_space<vmem_shared>>) offsets(%dma_start3A_620 : memref<128xi32, #tpu.memory_space<vmem>>) semaphore(%arg56 : memref<!tpu.dma_semaphore, #tpu.memory_space<semaphore_mem>>) {add = true}
      %dma_start3A_623 = arith.constant 0 : i32
      %dma_start3A_624 = tpu.memref_slice %arg28[%add3A_597, %dma_start3A_623] : memref<156x128xi32, #tpu.memory_space<vmem>> -> memref<1x128xi32, #tpu.memory_space<vmem>>
      %dma_start3A_625 = tpu.memref_squeeze %dma_start3A_624 : memref<1x128xi32, #tpu.memory_space<vmem>> -> memref<128xi32, #tpu.memory_space<vmem>>
      %dma_start3A_626 = arith.constant 0 : i32
      %dma_start3A_627 = tpu.memref_slice %arg21[%dma_start3A_626] : memref<10240xf32, #tpu.memory_space<vmem_shared>> -> memref<10240xf32, #tpu.memory_space<vmem_shared>>
      tpu.enqueue_indirect_dma source(%arg49 : memref<128xf32, #tpu.memory_space<vmem>>) target(%dma_start3A_627 : memref<10240xf32, #tpu.memory_space<vmem_shared>>) offsets(%dma_start3A_625 : memref<128xi32, #tpu.memory_space<vmem>>) semaphore(%arg56 : memref<!tpu.dma_semaphore, #tpu.memory_space<semaphore_mem>>) {add = true}
    }
    %scan3A_290 = arith.constant 78 : i32
    %dma_wait3A_291 = arith.constant 0 : i32
    %dma_wait3A_292 = tpu.memref_slice %arg5[%dma_wait3A_291] : memref<320008xf32, #tpu.memory_space<hbm>> -> memref<128xf32, #tpu.memory_space<hbm>>
    %dma_wait3A_293 = arith.constant 0 : i32
    %dma_wait3A_294 = tpu.memref_slice %arg5[%dma_wait3A_293] : memref<320008xf32, #tpu.memory_space<hbm>> -> memref<128xf32, #tpu.memory_space<hbm>>
    tpu.wait_dma2 semaphore(%arg56 : memref<!tpu.dma_semaphore, #tpu.memory_space<semaphore_mem>>) src(%dma_wait3A_294 : memref<128xf32, #tpu.memory_space<hbm>>) dst(%arg38 : memref<128xf32, #tpu.memory_space<vmem>>)
    %dma_wait3A_295 = arith.constant 0 : i32
    %dma_wait3A_296 = tpu.memref_slice %arg5[%dma_wait3A_295] : memref<320008xf32, #tpu.memory_space<hbm>> -> memref<128xf32, #tpu.memory_space<hbm>>
    %dma_wait3A_297 = arith.constant 0 : i32
    %dma_wait3A_298 = tpu.memref_slice %arg5[%dma_wait3A_297] : memref<320008xf32, #tpu.memory_space<hbm>> -> memref<128xf32, #tpu.memory_space<hbm>>
    tpu.wait_dma2 semaphore(%arg56 : memref<!tpu.dma_semaphore, #tpu.memory_space<semaphore_mem>>) src(%dma_wait3A_298 : memref<128xf32, #tpu.memory_space<hbm>>) dst(%arg39 : memref<128xf32, #tpu.memory_space<vmem>>)
    %dma_wait3A_299 = arith.constant 0 : i32
    %dma_wait3A_300 = tpu.memref_slice %arg5[%dma_wait3A_299] : memref<320008xf32, #tpu.memory_space<hbm>> -> memref<128xf32, #tpu.memory_space<hbm>>
    %dma_wait3A_301 = arith.constant 0 : i32
    %dma_wait3A_302 = tpu.memref_slice %arg5[%dma_wait3A_301] : memref<320008xf32, #tpu.memory_space<hbm>> -> memref<128xf32, #tpu.memory_space<hbm>>
    tpu.wait_dma2 semaphore(%arg56 : memref<!tpu.dma_semaphore, #tpu.memory_space<semaphore_mem>>) src(%dma_wait3A_302 : memref<128xf32, #tpu.memory_space<hbm>>) dst(%arg40 : memref<128xf32, #tpu.memory_space<vmem>>)
    %dma_wait3A_303 = arith.constant 0 : i32
    %dma_wait3A_304 = tpu.memref_slice %arg5[%dma_wait3A_303] : memref<320008xf32, #tpu.memory_space<hbm>> -> memref<128xf32, #tpu.memory_space<hbm>>
    %dma_wait3A_305 = arith.constant 0 : i32
    %dma_wait3A_306 = tpu.memref_slice %arg5[%dma_wait3A_305] : memref<320008xf32, #tpu.memory_space<hbm>> -> memref<128xf32, #tpu.memory_space<hbm>>
    tpu.wait_dma2 semaphore(%arg56 : memref<!tpu.dma_semaphore, #tpu.memory_space<semaphore_mem>>) src(%dma_wait3A_306 : memref<128xf32, #tpu.memory_space<hbm>>) dst(%arg41 : memref<128xf32, #tpu.memory_space<vmem>>)
    %dma_wait3A_307 = arith.constant 0 : i32
    %dma_wait3A_308 = tpu.memref_slice %arg5[%dma_wait3A_307] : memref<320008xf32, #tpu.memory_space<hbm>> -> memref<128xf32, #tpu.memory_space<hbm>>
    %dma_wait3A_309 = arith.constant 0 : i32
    %dma_wait3A_310 = tpu.memref_slice %arg5[%dma_wait3A_309] : memref<320008xf32, #tpu.memory_space<hbm>> -> memref<128xf32, #tpu.memory_space<hbm>>
    tpu.wait_dma2 semaphore(%arg56 : memref<!tpu.dma_semaphore, #tpu.memory_space<semaphore_mem>>) src(%dma_wait3A_310 : memref<128xf32, #tpu.memory_space<hbm>>) dst(%arg42 : memref<128xf32, #tpu.memory_space<vmem>>)
    %dma_wait3A_311 = arith.constant 0 : i32
    %dma_wait3A_312 = tpu.memref_slice %arg5[%dma_wait3A_311] : memref<320008xf32, #tpu.memory_space<hbm>> -> memref<128xf32, #tpu.memory_space<hbm>>
    %dma_wait3A_313 = arith.constant 0 : i32
    %dma_wait3A_314 = tpu.memref_slice %arg5[%dma_wait3A_313] : memref<320008xf32, #tpu.memory_space<hbm>> -> memref<128xf32, #tpu.memory_space<hbm>>
    tpu.wait_dma2 semaphore(%arg56 : memref<!tpu.dma_semaphore, #tpu.memory_space<semaphore_mem>>) src(%dma_wait3A_314 : memref<128xf32, #tpu.memory_space<hbm>>) dst(%arg43 : memref<128xf32, #tpu.memory_space<vmem>>)
    %dma_wait3A_315 = arith.constant 0 : i32
    %dma_wait3A_316 = tpu.memref_slice %arg5[%dma_wait3A_315] : memref<320008xf32, #tpu.memory_space<hbm>> -> memref<128xf32, #tpu.memory_space<hbm>>
    %dma_wait3A_317 = arith.constant 0 : i32
    %dma_wait3A_318 = tpu.memref_slice %arg5[%dma_wait3A_317] : memref<320008xf32, #tpu.memory_space<hbm>> -> memref<128xf32, #tpu.memory_space<hbm>>
    tpu.wait_dma2 semaphore(%arg56 : memref<!tpu.dma_semaphore, #tpu.memory_space<semaphore_mem>>) src(%dma_wait3A_318 : memref<128xf32, #tpu.memory_space<hbm>>) dst(%arg38 : memref<128xf32, #tpu.memory_space<vmem>>)
    %dma_wait3A_319 = arith.constant 0 : i32
    %dma_wait3A_320 = tpu.memref_slice %arg5[%dma_wait3A_319] : memref<320008xf32, #tpu.memory_space<hbm>> -> memref<128xf32, #tpu.memory_space<hbm>>
    %dma_wait3A_321 = arith.constant 0 : i32
    %dma_wait3A_322 = tpu.memref_slice %arg5[%dma_wait3A_321] : memref<320008xf32, #tpu.memory_space<hbm>> -> memref<128xf32, #tpu.memory_space<hbm>>
    tpu.wait_dma2 semaphore(%arg56 : memref<!tpu.dma_semaphore, #tpu.memory_space<semaphore_mem>>) src(%dma_wait3A_322 : memref<128xf32, #tpu.memory_space<hbm>>) dst(%arg39 : memref<128xf32, #tpu.memory_space<vmem>>)
    %dma_wait3A_323 = arith.constant 0 : i32
    %dma_wait3A_324 = tpu.memref_slice %arg5[%dma_wait3A_323] : memref<320008xf32, #tpu.memory_space<hbm>> -> memref<128xf32, #tpu.memory_space<hbm>>
    %dma_wait3A_325 = arith.constant 0 : i32
    %dma_wait3A_326 = tpu.memref_slice %arg5[%dma_wait3A_325] : memref<320008xf32, #tpu.memory_space<hbm>> -> memref<128xf32, #tpu.memory_space<hbm>>
    tpu.wait_dma2 semaphore(%arg56 : memref<!tpu.dma_semaphore, #tpu.memory_space<semaphore_mem>>) src(%dma_wait3A_326 : memref<128xf32, #tpu.memory_space<hbm>>) dst(%arg40 : memref<128xf32, #tpu.memory_space<vmem>>)
    %dma_wait3A_327 = arith.constant 0 : i32
    %dma_wait3A_328 = tpu.memref_slice %arg5[%dma_wait3A_327] : memref<320008xf32, #tpu.memory_space<hbm>> -> memref<128xf32, #tpu.memory_space<hbm>>
    %dma_wait3A_329 = arith.constant 0 : i32
    %dma_wait3A_330 = tpu.memref_slice %arg5[%dma_wait3A_329] : memref<320008xf32, #tpu.memory_space<hbm>> -> memref<128xf32, #tpu.memory_space<hbm>>
    tpu.wait_dma2 semaphore(%arg56 : memref<!tpu.dma_semaphore, #tpu.memory_space<semaphore_mem>>) src(%dma_wait3A_330 : memref<128xf32, #tpu.memory_space<hbm>>) dst(%arg41 : memref<128xf32, #tpu.memory_space<vmem>>)
    %dma_wait3A_331 = arith.constant 0 : i32
    %dma_wait3A_332 = tpu.memref_slice %arg5[%dma_wait3A_331] : memref<320008xf32, #tpu.memory_space<hbm>> -> memref<128xf32, #tpu.memory_space<hbm>>
    %dma_wait3A_333 = arith.constant 0 : i32
    %dma_wait3A_334 = tpu.memref_slice %arg5[%dma_wait3A_333] : memref<320008xf32, #tpu.memory_space<hbm>> -> memref<128xf32, #tpu.memory_space<hbm>>
    tpu.wait_dma2 semaphore(%arg56 : memref<!tpu.dma_semaphore, #tpu.memory_space<semaphore_mem>>) src(%dma_wait3A_334 : memref<128xf32, #tpu.memory_space<hbm>>) dst(%arg42 : memref<128xf32, #tpu.memory_space<vmem>>)
    %dma_wait3A_335 = arith.constant 0 : i32
    %dma_wait3A_336 = tpu.memref_slice %arg5[%dma_wait3A_335] : memref<320008xf32, #tpu.memory_space<hbm>> -> memref<128xf32, #tpu.memory_space<hbm>>
    %dma_wait3A_337 = arith.constant 0 : i32
    %dma_wait3A_338 = tpu.memref_slice %arg5[%dma_wait3A_337] : memref<320008xf32, #tpu.memory_space<hbm>> -> memref<128xf32, #tpu.memory_space<hbm>>
    tpu.wait_dma2 semaphore(%arg56 : memref<!tpu.dma_semaphore, #tpu.memory_space<semaphore_mem>>) src(%dma_wait3A_338 : memref<128xf32, #tpu.memory_space<hbm>>) dst(%arg43 : memref<128xf32, #tpu.memory_space<vmem>>)
    "tpu.region"() ({
      %run_scoped3A = tpu.sem_alloc : memref<!tpu.dma_semaphore, #tpu.memory_space<semaphore_mem>>
      %dma_start3A_477 = arith.constant 0 : i32
      %dma_start3A_478 = tpu.memref_slice %arg38[%dma_start3A_477] : memref<128xf32, #tpu.memory_space<vmem>> -> memref<32xf32, #tpu.memory_space<vmem>>
      %dma_start3A_479 = arith.constant 19968 : i32
      %dma_start3A_480 = tpu.memref_slice %arg30[%dma_start3A_479] : memref<20000xi32, #tpu.memory_space<vmem>> -> memref<32xi32, #tpu.memory_space<vmem>>
      %dma_start3A_481 = arith.constant 0 : i32
      %dma_start3A_482 = tpu.memref_slice %arg10[%dma_start3A_481] : memref<10240xf32, #tpu.memory_space<vmem_shared>> -> memref<10240xf32, #tpu.memory_space<vmem_shared>>
      tpu.enqueue_indirect_dma source(%dma_start3A_482 : memref<10240xf32, #tpu.memory_space<vmem_shared>>) target(%dma_start3A_478 : memref<32xf32, #tpu.memory_space<vmem>>) offsets(%dma_start3A_480 : memref<32xi32, #tpu.memory_space<vmem>>) semaphore(%run_scoped3A : memref<!tpu.dma_semaphore, #tpu.memory_space<semaphore_mem>>)
      %dma_wait3A_483 = arith.constant 0 : i32
      %dma_wait3A_484 = tpu.memref_slice %arg38[%dma_wait3A_483] : memref<128xf32, #tpu.memory_space<vmem>> -> memref<32xf32, #tpu.memory_space<vmem>>
      %dma_wait3A_485 = arith.constant 19968 : i32
      %dma_wait3A_486 = tpu.memref_slice %arg30[%dma_wait3A_485] : memref<20000xi32, #tpu.memory_space<vmem>> -> memref<32xi32, #tpu.memory_space<vmem>>
      %dma_wait3A_487 = arith.constant 0 : i32
      %dma_wait3A_488 = tpu.memref_slice %arg10[%dma_wait3A_487] : memref<10240xf32, #tpu.memory_space<vmem_shared>> -> memref<10240xf32, #tpu.memory_space<vmem_shared>>
      tpu.wait_indirect_dma semaphore(%run_scoped3A : memref<!tpu.dma_semaphore, #tpu.memory_space<semaphore_mem>>) src(%dma_wait3A_488 : memref<10240xf32, #tpu.memory_space<vmem_shared>>) dst(%dma_wait3A_484 : memref<32xf32, #tpu.memory_space<vmem>>)
      tpu.yield
    }) : () -> ()
    "tpu.region"() ({
      %run_scoped3A = tpu.sem_alloc : memref<!tpu.dma_semaphore, #tpu.memory_space<semaphore_mem>>
      %dma_start3A_477 = arith.constant 0 : i32
      %dma_start3A_478 = tpu.memref_slice %arg38[%dma_start3A_477] : memref<128xf32, #tpu.memory_space<vmem>> -> memref<32xf32, #tpu.memory_space<vmem>>
      %dma_start3A_479 = arith.constant 0 : i32
      %dma_start3A_480 = tpu.memref_slice %arg16[%dma_start3A_479] : memref<10240xf32, #tpu.memory_space<vmem_shared>> -> memref<10240xf32, #tpu.memory_space<vmem_shared>>
      tpu.enqueue_indirect_dma source(%dma_start3A_478 : memref<32xf32, #tpu.memory_space<vmem>>) target(%dma_start3A_480 : memref<10240xf32, #tpu.memory_space<vmem_shared>>) offsets(%arg29 : memref<32xi32, #tpu.memory_space<vmem>>) semaphore(%run_scoped3A : memref<!tpu.dma_semaphore, #tpu.memory_space<semaphore_mem>>) {add = true}
      %dma_wait3A_481 = arith.constant 0 : i32
      %dma_wait3A_482 = tpu.memref_slice %arg38[%dma_wait3A_481] : memref<128xf32, #tpu.memory_space<vmem>> -> memref<32xf32, #tpu.memory_space<vmem>>
      %dma_wait3A_483 = arith.constant 0 : i32
      %dma_wait3A_484 = tpu.memref_slice %arg16[%dma_wait3A_483] : memref<10240xf32, #tpu.memory_space<vmem_shared>> -> memref<10240xf32, #tpu.memory_space<vmem_shared>>
      tpu.wait_indirect_dma semaphore(%run_scoped3A : memref<!tpu.dma_semaphore, #tpu.memory_space<semaphore_mem>>) src(%dma_wait3A_482 : memref<32xf32, #tpu.memory_space<vmem>>) dst(%dma_wait3A_484 : memref<10240xf32, #tpu.memory_space<vmem_shared>>)
      tpu.yield
    }) : () -> ()
    "tpu.region"() ({
      %run_scoped3A = tpu.sem_alloc : memref<!tpu.dma_semaphore, #tpu.memory_space<semaphore_mem>>
      %dma_start3A_477 = arith.constant 0 : i32
      %dma_start3A_478 = tpu.memref_slice %arg39[%dma_start3A_477] : memref<128xf32, #tpu.memory_space<vmem>> -> memref<32xf32, #tpu.memory_space<vmem>>
      %dma_start3A_479 = arith.constant 19968 : i32
      %dma_start3A_480 = tpu.memref_slice %arg30[%dma_start3A_479] : memref<20000xi32, #tpu.memory_space<vmem>> -> memref<32xi32, #tpu.memory_space<vmem>>
      %dma_start3A_481 = arith.constant 0 : i32
      %dma_start3A_482 = tpu.memref_slice %arg11[%dma_start3A_481] : memref<10240xf32, #tpu.memory_space<vmem_shared>> -> memref<10240xf32, #tpu.memory_space<vmem_shared>>
      tpu.enqueue_indirect_dma source(%dma_start3A_482 : memref<10240xf32, #tpu.memory_space<vmem_shared>>) target(%dma_start3A_478 : memref<32xf32, #tpu.memory_space<vmem>>) offsets(%dma_start3A_480 : memref<32xi32, #tpu.memory_space<vmem>>) semaphore(%run_scoped3A : memref<!tpu.dma_semaphore, #tpu.memory_space<semaphore_mem>>)
      %dma_wait3A_483 = arith.constant 0 : i32
      %dma_wait3A_484 = tpu.memref_slice %arg39[%dma_wait3A_483] : memref<128xf32, #tpu.memory_space<vmem>> -> memref<32xf32, #tpu.memory_space<vmem>>
      %dma_wait3A_485 = arith.constant 19968 : i32
      %dma_wait3A_486 = tpu.memref_slice %arg30[%dma_wait3A_485] : memref<20000xi32, #tpu.memory_space<vmem>> -> memref<32xi32, #tpu.memory_space<vmem>>
      %dma_wait3A_487 = arith.constant 0 : i32
      %dma_wait3A_488 = tpu.memref_slice %arg11[%dma_wait3A_487] : memref<10240xf32, #tpu.memory_space<vmem_shared>> -> memref<10240xf32, #tpu.memory_space<vmem_shared>>
      tpu.wait_indirect_dma semaphore(%run_scoped3A : memref<!tpu.dma_semaphore, #tpu.memory_space<semaphore_mem>>) src(%dma_wait3A_488 : memref<10240xf32, #tpu.memory_space<vmem_shared>>) dst(%dma_wait3A_484 : memref<32xf32, #tpu.memory_space<vmem>>)
      tpu.yield
    }) : () -> ()
    "tpu.region"() ({
      %run_scoped3A = tpu.sem_alloc : memref<!tpu.dma_semaphore, #tpu.memory_space<semaphore_mem>>
      %dma_start3A_477 = arith.constant 0 : i32
      %dma_start3A_478 = tpu.memref_slice %arg39[%dma_start3A_477] : memref<128xf32, #tpu.memory_space<vmem>> -> memref<32xf32, #tpu.memory_space<vmem>>
      %dma_start3A_479 = arith.constant 0 : i32
      %dma_start3A_480 = tpu.memref_slice %arg17[%dma_start3A_479] : memref<10240xf32, #tpu.memory_space<vmem_shared>> -> memref<10240xf32, #tpu.memory_space<vmem_shared>>
      tpu.enqueue_indirect_dma source(%dma_start3A_478 : memref<32xf32, #tpu.memory_space<vmem>>) target(%dma_start3A_480 : memref<10240xf32, #tpu.memory_space<vmem_shared>>) offsets(%arg29 : memref<32xi32, #tpu.memory_space<vmem>>) semaphore(%run_scoped3A : memref<!tpu.dma_semaphore, #tpu.memory_space<semaphore_mem>>) {add = true}
      %dma_wait3A_481 = arith.constant 0 : i32
      %dma_wait3A_482 = tpu.memref_slice %arg39[%dma_wait3A_481] : memref<128xf32, #tpu.memory_space<vmem>> -> memref<32xf32, #tpu.memory_space<vmem>>
      %dma_wait3A_483 = arith.constant 0 : i32
      %dma_wait3A_484 = tpu.memref_slice %arg17[%dma_wait3A_483] : memref<10240xf32, #tpu.memory_space<vmem_shared>> -> memref<10240xf32, #tpu.memory_space<vmem_shared>>
      tpu.wait_indirect_dma semaphore(%run_scoped3A : memref<!tpu.dma_semaphore, #tpu.memory_space<semaphore_mem>>) src(%dma_wait3A_482 : memref<32xf32, #tpu.memory_space<vmem>>) dst(%dma_wait3A_484 : memref<10240xf32, #tpu.memory_space<vmem_shared>>)
      tpu.yield
    }) : () -> ()
    "tpu.region"() ({
      %run_scoped3A = tpu.sem_alloc : memref<!tpu.dma_semaphore, #tpu.memory_space<semaphore_mem>>
      %dma_start3A_477 = arith.constant 0 : i32
      %dma_start3A_478 = tpu.memref_slice %arg40[%dma_start3A_477] : memref<128xf32, #tpu.memory_space<vmem>> -> memref<32xf32, #tpu.memory_space<vmem>>
      %dma_start3A_479 = arith.constant 19968 : i32
      %dma_start3A_480 = tpu.memref_slice %arg30[%dma_start3A_479] : memref<20000xi32, #tpu.memory_space<vmem>> -> memref<32xi32, #tpu.memory_space<vmem>>
      %dma_start3A_481 = arith.constant 0 : i32
      %dma_start3A_482 = tpu.memref_slice %arg12[%dma_start3A_481] : memref<10240xf32, #tpu.memory_space<vmem_shared>> -> memref<10240xf32, #tpu.memory_space<vmem_shared>>
      tpu.enqueue_indirect_dma source(%dma_start3A_482 : memref<10240xf32, #tpu.memory_space<vmem_shared>>) target(%dma_start3A_478 : memref<32xf32, #tpu.memory_space<vmem>>) offsets(%dma_start3A_480 : memref<32xi32, #tpu.memory_space<vmem>>) semaphore(%run_scoped3A : memref<!tpu.dma_semaphore, #tpu.memory_space<semaphore_mem>>)
      %dma_wait3A_483 = arith.constant 0 : i32
      %dma_wait3A_484 = tpu.memref_slice %arg40[%dma_wait3A_483] : memref<128xf32, #tpu.memory_space<vmem>> -> memref<32xf32, #tpu.memory_space<vmem>>
      %dma_wait3A_485 = arith.constant 19968 : i32
      %dma_wait3A_486 = tpu.memref_slice %arg30[%dma_wait3A_485] : memref<20000xi32, #tpu.memory_space<vmem>> -> memref<32xi32, #tpu.memory_space<vmem>>
      %dma_wait3A_487 = arith.constant 0 : i32
      %dma_wait3A_488 = tpu.memref_slice %arg12[%dma_wait3A_487] : memref<10240xf32, #tpu.memory_space<vmem_shared>> -> memref<10240xf32, #tpu.memory_space<vmem_shared>>
      tpu.wait_indirect_dma semaphore(%run_scoped3A : memref<!tpu.dma_semaphore, #tpu.memory_space<semaphore_mem>>) src(%dma_wait3A_488 : memref<10240xf32, #tpu.memory_space<vmem_shared>>) dst(%dma_wait3A_484 : memref<32xf32, #tpu.memory_space<vmem>>)
      tpu.yield
    }) : () -> ()
    "tpu.region"() ({
      %run_scoped3A = tpu.sem_alloc : memref<!tpu.dma_semaphore, #tpu.memory_space<semaphore_mem>>
      %dma_start3A_477 = arith.constant 0 : i32
      %dma_start3A_478 = tpu.memref_slice %arg40[%dma_start3A_477] : memref<128xf32, #tpu.memory_space<vmem>> -> memref<32xf32, #tpu.memory_space<vmem>>
      %dma_start3A_479 = arith.constant 0 : i32
      %dma_start3A_480 = tpu.memref_slice %arg18[%dma_start3A_479] : memref<10240xf32, #tpu.memory_space<vmem_shared>> -> memref<10240xf32, #tpu.memory_space<vmem_shared>>
      tpu.enqueue_indirect_dma source(%dma_start3A_478 : memref<32xf32, #tpu.memory_space<vmem>>) target(%dma_start3A_480 : memref<10240xf32, #tpu.memory_space<vmem_shared>>) offsets(%arg29 : memref<32xi32, #tpu.memory_space<vmem>>) semaphore(%run_scoped3A : memref<!tpu.dma_semaphore, #tpu.memory_space<semaphore_mem>>) {add = true}
      %dma_wait3A_481 = arith.constant 0 : i32
      %dma_wait3A_482 = tpu.memref_slice %arg40[%dma_wait3A_481] : memref<128xf32, #tpu.memory_space<vmem>> -> memref<32xf32, #tpu.memory_space<vmem>>
      %dma_wait3A_483 = arith.constant 0 : i32
      %dma_wait3A_484 = tpu.memref_slice %arg18[%dma_wait3A_483] : memref<10240xf32, #tpu.memory_space<vmem_shared>> -> memref<10240xf32, #tpu.memory_space<vmem_shared>>
      tpu.wait_indirect_dma semaphore(%run_scoped3A : memref<!tpu.dma_semaphore, #tpu.memory_space<semaphore_mem>>) src(%dma_wait3A_482 : memref<32xf32, #tpu.memory_space<vmem>>) dst(%dma_wait3A_484 : memref<10240xf32, #tpu.memory_space<vmem_shared>>)
      tpu.yield
    }) : () -> ()
    "tpu.region"() ({
      %run_scoped3A = tpu.sem_alloc : memref<!tpu.dma_semaphore, #tpu.memory_space<semaphore_mem>>
      %dma_start3A_477 = arith.constant 0 : i32
      %dma_start3A_478 = tpu.memref_slice %arg41[%dma_start3A_477] : memref<128xf32, #tpu.memory_space<vmem>> -> memref<32xf32, #tpu.memory_space<vmem>>
      %dma_start3A_479 = arith.constant 19968 : i32
      %dma_start3A_480 = tpu.memref_slice %arg30[%dma_start3A_479] : memref<20000xi32, #tpu.memory_space<vmem>> -> memref<32xi32, #tpu.memory_space<vmem>>
      %dma_start3A_481 = arith.constant 0 : i32
      %dma_start3A_482 = tpu.memref_slice %arg13[%dma_start3A_481] : memref<10240xf32, #tpu.memory_space<vmem_shared>> -> memref<10240xf32, #tpu.memory_space<vmem_shared>>
      tpu.enqueue_indirect_dma source(%dma_start3A_482 : memref<10240xf32, #tpu.memory_space<vmem_shared>>) target(%dma_start3A_478 : memref<32xf32, #tpu.memory_space<vmem>>) offsets(%dma_start3A_480 : memref<32xi32, #tpu.memory_space<vmem>>) semaphore(%run_scoped3A : memref<!tpu.dma_semaphore, #tpu.memory_space<semaphore_mem>>)
      %dma_wait3A_483 = arith.constant 0 : i32
      %dma_wait3A_484 = tpu.memref_slice %arg41[%dma_wait3A_483] : memref<128xf32, #tpu.memory_space<vmem>> -> memref<32xf32, #tpu.memory_space<vmem>>
      %dma_wait3A_485 = arith.constant 19968 : i32
      %dma_wait3A_486 = tpu.memref_slice %arg30[%dma_wait3A_485] : memref<20000xi32, #tpu.memory_space<vmem>> -> memref<32xi32, #tpu.memory_space<vmem>>
      %dma_wait3A_487 = arith.constant 0 : i32
      %dma_wait3A_488 = tpu.memref_slice %arg13[%dma_wait3A_487] : memref<10240xf32, #tpu.memory_space<vmem_shared>> -> memref<10240xf32, #tpu.memory_space<vmem_shared>>
      tpu.wait_indirect_dma semaphore(%run_scoped3A : memref<!tpu.dma_semaphore, #tpu.memory_space<semaphore_mem>>) src(%dma_wait3A_488 : memref<10240xf32, #tpu.memory_space<vmem_shared>>) dst(%dma_wait3A_484 : memref<32xf32, #tpu.memory_space<vmem>>)
      tpu.yield
    }) : () -> ()
    "tpu.region"() ({
      %run_scoped3A = tpu.sem_alloc : memref<!tpu.dma_semaphore, #tpu.memory_space<semaphore_mem>>
      %dma_start3A_477 = arith.constant 0 : i32
      %dma_start3A_478 = tpu.memref_slice %arg41[%dma_start3A_477] : memref<128xf32, #tpu.memory_space<vmem>> -> memref<32xf32, #tpu.memory_space<vmem>>
      %dma_start3A_479 = arith.constant 0 : i32
      %dma_start3A_480 = tpu.memref_slice %arg19[%dma_start3A_479] : memref<10240xf32, #tpu.memory_space<vmem_shared>> -> memref<10240xf32, #tpu.memory_space<vmem_shared>>
      tpu.enqueue_indirect_dma source(%dma_start3A_478 : memref<32xf32, #tpu.memory_space<vmem>>) target(%dma_start3A_480 : memref<10240xf32, #tpu.memory_space<vmem_shared>>) offsets(%arg29 : memref<32xi32, #tpu.memory_space<vmem>>) semaphore(%run_scoped3A : memref<!tpu.dma_semaphore, #tpu.memory_space<semaphore_mem>>) {add = true}
      %dma_wait3A_481 = arith.constant 0 : i32
      %dma_wait3A_482 = tpu.memref_slice %arg41[%dma_wait3A_481] : memref<128xf32, #tpu.memory_space<vmem>> -> memref<32xf32, #tpu.memory_space<vmem>>
      %dma_wait3A_483 = arith.constant 0 : i32
      %dma_wait3A_484 = tpu.memref_slice %arg19[%dma_wait3A_483] : memref<10240xf32, #tpu.memory_space<vmem_shared>> -> memref<10240xf32, #tpu.memory_space<vmem_shared>>
      tpu.wait_indirect_dma semaphore(%run_scoped3A : memref<!tpu.dma_semaphore, #tpu.memory_space<semaphore_mem>>) src(%dma_wait3A_482 : memref<32xf32, #tpu.memory_space<vmem>>) dst(%dma_wait3A_484 : memref<10240xf32, #tpu.memory_space<vmem_shared>>)
      tpu.yield
    }) : () -> ()
    "tpu.region"() ({
      %run_scoped3A = tpu.sem_alloc : memref<!tpu.dma_semaphore, #tpu.memory_space<semaphore_mem>>
      %dma_start3A_477 = arith.constant 0 : i32
      %dma_start3A_478 = tpu.memref_slice %arg42[%dma_start3A_477] : memref<128xf32, #tpu.memory_space<vmem>> -> memref<32xf32, #tpu.memory_space<vmem>>
      %dma_start3A_479 = arith.constant 19968 : i32
      %dma_start3A_480 = tpu.memref_slice %arg30[%dma_start3A_479] : memref<20000xi32, #tpu.memory_space<vmem>> -> memref<32xi32, #tpu.memory_space<vmem>>
      %dma_start3A_481 = arith.constant 0 : i32
      %dma_start3A_482 = tpu.memref_slice %arg14[%dma_start3A_481] : memref<10240xf32, #tpu.memory_space<vmem_shared>> -> memref<10240xf32, #tpu.memory_space<vmem_shared>>
      tpu.enqueue_indirect_dma source(%dma_start3A_482 : memref<10240xf32, #tpu.memory_space<vmem_shared>>) target(%dma_start3A_478 : memref<32xf32, #tpu.memory_space<vmem>>) offsets(%dma_start3A_480 : memref<32xi32, #tpu.memory_space<vmem>>) semaphore(%run_scoped3A : memref<!tpu.dma_semaphore, #tpu.memory_space<semaphore_mem>>)
      %dma_wait3A_483 = arith.constant 0 : i32
      %dma_wait3A_484 = tpu.memref_slice %arg42[%dma_wait3A_483] : memref<128xf32, #tpu.memory_space<vmem>> -> memref<32xf32, #tpu.memory_space<vmem>>
      %dma_wait3A_485 = arith.constant 19968 : i32
      %dma_wait3A_486 = tpu.memref_slice %arg30[%dma_wait3A_485] : memref<20000xi32, #tpu.memory_space<vmem>> -> memref<32xi32, #tpu.memory_space<vmem>>
      %dma_wait3A_487 = arith.constant 0 : i32
      %dma_wait3A_488 = tpu.memref_slice %arg14[%dma_wait3A_487] : memref<10240xf32, #tpu.memory_space<vmem_shared>> -> memref<10240xf32, #tpu.memory_space<vmem_shared>>
      tpu.wait_indirect_dma semaphore(%run_scoped3A : memref<!tpu.dma_semaphore, #tpu.memory_space<semaphore_mem>>) src(%dma_wait3A_488 : memref<10240xf32, #tpu.memory_space<vmem_shared>>) dst(%dma_wait3A_484 : memref<32xf32, #tpu.memory_space<vmem>>)
      tpu.yield
    }) : () -> ()
    "tpu.region"() ({
      %run_scoped3A = tpu.sem_alloc : memref<!tpu.dma_semaphore, #tpu.memory_space<semaphore_mem>>
      %dma_start3A_477 = arith.constant 0 : i32
      %dma_start3A_478 = tpu.memref_slice %arg42[%dma_start3A_477] : memref<128xf32, #tpu.memory_space<vmem>> -> memref<32xf32, #tpu.memory_space<vmem>>
      %dma_start3A_479 = arith.constant 0 : i32
      %dma_start3A_480 = tpu.memref_slice %arg20[%dma_start3A_479] : memref<10240xf32, #tpu.memory_space<vmem_shared>> -> memref<10240xf32, #tpu.memory_space<vmem_shared>>
      tpu.enqueue_indirect_dma source(%dma_start3A_478 : memref<32xf32, #tpu.memory_space<vmem>>) target(%dma_start3A_480 : memref<10240xf32, #tpu.memory_space<vmem_shared>>) offsets(%arg29 : memref<32xi32, #tpu.memory_space<vmem>>) semaphore(%run_scoped3A : memref<!tpu.dma_semaphore, #tpu.memory_space<semaphore_mem>>) {add = true}
      %dma_wait3A_481 = arith.constant 0 : i32
      %dma_wait3A_482 = tpu.memref_slice %arg42[%dma_wait3A_481] : memref<128xf32, #tpu.memory_space<vmem>> -> memref<32xf32, #tpu.memory_space<vmem>>
      %dma_wait3A_483 = arith.constant 0 : i32
      %dma_wait3A_484 = tpu.memref_slice %arg20[%dma_wait3A_483] : memref<10240xf32, #tpu.memory_space<vmem_shared>> -> memref<10240xf32, #tpu.memory_space<vmem_shared>>
      tpu.wait_indirect_dma semaphore(%run_scoped3A : memref<!tpu.dma_semaphore, #tpu.memory_space<semaphore_mem>>) src(%dma_wait3A_482 : memref<32xf32, #tpu.memory_space<vmem>>) dst(%dma_wait3A_484 : memref<10240xf32, #tpu.memory_space<vmem_shared>>)
      tpu.yield
    }) : () -> ()
    "tpu.region"() ({
      %run_scoped3A = tpu.sem_alloc : memref<!tpu.dma_semaphore, #tpu.memory_space<semaphore_mem>>
      %dma_start3A_477 = arith.constant 0 : i32
      %dma_start3A_478 = tpu.memref_slice %arg43[%dma_start3A_477] : memref<128xf32, #tpu.memory_space<vmem>> -> memref<32xf32, #tpu.memory_space<vmem>>
      %dma_start3A_479 = arith.constant 19968 : i32
      %dma_start3A_480 = tpu.memref_slice %arg30[%dma_start3A_479] : memref<20000xi32, #tpu.memory_space<vmem>> -> memref<32xi32, #tpu.memory_space<vmem>>
      %dma_start3A_481 = arith.constant 0 : i32
      %dma_start3A_482 = tpu.memref_slice %arg15[%dma_start3A_481] : memref<10240xf32, #tpu.memory_space<vmem_shared>> -> memref<10240xf32, #tpu.memory_space<vmem_shared>>
      tpu.enqueue_indirect_dma source(%dma_start3A_482 : memref<10240xf32, #tpu.memory_space<vmem_shared>>) target(%dma_start3A_478 : memref<32xf32, #tpu.memory_space<vmem>>) offsets(%dma_start3A_480 : memref<32xi32, #tpu.memory_space<vmem>>) semaphore(%run_scoped3A : memref<!tpu.dma_semaphore, #tpu.memory_space<semaphore_mem>>)
      %dma_wait3A_483 = arith.constant 0 : i32
      %dma_wait3A_484 = tpu.memref_slice %arg43[%dma_wait3A_483] : memref<128xf32, #tpu.memory_space<vmem>> -> memref<32xf32, #tpu.memory_space<vmem>>
      %dma_wait3A_485 = arith.constant 19968 : i32
      %dma_wait3A_486 = tpu.memref_slice %arg30[%dma_wait3A_485] : memref<20000xi32, #tpu.memory_space<vmem>> -> memref<32xi32, #tpu.memory_space<vmem>>
      %dma_wait3A_487 = arith.constant 0 : i32
      %dma_wait3A_488 = tpu.memref_slice %arg15[%dma_wait3A_487] : memref<10240xf32, #tpu.memory_space<vmem_shared>> -> memref<10240xf32, #tpu.memory_space<vmem_shared>>
      tpu.wait_indirect_dma semaphore(%run_scoped3A : memref<!tpu.dma_semaphore, #tpu.memory_space<semaphore_mem>>) src(%dma_wait3A_488 : memref<10240xf32, #tpu.memory_space<vmem_shared>>) dst(%dma_wait3A_484 : memref<32xf32, #tpu.memory_space<vmem>>)
      tpu.yield
    }) : () -> ()
    "tpu.region"() ({
      %run_scoped3A = tpu.sem_alloc : memref<!tpu.dma_semaphore, #tpu.memory_space<semaphore_mem>>
      %dma_start3A_477 = arith.constant 0 : i32
      %dma_start3A_478 = tpu.memref_slice %arg43[%dma_start3A_477] : memref<128xf32, #tpu.memory_space<vmem>> -> memref<32xf32, #tpu.memory_space<vmem>>
      %dma_start3A_479 = arith.constant 0 : i32
      %dma_start3A_480 = tpu.memref_slice %arg21[%dma_start3A_479] : memref<10240xf32, #tpu.memory_space<vmem_shared>> -> memref<10240xf32, #tpu.memory_space<vmem_shared>>
      tpu.enqueue_indirect_dma source(%dma_start3A_478 : memref<32xf32, #tpu.memory_space<vmem>>) target(%dma_start3A_480 : memref<10240xf32, #tpu.memory_space<vmem_shared>>) offsets(%arg29 : memref<32xi32, #tpu.memory_space<vmem>>) semaphore(%run_scoped3A : memref<!tpu.dma_semaphore, #tpu.memory_space<semaphore_mem>>) {add = true}
      %dma_wait3A_481 = arith.constant 0 : i32
      %dma_wait3A_482 = tpu.memref_slice %arg43[%dma_wait3A_481] : memref<128xf32, #tpu.memory_space<vmem>> -> memref<32xf32, #tpu.memory_space<vmem>>
      %dma_wait3A_483 = arith.constant 0 : i32
      %dma_wait3A_484 = tpu.memref_slice %arg21[%dma_wait3A_483] : memref<10240xf32, #tpu.memory_space<vmem_shared>> -> memref<10240xf32, #tpu.memory_space<vmem_shared>>
      tpu.wait_indirect_dma semaphore(%run_scoped3A : memref<!tpu.dma_semaphore, #tpu.memory_space<semaphore_mem>>) src(%dma_wait3A_482 : memref<32xf32, #tpu.memory_space<vmem>>) dst(%dma_wait3A_484 : memref<10240xf32, #tpu.memory_space<vmem_shared>>)
      tpu.yield
    }) : () -> ()
    %barrier3A_339 = arith.constant 0 : index
    tpu.barrier barrier_id(%barrier3A_339)
    %dma_start3A_340 = arith.constant 0 : i32
    %dma_start3A_341 = tpu.memref_slice %arg50[%dma_start3A_340] : memref<3840xf32, #tpu.memory_space<vmem>> -> memref<640xf32, #tpu.memory_space<vmem>>
    %dma_start3A_342 = tpu.memref_slice %arg16[%mul3A_0] : memref<10240xf32, #tpu.memory_space<vmem_shared>> -> memref<640xf32, #tpu.memory_space<vmem_shared>>
    %dma_start3A_343 = arith.constant 0 : i32
    %dma_start3A_344 = tpu.memref_slice %arg50[%dma_start3A_343] : memref<3840xf32, #tpu.memory_space<vmem>> -> memref<640xf32, #tpu.memory_space<vmem>>
    %dma_start3A_345 = tpu.memref_slice %arg16[%mul3A_0] : memref<10240xf32, #tpu.memory_space<vmem_shared>> -> memref<640xf32, #tpu.memory_space<vmem_shared>>
    tpu.enqueue_dma source(%dma_start3A_345 : memref<640xf32, #tpu.memory_space<vmem_shared>>) target(%dma_start3A_344 : memref<640xf32, #tpu.memory_space<vmem>>) target_semaphore(%arg54 : memref<!tpu.dma_semaphore, #tpu.memory_space<semaphore_mem>>)
    %dma_start3A_346 = arith.constant 640 : i32
    %dma_start3A_347 = tpu.memref_slice %arg50[%dma_start3A_346] : memref<3840xf32, #tpu.memory_space<vmem>> -> memref<640xf32, #tpu.memory_space<vmem>>
    %dma_start3A_348 = tpu.memref_slice %arg17[%mul3A_0] : memref<10240xf32, #tpu.memory_space<vmem_shared>> -> memref<640xf32, #tpu.memory_space<vmem_shared>>
    %dma_start3A_349 = arith.constant 640 : i32
    %dma_start3A_350 = tpu.memref_slice %arg50[%dma_start3A_349] : memref<3840xf32, #tpu.memory_space<vmem>> -> memref<640xf32, #tpu.memory_space<vmem>>
    %dma_start3A_351 = tpu.memref_slice %arg17[%mul3A_0] : memref<10240xf32, #tpu.memory_space<vmem_shared>> -> memref<640xf32, #tpu.memory_space<vmem_shared>>
    tpu.enqueue_dma source(%dma_start3A_351 : memref<640xf32, #tpu.memory_space<vmem_shared>>) target(%dma_start3A_350 : memref<640xf32, #tpu.memory_space<vmem>>) target_semaphore(%arg54 : memref<!tpu.dma_semaphore, #tpu.memory_space<semaphore_mem>>)
    %dma_start3A_352 = arith.constant 1280 : i32
    %dma_start3A_353 = tpu.memref_slice %arg50[%dma_start3A_352] : memref<3840xf32, #tpu.memory_space<vmem>> -> memref<640xf32, #tpu.memory_space<vmem>>
    %dma_start3A_354 = tpu.memref_slice %arg18[%mul3A_0] : memref<10240xf32, #tpu.memory_space<vmem_shared>> -> memref<640xf32, #tpu.memory_space<vmem_shared>>
    %dma_start3A_355 = arith.constant 1280 : i32
    %dma_start3A_356 = tpu.memref_slice %arg50[%dma_start3A_355] : memref<3840xf32, #tpu.memory_space<vmem>> -> memref<640xf32, #tpu.memory_space<vmem>>
    %dma_start3A_357 = tpu.memref_slice %arg18[%mul3A_0] : memref<10240xf32, #tpu.memory_space<vmem_shared>> -> memref<640xf32, #tpu.memory_space<vmem_shared>>
    tpu.enqueue_dma source(%dma_start3A_357 : memref<640xf32, #tpu.memory_space<vmem_shared>>) target(%dma_start3A_356 : memref<640xf32, #tpu.memory_space<vmem>>) target_semaphore(%arg54 : memref<!tpu.dma_semaphore, #tpu.memory_space<semaphore_mem>>)
    %dma_start3A_358 = arith.constant 1920 : i32
    %dma_start3A_359 = tpu.memref_slice %arg50[%dma_start3A_358] : memref<3840xf32, #tpu.memory_space<vmem>> -> memref<640xf32, #tpu.memory_space<vmem>>
    %dma_start3A_360 = tpu.memref_slice %arg19[%mul3A_0] : memref<10240xf32, #tpu.memory_space<vmem_shared>> -> memref<640xf32, #tpu.memory_space<vmem_shared>>
    %dma_start3A_361 = arith.constant 1920 : i32
    %dma_start3A_362 = tpu.memref_slice %arg50[%dma_start3A_361] : memref<3840xf32, #tpu.memory_space<vmem>> -> memref<640xf32, #tpu.memory_space<vmem>>
    %dma_start3A_363 = tpu.memref_slice %arg19[%mul3A_0] : memref<10240xf32, #tpu.memory_space<vmem_shared>> -> memref<640xf32, #tpu.memory_space<vmem_shared>>
    tpu.enqueue_dma source(%dma_start3A_363 : memref<640xf32, #tpu.memory_space<vmem_shared>>) target(%dma_start3A_362 : memref<640xf32, #tpu.memory_space<vmem>>) target_semaphore(%arg54 : memref<!tpu.dma_semaphore, #tpu.memory_space<semaphore_mem>>)
    %dma_start3A_364 = arith.constant 2560 : i32
    %dma_start3A_365 = tpu.memref_slice %arg50[%dma_start3A_364] : memref<3840xf32, #tpu.memory_space<vmem>> -> memref<640xf32, #tpu.memory_space<vmem>>
    %dma_start3A_366 = tpu.memref_slice %arg20[%mul3A_0] : memref<10240xf32, #tpu.memory_space<vmem_shared>> -> memref<640xf32, #tpu.memory_space<vmem_shared>>
    %dma_start3A_367 = arith.constant 2560 : i32
    %dma_start3A_368 = tpu.memref_slice %arg50[%dma_start3A_367] : memref<3840xf32, #tpu.memory_space<vmem>> -> memref<640xf32, #tpu.memory_space<vmem>>
    %dma_start3A_369 = tpu.memref_slice %arg20[%mul3A_0] : memref<10240xf32, #tpu.memory_space<vmem_shared>> -> memref<640xf32, #tpu.memory_space<vmem_shared>>
    tpu.enqueue_dma source(%dma_start3A_369 : memref<640xf32, #tpu.memory_space<vmem_shared>>) target(%dma_start3A_368 : memref<640xf32, #tpu.memory_space<vmem>>) target_semaphore(%arg54 : memref<!tpu.dma_semaphore, #tpu.memory_space<semaphore_mem>>)
    %dma_start3A_370 = arith.constant 3200 : i32
    %dma_start3A_371 = tpu.memref_slice %arg50[%dma_start3A_370] : memref<3840xf32, #tpu.memory_space<vmem>> -> memref<640xf32, #tpu.memory_space<vmem>>
    %dma_start3A_372 = tpu.memref_slice %arg21[%mul3A_0] : memref<10240xf32, #tpu.memory_space<vmem_shared>> -> memref<640xf32, #tpu.memory_space<vmem_shared>>
    %dma_start3A_373 = arith.constant 3200 : i32
    %dma_start3A_374 = tpu.memref_slice %arg50[%dma_start3A_373] : memref<3840xf32, #tpu.memory_space<vmem>> -> memref<640xf32, #tpu.memory_space<vmem>>
    %dma_start3A_375 = tpu.memref_slice %arg21[%mul3A_0] : memref<10240xf32, #tpu.memory_space<vmem_shared>> -> memref<640xf32, #tpu.memory_space<vmem_shared>>
    tpu.enqueue_dma source(%dma_start3A_375 : memref<640xf32, #tpu.memory_space<vmem_shared>>) target(%dma_start3A_374 : memref<640xf32, #tpu.memory_space<vmem>>) target_semaphore(%arg54 : memref<!tpu.dma_semaphore, #tpu.memory_space<semaphore_mem>>)
    %dma_wait3A_376 = arith.constant 0 : i32
    %dma_wait3A_377 = tpu.memref_slice %arg50[%dma_wait3A_376] : memref<3840xf32, #tpu.memory_space<vmem>> -> memref<640xf32, #tpu.memory_space<vmem>>
    %dma_wait3A_378 = tpu.memref_slice %arg16[%mul3A_0] : memref<10240xf32, #tpu.memory_space<vmem_shared>> -> memref<640xf32, #tpu.memory_space<vmem_shared>>
    %dma_wait3A_379 = arith.constant 0 : i32
    %dma_wait3A_380 = tpu.memref_slice %arg50[%dma_wait3A_379] : memref<3840xf32, #tpu.memory_space<vmem>> -> memref<640xf32, #tpu.memory_space<vmem>>
    %dma_wait3A_381 = tpu.memref_slice %arg16[%mul3A_0] : memref<10240xf32, #tpu.memory_space<vmem_shared>> -> memref<640xf32, #tpu.memory_space<vmem_shared>>
    tpu.wait_dma2 semaphore(%arg54 : memref<!tpu.dma_semaphore, #tpu.memory_space<semaphore_mem>>) src(%dma_wait3A_381 : memref<640xf32, #tpu.memory_space<vmem_shared>>) dst(%dma_wait3A_380 : memref<640xf32, #tpu.memory_space<vmem>>)
    %dma_wait3A_382 = arith.constant 640 : i32
    %dma_wait3A_383 = tpu.memref_slice %arg50[%dma_wait3A_382] : memref<3840xf32, #tpu.memory_space<vmem>> -> memref<640xf32, #tpu.memory_space<vmem>>
    %dma_wait3A_384 = tpu.memref_slice %arg17[%mul3A_0] : memref<10240xf32, #tpu.memory_space<vmem_shared>> -> memref<640xf32, #tpu.memory_space<vmem_shared>>
    %dma_wait3A_385 = arith.constant 640 : i32
    %dma_wait3A_386 = tpu.memref_slice %arg50[%dma_wait3A_385] : memref<3840xf32, #tpu.memory_space<vmem>> -> memref<640xf32, #tpu.memory_space<vmem>>
    %dma_wait3A_387 = tpu.memref_slice %arg17[%mul3A_0] : memref<10240xf32, #tpu.memory_space<vmem_shared>> -> memref<640xf32, #tpu.memory_space<vmem_shared>>
    tpu.wait_dma2 semaphore(%arg54 : memref<!tpu.dma_semaphore, #tpu.memory_space<semaphore_mem>>) src(%dma_wait3A_387 : memref<640xf32, #tpu.memory_space<vmem_shared>>) dst(%dma_wait3A_386 : memref<640xf32, #tpu.memory_space<vmem>>)
    %dma_wait3A_388 = arith.constant 1280 : i32
    %dma_wait3A_389 = tpu.memref_slice %arg50[%dma_wait3A_388] : memref<3840xf32, #tpu.memory_space<vmem>> -> memref<640xf32, #tpu.memory_space<vmem>>
    %dma_wait3A_390 = tpu.memref_slice %arg18[%mul3A_0] : memref<10240xf32, #tpu.memory_space<vmem_shared>> -> memref<640xf32, #tpu.memory_space<vmem_shared>>
    %dma_wait3A_391 = arith.constant 1280 : i32
    %dma_wait3A_392 = tpu.memref_slice %arg50[%dma_wait3A_391] : memref<3840xf32, #tpu.memory_space<vmem>> -> memref<640xf32, #tpu.memory_space<vmem>>
    %dma_wait3A_393 = tpu.memref_slice %arg18[%mul3A_0] : memref<10240xf32, #tpu.memory_space<vmem_shared>> -> memref<640xf32, #tpu.memory_space<vmem_shared>>
    tpu.wait_dma2 semaphore(%arg54 : memref<!tpu.dma_semaphore, #tpu.memory_space<semaphore_mem>>) src(%dma_wait3A_393 : memref<640xf32, #tpu.memory_space<vmem_shared>>) dst(%dma_wait3A_392 : memref<640xf32, #tpu.memory_space<vmem>>)
    %dma_wait3A_394 = arith.constant 1920 : i32
    %dma_wait3A_395 = tpu.memref_slice %arg50[%dma_wait3A_394] : memref<3840xf32, #tpu.memory_space<vmem>> -> memref<640xf32, #tpu.memory_space<vmem>>
    %dma_wait3A_396 = tpu.memref_slice %arg19[%mul3A_0] : memref<10240xf32, #tpu.memory_space<vmem_shared>> -> memref<640xf32, #tpu.memory_space<vmem_shared>>
    %dma_wait3A_397 = arith.constant 1920 : i32
    %dma_wait3A_398 = tpu.memref_slice %arg50[%dma_wait3A_397] : memref<3840xf32, #tpu.memory_space<vmem>> -> memref<640xf32, #tpu.memory_space<vmem>>
    %dma_wait3A_399 = tpu.memref_slice %arg19[%mul3A_0] : memref<10240xf32, #tpu.memory_space<vmem_shared>> -> memref<640xf32, #tpu.memory_space<vmem_shared>>
    tpu.wait_dma2 semaphore(%arg54 : memref<!tpu.dma_semaphore, #tpu.memory_space<semaphore_mem>>) src(%dma_wait3A_399 : memref<640xf32, #tpu.memory_space<vmem_shared>>) dst(%dma_wait3A_398 : memref<640xf32, #tpu.memory_space<vmem>>)
    %dma_wait3A_400 = arith.constant 2560 : i32
    %dma_wait3A_401 = tpu.memref_slice %arg50[%dma_wait3A_400] : memref<3840xf32, #tpu.memory_space<vmem>> -> memref<640xf32, #tpu.memory_space<vmem>>
    %dma_wait3A_402 = tpu.memref_slice %arg20[%mul3A_0] : memref<10240xf32, #tpu.memory_space<vmem_shared>> -> memref<640xf32, #tpu.memory_space<vmem_shared>>
    %dma_wait3A_403 = arith.constant 2560 : i32
    %dma_wait3A_404 = tpu.memref_slice %arg50[%dma_wait3A_403] : memref<3840xf32, #tpu.memory_space<vmem>> -> memref<640xf32, #tpu.memory_space<vmem>>
    %dma_wait3A_405 = tpu.memref_slice %arg20[%mul3A_0] : memref<10240xf32, #tpu.memory_space<vmem_shared>> -> memref<640xf32, #tpu.memory_space<vmem_shared>>
    tpu.wait_dma2 semaphore(%arg54 : memref<!tpu.dma_semaphore, #tpu.memory_space<semaphore_mem>>) src(%dma_wait3A_405 : memref<640xf32, #tpu.memory_space<vmem_shared>>) dst(%dma_wait3A_404 : memref<640xf32, #tpu.memory_space<vmem>>)
    %dma_wait3A_406 = arith.constant 3200 : i32
    %dma_wait3A_407 = tpu.memref_slice %arg50[%dma_wait3A_406] : memref<3840xf32, #tpu.memory_space<vmem>> -> memref<640xf32, #tpu.memory_space<vmem>>
    %dma_wait3A_408 = tpu.memref_slice %arg21[%mul3A_0] : memref<10240xf32, #tpu.memory_space<vmem_shared>> -> memref<640xf32, #tpu.memory_space<vmem_shared>>
    %dma_wait3A_409 = arith.constant 3200 : i32
    %dma_wait3A_410 = tpu.memref_slice %arg50[%dma_wait3A_409] : memref<3840xf32, #tpu.memory_space<vmem>> -> memref<640xf32, #tpu.memory_space<vmem>>
    %dma_wait3A_411 = tpu.memref_slice %arg21[%mul3A_0] : memref<10240xf32, #tpu.memory_space<vmem_shared>> -> memref<640xf32, #tpu.memory_space<vmem_shared>>
    tpu.wait_dma2 semaphore(%arg54 : memref<!tpu.dma_semaphore, #tpu.memory_space<semaphore_mem>>) src(%dma_wait3A_411 : memref<640xf32, #tpu.memory_space<vmem_shared>>) dst(%dma_wait3A_410 : memref<640xf32, #tpu.memory_space<vmem>>)
    %scan3A_412 = arith.constant 0 : i32
    %scan3A_413 = arith.constant 0 : i32
    %scan3A_414 = arith.constant 40 : i32
    %scan3A_415 = arith.addi %scan3A_413, %scan3A_414 : i32
    %scan3A_416 = arith.constant 1 : i32
    scf.for %scan3A_477 = %scan3A_413 to %scan3A_415 step %scan3A_416  : i32 {
      %mul3A_478 = arith.constant 16 : i32
      %mul3A_479 = arith.muli %scan3A_477, %mul3A_478 : i32
      %get3A = arith.index_cast %mul3A_479 : i32 to index
      %get3A_480 = tpu.vector_load %arg34[%get3A] {strides = array<i32>} : memref<640xf32, #tpu.memory_space<vmem>>, vector<16xf32>,
      %get3A_481 = vector.shape_cast %get3A_480 : vector<16xf32> to vector<16xf32>
      %mul3A_482 = arith.mulf %get3A_481, %get3A_481 : vector<16xf32>
      %mul3A_483 = arith.constant 16 : i32
      %mul3A_484 = arith.muli %scan3A_477, %mul3A_483 : i32
      %add3A_485 = arith.constant 1920 : i32
      %add3A_486 = arith.addi %add3A_485, %mul3A_484 : i32
      %get3A_487 = arith.index_cast %add3A_486 : i32 to index
      %get3A_488 = tpu.vector_load %arg50[%get3A_487] {strides = array<i32>} : memref<3840xf32, #tpu.memory_space<vmem>>, vector<16xf32>,
      %get3A_489 = vector.shape_cast %get3A_488 : vector<16xf32> to vector<16xf32>
      %mul3A_490 = arith.mulf %mul3A_482, %get3A_489 : vector<16xf32>
      %mul3A_491 = arith.constant 16 : i32
      %mul3A_492 = arith.muli %scan3A_477, %mul3A_491 : i32
      %add3A_493 = arith.constant 0 : i32
      %add3A_494 = arith.addi %add3A_493, %mul3A_492 : i32
      %swap3A = arith.index_cast %add3A_494 : i32 to index
      %swap3A_495 = tpu.vector_load %arg51[%swap3A] {strides = array<i32>} : memref<1920xf32, #tpu.memory_space<vmem>>, vector<16xf32>,
      %swap3A_496 = vector.shape_cast %swap3A_495 : vector<16xf32> to vector<16xf32>
      %swap3A_497 = vector.shape_cast %mul3A_490 : vector<16xf32> to vector<16xf32>
      tpu.vector_store %arg51[%swap3A], %swap3A_497 {strides = array<i32>} : memref<1920xf32, #tpu.memory_space<vmem>>, vector<16xf32>,
      %mul3A_498 = arith.mulf %get3A_481, %get3A_481 : vector<16xf32>
      %mul3A_499 = arith.constant 16 : i32
      %mul3A_500 = arith.muli %scan3A_477, %mul3A_499 : i32
      %add3A_501 = arith.constant 2560 : i32
      %add3A_502 = arith.addi %add3A_501, %mul3A_500 : i32
      %get3A_503 = arith.index_cast %add3A_502 : i32 to index
      %get3A_504 = tpu.vector_load %arg50[%get3A_503] {strides = array<i32>} : memref<3840xf32, #tpu.memory_space<vmem>>, vector<16xf32>,
      %get3A_505 = vector.shape_cast %get3A_504 : vector<16xf32> to vector<16xf32>
      %mul3A_506 = arith.mulf %mul3A_498, %get3A_505 : vector<16xf32>
      %mul3A_507 = arith.constant 16 : i32
      %mul3A_508 = arith.muli %scan3A_477, %mul3A_507 : i32
      %add3A_509 = arith.constant 640 : i32
      %add3A_510 = arith.addi %add3A_509, %mul3A_508 : i32
      %swap3A_511 = arith.index_cast %add3A_510 : i32 to index
      %swap3A_512 = tpu.vector_load %arg51[%swap3A_511] {strides = array<i32>} : memref<1920xf32, #tpu.memory_space<vmem>>, vector<16xf32>,
      %swap3A_513 = vector.shape_cast %swap3A_512 : vector<16xf32> to vector<16xf32>
      %swap3A_514 = vector.shape_cast %mul3A_506 : vector<16xf32> to vector<16xf32>
      tpu.vector_store %arg51[%swap3A_511], %swap3A_514 {strides = array<i32>} : memref<1920xf32, #tpu.memory_space<vmem>>, vector<16xf32>,
      %mul3A_515 = arith.mulf %get3A_481, %get3A_481 : vector<16xf32>
      %mul3A_516 = arith.constant 16 : i32
      %mul3A_517 = arith.muli %scan3A_477, %mul3A_516 : i32
      %add3A_518 = arith.constant 3200 : i32
      %add3A_519 = arith.addi %add3A_518, %mul3A_517 : i32
      %get3A_520 = arith.index_cast %add3A_519 : i32 to index
      %get3A_521 = tpu.vector_load %arg50[%get3A_520] {strides = array<i32>} : memref<3840xf32, #tpu.memory_space<vmem>>, vector<16xf32>,
      %get3A_522 = vector.shape_cast %get3A_521 : vector<16xf32> to vector<16xf32>
      %mul3A_523 = arith.mulf %mul3A_515, %get3A_522 : vector<16xf32>
      %mul3A_524 = arith.constant 16 : i32
      %mul3A_525 = arith.muli %scan3A_477, %mul3A_524 : i32
      %add3A_526 = arith.constant 1280 : i32
      %add3A_527 = arith.addi %add3A_526, %mul3A_525 : i32
      %swap3A_528 = arith.index_cast %add3A_527 : i32 to index
      %swap3A_529 = tpu.vector_load %arg51[%swap3A_528] {strides = array<i32>} : memref<1920xf32, #tpu.memory_space<vmem>>, vector<16xf32>,
      %swap3A_530 = vector.shape_cast %swap3A_529 : vector<16xf32> to vector<16xf32>
      %swap3A_531 = vector.shape_cast %mul3A_523 : vector<16xf32> to vector<16xf32>
      tpu.vector_store %arg51[%swap3A_528], %swap3A_531 {strides = array<i32>} : memref<1920xf32, #tpu.memory_space<vmem>>, vector<16xf32>,
    }
    %scan3A_417 = arith.constant 40 : i32
    "tpu.region"() ({
      %run_scoped3A = tpu.sem_alloc : memref<!tpu.dma_semaphore, #tpu.memory_space<semaphore_mem>>
      %dma_start3A_477 = arith.constant 0 : i32
      %dma_start3A_478 = tpu.memref_slice %arg51[%dma_start3A_477] : memref<1920xf32, #tpu.memory_space<vmem>> -> memref<640xf32, #tpu.memory_space<vmem>>
      %dma_start3A_479 = tpu.memref_slice %arg22[%mul3A_0] : memref<10240xf32, #tpu.memory_space<vmem_shared>> -> memref<640xf32, #tpu.memory_space<vmem_shared>>
      %dma_start3A_480 = tpu.memref_slice %arg22[%mul3A_0] : memref<10240xf32, #tpu.memory_space<vmem_shared>> -> memref<640xf32, #tpu.memory_space<vmem_shared>>
      %dma_start3A_481 = arith.constant 0 : i32
      %dma_start3A_482 = tpu.memref_slice %arg51[%dma_start3A_481] : memref<1920xf32, #tpu.memory_space<vmem>> -> memref<640xf32, #tpu.memory_space<vmem>>
      tpu.enqueue_dma source(%dma_start3A_482 : memref<640xf32, #tpu.memory_space<vmem>>) target(%dma_start3A_480 : memref<640xf32, #tpu.memory_space<vmem_shared>>) target_semaphore(%run_scoped3A : memref<!tpu.dma_semaphore, #tpu.memory_space<semaphore_mem>>)
      %dma_wait3A_483 = arith.constant 0 : i32
      %dma_wait3A_484 = tpu.memref_slice %arg51[%dma_wait3A_483] : memref<1920xf32, #tpu.memory_space<vmem>> -> memref<640xf32, #tpu.memory_space<vmem>>
      %dma_wait3A_485 = tpu.memref_slice %arg22[%mul3A_0] : memref<10240xf32, #tpu.memory_space<vmem_shared>> -> memref<640xf32, #tpu.memory_space<vmem_shared>>
      %dma_wait3A_486 = tpu.memref_slice %arg22[%mul3A_0] : memref<10240xf32, #tpu.memory_space<vmem_shared>> -> memref<640xf32, #tpu.memory_space<vmem_shared>>
      %dma_wait3A_487 = arith.constant 0 : i32
      %dma_wait3A_488 = tpu.memref_slice %arg51[%dma_wait3A_487] : memref<1920xf32, #tpu.memory_space<vmem>> -> memref<640xf32, #tpu.memory_space<vmem>>
      tpu.wait_dma2 semaphore(%run_scoped3A : memref<!tpu.dma_semaphore, #tpu.memory_space<semaphore_mem>>) src(%dma_wait3A_488 : memref<640xf32, #tpu.memory_space<vmem>>) dst(%dma_wait3A_486 : memref<640xf32, #tpu.memory_space<vmem_shared>>)
      tpu.yield
    }) : () -> ()
    "tpu.region"() ({
      %run_scoped3A = tpu.sem_alloc : memref<!tpu.dma_semaphore, #tpu.memory_space<semaphore_mem>>
      %dma_start3A_477 = arith.constant 640 : i32
      %dma_start3A_478 = tpu.memref_slice %arg51[%dma_start3A_477] : memref<1920xf32, #tpu.memory_space<vmem>> -> memref<640xf32, #tpu.memory_space<vmem>>
      %dma_start3A_479 = tpu.memref_slice %arg23[%mul3A_0] : memref<10240xf32, #tpu.memory_space<vmem_shared>> -> memref<640xf32, #tpu.memory_space<vmem_shared>>
      %dma_start3A_480 = tpu.memref_slice %arg23[%mul3A_0] : memref<10240xf32, #tpu.memory_space<vmem_shared>> -> memref<640xf32, #tpu.memory_space<vmem_shared>>
      %dma_start3A_481 = arith.constant 640 : i32
      %dma_start3A_482 = tpu.memref_slice %arg51[%dma_start3A_481] : memref<1920xf32, #tpu.memory_space<vmem>> -> memref<640xf32, #tpu.memory_space<vmem>>
      tpu.enqueue_dma source(%dma_start3A_482 : memref<640xf32, #tpu.memory_space<vmem>>) target(%dma_start3A_480 : memref<640xf32, #tpu.memory_space<vmem_shared>>) target_semaphore(%run_scoped3A : memref<!tpu.dma_semaphore, #tpu.memory_space<semaphore_mem>>)
      %dma_wait3A_483 = arith.constant 640 : i32
      %dma_wait3A_484 = tpu.memref_slice %arg51[%dma_wait3A_483] : memref<1920xf32, #tpu.memory_space<vmem>> -> memref<640xf32, #tpu.memory_space<vmem>>
      %dma_wait3A_485 = tpu.memref_slice %arg23[%mul3A_0] : memref<10240xf32, #tpu.memory_space<vmem_shared>> -> memref<640xf32, #tpu.memory_space<vmem_shared>>
      %dma_wait3A_486 = tpu.memref_slice %arg23[%mul3A_0] : memref<10240xf32, #tpu.memory_space<vmem_shared>> -> memref<640xf32, #tpu.memory_space<vmem_shared>>
      %dma_wait3A_487 = arith.constant 640 : i32
      %dma_wait3A_488 = tpu.memref_slice %arg51[%dma_wait3A_487] : memref<1920xf32, #tpu.memory_space<vmem>> -> memref<640xf32, #tpu.memory_space<vmem>>
      tpu.wait_dma2 semaphore(%run_scoped3A : memref<!tpu.dma_semaphore, #tpu.memory_space<semaphore_mem>>) src(%dma_wait3A_488 : memref<640xf32, #tpu.memory_space<vmem>>) dst(%dma_wait3A_486 : memref<640xf32, #tpu.memory_space<vmem_shared>>)
      tpu.yield
    }) : () -> ()
    "tpu.region"() ({
      %run_scoped3A = tpu.sem_alloc : memref<!tpu.dma_semaphore, #tpu.memory_space<semaphore_mem>>
      %dma_start3A_477 = arith.constant 1280 : i32
      %dma_start3A_478 = tpu.memref_slice %arg51[%dma_start3A_477] : memref<1920xf32, #tpu.memory_space<vmem>> -> memref<640xf32, #tpu.memory_space<vmem>>
      %dma_start3A_479 = tpu.memref_slice %arg24[%mul3A_0] : memref<10240xf32, #tpu.memory_space<vmem_shared>> -> memref<640xf32, #tpu.memory_space<vmem_shared>>
      %dma_start3A_480 = tpu.memref_slice %arg24[%mul3A_0] : memref<10240xf32, #tpu.memory_space<vmem_shared>> -> memref<640xf32, #tpu.memory_space<vmem_shared>>
      %dma_start3A_481 = arith.constant 1280 : i32
      %dma_start3A_482 = tpu.memref_slice %arg51[%dma_start3A_481] : memref<1920xf32, #tpu.memory_space<vmem>> -> memref<640xf32, #tpu.memory_space<vmem>>
      tpu.enqueue_dma source(%dma_start3A_482 : memref<640xf32, #tpu.memory_space<vmem>>) target(%dma_start3A_480 : memref<640xf32, #tpu.memory_space<vmem_shared>>) target_semaphore(%run_scoped3A : memref<!tpu.dma_semaphore, #tpu.memory_space<semaphore_mem>>)
      %dma_wait3A_483 = arith.constant 1280 : i32
      %dma_wait3A_484 = tpu.memref_slice %arg51[%dma_wait3A_483] : memref<1920xf32, #tpu.memory_space<vmem>> -> memref<640xf32, #tpu.memory_space<vmem>>
      %dma_wait3A_485 = tpu.memref_slice %arg24[%mul3A_0] : memref<10240xf32, #tpu.memory_space<vmem_shared>> -> memref<640xf32, #tpu.memory_space<vmem_shared>>
      %dma_wait3A_486 = tpu.memref_slice %arg24[%mul3A_0] : memref<10240xf32, #tpu.memory_space<vmem_shared>> -> memref<640xf32, #tpu.memory_space<vmem_shared>>
      %dma_wait3A_487 = arith.constant 1280 : i32
      %dma_wait3A_488 = tpu.memref_slice %arg51[%dma_wait3A_487] : memref<1920xf32, #tpu.memory_space<vmem>> -> memref<640xf32, #tpu.memory_space<vmem>>
      tpu.wait_dma2 semaphore(%run_scoped3A : memref<!tpu.dma_semaphore, #tpu.memory_space<semaphore_mem>>) src(%dma_wait3A_488 : memref<640xf32, #tpu.memory_space<vmem>>) dst(%dma_wait3A_486 : memref<640xf32, #tpu.memory_space<vmem_shared>>)
      tpu.yield
    }) : () -> ()
    %barrier3A_418 = arith.constant 0 : index
    tpu.barrier barrier_id(%barrier3A_418)
    %scan3A_419 = arith.constant 0 : i32
    %scan3A_420 = arith.constant 0 : i32
    %scan3A_421 = arith.constant 78 : i32
    %scan3A_422 = arith.addi %scan3A_420, %scan3A_421 : i32
    %scan3A_423 = arith.constant 1 : i32
    scf.for %scan3A_477 = %scan3A_420 to %scan3A_422 step %scan3A_423  : i32 {
      %gt3A = arith.constant 0 : i32
      %gt3A_478 = arith.cmpi sgt, %scan3A_477, %gt3A : i32
      %convert_element_type3A = arith.extui %gt3A_478 : i1 to i32
      %cond3A = arith.constant 0 : i32
      %cond3A_479 = arith.cmpi ne, %convert_element_type3A, %cond3A : i32
      scf.if %cond3A_479 {
        %dma_wait3A_562 = arith.constant 0 : i32
        %dma_wait3A_563 = tpu.memref_slice %arg5[%dma_wait3A_562] : memref<320008xf32, #tpu.memory_space<hbm>> -> memref<128xf32, #tpu.memory_space<hbm>>
        %dma_wait3A_564 = arith.constant 0 : i32
        %dma_wait3A_565 = tpu.memref_slice %arg5[%dma_wait3A_564] : memref<320008xf32, #tpu.memory_space<hbm>> -> memref<128xf32, #tpu.memory_space<hbm>>
        tpu.wait_dma2 semaphore(%arg56 : memref<!tpu.dma_semaphore, #tpu.memory_space<semaphore_mem>>) src(%dma_wait3A_565 : memref<128xf32, #tpu.memory_space<hbm>>) dst(%arg38 : memref<128xf32, #tpu.memory_space<vmem>>)
        %dma_wait3A_566 = arith.constant 0 : i32
        %dma_wait3A_567 = tpu.memref_slice %arg5[%dma_wait3A_566] : memref<320008xf32, #tpu.memory_space<hbm>> -> memref<128xf32, #tpu.memory_space<hbm>>
        %dma_wait3A_568 = arith.constant 0 : i32
        %dma_wait3A_569 = tpu.memref_slice %arg5[%dma_wait3A_568] : memref<320008xf32, #tpu.memory_space<hbm>> -> memref<128xf32, #tpu.memory_space<hbm>>
        tpu.wait_dma2 semaphore(%arg56 : memref<!tpu.dma_semaphore, #tpu.memory_space<semaphore_mem>>) src(%dma_wait3A_569 : memref<128xf32, #tpu.memory_space<hbm>>) dst(%arg39 : memref<128xf32, #tpu.memory_space<vmem>>)
        %dma_wait3A_570 = arith.constant 0 : i32
        %dma_wait3A_571 = tpu.memref_slice %arg5[%dma_wait3A_570] : memref<320008xf32, #tpu.memory_space<hbm>> -> memref<128xf32, #tpu.memory_space<hbm>>
        %dma_wait3A_572 = arith.constant 0 : i32
        %dma_wait3A_573 = tpu.memref_slice %arg5[%dma_wait3A_572] : memref<320008xf32, #tpu.memory_space<hbm>> -> memref<128xf32, #tpu.memory_space<hbm>>
        tpu.wait_dma2 semaphore(%arg56 : memref<!tpu.dma_semaphore, #tpu.memory_space<semaphore_mem>>) src(%dma_wait3A_573 : memref<128xf32, #tpu.memory_space<hbm>>) dst(%arg40 : memref<128xf32, #tpu.memory_space<vmem>>)
        %dma_wait3A_574 = arith.constant 0 : i32
        %dma_wait3A_575 = tpu.memref_slice %arg5[%dma_wait3A_574] : memref<320008xf32, #tpu.memory_space<hbm>> -> memref<128xf32, #tpu.memory_space<hbm>>
        %dma_wait3A_576 = arith.constant 0 : i32
        %dma_wait3A_577 = tpu.memref_slice %arg5[%dma_wait3A_576] : memref<320008xf32, #tpu.memory_space<hbm>> -> memref<128xf32, #tpu.memory_space<hbm>>
        tpu.wait_dma2 semaphore(%arg56 : memref<!tpu.dma_semaphore, #tpu.memory_space<semaphore_mem>>) src(%dma_wait3A_577 : memref<128xf32, #tpu.memory_space<hbm>>) dst(%arg38 : memref<128xf32, #tpu.memory_space<vmem>>)
        %dma_wait3A_578 = arith.constant 0 : i32
        %dma_wait3A_579 = tpu.memref_slice %arg5[%dma_wait3A_578] : memref<320008xf32, #tpu.memory_space<hbm>> -> memref<128xf32, #tpu.memory_space<hbm>>
        %dma_wait3A_580 = arith.constant 0 : i32
        %dma_wait3A_581 = tpu.memref_slice %arg5[%dma_wait3A_580] : memref<320008xf32, #tpu.memory_space<hbm>> -> memref<128xf32, #tpu.memory_space<hbm>>
        tpu.wait_dma2 semaphore(%arg56 : memref<!tpu.dma_semaphore, #tpu.memory_space<semaphore_mem>>) src(%dma_wait3A_581 : memref<128xf32, #tpu.memory_space<hbm>>) dst(%arg39 : memref<128xf32, #tpu.memory_space<vmem>>)
        %dma_wait3A_582 = arith.constant 0 : i32
        %dma_wait3A_583 = tpu.memref_slice %arg5[%dma_wait3A_582] : memref<320008xf32, #tpu.memory_space<hbm>> -> memref<128xf32, #tpu.memory_space<hbm>>
        %dma_wait3A_584 = arith.constant 0 : i32
        %dma_wait3A_585 = tpu.memref_slice %arg5[%dma_wait3A_584] : memref<320008xf32, #tpu.memory_space<hbm>> -> memref<128xf32, #tpu.memory_space<hbm>>
        tpu.wait_dma2 semaphore(%arg56 : memref<!tpu.dma_semaphore, #tpu.memory_space<semaphore_mem>>) src(%dma_wait3A_585 : memref<128xf32, #tpu.memory_space<hbm>>) dst(%arg40 : memref<128xf32, #tpu.memory_space<vmem>>)
      } else {
      }
      %mul3A_480 = arith.constant 2 : i32
      %mul3A_481 = arith.muli %mul3A_480, %scan3A_477 : i32
      %mul3A_482 = arith.constant 128 : i32
      %mul3A_483 = arith.muli %mul3A_481, %mul3A_482 : i32
      %dma_start3A_484 = tpu.memref_slice %arg30[%mul3A_483] : memref<20000xi32, #tpu.memory_space<vmem>> -> memref<128xi32, #tpu.memory_space<vmem>>
      %dma_start3A_485 = arith.constant 0 : i32
      %dma_start3A_486 = tpu.memref_slice %arg22[%dma_start3A_485] : memref<10240xf32, #tpu.memory_space<vmem_shared>> -> memref<10240xf32, #tpu.memory_space<vmem_shared>>
      tpu.enqueue_indirect_dma source(%dma_start3A_486 : memref<10240xf32, #tpu.memory_space<vmem_shared>>) target(%arg38 : memref<128xf32, #tpu.memory_space<vmem>>) offsets(%dma_start3A_484 : memref<128xi32, #tpu.memory_space<vmem>>) semaphore(%arg55 : memref<!tpu.dma_semaphore, #tpu.memory_space<semaphore_mem>>)
      %dma_start3A_487 = tpu.memref_slice %arg30[%mul3A_483] : memref<20000xi32, #tpu.memory_space<vmem>> -> memref<128xi32, #tpu.memory_space<vmem>>
      %dma_start3A_488 = arith.constant 0 : i32
      %dma_start3A_489 = tpu.memref_slice %arg23[%dma_start3A_488] : memref<10240xf32, #tpu.memory_space<vmem_shared>> -> memref<10240xf32, #tpu.memory_space<vmem_shared>>
      tpu.enqueue_indirect_dma source(%dma_start3A_489 : memref<10240xf32, #tpu.memory_space<vmem_shared>>) target(%arg39 : memref<128xf32, #tpu.memory_space<vmem>>) offsets(%dma_start3A_487 : memref<128xi32, #tpu.memory_space<vmem>>) semaphore(%arg55 : memref<!tpu.dma_semaphore, #tpu.memory_space<semaphore_mem>>)
      %dma_start3A_490 = tpu.memref_slice %arg30[%mul3A_483] : memref<20000xi32, #tpu.memory_space<vmem>> -> memref<128xi32, #tpu.memory_space<vmem>>
      %dma_start3A_491 = arith.constant 0 : i32
      %dma_start3A_492 = tpu.memref_slice %arg24[%dma_start3A_491] : memref<10240xf32, #tpu.memory_space<vmem_shared>> -> memref<10240xf32, #tpu.memory_space<vmem_shared>>
      tpu.enqueue_indirect_dma source(%dma_start3A_492 : memref<10240xf32, #tpu.memory_space<vmem_shared>>) target(%arg40 : memref<128xf32, #tpu.memory_space<vmem>>) offsets(%dma_start3A_490 : memref<128xi32, #tpu.memory_space<vmem>>) semaphore(%arg55 : memref<!tpu.dma_semaphore, #tpu.memory_space<semaphore_mem>>)
      %mul3A_493 = arith.constant 2 : i32
      %mul3A_494 = arith.muli %mul3A_493, %scan3A_477 : i32
      %add3A_495 = arith.constant 1 : i32
      %add3A_496 = arith.addi %mul3A_494, %add3A_495 : i32
      %mul3A_497 = arith.constant 128 : i32
      %mul3A_498 = arith.muli %add3A_496, %mul3A_497 : i32
      %dma_start3A_499 = tpu.memref_slice %arg30[%mul3A_498] : memref<20000xi32, #tpu.memory_space<vmem>> -> memref<128xi32, #tpu.memory_space<vmem>>
      %dma_start3A_500 = arith.constant 0 : i32
      %dma_start3A_501 = tpu.memref_slice %arg22[%dma_start3A_500] : memref<10240xf32, #tpu.memory_space<vmem_shared>> -> memref<10240xf32, #tpu.memory_space<vmem_shared>>
      tpu.enqueue_indirect_dma source(%dma_start3A_501 : memref<10240xf32, #tpu.memory_space<vmem_shared>>) target(%arg44 : memref<128xf32, #tpu.memory_space<vmem>>) offsets(%dma_start3A_499 : memref<128xi32, #tpu.memory_space<vmem>>) semaphore(%arg55 : memref<!tpu.dma_semaphore, #tpu.memory_space<semaphore_mem>>)
      %dma_start3A_502 = tpu.memref_slice %arg30[%mul3A_498] : memref<20000xi32, #tpu.memory_space<vmem>> -> memref<128xi32, #tpu.memory_space<vmem>>
      %dma_start3A_503 = arith.constant 0 : i32
      %dma_start3A_504 = tpu.memref_slice %arg23[%dma_start3A_503] : memref<10240xf32, #tpu.memory_space<vmem_shared>> -> memref<10240xf32, #tpu.memory_space<vmem_shared>>
      tpu.enqueue_indirect_dma source(%dma_start3A_504 : memref<10240xf32, #tpu.memory_space<vmem_shared>>) target(%arg45 : memref<128xf32, #tpu.memory_space<vmem>>) offsets(%dma_start3A_502 : memref<128xi32, #tpu.memory_space<vmem>>) semaphore(%arg55 : memref<!tpu.dma_semaphore, #tpu.memory_space<semaphore_mem>>)
      %dma_start3A_505 = tpu.memref_slice %arg30[%mul3A_498] : memref<20000xi32, #tpu.memory_space<vmem>> -> memref<128xi32, #tpu.memory_space<vmem>>
      %dma_start3A_506 = arith.constant 0 : i32
      %dma_start3A_507 = tpu.memref_slice %arg24[%dma_start3A_506] : memref<10240xf32, #tpu.memory_space<vmem_shared>> -> memref<10240xf32, #tpu.memory_space<vmem_shared>>
      tpu.enqueue_indirect_dma source(%dma_start3A_507 : memref<10240xf32, #tpu.memory_space<vmem_shared>>) target(%arg46 : memref<128xf32, #tpu.memory_space<vmem>>) offsets(%dma_start3A_505 : memref<128xi32, #tpu.memory_space<vmem>>) semaphore(%arg55 : memref<!tpu.dma_semaphore, #tpu.memory_space<semaphore_mem>>)
      %dma_wait3A_508 = tpu.memref_slice %arg30[%mul3A_483] : memref<20000xi32, #tpu.memory_space<vmem>> -> memref<128xi32, #tpu.memory_space<vmem>>
      %dma_wait3A_509 = arith.constant 0 : i32
      %dma_wait3A_510 = tpu.memref_slice %arg22[%dma_wait3A_509] : memref<10240xf32, #tpu.memory_space<vmem_shared>> -> memref<10240xf32, #tpu.memory_space<vmem_shared>>
      tpu.wait_indirect_dma semaphore(%arg55 : memref<!tpu.dma_semaphore, #tpu.memory_space<semaphore_mem>>) src(%dma_wait3A_510 : memref<10240xf32, #tpu.memory_space<vmem_shared>>) dst(%arg38 : memref<128xf32, #tpu.memory_space<vmem>>)
      %dma_wait3A_511 = tpu.memref_slice %arg30[%mul3A_483] : memref<20000xi32, #tpu.memory_space<vmem>> -> memref<128xi32, #tpu.memory_space<vmem>>
      %dma_wait3A_512 = arith.constant 0 : i32
      %dma_wait3A_513 = tpu.memref_slice %arg23[%dma_wait3A_512] : memref<10240xf32, #tpu.memory_space<vmem_shared>> -> memref<10240xf32, #tpu.memory_space<vmem_shared>>
      tpu.wait_indirect_dma semaphore(%arg55 : memref<!tpu.dma_semaphore, #tpu.memory_space<semaphore_mem>>) src(%dma_wait3A_513 : memref<10240xf32, #tpu.memory_space<vmem_shared>>) dst(%arg39 : memref<128xf32, #tpu.memory_space<vmem>>)
      %dma_wait3A_514 = tpu.memref_slice %arg30[%mul3A_483] : memref<20000xi32, #tpu.memory_space<vmem>> -> memref<128xi32, #tpu.memory_space<vmem>>
      %dma_wait3A_515 = arith.constant 0 : i32
      %dma_wait3A_516 = tpu.memref_slice %arg24[%dma_wait3A_515] : memref<10240xf32, #tpu.memory_space<vmem_shared>> -> memref<10240xf32, #tpu.memory_space<vmem_shared>>
      tpu.wait_indirect_dma semaphore(%arg55 : memref<!tpu.dma_semaphore, #tpu.memory_space<semaphore_mem>>) src(%dma_wait3A_516 : memref<10240xf32, #tpu.memory_space<vmem_shared>>) dst(%arg40 : memref<128xf32, #tpu.memory_space<vmem>>)
      %mul3A_517 = arith.constant 2 : i32
      %mul3A_518 = arith.muli %mul3A_517, %scan3A_477 : i32
      %dma_start3A_519 = arith.constant 0 : i32
      %dma_start3A_520 = tpu.memref_slice %arg28[%mul3A_518, %dma_start3A_519] : memref<156x128xi32, #tpu.memory_space<vmem>> -> memref<1x128xi32, #tpu.memory_space<vmem>>
      %dma_start3A_521 = tpu.memref_squeeze %dma_start3A_520 : memref<1x128xi32, #tpu.memory_space<vmem>> -> memref<128xi32, #tpu.memory_space<vmem>>
      %dma_start3A_522 = arith.constant 0 : i32
      %dma_start3A_523 = tpu.memref_slice %arg25[%dma_start3A_522] : memref<10240xf32, #tpu.memory_space<vmem_shared>> -> memref<10240xf32, #tpu.memory_space<vmem_shared>>
      tpu.enqueue_indirect_dma source(%arg38 : memref<128xf32, #tpu.memory_space<vmem>>) target(%dma_start3A_523 : memref<10240xf32, #tpu.memory_space<vmem_shared>>) offsets(%dma_start3A_521 : memref<128xi32, #tpu.memory_space<vmem>>) semaphore(%arg56 : memref<!tpu.dma_semaphore, #tpu.memory_space<semaphore_mem>>) {add = true}
      %dma_start3A_524 = arith.constant 0 : i32
      %dma_start3A_525 = tpu.memref_slice %arg28[%mul3A_518, %dma_start3A_524] : memref<156x128xi32, #tpu.memory_space<vmem>> -> memref<1x128xi32, #tpu.memory_space<vmem>>
      %dma_start3A_526 = tpu.memref_squeeze %dma_start3A_525 : memref<1x128xi32, #tpu.memory_space<vmem>> -> memref<128xi32, #tpu.memory_space<vmem>>
      %dma_start3A_527 = arith.constant 0 : i32
      %dma_start3A_528 = tpu.memref_slice %arg26[%dma_start3A_527] : memref<10240xf32, #tpu.memory_space<vmem_shared>> -> memref<10240xf32, #tpu.memory_space<vmem_shared>>
      tpu.enqueue_indirect_dma source(%arg39 : memref<128xf32, #tpu.memory_space<vmem>>) target(%dma_start3A_528 : memref<10240xf32, #tpu.memory_space<vmem_shared>>) offsets(%dma_start3A_526 : memref<128xi32, #tpu.memory_space<vmem>>) semaphore(%arg56 : memref<!tpu.dma_semaphore, #tpu.memory_space<semaphore_mem>>) {add = true}
      %dma_start3A_529 = arith.constant 0 : i32
      %dma_start3A_530 = tpu.memref_slice %arg28[%mul3A_518, %dma_start3A_529] : memref<156x128xi32, #tpu.memory_space<vmem>> -> memref<1x128xi32, #tpu.memory_space<vmem>>
      %dma_start3A_531 = tpu.memref_squeeze %dma_start3A_530 : memref<1x128xi32, #tpu.memory_space<vmem>> -> memref<128xi32, #tpu.memory_space<vmem>>
      %dma_start3A_532 = arith.constant 0 : i32
      %dma_start3A_533 = tpu.memref_slice %arg27[%dma_start3A_532] : memref<10240xf32, #tpu.memory_space<vmem_shared>> -> memref<10240xf32, #tpu.memory_space<vmem_shared>>
      tpu.enqueue_indirect_dma source(%arg40 : memref<128xf32, #tpu.memory_space<vmem>>) target(%dma_start3A_533 : memref<10240xf32, #tpu.memory_space<vmem_shared>>) offsets(%dma_start3A_531 : memref<128xi32, #tpu.memory_space<vmem>>) semaphore(%arg56 : memref<!tpu.dma_semaphore, #tpu.memory_space<semaphore_mem>>) {add = true}
      %dma_wait3A_534 = tpu.memref_slice %arg30[%mul3A_498] : memref<20000xi32, #tpu.memory_space<vmem>> -> memref<128xi32, #tpu.memory_space<vmem>>
      %dma_wait3A_535 = arith.constant 0 : i32
      %dma_wait3A_536 = tpu.memref_slice %arg22[%dma_wait3A_535] : memref<10240xf32, #tpu.memory_space<vmem_shared>> -> memref<10240xf32, #tpu.memory_space<vmem_shared>>
      tpu.wait_indirect_dma semaphore(%arg55 : memref<!tpu.dma_semaphore, #tpu.memory_space<semaphore_mem>>) src(%dma_wait3A_536 : memref<10240xf32, #tpu.memory_space<vmem_shared>>) dst(%arg44 : memref<128xf32, #tpu.memory_space<vmem>>)
      %dma_wait3A_537 = tpu.memref_slice %arg30[%mul3A_498] : memref<20000xi32, #tpu.memory_space<vmem>> -> memref<128xi32, #tpu.memory_space<vmem>>
      %dma_wait3A_538 = arith.constant 0 : i32
      %dma_wait3A_539 = tpu.memref_slice %arg23[%dma_wait3A_538] : memref<10240xf32, #tpu.memory_space<vmem_shared>> -> memref<10240xf32, #tpu.memory_space<vmem_shared>>
      tpu.wait_indirect_dma semaphore(%arg55 : memref<!tpu.dma_semaphore, #tpu.memory_space<semaphore_mem>>) src(%dma_wait3A_539 : memref<10240xf32, #tpu.memory_space<vmem_shared>>) dst(%arg45 : memref<128xf32, #tpu.memory_space<vmem>>)
      %dma_wait3A_540 = tpu.memref_slice %arg30[%mul3A_498] : memref<20000xi32, #tpu.memory_space<vmem>> -> memref<128xi32, #tpu.memory_space<vmem>>
      %dma_wait3A_541 = arith.constant 0 : i32
      %dma_wait3A_542 = tpu.memref_slice %arg24[%dma_wait3A_541] : memref<10240xf32, #tpu.memory_space<vmem_shared>> -> memref<10240xf32, #tpu.memory_space<vmem_shared>>
      tpu.wait_indirect_dma semaphore(%arg55 : memref<!tpu.dma_semaphore, #tpu.memory_space<semaphore_mem>>) src(%dma_wait3A_542 : memref<10240xf32, #tpu.memory_space<vmem_shared>>) dst(%arg46 : memref<128xf32, #tpu.memory_space<vmem>>)
      %mul3A_543 = arith.constant 2 : i32
      %mul3A_544 = arith.muli %mul3A_543, %scan3A_477 : i32
      %add3A_545 = arith.constant 1 : i32
      %add3A_546 = arith.addi %mul3A_544, %add3A_545 : i32
      %dma_start3A_547 = arith.constant 0 : i32
      %dma_start3A_548 = tpu.memref_slice %arg28[%add3A_546, %dma_start3A_547] : memref<156x128xi32, #tpu.memory_space<vmem>> -> memref<1x128xi32, #tpu.memory_space<vmem>>
      %dma_start3A_549 = tpu.memref_squeeze %dma_start3A_548 : memref<1x128xi32, #tpu.memory_space<vmem>> -> memref<128xi32, #tpu.memory_space<vmem>>
      %dma_start3A_550 = arith.constant 0 : i32
      %dma_start3A_551 = tpu.memref_slice %arg25[%dma_start3A_550] : memref<10240xf32, #tpu.memory_space<vmem_shared>> -> memref<10240xf32, #tpu.memory_space<vmem_shared>>
      tpu.enqueue_indirect_dma source(%arg44 : memref<128xf32, #tpu.memory_space<vmem>>) target(%dma_start3A_551 : memref<10240xf32, #tpu.memory_space<vmem_shared>>) offsets(%dma_start3A_549 : memref<128xi32, #tpu.memory_space<vmem>>) semaphore(%arg56 : memref<!tpu.dma_semaphore, #tpu.memory_space<semaphore_mem>>) {add = true}
      %dma_start3A_552 = arith.constant 0 : i32
      %dma_start3A_553 = tpu.memref_slice %arg28[%add3A_546, %dma_start3A_552] : memref<156x128xi32, #tpu.memory_space<vmem>> -> memref<1x128xi32, #tpu.memory_space<vmem>>
      %dma_start3A_554 = tpu.memref_squeeze %dma_start3A_553 : memref<1x128xi32, #tpu.memory_space<vmem>> -> memref<128xi32, #tpu.memory_space<vmem>>
      %dma_start3A_555 = arith.constant 0 : i32
      %dma_start3A_556 = tpu.memref_slice %arg26[%dma_start3A_555] : memref<10240xf32, #tpu.memory_space<vmem_shared>> -> memref<10240xf32, #tpu.memory_space<vmem_shared>>
      tpu.enqueue_indirect_dma source(%arg45 : memref<128xf32, #tpu.memory_space<vmem>>) target(%dma_start3A_556 : memref<10240xf32, #tpu.memory_space<vmem_shared>>) offsets(%dma_start3A_554 : memref<128xi32, #tpu.memory_space<vmem>>) semaphore(%arg56 : memref<!tpu.dma_semaphore, #tpu.memory_space<semaphore_mem>>) {add = true}
      %dma_start3A_557 = arith.constant 0 : i32
      %dma_start3A_558 = tpu.memref_slice %arg28[%add3A_546, %dma_start3A_557] : memref<156x128xi32, #tpu.memory_space<vmem>> -> memref<1x128xi32, #tpu.memory_space<vmem>>
      %dma_start3A_559 = tpu.memref_squeeze %dma_start3A_558 : memref<1x128xi32, #tpu.memory_space<vmem>> -> memref<128xi32, #tpu.memory_space<vmem>>
      %dma_start3A_560 = arith.constant 0 : i32
      %dma_start3A_561 = tpu.memref_slice %arg27[%dma_start3A_560] : memref<10240xf32, #tpu.memory_space<vmem_shared>> -> memref<10240xf32, #tpu.memory_space<vmem_shared>>
      tpu.enqueue_indirect_dma source(%arg46 : memref<128xf32, #tpu.memory_space<vmem>>) target(%dma_start3A_561 : memref<10240xf32, #tpu.memory_space<vmem_shared>>) offsets(%dma_start3A_559 : memref<128xi32, #tpu.memory_space<vmem>>) semaphore(%arg56 : memref<!tpu.dma_semaphore, #tpu.memory_space<semaphore_mem>>) {add = true}
    }
    %scan3A_424 = arith.constant 78 : i32
    %dma_wait3A_425 = arith.constant 0 : i32
    %dma_wait3A_426 = tpu.memref_slice %arg5[%dma_wait3A_425] : memref<320008xf32, #tpu.memory_space<hbm>> -> memref<128xf32, #tpu.memory_space<hbm>>
    %dma_wait3A_427 = arith.constant 0 : i32
    %dma_wait3A_428 = tpu.memref_slice %arg5[%dma_wait3A_427] : memref<320008xf32, #tpu.memory_space<hbm>> -> memref<128xf32, #tpu.memory_space<hbm>>
    tpu.wait_dma2 semaphore(%arg56 : memref<!tpu.dma_semaphore, #tpu.memory_space<semaphore_mem>>) src(%dma_wait3A_428 : memref<128xf32, #tpu.memory_space<hbm>>) dst(%arg38 : memref<128xf32, #tpu.memory_space<vmem>>)
    %dma_wait3A_429 = arith.constant 0 : i32
    %dma_wait3A_430 = tpu.memref_slice %arg5[%dma_wait3A_429] : memref<320008xf32, #tpu.memory_space<hbm>> -> memref<128xf32, #tpu.memory_space<hbm>>
    %dma_wait3A_431 = arith.constant 0 : i32
    %dma_wait3A_432 = tpu.memref_slice %arg5[%dma_wait3A_431] : memref<320008xf32, #tpu.memory_space<hbm>> -> memref<128xf32, #tpu.memory_space<hbm>>
    tpu.wait_dma2 semaphore(%arg56 : memref<!tpu.dma_semaphore, #tpu.memory_space<semaphore_mem>>) src(%dma_wait3A_432 : memref<128xf32, #tpu.memory_space<hbm>>) dst(%arg39 : memref<128xf32, #tpu.memory_space<vmem>>)
    %dma_wait3A_433 = arith.constant 0 : i32
    %dma_wait3A_434 = tpu.memref_slice %arg5[%dma_wait3A_433] : memref<320008xf32, #tpu.memory_space<hbm>> -> memref<128xf32, #tpu.memory_space<hbm>>
    %dma_wait3A_435 = arith.constant 0 : i32
    %dma_wait3A_436 = tpu.memref_slice %arg5[%dma_wait3A_435] : memref<320008xf32, #tpu.memory_space<hbm>> -> memref<128xf32, #tpu.memory_space<hbm>>
    tpu.wait_dma2 semaphore(%arg56 : memref<!tpu.dma_semaphore, #tpu.memory_space<semaphore_mem>>) src(%dma_wait3A_436 : memref<128xf32, #tpu.memory_space<hbm>>) dst(%arg40 : memref<128xf32, #tpu.memory_space<vmem>>)
    %dma_wait3A_437 = arith.constant 0 : i32
    %dma_wait3A_438 = tpu.memref_slice %arg5[%dma_wait3A_437] : memref<320008xf32, #tpu.memory_space<hbm>> -> memref<128xf32, #tpu.memory_space<hbm>>
    %dma_wait3A_439 = arith.constant 0 : i32
    %dma_wait3A_440 = tpu.memref_slice %arg5[%dma_wait3A_439] : memref<320008xf32, #tpu.memory_space<hbm>> -> memref<128xf32, #tpu.memory_space<hbm>>
    tpu.wait_dma2 semaphore(%arg56 : memref<!tpu.dma_semaphore, #tpu.memory_space<semaphore_mem>>) src(%dma_wait3A_440 : memref<128xf32, #tpu.memory_space<hbm>>) dst(%arg38 : memref<128xf32, #tpu.memory_space<vmem>>)
    %dma_wait3A_441 = arith.constant 0 : i32
    %dma_wait3A_442 = tpu.memref_slice %arg5[%dma_wait3A_441] : memref<320008xf32, #tpu.memory_space<hbm>> -> memref<128xf32, #tpu.memory_space<hbm>>
    %dma_wait3A_443 = arith.constant 0 : i32
    %dma_wait3A_444 = tpu.memref_slice %arg5[%dma_wait3A_443] : memref<320008xf32, #tpu.memory_space<hbm>> -> memref<128xf32, #tpu.memory_space<hbm>>
    tpu.wait_dma2 semaphore(%arg56 : memref<!tpu.dma_semaphore, #tpu.memory_space<semaphore_mem>>) src(%dma_wait3A_444 : memref<128xf32, #tpu.memory_space<hbm>>) dst(%arg39 : memref<128xf32, #tpu.memory_space<vmem>>)
    %dma_wait3A_445 = arith.constant 0 : i32
    %dma_wait3A_446 = tpu.memref_slice %arg5[%dma_wait3A_445] : memref<320008xf32, #tpu.memory_space<hbm>> -> memref<128xf32, #tpu.memory_space<hbm>>
    %dma_wait3A_447 = arith.constant 0 : i32
    %dma_wait3A_448 = tpu.memref_slice %arg5[%dma_wait3A_447] : memref<320008xf32, #tpu.memory_space<hbm>> -> memref<128xf32, #tpu.memory_space<hbm>>
    tpu.wait_dma2 semaphore(%arg56 : memref<!tpu.dma_semaphore, #tpu.memory_space<semaphore_mem>>) src(%dma_wait3A_448 : memref<128xf32, #tpu.memory_space<hbm>>) dst(%arg40 : memref<128xf32, #tpu.memory_space<vmem>>)
    "tpu.region"() ({
      %run_scoped3A = tpu.sem_alloc : memref<!tpu.dma_semaphore, #tpu.memory_space<semaphore_mem>>
      %dma_start3A_477 = arith.constant 0 : i32
      %dma_start3A_478 = tpu.memref_slice %arg38[%dma_start3A_477] : memref<128xf32, #tpu.memory_space<vmem>> -> memref<32xf32, #tpu.memory_space<vmem>>
      %dma_start3A_479 = arith.constant 19968 : i32
      %dma_start3A_480 = tpu.memref_slice %arg30[%dma_start3A_479] : memref<20000xi32, #tpu.memory_space<vmem>> -> memref<32xi32, #tpu.memory_space<vmem>>
      %dma_start3A_481 = arith.constant 0 : i32
      %dma_start3A_482 = tpu.memref_slice %arg22[%dma_start3A_481] : memref<10240xf32, #tpu.memory_space<vmem_shared>> -> memref<10240xf32, #tpu.memory_space<vmem_shared>>
      tpu.enqueue_indirect_dma source(%dma_start3A_482 : memref<10240xf32, #tpu.memory_space<vmem_shared>>) target(%dma_start3A_478 : memref<32xf32, #tpu.memory_space<vmem>>) offsets(%dma_start3A_480 : memref<32xi32, #tpu.memory_space<vmem>>) semaphore(%run_scoped3A : memref<!tpu.dma_semaphore, #tpu.memory_space<semaphore_mem>>)
      %dma_wait3A_483 = arith.constant 0 : i32
      %dma_wait3A_484 = tpu.memref_slice %arg38[%dma_wait3A_483] : memref<128xf32, #tpu.memory_space<vmem>> -> memref<32xf32, #tpu.memory_space<vmem>>
      %dma_wait3A_485 = arith.constant 19968 : i32
      %dma_wait3A_486 = tpu.memref_slice %arg30[%dma_wait3A_485] : memref<20000xi32, #tpu.memory_space<vmem>> -> memref<32xi32, #tpu.memory_space<vmem>>
      %dma_wait3A_487 = arith.constant 0 : i32
      %dma_wait3A_488 = tpu.memref_slice %arg22[%dma_wait3A_487] : memref<10240xf32, #tpu.memory_space<vmem_shared>> -> memref<10240xf32, #tpu.memory_space<vmem_shared>>
      tpu.wait_indirect_dma semaphore(%run_scoped3A : memref<!tpu.dma_semaphore, #tpu.memory_space<semaphore_mem>>) src(%dma_wait3A_488 : memref<10240xf32, #tpu.memory_space<vmem_shared>>) dst(%dma_wait3A_484 : memref<32xf32, #tpu.memory_space<vmem>>)
      tpu.yield
    }) : () -> ()
    "tpu.region"() ({
      %run_scoped3A = tpu.sem_alloc : memref<!tpu.dma_semaphore, #tpu.memory_space<semaphore_mem>>
      %dma_start3A_477 = arith.constant 0 : i32
      %dma_start3A_478 = tpu.memref_slice %arg38[%dma_start3A_477] : memref<128xf32, #tpu.memory_space<vmem>> -> memref<32xf32, #tpu.memory_space<vmem>>
      %dma_start3A_479 = arith.constant 0 : i32
      %dma_start3A_480 = tpu.memref_slice %arg25[%dma_start3A_479] : memref<10240xf32, #tpu.memory_space<vmem_shared>> -> memref<10240xf32, #tpu.memory_space<vmem_shared>>
      tpu.enqueue_indirect_dma source(%dma_start3A_478 : memref<32xf32, #tpu.memory_space<vmem>>) target(%dma_start3A_480 : memref<10240xf32, #tpu.memory_space<vmem_shared>>) offsets(%arg29 : memref<32xi32, #tpu.memory_space<vmem>>) semaphore(%run_scoped3A : memref<!tpu.dma_semaphore, #tpu.memory_space<semaphore_mem>>) {add = true}
      %dma_wait3A_481 = arith.constant 0 : i32
      %dma_wait3A_482 = tpu.memref_slice %arg38[%dma_wait3A_481] : memref<128xf32, #tpu.memory_space<vmem>> -> memref<32xf32, #tpu.memory_space<vmem>>
      %dma_wait3A_483 = arith.constant 0 : i32
      %dma_wait3A_484 = tpu.memref_slice %arg25[%dma_wait3A_483] : memref<10240xf32, #tpu.memory_space<vmem_shared>> -> memref<10240xf32, #tpu.memory_space<vmem_shared>>
      tpu.wait_indirect_dma semaphore(%run_scoped3A : memref<!tpu.dma_semaphore, #tpu.memory_space<semaphore_mem>>) src(%dma_wait3A_482 : memref<32xf32, #tpu.memory_space<vmem>>) dst(%dma_wait3A_484 : memref<10240xf32, #tpu.memory_space<vmem_shared>>)
      tpu.yield
    }) : () -> ()
    "tpu.region"() ({
      %run_scoped3A = tpu.sem_alloc : memref<!tpu.dma_semaphore, #tpu.memory_space<semaphore_mem>>
      %dma_start3A_477 = arith.constant 0 : i32
      %dma_start3A_478 = tpu.memref_slice %arg39[%dma_start3A_477] : memref<128xf32, #tpu.memory_space<vmem>> -> memref<32xf32, #tpu.memory_space<vmem>>
      %dma_start3A_479 = arith.constant 19968 : i32
      %dma_start3A_480 = tpu.memref_slice %arg30[%dma_start3A_479] : memref<20000xi32, #tpu.memory_space<vmem>> -> memref<32xi32, #tpu.memory_space<vmem>>
      %dma_start3A_481 = arith.constant 0 : i32
      %dma_start3A_482 = tpu.memref_slice %arg23[%dma_start3A_481] : memref<10240xf32, #tpu.memory_space<vmem_shared>> -> memref<10240xf32, #tpu.memory_space<vmem_shared>>
      tpu.enqueue_indirect_dma source(%dma_start3A_482 : memref<10240xf32, #tpu.memory_space<vmem_shared>>) target(%dma_start3A_478 : memref<32xf32, #tpu.memory_space<vmem>>) offsets(%dma_start3A_480 : memref<32xi32, #tpu.memory_space<vmem>>) semaphore(%run_scoped3A : memref<!tpu.dma_semaphore, #tpu.memory_space<semaphore_mem>>)
      %dma_wait3A_483 = arith.constant 0 : i32
      %dma_wait3A_484 = tpu.memref_slice %arg39[%dma_wait3A_483] : memref<128xf32, #tpu.memory_space<vmem>> -> memref<32xf32, #tpu.memory_space<vmem>>
      %dma_wait3A_485 = arith.constant 19968 : i32
      %dma_wait3A_486 = tpu.memref_slice %arg30[%dma_wait3A_485] : memref<20000xi32, #tpu.memory_space<vmem>> -> memref<32xi32, #tpu.memory_space<vmem>>
      %dma_wait3A_487 = arith.constant 0 : i32
      %dma_wait3A_488 = tpu.memref_slice %arg23[%dma_wait3A_487] : memref<10240xf32, #tpu.memory_space<vmem_shared>> -> memref<10240xf32, #tpu.memory_space<vmem_shared>>
      tpu.wait_indirect_dma semaphore(%run_scoped3A : memref<!tpu.dma_semaphore, #tpu.memory_space<semaphore_mem>>) src(%dma_wait3A_488 : memref<10240xf32, #tpu.memory_space<vmem_shared>>) dst(%dma_wait3A_484 : memref<32xf32, #tpu.memory_space<vmem>>)
      tpu.yield
    }) : () -> ()
    "tpu.region"() ({
      %run_scoped3A = tpu.sem_alloc : memref<!tpu.dma_semaphore, #tpu.memory_space<semaphore_mem>>
      %dma_start3A_477 = arith.constant 0 : i32
      %dma_start3A_478 = tpu.memref_slice %arg39[%dma_start3A_477] : memref<128xf32, #tpu.memory_space<vmem>> -> memref<32xf32, #tpu.memory_space<vmem>>
      %dma_start3A_479 = arith.constant 0 : i32
      %dma_start3A_480 = tpu.memref_slice %arg26[%dma_start3A_479] : memref<10240xf32, #tpu.memory_space<vmem_shared>> -> memref<10240xf32, #tpu.memory_space<vmem_shared>>
      tpu.enqueue_indirect_dma source(%dma_start3A_478 : memref<32xf32, #tpu.memory_space<vmem>>) target(%dma_start3A_480 : memref<10240xf32, #tpu.memory_space<vmem_shared>>) offsets(%arg29 : memref<32xi32, #tpu.memory_space<vmem>>) semaphore(%run_scoped3A : memref<!tpu.dma_semaphore, #tpu.memory_space<semaphore_mem>>) {add = true}
      %dma_wait3A_481 = arith.constant 0 : i32
      %dma_wait3A_482 = tpu.memref_slice %arg39[%dma_wait3A_481] : memref<128xf32, #tpu.memory_space<vmem>> -> memref<32xf32, #tpu.memory_space<vmem>>
      %dma_wait3A_483 = arith.constant 0 : i32
      %dma_wait3A_484 = tpu.memref_slice %arg26[%dma_wait3A_483] : memref<10240xf32, #tpu.memory_space<vmem_shared>> -> memref<10240xf32, #tpu.memory_space<vmem_shared>>
      tpu.wait_indirect_dma semaphore(%run_scoped3A : memref<!tpu.dma_semaphore, #tpu.memory_space<semaphore_mem>>) src(%dma_wait3A_482 : memref<32xf32, #tpu.memory_space<vmem>>) dst(%dma_wait3A_484 : memref<10240xf32, #tpu.memory_space<vmem_shared>>)
      tpu.yield
    }) : () -> ()
    "tpu.region"() ({
      %run_scoped3A = tpu.sem_alloc : memref<!tpu.dma_semaphore, #tpu.memory_space<semaphore_mem>>
      %dma_start3A_477 = arith.constant 0 : i32
      %dma_start3A_478 = tpu.memref_slice %arg40[%dma_start3A_477] : memref<128xf32, #tpu.memory_space<vmem>> -> memref<32xf32, #tpu.memory_space<vmem>>
      %dma_start3A_479 = arith.constant 19968 : i32
      %dma_start3A_480 = tpu.memref_slice %arg30[%dma_start3A_479] : memref<20000xi32, #tpu.memory_space<vmem>> -> memref<32xi32, #tpu.memory_space<vmem>>
      %dma_start3A_481 = arith.constant 0 : i32
      %dma_start3A_482 = tpu.memref_slice %arg24[%dma_start3A_481] : memref<10240xf32, #tpu.memory_space<vmem_shared>> -> memref<10240xf32, #tpu.memory_space<vmem_shared>>
      tpu.enqueue_indirect_dma source(%dma_start3A_482 : memref<10240xf32, #tpu.memory_space<vmem_shared>>) target(%dma_start3A_478 : memref<32xf32, #tpu.memory_space<vmem>>) offsets(%dma_start3A_480 : memref<32xi32, #tpu.memory_space<vmem>>) semaphore(%run_scoped3A : memref<!tpu.dma_semaphore, #tpu.memory_space<semaphore_mem>>)
      %dma_wait3A_483 = arith.constant 0 : i32
      %dma_wait3A_484 = tpu.memref_slice %arg40[%dma_wait3A_483] : memref<128xf32, #tpu.memory_space<vmem>> -> memref<32xf32, #tpu.memory_space<vmem>>
      %dma_wait3A_485 = arith.constant 19968 : i32
      %dma_wait3A_486 = tpu.memref_slice %arg30[%dma_wait3A_485] : memref<20000xi32, #tpu.memory_space<vmem>> -> memref<32xi32, #tpu.memory_space<vmem>>
      %dma_wait3A_487 = arith.constant 0 : i32
      %dma_wait3A_488 = tpu.memref_slice %arg24[%dma_wait3A_487] : memref<10240xf32, #tpu.memory_space<vmem_shared>> -> memref<10240xf32, #tpu.memory_space<vmem_shared>>
      tpu.wait_indirect_dma semaphore(%run_scoped3A : memref<!tpu.dma_semaphore, #tpu.memory_space<semaphore_mem>>) src(%dma_wait3A_488 : memref<10240xf32, #tpu.memory_space<vmem_shared>>) dst(%dma_wait3A_484 : memref<32xf32, #tpu.memory_space<vmem>>)
      tpu.yield
    }) : () -> ()
    "tpu.region"() ({
      %run_scoped3A = tpu.sem_alloc : memref<!tpu.dma_semaphore, #tpu.memory_space<semaphore_mem>>
      %dma_start3A_477 = arith.constant 0 : i32
      %dma_start3A_478 = tpu.memref_slice %arg40[%dma_start3A_477] : memref<128xf32, #tpu.memory_space<vmem>> -> memref<32xf32, #tpu.memory_space<vmem>>
      %dma_start3A_479 = arith.constant 0 : i32
      %dma_start3A_480 = tpu.memref_slice %arg27[%dma_start3A_479] : memref<10240xf32, #tpu.memory_space<vmem_shared>> -> memref<10240xf32, #tpu.memory_space<vmem_shared>>
      tpu.enqueue_indirect_dma source(%dma_start3A_478 : memref<32xf32, #tpu.memory_space<vmem>>) target(%dma_start3A_480 : memref<10240xf32, #tpu.memory_space<vmem_shared>>) offsets(%arg29 : memref<32xi32, #tpu.memory_space<vmem>>) semaphore(%run_scoped3A : memref<!tpu.dma_semaphore, #tpu.memory_space<semaphore_mem>>) {add = true}
      %dma_wait3A_481 = arith.constant 0 : i32
      %dma_wait3A_482 = tpu.memref_slice %arg40[%dma_wait3A_481] : memref<128xf32, #tpu.memory_space<vmem>> -> memref<32xf32, #tpu.memory_space<vmem>>
      %dma_wait3A_483 = arith.constant 0 : i32
      %dma_wait3A_484 = tpu.memref_slice %arg27[%dma_wait3A_483] : memref<10240xf32, #tpu.memory_space<vmem_shared>> -> memref<10240xf32, #tpu.memory_space<vmem_shared>>
      tpu.wait_indirect_dma semaphore(%run_scoped3A : memref<!tpu.dma_semaphore, #tpu.memory_space<semaphore_mem>>) src(%dma_wait3A_482 : memref<32xf32, #tpu.memory_space<vmem>>) dst(%dma_wait3A_484 : memref<10240xf32, #tpu.memory_space<vmem_shared>>)
      tpu.yield
    }) : () -> ()
    %barrier3A_449 = arith.constant 0 : index
    tpu.barrier barrier_id(%barrier3A_449)
    "tpu.region"() ({
      %run_scoped3A = tpu.sem_alloc : memref<!tpu.dma_semaphore, #tpu.memory_space<semaphore_mem>>
      %dma_start3A_477 = arith.constant 0 : i32
      %dma_start3A_478 = tpu.memref_slice %arg52[%dma_start3A_477] : memref<1920xf32, #tpu.memory_space<vmem>> -> memref<640xf32, #tpu.memory_space<vmem>>
      %dma_start3A_479 = tpu.memref_slice %arg25[%mul3A_0] : memref<10240xf32, #tpu.memory_space<vmem_shared>> -> memref<640xf32, #tpu.memory_space<vmem_shared>>
      %dma_start3A_480 = arith.constant 0 : i32
      %dma_start3A_481 = tpu.memref_slice %arg52[%dma_start3A_480] : memref<1920xf32, #tpu.memory_space<vmem>> -> memref<640xf32, #tpu.memory_space<vmem>>
      %dma_start3A_482 = tpu.memref_slice %arg25[%mul3A_0] : memref<10240xf32, #tpu.memory_space<vmem_shared>> -> memref<640xf32, #tpu.memory_space<vmem_shared>>
      tpu.enqueue_dma source(%dma_start3A_482 : memref<640xf32, #tpu.memory_space<vmem_shared>>) target(%dma_start3A_481 : memref<640xf32, #tpu.memory_space<vmem>>) target_semaphore(%run_scoped3A : memref<!tpu.dma_semaphore, #tpu.memory_space<semaphore_mem>>)
      %dma_wait3A_483 = arith.constant 0 : i32
      %dma_wait3A_484 = tpu.memref_slice %arg52[%dma_wait3A_483] : memref<1920xf32, #tpu.memory_space<vmem>> -> memref<640xf32, #tpu.memory_space<vmem>>
      %dma_wait3A_485 = tpu.memref_slice %arg25[%mul3A_0] : memref<10240xf32, #tpu.memory_space<vmem_shared>> -> memref<640xf32, #tpu.memory_space<vmem_shared>>
      %dma_wait3A_486 = arith.constant 0 : i32
      %dma_wait3A_487 = tpu.memref_slice %arg52[%dma_wait3A_486] : memref<1920xf32, #tpu.memory_space<vmem>> -> memref<640xf32, #tpu.memory_space<vmem>>
      %dma_wait3A_488 = tpu.memref_slice %arg25[%mul3A_0] : memref<10240xf32, #tpu.memory_space<vmem_shared>> -> memref<640xf32, #tpu.memory_space<vmem_shared>>
      tpu.wait_dma2 semaphore(%run_scoped3A : memref<!tpu.dma_semaphore, #tpu.memory_space<semaphore_mem>>) src(%dma_wait3A_488 : memref<640xf32, #tpu.memory_space<vmem_shared>>) dst(%dma_wait3A_487 : memref<640xf32, #tpu.memory_space<vmem>>)
      tpu.yield
    }) : () -> ()
    "tpu.region"() ({
      %run_scoped3A = tpu.sem_alloc : memref<!tpu.dma_semaphore, #tpu.memory_space<semaphore_mem>>
      %dma_start3A_477 = arith.constant 640 : i32
      %dma_start3A_478 = tpu.memref_slice %arg52[%dma_start3A_477] : memref<1920xf32, #tpu.memory_space<vmem>> -> memref<640xf32, #tpu.memory_space<vmem>>
      %dma_start3A_479 = tpu.memref_slice %arg26[%mul3A_0] : memref<10240xf32, #tpu.memory_space<vmem_shared>> -> memref<640xf32, #tpu.memory_space<vmem_shared>>
      %dma_start3A_480 = arith.constant 640 : i32
      %dma_start3A_481 = tpu.memref_slice %arg52[%dma_start3A_480] : memref<1920xf32, #tpu.memory_space<vmem>> -> memref<640xf32, #tpu.memory_space<vmem>>
      %dma_start3A_482 = tpu.memref_slice %arg26[%mul3A_0] : memref<10240xf32, #tpu.memory_space<vmem_shared>> -> memref<640xf32, #tpu.memory_space<vmem_shared>>
      tpu.enqueue_dma source(%dma_start3A_482 : memref<640xf32, #tpu.memory_space<vmem_shared>>) target(%dma_start3A_481 : memref<640xf32, #tpu.memory_space<vmem>>) target_semaphore(%run_scoped3A : memref<!tpu.dma_semaphore, #tpu.memory_space<semaphore_mem>>)
      %dma_wait3A_483 = arith.constant 640 : i32
      %dma_wait3A_484 = tpu.memref_slice %arg52[%dma_wait3A_483] : memref<1920xf32, #tpu.memory_space<vmem>> -> memref<640xf32, #tpu.memory_space<vmem>>
      %dma_wait3A_485 = tpu.memref_slice %arg26[%mul3A_0] : memref<10240xf32, #tpu.memory_space<vmem_shared>> -> memref<640xf32, #tpu.memory_space<vmem_shared>>
      %dma_wait3A_486 = arith.constant 640 : i32
      %dma_wait3A_487 = tpu.memref_slice %arg52[%dma_wait3A_486] : memref<1920xf32, #tpu.memory_space<vmem>> -> memref<640xf32, #tpu.memory_space<vmem>>
      %dma_wait3A_488 = tpu.memref_slice %arg26[%mul3A_0] : memref<10240xf32, #tpu.memory_space<vmem_shared>> -> memref<640xf32, #tpu.memory_space<vmem_shared>>
      tpu.wait_dma2 semaphore(%run_scoped3A : memref<!tpu.dma_semaphore, #tpu.memory_space<semaphore_mem>>) src(%dma_wait3A_488 : memref<640xf32, #tpu.memory_space<vmem_shared>>) dst(%dma_wait3A_487 : memref<640xf32, #tpu.memory_space<vmem>>)
      tpu.yield
    }) : () -> ()
    "tpu.region"() ({
      %run_scoped3A = tpu.sem_alloc : memref<!tpu.dma_semaphore, #tpu.memory_space<semaphore_mem>>
      %dma_start3A_477 = arith.constant 1280 : i32
      %dma_start3A_478 = tpu.memref_slice %arg52[%dma_start3A_477] : memref<1920xf32, #tpu.memory_space<vmem>> -> memref<640xf32, #tpu.memory_space<vmem>>
      %dma_start3A_479 = tpu.memref_slice %arg27[%mul3A_0] : memref<10240xf32, #tpu.memory_space<vmem_shared>> -> memref<640xf32, #tpu.memory_space<vmem_shared>>
      %dma_start3A_480 = arith.constant 1280 : i32
      %dma_start3A_481 = tpu.memref_slice %arg52[%dma_start3A_480] : memref<1920xf32, #tpu.memory_space<vmem>> -> memref<640xf32, #tpu.memory_space<vmem>>
      %dma_start3A_482 = tpu.memref_slice %arg27[%mul3A_0] : memref<10240xf32, #tpu.memory_space<vmem_shared>> -> memref<640xf32, #tpu.memory_space<vmem_shared>>
      tpu.enqueue_dma source(%dma_start3A_482 : memref<640xf32, #tpu.memory_space<vmem_shared>>) target(%dma_start3A_481 : memref<640xf32, #tpu.memory_space<vmem>>) target_semaphore(%run_scoped3A : memref<!tpu.dma_semaphore, #tpu.memory_space<semaphore_mem>>)
      %dma_wait3A_483 = arith.constant 1280 : i32
      %dma_wait3A_484 = tpu.memref_slice %arg52[%dma_wait3A_483] : memref<1920xf32, #tpu.memory_space<vmem>> -> memref<640xf32, #tpu.memory_space<vmem>>
      %dma_wait3A_485 = tpu.memref_slice %arg27[%mul3A_0] : memref<10240xf32, #tpu.memory_space<vmem_shared>> -> memref<640xf32, #tpu.memory_space<vmem_shared>>
      %dma_wait3A_486 = arith.constant 1280 : i32
      %dma_wait3A_487 = tpu.memref_slice %arg52[%dma_wait3A_486] : memref<1920xf32, #tpu.memory_space<vmem>> -> memref<640xf32, #tpu.memory_space<vmem>>
      %dma_wait3A_488 = tpu.memref_slice %arg27[%mul3A_0] : memref<10240xf32, #tpu.memory_space<vmem_shared>> -> memref<640xf32, #tpu.memory_space<vmem_shared>>
      tpu.wait_dma2 semaphore(%run_scoped3A : memref<!tpu.dma_semaphore, #tpu.memory_space<semaphore_mem>>) src(%dma_wait3A_488 : memref<640xf32, #tpu.memory_space<vmem_shared>>) dst(%dma_wait3A_487 : memref<640xf32, #tpu.memory_space<vmem>>)
      tpu.yield
    }) : () -> ()
    %scan3A_450 = arith.constant 0 : i32
    %scan3A_451 = arith.constant 0 : i32
    %scan3A_452 = arith.constant 40 : i32
    %scan3A_453 = arith.addi %scan3A_451, %scan3A_452 : i32
    %scan3A_454 = arith.constant 1 : i32
    scf.for %scan3A_477 = %scan3A_451 to %scan3A_453 step %scan3A_454  : i32 {
      %mul3A_478 = arith.constant 16 : i32
      %mul3A_479 = arith.muli %scan3A_477, %mul3A_478 : i32
      %get3A = arith.index_cast %mul3A_479 : i32 to index
      %get3A_480 = tpu.vector_load %arg34[%get3A] {strides = array<i32>} : memref<640xf32, #tpu.memory_space<vmem>>, vector<16xf32>,
      %get3A_481 = vector.shape_cast %get3A_480 : vector<16xf32> to vector<16xf32>
      %add3A_482 = arith.constant 0 : i32
      %add3A_483 = arith.addi %add3A_482, %mul3A_479 : i32
      %get3A_484 = arith.index_cast %add3A_483 : i32 to index
      %get3A_485 = tpu.vector_load %arg35[%get3A_484] {strides = array<i32>} : memref<5760xf32, #tpu.memory_space<vmem>>, vector<16xf32>,
      %get3A_486 = vector.shape_cast %get3A_485 : vector<16xf32> to vector<16xf32>
      %add3A_487 = arith.constant 3840 : i32
      %add3A_488 = arith.addi %add3A_487, %mul3A_479 : i32
      %get3A_489 = arith.index_cast %add3A_488 : i32 to index
      %get3A_490 = tpu.vector_load %arg35[%get3A_489] {strides = array<i32>} : memref<5760xf32, #tpu.memory_space<vmem>>, vector<16xf32>,
      %get3A_491 = vector.shape_cast %get3A_490 : vector<16xf32> to vector<16xf32>
      %sub3A = arith.subf %get3A_486, %get3A_491 : vector<16xf32>
      %add3A_492 = arith.constant 0 : i32
      %add3A_493 = arith.addi %add3A_492, %mul3A_479 : i32
      %get3A_494 = arith.index_cast %add3A_493 : i32 to index
      %get3A_495 = tpu.vector_load %arg50[%get3A_494] {strides = array<i32>} : memref<3840xf32, #tpu.memory_space<vmem>>, vector<16xf32>,
      %get3A_496 = vector.shape_cast %get3A_495 : vector<16xf32> to vector<16xf32>
      %mul3A_497 = arith.mulf %get3A_481, %get3A_496 : vector<16xf32>
      %sub3A_498 = arith.subf %sub3A, %mul3A_497 : vector<16xf32>
      %mul3A_499 = arith.constant 2.000000e+00 : f32
      %mul3A_500 = vector.broadcast %mul3A_499 : f32 to vector<16xf32>
      %mul3A_501 = arith.mulf %mul3A_500, %get3A_481 : vector<16xf32>
      %add3A_502 = arith.constant 0 : i32
      %add3A_503 = arith.addi %add3A_502, %mul3A_479 : i32
      %get3A_504 = arith.index_cast %add3A_503 : i32 to index
      %get3A_505 = tpu.vector_load %arg52[%get3A_504] {strides = array<i32>} : memref<1920xf32, #tpu.memory_space<vmem>>, vector<16xf32>,
      %get3A_506 = vector.shape_cast %get3A_505 : vector<16xf32> to vector<16xf32>
      %mul3A_507 = arith.mulf %mul3A_501, %get3A_506 : vector<16xf32>
      %add3A_508 = arith.addf %sub3A_498, %mul3A_507 : vector<16xf32>
      %mul3A_509 = arith.constant 2.000000e+00 : f32
      %mul3A_510 = vector.broadcast %mul3A_509 : f32 to vector<16xf32>
      %mul3A_511 = arith.mulf %mul3A_510, %add3A_508 : vector<16xf32>
      %exp3A = math.exp %mul3A_511 : vector<16xf32>
      %add3A_512 = arith.constant 1.000000e+00 : f32
      %add3A_513 = vector.broadcast %add3A_512 : f32 to vector<16xf32>
      %add3A_514 = arith.addf %exp3A, %add3A_513 : vector<16xf32>
      %div3A = arith.constant 2.000000e+00 : f32
      %div3A_515 = vector.broadcast %div3A : f32 to vector<16xf32>
      %div3A_516 = arith.divf %div3A_515, %add3A_514 : vector<16xf32>
      %sub3A_517 = arith.constant 1.000000e+00 : f32
      %sub3A_518 = vector.broadcast %sub3A_517 : f32 to vector<16xf32>
      %sub3A_519 = arith.subf %sub3A_518, %div3A_516 : vector<16xf32>
      %add3A_520 = arith.constant 0 : i32
      %add3A_521 = arith.addi %add3A_520, %mul3A_479 : i32
      %swap3A = arith.index_cast %add3A_521 : i32 to index
      %swap3A_522 = tpu.vector_load %arg53[%swap3A] {strides = array<i32>} : memref<1920xf32, #tpu.memory_space<vmem>>, vector<16xf32>,
      %swap3A_523 = vector.shape_cast %swap3A_522 : vector<16xf32> to vector<16xf32>
      %swap3A_524 = vector.shape_cast %sub3A_519 : vector<16xf32> to vector<16xf32>
      tpu.vector_store %arg53[%swap3A], %swap3A_524 {strides = array<i32>} : memref<1920xf32, #tpu.memory_space<vmem>>, vector<16xf32>,
      %add3A_525 = arith.constant 640 : i32
      %add3A_526 = arith.addi %add3A_525, %mul3A_479 : i32
      %get3A_527 = arith.index_cast %add3A_526 : i32 to index
      %get3A_528 = tpu.vector_load %arg35[%get3A_527] {strides = array<i32>} : memref<5760xf32, #tpu.memory_space<vmem>>, vector<16xf32>,
      %get3A_529 = vector.shape_cast %get3A_528 : vector<16xf32> to vector<16xf32>
      %add3A_530 = arith.constant 4480 : i32
      %add3A_531 = arith.addi %add3A_530, %mul3A_479 : i32
      %get3A_532 = arith.index_cast %add3A_531 : i32 to index
      %get3A_533 = tpu.vector_load %arg35[%get3A_532] {strides = array<i32>} : memref<5760xf32, #tpu.memory_space<vmem>>, vector<16xf32>,
      %get3A_534 = vector.shape_cast %get3A_533 : vector<16xf32> to vector<16xf32>
      %sub3A_535 = arith.subf %get3A_529, %get3A_534 : vector<16xf32>
      %add3A_536 = arith.constant 640 : i32
      %add3A_537 = arith.addi %add3A_536, %mul3A_479 : i32
      %get3A_538 = arith.index_cast %add3A_537 : i32 to index
      %get3A_539 = tpu.vector_load %arg50[%get3A_538] {strides = array<i32>} : memref<3840xf32, #tpu.memory_space<vmem>>, vector<16xf32>,
      %get3A_540 = vector.shape_cast %get3A_539 : vector<16xf32> to vector<16xf32>
      %mul3A_541 = arith.mulf %get3A_481, %get3A_540 : vector<16xf32>
      %sub3A_542 = arith.subf %sub3A_535, %mul3A_541 : vector<16xf32>
      %mul3A_543 = arith.constant 2.000000e+00 : f32
      %mul3A_544 = vector.broadcast %mul3A_543 : f32 to vector<16xf32>
      %mul3A_545 = arith.mulf %mul3A_544, %get3A_481 : vector<16xf32>
      %add3A_546 = arith.constant 640 : i32
      %add3A_547 = arith.addi %add3A_546, %mul3A_479 : i32
      %get3A_548 = arith.index_cast %add3A_547 : i32 to index
      %get3A_549 = tpu.vector_load %arg52[%get3A_548] {strides = array<i32>} : memref<1920xf32, #tpu.memory_space<vmem>>, vector<16xf32>,
      %get3A_550 = vector.shape_cast %get3A_549 : vector<16xf32> to vector<16xf32>
      %mul3A_551 = arith.mulf %mul3A_545, %get3A_550 : vector<16xf32>
      %add3A_552 = arith.addf %sub3A_542, %mul3A_551 : vector<16xf32>
      %mul3A_553 = arith.constant 2.000000e+00 : f32
      %mul3A_554 = vector.broadcast %mul3A_553 : f32 to vector<16xf32>
      %mul3A_555 = arith.mulf %mul3A_554, %add3A_552 : vector<16xf32>
      %exp3A_556 = math.exp %mul3A_555 : vector<16xf32>
      %add3A_557 = arith.constant 1.000000e+00 : f32
      %add3A_558 = vector.broadcast %add3A_557 : f32 to vector<16xf32>
      %add3A_559 = arith.addf %exp3A_556, %add3A_558 : vector<16xf32>
      %div3A_560 = arith.constant 2.000000e+00 : f32
      %div3A_561 = vector.broadcast %div3A_560 : f32 to vector<16xf32>
      %div3A_562 = arith.divf %div3A_561, %add3A_559 : vector<16xf32>
      %sub3A_563 = arith.constant 1.000000e+00 : f32
      %sub3A_564 = vector.broadcast %sub3A_563 : f32 to vector<16xf32>
      %sub3A_565 = arith.subf %sub3A_564, %div3A_562 : vector<16xf32>
      %add3A_566 = arith.constant 640 : i32
      %add3A_567 = arith.addi %add3A_566, %mul3A_479 : i32
      %swap3A_568 = arith.index_cast %add3A_567 : i32 to index
      %swap3A_569 = tpu.vector_load %arg53[%swap3A_568] {strides = array<i32>} : memref<1920xf32, #tpu.memory_space<vmem>>, vector<16xf32>,
      %swap3A_570 = vector.shape_cast %swap3A_569 : vector<16xf32> to vector<16xf32>
      %swap3A_571 = vector.shape_cast %sub3A_565 : vector<16xf32> to vector<16xf32>
      tpu.vector_store %arg53[%swap3A_568], %swap3A_571 {strides = array<i32>} : memref<1920xf32, #tpu.memory_space<vmem>>, vector<16xf32>,
      %add3A_572 = arith.constant 1280 : i32
      %add3A_573 = arith.addi %add3A_572, %mul3A_479 : i32
      %get3A_574 = arith.index_cast %add3A_573 : i32 to index
      %get3A_575 = tpu.vector_load %arg35[%get3A_574] {strides = array<i32>} : memref<5760xf32, #tpu.memory_space<vmem>>, vector<16xf32>,
      %get3A_576 = vector.shape_cast %get3A_575 : vector<16xf32> to vector<16xf32>
      %add3A_577 = arith.constant 5120 : i32
      %add3A_578 = arith.addi %add3A_577, %mul3A_479 : i32
      %get3A_579 = arith.index_cast %add3A_578 : i32 to index
      %get3A_580 = tpu.vector_load %arg35[%get3A_579] {strides = array<i32>} : memref<5760xf32, #tpu.memory_space<vmem>>, vector<16xf32>,
      %get3A_581 = vector.shape_cast %get3A_580 : vector<16xf32> to vector<16xf32>
      %sub3A_582 = arith.subf %get3A_576, %get3A_581 : vector<16xf32>
      %add3A_583 = arith.constant 1280 : i32
      %add3A_584 = arith.addi %add3A_583, %mul3A_479 : i32
      %get3A_585 = arith.index_cast %add3A_584 : i32 to index
      %get3A_586 = tpu.vector_load %arg50[%get3A_585] {strides = array<i32>} : memref<3840xf32, #tpu.memory_space<vmem>>, vector<16xf32>,
      %get3A_587 = vector.shape_cast %get3A_586 : vector<16xf32> to vector<16xf32>
      %mul3A_588 = arith.mulf %get3A_481, %get3A_587 : vector<16xf32>
      %sub3A_589 = arith.subf %sub3A_582, %mul3A_588 : vector<16xf32>
      %mul3A_590 = arith.constant 2.000000e+00 : f32
      %mul3A_591 = vector.broadcast %mul3A_590 : f32 to vector<16xf32>
      %mul3A_592 = arith.mulf %mul3A_591, %get3A_481 : vector<16xf32>
      %add3A_593 = arith.constant 1280 : i32
      %add3A_594 = arith.addi %add3A_593, %mul3A_479 : i32
      %get3A_595 = arith.index_cast %add3A_594 : i32 to index
      %get3A_596 = tpu.vector_load %arg52[%get3A_595] {strides = array<i32>} : memref<1920xf32, #tpu.memory_space<vmem>>, vector<16xf32>,
      %get3A_597 = vector.shape_cast %get3A_596 : vector<16xf32> to vector<16xf32>
      %mul3A_598 = arith.mulf %mul3A_592, %get3A_597 : vector<16xf32>
      %add3A_599 = arith.addf %sub3A_589, %mul3A_598 : vector<16xf32>
      %mul3A_600 = arith.constant 2.000000e+00 : f32
      %mul3A_601 = vector.broadcast %mul3A_600 : f32 to vector<16xf32>
      %mul3A_602 = arith.mulf %mul3A_601, %add3A_599 : vector<16xf32>
      %exp3A_603 = math.exp %mul3A_602 : vector<16xf32>
      %add3A_604 = arith.constant 1.000000e+00 : f32
      %add3A_605 = vector.broadcast %add3A_604 : f32 to vector<16xf32>
      %add3A_606 = arith.addf %exp3A_603, %add3A_605 : vector<16xf32>
      %div3A_607 = arith.constant 2.000000e+00 : f32
      %div3A_608 = vector.broadcast %div3A_607 : f32 to vector<16xf32>
      %div3A_609 = arith.divf %div3A_608, %add3A_606 : vector<16xf32>
      %sub3A_610 = arith.constant 1.000000e+00 : f32
      %sub3A_611 = vector.broadcast %sub3A_610 : f32 to vector<16xf32>
      %sub3A_612 = arith.subf %sub3A_611, %div3A_609 : vector<16xf32>
      %add3A_613 = arith.constant 1280 : i32
      %add3A_614 = arith.addi %add3A_613, %mul3A_479 : i32
      %swap3A_615 = arith.index_cast %add3A_614 : i32 to index
      %swap3A_616 = tpu.vector_load %arg53[%swap3A_615] {strides = array<i32>} : memref<1920xf32, #tpu.memory_space<vmem>>, vector<16xf32>,
      %swap3A_617 = vector.shape_cast %swap3A_616 : vector<16xf32> to vector<16xf32>
      %swap3A_618 = vector.shape_cast %sub3A_612 : vector<16xf32> to vector<16xf32>
      tpu.vector_store %arg53[%swap3A_615], %swap3A_618 {strides = array<i32>} : memref<1920xf32, #tpu.memory_space<vmem>>, vector<16xf32>,
    }
    %scan3A_455 = arith.constant 40 : i32
    %mul3A_456 = arith.constant 3 : i32
    %mul3A_457 = arith.muli %arg0, %mul3A_456 : i32
    %add3A_458 = arith.constant 0 : i32
    %add3A_459 = arith.addi %mul3A_457, %add3A_458 : i32
    %mul3A_460 = arith.constant 10240 : i32
    %mul3A_461 = arith.muli %add3A_459, %mul3A_460 : i32
    %add3A_462 = arith.addi %mul3A_461, %mul3A_0 : i32
    "tpu.region"() ({
      %run_scoped3A = tpu.sem_alloc : memref<!tpu.dma_semaphore, #tpu.memory_space<semaphore_mem>>
      %dma_start3A_477 = arith.constant 0 : i32
      %dma_start3A_478 = tpu.memref_slice %arg53[%dma_start3A_477] : memref<1920xf32, #tpu.memory_space<vmem>> -> memref<640xf32, #tpu.memory_space<vmem>>
      %dma_start3A_479 = tpu.memref_slice %arg8[%add3A_462] : memref<61440xf32, #tpu.memory_space<hbm>> -> memref<640xf32, #tpu.memory_space<hbm>>
      %dma_start3A_480 = tpu.memref_slice %arg8[%add3A_462] : memref<61440xf32, #tpu.memory_space<hbm>> -> memref<640xf32, #tpu.memory_space<hbm>>
      %dma_start3A_481 = arith.constant 0 : i32
      %dma_start3A_482 = tpu.memref_slice %arg53[%dma_start3A_481] : memref<1920xf32, #tpu.memory_space<vmem>> -> memref<640xf32, #tpu.memory_space<vmem>>
      tpu.enqueue_dma source(%dma_start3A_482 : memref<640xf32, #tpu.memory_space<vmem>>) target(%dma_start3A_480 : memref<640xf32, #tpu.memory_space<hbm>>) target_semaphore(%run_scoped3A : memref<!tpu.dma_semaphore, #tpu.memory_space<semaphore_mem>>)
      %dma_wait3A_483 = arith.constant 0 : i32
      %dma_wait3A_484 = tpu.memref_slice %arg53[%dma_wait3A_483] : memref<1920xf32, #tpu.memory_space<vmem>> -> memref<640xf32, #tpu.memory_space<vmem>>
      %dma_wait3A_485 = tpu.memref_slice %arg8[%add3A_462] : memref<61440xf32, #tpu.memory_space<hbm>> -> memref<640xf32, #tpu.memory_space<hbm>>
      %dma_wait3A_486 = tpu.memref_slice %arg8[%add3A_462] : memref<61440xf32, #tpu.memory_space<hbm>> -> memref<640xf32, #tpu.memory_space<hbm>>
      %dma_wait3A_487 = arith.constant 0 : i32
      %dma_wait3A_488 = tpu.memref_slice %arg53[%dma_wait3A_487] : memref<1920xf32, #tpu.memory_space<vmem>> -> memref<640xf32, #tpu.memory_space<vmem>>
      tpu.wait_dma2 semaphore(%run_scoped3A : memref<!tpu.dma_semaphore, #tpu.memory_space<semaphore_mem>>) src(%dma_wait3A_488 : memref<640xf32, #tpu.memory_space<vmem>>) dst(%dma_wait3A_486 : memref<640xf32, #tpu.memory_space<hbm>>)
      tpu.yield
    }) : () -> ()
    %mul3A_463 = arith.constant 3 : i32
    %mul3A_464 = arith.muli %arg0, %mul3A_463 : i32
    %add3A_465 = arith.constant 1 : i32
    %add3A_466 = arith.addi %mul3A_464, %add3A_465 : i32
    %mul3A_467 = arith.constant 10240 : i32
    %mul3A_468 = arith.muli %add3A_466, %mul3A_467 : i32
    %add3A_469 = arith.addi %mul3A_468, %mul3A_0 : i32
    "tpu.region"() ({
      %run_scoped3A = tpu.sem_alloc : memref<!tpu.dma_semaphore, #tpu.memory_space<semaphore_mem>>
      %dma_start3A_477 = arith.constant 640 : i32
      %dma_start3A_478 = tpu.memref_slice %arg53[%dma_start3A_477] : memref<1920xf32, #tpu.memory_space<vmem>> -> memref<640xf32, #tpu.memory_space<vmem>>
      %dma_start3A_479 = tpu.memref_slice %arg8[%add3A_469] : memref<61440xf32, #tpu.memory_space<hbm>> -> memref<640xf32, #tpu.memory_space<hbm>>
      %dma_start3A_480 = tpu.memref_slice %arg8[%add3A_469] : memref<61440xf32, #tpu.memory_space<hbm>> -> memref<640xf32, #tpu.memory_space<hbm>>
      %dma_start3A_481 = arith.constant 640 : i32
      %dma_start3A_482 = tpu.memref_slice %arg53[%dma_start3A_481] : memref<1920xf32, #tpu.memory_space<vmem>> -> memref<640xf32, #tpu.memory_space<vmem>>
      tpu.enqueue_dma source(%dma_start3A_482 : memref<640xf32, #tpu.memory_space<vmem>>) target(%dma_start3A_480 : memref<640xf32, #tpu.memory_space<hbm>>) target_semaphore(%run_scoped3A : memref<!tpu.dma_semaphore, #tpu.memory_space<semaphore_mem>>)
      %dma_wait3A_483 = arith.constant 640 : i32
      %dma_wait3A_484 = tpu.memref_slice %arg53[%dma_wait3A_483] : memref<1920xf32, #tpu.memory_space<vmem>> -> memref<640xf32, #tpu.memory_space<vmem>>
      %dma_wait3A_485 = tpu.memref_slice %arg8[%add3A_469] : memref<61440xf32, #tpu.memory_space<hbm>> -> memref<640xf32, #tpu.memory_space<hbm>>
      %dma_wait3A_486 = tpu.memref_slice %arg8[%add3A_469] : memref<61440xf32, #tpu.memory_space<hbm>> -> memref<640xf32, #tpu.memory_space<hbm>>
      %dma_wait3A_487 = arith.constant 640 : i32
      %dma_wait3A_488 = tpu.memref_slice %arg53[%dma_wait3A_487] : memref<1920xf32, #tpu.memory_space<vmem>> -> memref<640xf32, #tpu.memory_space<vmem>>
      tpu.wait_dma2 semaphore(%run_scoped3A : memref<!tpu.dma_semaphore, #tpu.memory_space<semaphore_mem>>) src(%dma_wait3A_488 : memref<640xf32, #tpu.memory_space<vmem>>) dst(%dma_wait3A_486 : memref<640xf32, #tpu.memory_space<hbm>>)
      tpu.yield
    }) : () -> ()
    %mul3A_470 = arith.constant 3 : i32
    %mul3A_471 = arith.muli %arg0, %mul3A_470 : i32
    %add3A_472 = arith.constant 2 : i32
    %add3A_473 = arith.addi %mul3A_471, %add3A_472 : i32
    %mul3A_474 = arith.constant 10240 : i32
    %mul3A_475 = arith.muli %add3A_473, %mul3A_474 : i32
    %add3A_476 = arith.addi %mul3A_475, %mul3A_0 : i32
    "tpu.region"() ({
      %run_scoped3A = tpu.sem_alloc : memref<!tpu.dma_semaphore, #tpu.memory_space<semaphore_mem>>
      %dma_start3A_477 = arith.constant 1280 : i32
      %dma_start3A_478 = tpu.memref_slice %arg53[%dma_start3A_477] : memref<1920xf32, #tpu.memory_space<vmem>> -> memref<640xf32, #tpu.memory_space<vmem>>
      %dma_start3A_479 = tpu.memref_slice %arg8[%add3A_476] : memref<61440xf32, #tpu.memory_space<hbm>> -> memref<640xf32, #tpu.memory_space<hbm>>
      %dma_start3A_480 = tpu.memref_slice %arg8[%add3A_476] : memref<61440xf32, #tpu.memory_space<hbm>> -> memref<640xf32, #tpu.memory_space<hbm>>
      %dma_start3A_481 = arith.constant 1280 : i32
      %dma_start3A_482 = tpu.memref_slice %arg53[%dma_start3A_481] : memref<1920xf32, #tpu.memory_space<vmem>> -> memref<640xf32, #tpu.memory_space<vmem>>
      tpu.enqueue_dma source(%dma_start3A_482 : memref<640xf32, #tpu.memory_space<vmem>>) target(%dma_start3A_480 : memref<640xf32, #tpu.memory_space<hbm>>) target_semaphore(%run_scoped3A : memref<!tpu.dma_semaphore, #tpu.memory_space<semaphore_mem>>)
      %dma_wait3A_483 = arith.constant 1280 : i32
      %dma_wait3A_484 = tpu.memref_slice %arg53[%dma_wait3A_483] : memref<1920xf32, #tpu.memory_space<vmem>> -> memref<640xf32, #tpu.memory_space<vmem>>
      %dma_wait3A_485 = tpu.memref_slice %arg8[%add3A_476] : memref<61440xf32, #tpu.memory_space<hbm>> -> memref<640xf32, #tpu.memory_space<hbm>>
      %dma_wait3A_486 = tpu.memref_slice %arg8[%add3A_476] : memref<61440xf32, #tpu.memory_space<hbm>> -> memref<640xf32, #tpu.memory_space<hbm>>
      %dma_wait3A_487 = arith.constant 1280 : i32
      %dma_wait3A_488 = tpu.memref_slice %arg53[%dma_wait3A_487] : memref<1920xf32, #tpu.memory_space<vmem>> -> memref<640xf32, #tpu.memory_space<vmem>>
      tpu.wait_dma2 semaphore(%run_scoped3A : memref<!tpu.dma_semaphore, #tpu.memory_space<semaphore_mem>>) src(%dma_wait3A_488 : memref<640xf32, #tpu.memory_space<vmem>>) dst(%dma_wait3A_486 : memref<640xf32, #tpu.memory_space<hbm>>)
      tpu.yield
    }) : () -> ()
    return
  }
}

module attributes {stable_mosaic.version = 14 : i64} {
  func.func @_proj_body(%arg0: i32, %arg1: i32, %arg2: memref<2048x128xf32, #tpu.memory_space<vmem>>, %arg3: memref<1x128x9xf32, #tpu.memory_space<vmem>>, %arg4: memref<1x1x9xf32, #tpu.memory_space<vmem>>, %arg5: memref<1x2048x9xf32, #tpu.memory_space<vmem>>) attributes {dimension_semantics = [#tpu.dimension_semantics<arbitrary>, #tpu.dimension_semantics<arbitrary>], iteration_bounds = array<i64: 2, 5>, scalar_prefetch = 0 : i64, scratch_operands = 0 : i64, tpu.core_type = #tpu.core_type<tc>, window_params = [{transform_indices = @transform_0, window_bounds = array<i64: 2048, 128>}, {transform_indices = @transform_1, window_bounds = array<i64: 1, 128, 9>}, {transform_indices = @transform_2, window_bounds = array<i64: 1, 1, 9>}, {transform_indices = @transform_3, window_bounds = array<i64: 1, 2048, 9>}]} {
    %get3A = arith.constant 0 : index
    %get3A_0 = arith.constant 0 : index
    %get3A_1 = vector.load %arg2[%get3A, %get3A_0] : memref<2048x128xf32, #tpu.memory_space<vmem>>, vector<2048x128xf32>
    %get3A_2 = arith.constant 0 : index
    %get3A_3 = arith.constant 0 : index
    %get3A_4 = arith.constant 0 : index
    %get3A_5 = vector.load %arg3[%get3A_2, %get3A_3, %get3A_4] : memref<1x128x9xf32, #tpu.memory_space<vmem>>, vector<1x128x9xf32>
    %get3A_6 = vector.shape_cast %get3A_5 : vector<1x128x9xf32> to vector<128x9xf32>
    %dot_general3A = arith.constant dense<0.000000e+00> : vector<2048x9xf32>
    %dot_general3A_7 = tpu.matmul %get3A_1, %get3A_6, %dot_general3A {dimension_numbers = #tpu.dot_dimension_numbers<[1], [0], [0], [1], [0, 0, 1, 1], [], []>, transpose_lhs_hint = false} : vector<2048x128xf32>, vector<128x9xf32>, vector<2048x9xf32> -> vector<2048x9xf32>
    %get3A_8 = arith.constant 0 : index
    %get3A_9 = arith.constant 0 : index
    %get3A_10 = arith.constant 0 : index
    %get3A_11 = vector.load %arg4[%get3A_8, %get3A_9, %get3A_10] : memref<1x1x9xf32, #tpu.memory_space<vmem>>, vector<1x1x9xf32>
    %get3A_12 = vector.shape_cast %get3A_11 : vector<1x1x9xf32> to vector<1x9xf32>
    %add3A = vector.broadcast %get3A_12 : vector<1x9xf32> to vector<2048x9xf32>
    %add3A_13 = arith.addf %dot_general3A_7, %add3A : vector<2048x9xf32>
    %swap3A = arith.constant 0 : index
    %swap3A_14 = arith.constant 0 : index
    %swap3A_15 = arith.constant 0 : index
    %swap3A_16 = vector.load %arg5[%swap3A, %swap3A_14, %swap3A_15] : memref<1x2048x9xf32, #tpu.memory_space<vmem>>, vector<1x2048x9xf32>
    %swap3A_17 = vector.shape_cast %swap3A_16 : vector<1x2048x9xf32> to vector<2048x9xf32>
    %swap3A_18 = vector.shape_cast %add3A_13 : vector<2048x9xf32> to vector<1x2048x9xf32>
    tpu.vector_store %arg5[%swap3A, %swap3A_14, %swap3A_15], %swap3A_18 {strides = array<i32>} : memref<1x2048x9xf32, #tpu.memory_space<vmem>>, vector<1x2048x9xf32>,
    return
  }
  func.func @transform_0(%arg0: i32, %arg1: i32) -> (i32, i32) {
    %c0_i32 = arith.constant 0 : i32
    %c0_i32_0 = arith.constant 0 : i32
    return %arg1, %c0_i32 : i32, i32
  }
  func.func @transform_1(%arg0: i32, %arg1: i32) -> (i32, i32, i32) {
    %c0_i32 = arith.constant 0 : i32
    %c0_i32_0 = arith.constant 0 : i32
    %c0_i32_1 = arith.constant 0 : i32
    return %arg0, %c0_i32, %c0_i32_0 : i32, i32, i32
  }
  func.func @transform_2(%arg0: i32, %arg1: i32) -> (i32, i32, i32) {
    %c0_i32 = arith.constant 0 : i32
    %c0_i32_0 = arith.constant 0 : i32
    %c0_i32_1 = arith.constant 0 : i32
    return %arg0, %c0_i32, %c0_i32_0 : i32, i32, i32
  }
  func.func @transform_3(%arg0: i32, %arg1: i32) -> (i32, i32, i32) {
    %c0_i32 = arith.constant 0 : i32
    %c0_i32_0 = arith.constant 0 : i32
    return %arg0, %arg1, %c0_i32 : i32, i32, i32
  }
}

module attributes {stable_mosaic.version = 14 : i64} {
  func.func @_fc_body(%arg0: i32, %arg1: memref<1x30009xf32, #tpu.memory_space<vmem>>, %arg2: memref<30009x128xf32, #tpu.memory_space<vmem>>, %arg3: memref<1x128xf32, #tpu.memory_space<vmem>>, %arg4: memref<1x30009xf32, #tpu.memory_space<vmem>>, %arg5: memref<30009x1xf32, #tpu.memory_space<vmem>>, %arg6: memref<1x1xf32, #tpu.memory_space<vmem>>, %arg7: memref<1x128xf32, #tpu.memory_space<vmem>>, %arg8: memref<1x1xf32, #tpu.memory_space<vmem>>) attributes {dimension_semantics = [#tpu.dimension_semantics<arbitrary>], iteration_bounds = array<i64: 79>, scalar_prefetch = 0 : i64, scratch_operands = 0 : i64, tpu.core_type = #tpu.core_type<tc>, window_params = [{pipeline_mode = #tpu.pipeline_mode<synchronous>, transform_indices = @transform_0, window_bounds = array<i64: 1, 30009>}, {transform_indices = @transform_1, window_bounds = array<i64: 30009, 128>}, {transform_indices = @transform_2, window_bounds = array<i64: 1, 128>}, {pipeline_mode = #tpu.pipeline_mode<synchronous>, transform_indices = @transform_3, window_bounds = array<i64: 1, 30009>}, {pipeline_mode = #tpu.pipeline_mode<synchronous>, transform_indices = @transform_4, window_bounds = array<i64: 30009, 1>}, {pipeline_mode = #tpu.pipeline_mode<synchronous>, transform_indices = @transform_5, window_bounds = array<i64: 1, 1>}, {transform_indices = @transform_6, window_bounds = array<i64: 1, 128>}, {pipeline_mode = #tpu.pipeline_mode<synchronous>, transform_indices = @transform_7, window_bounds = array<i64: 1, 1>}]} {
    %get3A = arith.constant 0 : index
    %get3A_0 = arith.constant 0 : index
    %get3A_1 = vector.load %arg1[%get3A, %get3A_0] : memref<1x30009xf32, #tpu.memory_space<vmem>>, vector<1x30009xf32>
    %get3A_2 = arith.constant 0 : index
    %get3A_3 = arith.constant 0 : index
    %get3A_4 = vector.load %arg2[%get3A_2, %get3A_3] : memref<30009x128xf32, #tpu.memory_space<vmem>>, vector<30009x128xf32>
    %dot_general3A = arith.constant dense<0.000000e+00> : vector<1x128xf32>
    %dot_general3A_5 = tpu.matmul %get3A_1, %get3A_4, %dot_general3A {dimension_numbers = #tpu.dot_dimension_numbers<[1], [0], [0], [1], [0, 0, 1, 1], [], []>, transpose_lhs_hint = false} : vector<1x30009xf32>, vector<30009x128xf32>, vector<1x128xf32> -> vector<1x128xf32>
    %get3A_6 = arith.constant 0 : index
    %get3A_7 = arith.constant 0 : index
    %get3A_8 = vector.load %arg3[%get3A_6, %get3A_7] : memref<1x128xf32, #tpu.memory_space<vmem>>, vector<1x128xf32>
    %add3A = arith.addf %dot_general3A_5, %get3A_8 : vector<1x128xf32>
    %swap3A = arith.constant 0 : index
    %swap3A_9 = arith.constant 0 : index
    %swap3A_10 = vector.load %arg7[%swap3A, %swap3A_9] : memref<1x128xf32, #tpu.memory_space<vmem>>, vector<1x128xf32>
    tpu.vector_store %arg7[%swap3A, %swap3A_9], %add3A {strides = array<i32>} : memref<1x128xf32, #tpu.memory_space<vmem>>, vector<1x128xf32>,
    %eq3A = arith.constant 0 : i32
    %eq3A_11 = arith.cmpi eq, %arg0, %eq3A : i32
    %convert_element_type3A = arith.extui %eq3A_11 : i1 to i32
    %cond3A = arith.constant 0 : i32
    %cond3A_12 = arith.cmpi ne, %convert_element_type3A, %cond3A : i32
    scf.if %cond3A_12 {
      %get3A_13 = arith.constant 0 : index
      %get3A_14 = arith.constant 0 : index
      %get3A_15 = vector.load %arg4[%get3A_13, %get3A_14] : memref<1x30009xf32, #tpu.memory_space<vmem>>, vector<1x30009xf32>
      %get3A_16 = arith.constant 0 : index
      %get3A_17 = arith.constant 0 : index
      %get3A_18 = vector.load %arg5[%get3A_16, %get3A_17] : memref<30009x1xf32, #tpu.memory_space<vmem>>, vector<30009x1xf32>
      %dot_general3A_19 = arith.constant dense<0.000000e+00> : vector<1x1xf32>
      %dot_general3A_20 = tpu.matmul %get3A_15, %get3A_18, %dot_general3A_19 {dimension_numbers = #tpu.dot_dimension_numbers<[1], [0], [0], [1], [0, 0, 1, 1], [], []>, transpose_lhs_hint = false} : vector<1x30009xf32>, vector<30009x1xf32>, vector<1x1xf32> -> vector<1x1xf32>
      %get3A_21 = arith.constant 0 : index
      %get3A_22 = arith.constant 0 : index
      %get3A_23 = vector.load %arg6[%get3A_21, %get3A_22] : memref<1x1xf32, #tpu.memory_space<vmem>>, vector<1x1xf32>
      %add3A_24 = arith.addf %dot_general3A_20, %get3A_23 : vector<1x1xf32>
      %swap3A_25 = arith.constant 0 : index
      %swap3A_26 = arith.constant 0 : index
      %swap3A_27 = vector.load %arg8[%swap3A_25, %swap3A_26] : memref<1x1xf32, #tpu.memory_space<vmem>>, vector<1x1xf32>
      tpu.vector_store %arg8[%swap3A_25, %swap3A_26], %add3A_24 {strides = array<i32>} : memref<1x1xf32, #tpu.memory_space<vmem>>, vector<1x1xf32>,
    } else {
    }
    return
  }
  func.func @transform_0(%arg0: i32) -> (i32, i32) {
    %c0_i32 = arith.constant 0 : i32
    %c0_i32_0 = arith.constant 0 : i32
    %c0_i32_1 = arith.constant 0 : i32
    return %c0_i32, %c0_i32_0 : i32, i32
  }
  func.func @transform_1(%arg0: i32) -> (i32, i32) {
    %c0_i32 = arith.constant 0 : i32
    %c0_i32_0 = arith.constant 0 : i32
    return %c0_i32, %arg0 : i32, i32
  }
  func.func @transform_2(%arg0: i32) -> (i32, i32) {
    %c0_i32 = arith.constant 0 : i32
    %c0_i32_0 = arith.constant 0 : i32
    return %c0_i32, %arg0 : i32, i32
  }
  func.func @transform_3(%arg0: i32) -> (i32, i32) {
    %c0_i32 = arith.constant 0 : i32
    %c0_i32_0 = arith.constant 0 : i32
    %c0_i32_1 = arith.constant 0 : i32
    return %c0_i32, %c0_i32_0 : i32, i32
  }
  func.func @transform_4(%arg0: i32) -> (i32, i32) {
    %c0_i32 = arith.constant 0 : i32
    %c0_i32_0 = arith.constant 0 : i32
    %c0_i32_1 = arith.constant 0 : i32
    return %c0_i32, %c0_i32_0 : i32, i32
  }
  func.func @transform_5(%arg0: i32) -> (i32, i32) {
    %c0_i32 = arith.constant 0 : i32
    %c0_i32_0 = arith.constant 0 : i32
    %c0_i32_1 = arith.constant 0 : i32
    return %c0_i32, %c0_i32_0 : i32, i32
  }
  func.func @transform_6(%arg0: i32) -> (i32, i32) {
    %c0_i32 = arith.constant 0 : i32
    %c0_i32_0 = arith.constant 0 : i32
    return %c0_i32, %arg0 : i32, i32
  }
  func.func @transform_7(%arg0: i32) -> (i32, i32) {
    %c0_i32 = arith.constant 0 : i32
    %c0_i32_0 = arith.constant 0 : i32
    %c0_i32_1 = arith.constant 0 : i32
    return %c0_i32, %c0_i32_0 : i32, i32
  }
}

</mosaic_0001>

<sc_bundles>
// kernel: kernel.5.cloned.1.call-start
scs
__scs_entry_jumppad:
0x0: {  	(pc) =	sbr.rel $0x88, $3  }
0x1: {  	(tag) =	ssettag $0x0;
	lr =	simm.s32 $0x1  }
0x2: {  	[smem:$0x3F8A] =	sst lr;
	_ =	strace $0xD0000000  }
0x3: {  	_ = 	snop  }
0x4: {  	_ = 	snop  }
0x5: {  	_ = 	snop  }
0x6: {  	_ = 	snop  }
0x7: {  	_ = 	snop  }
__scs_overlays_trampoline_lowered:
0x8: {  	[smem:$0x3F99] =	sst s0  }
0x9: {  	[smem:$0x3F9A] =	sst s1  }
0xa: {  	[smem:$0x3F9B] =	sst s2  }
0xb: {  	[smem:$0x3F9C] =	sst s3  }
0xc: {  	[smem:$0x3F9D] =	sst s4  }
0xd: {  	[smem:$0x3F9E] =	sst s5  }
0xe: {  	[smem:$0x3F9F] =	sst s6  }
0xf: {  	[smem:$0x3FA0] =	sst s7  }
0x10: {  	[smem:$0x3FA1] =	sst s8  }
0x11: {  	[smem:$0x3FA2] =	sst s9;
	s0 =	simm.s32 @!p0 $0x0  }
0x12: {  	s1 =	sld [smem:$0x3F88];
	s0 =	simm.s32 @p0 $0x1  }
0x13: {  	[smem:$0x3FA3] =	sst s0;
	s0 =	simm.s32 @!p1 $0x0  }
0x14: {  	s2 =	sld [smem:$0x3F87];
	s0 =	simm.s32 @p1 $0x1  }
0x15: {  	[smem:$0x3FA4] =	sst s0;
	s0 =	simm.s32 @!p2 $0x0  }
0x16: {  	s3 =	sld [smem:$0x3FDB];
	s0 =	simm.s32 @p2 $0x1  }
0x17: {  	s4 =	simm.s32 $0x1BF5;
	[smem:$0x3FA6] =	sst s0  }
0x18: {  	s0 =	sld [smem:$0x3F89];
	_ =	swait.ge [sflag:s4], $0x0  }
0x19: {  	s7 =	sld [smem:$0x3F8A]  }
0x1a: {  	s8 =	sadd.s32 $0xFFFFE003, lr  }
0x1b: {  	s9 =	sadd.s32 $0xFFFFFEF7, lr;
	s5 =	simm.s32 $0xFFFFFFFF;
	p2 =	slt.u32 s8, $0xFFFFF086  }
0x1c: {  	p1 =	slt.u32 s9, $0xF7A;
	s5 =	simm.s32 @!p2 $0x0  }
0x1d: {  	s5 =	simm.s32 @p1 $0x1;
	p0 =	seq.s32 s7, s2  }
0x1e: {  	s7 =	smul.u32 @!p0 $0xF7A, s2;
	p2 =	seq.s32 @!p0 s5, $0x0  }
0x1f: {  	s9 =	smul.u32 $0xF7A, s1;
	s8 =	simm.s32 @!p0 $0x1BF5;
	p2 =	por !p2, p0  }
0x20: {  	[sflag:s8] =	ssyncset.s32 @!p0 $0xFFFFF086;
	s6 =	sadd.s32 @!p0 s3, s7;
	s7 =	simm.s32 @!p0 $0x108  }
0x21: {  	s3 =	sadd.s32 s3, s9;
	s6 =	sadd.s32 @!p0 $0x88, s6;
	s7 =	simm.s32 @p2 $0x1082  }
0x22: {  	[simem:s7], [sflag:s8] =	dma.local @!p0 [hbm:s6], $0xF7A  }
0x23: {  	s9 =	sor.u32 $0xD0000000, s2;
	s6 =	simm.s32 $0x108;
	_ =	swait.ge @!p0 [sflag:s8], $0x0  }
0x24: {  	s3 =	sadd.s32 $0x88, s3;
	s6 =	simm.s32 @!p1 $0x1082;
	[sflag:s4] =	ssyncset.s32 $0xFFFFF086  }
0x25: {  	[simem:s6], [sflag:s4] =	dma.local [hbm:s3], $0xF7A  }
0x26: {  	[smem:$0x3F8A] =	sst s1;
	(tag) =	ssettag s2;
	_ =	strace s9  }
0x27: {  	s1 =	sld [smem:$0x3F9A]  }
0x28: {  	s2 =	sld [smem:$0x3F9B]  }
0x29: {  	s4 =	sld [smem:$0x3F9D]  }
0x2a: {  	p0 =	seq.s32 s5, $0x0;
	s5 =	sld [smem:$0x3F9E]  }
0x2b: {  	s6 =	sld [smem:$0x3F9F]  }
0x2c: {  	s7 =	sld [smem:$0x3FA0]  }
0x2d: {  	s3 =	simm.s32 $0x108;
	s8 =	sld [smem:$0x3FA1]  }
0x2e: {  	s3 =	simm.s32 @!p0 $0x1082;
	s9 =	sld [smem:$0x3FA2]  }
0x2f: {  	lr =	sadd.s32 s0, s3;
	s0 =	sld [smem:$0x3F99]  }
0x30: {  	s3 =	sld [smem:$0x3F9C]  }
0x31: {  	[smem:$0x3FA5] =	sst s10  }
0x32: {  	s10 =	sld [smem:$0x3FA3];
	_ =	sdelay $0x3  }
0x33: {  	p0 =	seq.s32 s10, $0x1;
	s10 =	sld [smem:$0x3FA5];
	_ =	sdelay $0x3  }
0x34: {  	[smem:$0x3FA5] =	sst s10  }
0x35: {  	s10 =	sld [smem:$0x3FA4];
	_ =	sdelay $0x3  }
0x36: {  	p1 =	seq.s32 s10, $0x1;
	s10 =	sld [smem:$0x3FA5];
	_ =	sdelay $0x3  }
0x37: {  	[smem:$0x3FA5] =	sst s10  }
0x38: {  	s10 =	sld [smem:$0x3FA6]  }
0x39: {  	_ = 	snop;
	(pc) =	sbr.ind lr, $3  }
0x3a: {  	_ = 	snop  }
0x3b: {  	_ = 	snop  }
0x3c: {  	p2 =	seq.s32 s10, $0x1;
	s10 =	sld [smem:$0x3FA5]  }
0x3d: {  	_ =	shalt  }
0x3e: {  	_ =	shalt  }
0x3f: {  	_ =	shalt  }
0x40: {  	_ =	shalt  }
0x41: {  	_ =	shalt  }
0x42: {  	_ =	shalt  }
0x43: {  	_ =	shalt  }
0x44: {  	_ =	shalt  }
0x45: {  	_ =	shalt  }
0x46: {  	_ =	shalt  }
0x47: {  	_ =	shalt  }
0x48: {  	_ =	shalt  }
0x49: {  	_ =	shalt  }
0x4a: {  	_ =	shalt  }
0x4b: {  	_ =	shalt  }
0x4c: {  	_ =	shalt  }
0x4d: {  	_ =	shalt  }
0x4e: {  	_ =	shalt  }
0x4f: {  	_ =	shalt  }
0x50: {  	_ =	shalt  }
0x51: {  	_ =	shalt  }
0x52: {  	_ =	shalt  }
0x53: {  	_ =	shalt  }
0x54: {  	_ =	shalt  }
0x55: {  	_ =	shalt  }
0x56: {  	_ =	shalt  }
0x57: {  	_ =	shalt  }
0x58: {  	_ =	shalt  }
0x59: {  	_ =	shalt  }
0x5a: {  	_ =	shalt  }
0x5b: {  	_ =	shalt  }
0x5c: {  	_ =	shalt  }
0x5d: {  	_ =	shalt  }
0x5e: {  	_ =	shalt  }
0x5f: {  	_ =	shalt  }
0x60: {  	_ =	shalt  }
0x61: {  	_ =	shalt  }
0x62: {  	_ =	shalt  }
0x63: {  	_ =	shalt  }
0x64: {  	_ =	shalt  }
0x65: {  	_ =	shalt  }
0x66: {  	_ =	shalt  }
0x67: {  	_ =	shalt  }
0x68: {  	_ =	shalt  }
0x69: {  	_ =	shalt  }
0x6a: {  	_ =	shalt  }
0x6b: {  	_ =	shalt  }
0x6c: {  	_ =	shalt  }
0x6d: {  	_ =	shalt  }
0x6e: {  	_ =	shalt  }
0x6f: {  	_ =	shalt  }
0x70: {  	_ =	shalt  }
0x71: {  	_ =	shalt  }
0x72: {  	_ =	shalt  }
0x73: {  	_ =	shalt  }
0x74: {  	_ =	shalt  }
0x75: {  	_ =	shalt  }
0x76: {  	_ =	shalt  }
0x77: {  	_ =	shalt  }
0x78: {  	_ =	shalt  }
0x79: {  	_ =	shalt  }
0x7a: {  	_ =	shalt  }
0x7b: {  	_ =	shalt  }
0x7c: {  	_ =	shalt  }
0x7d: {  	_ =	shalt  }
0x7e: {  	_ =	shalt  }
0x7f: {  	_ =	shalt  }
0x80: {  	_ =	shalt  }
0x81: {  	_ =	shalt  }
0x82: {  	_ =	shalt  }
0x83: {  	_ =	shalt  }
0x84: {  	_ =	shalt  }
0x85: {  	_ =	shalt  }
0x86: {  	_ =	shalt  }
0x87: {  	_ =	shalt  }
.Lfunc_end0:
.L_simem_size_0:
called_computation_lowered:
.L_overlay_start_0:
0x88: {  	s2 =	sld [smem:$0x3FD9]  }
0x89: {  	s3 =	sld [smem:$0x3FFE];
	_ =	sdelay $0x1  }
0x8a: {  	s1 =	srdreg.scid  }
0x8b: {  	s0 =	sand.u32 $0x1, s1  }
0x8c: {  	s9 =	sshll.u32 s0, $0xA;
	s2 =	sadd.s32 s3, s2  }
0x8d: {  	s2 =	sadd.s32 s2, s9  }
0x8e: {  	[smem:$0x3FB1] =	sst s2  }
0x8f: {  	_ = 	snop  }
0x90: {  	s2 =	sld [smem:$0x3FD0];
	_ =	sdelay $0x2  }
0x91: {  	s10 =	simm.s32 $0xA;
	s4 =	simm.s32 $0x10  }
0x92: {  	[smem:s4], [sflag:s10] =	dma.local [hbm:s2], $0x1  }
0x93: {  	_ =	swait.eq [sflag:s10], $0x1  }
0x94: {  	[sflag:s10] =	ssyncset.done $0x0  }
0x95: {  	[sflag:s10] =	ssyncadd.s32 $0xFFFFFFFF  }
0x96: {  	s11 =	sld [smem:$0x11];
	(tm) =	ssettm $0x1  }
0x97: {  	s12 =	sld [smem:$0x3FFB];
	_ =	sdelay $0x3  }
0x98: {  	_ =	strace s12  }
0x99: {  	s2 =	sld [smem:$0x3FFC];
	_ =	sdelay $0x3  }
0x9a: {  	_ =	strace s2  }
0x9b: {  	s2 =	sld [smem:$0x3FFD];
	_ =	sdelay $0x3  }
0x9c: {  	_ =	strace s2  }
0x9d: {  	_ =	strace $0x8FFFFFFF  }
0x9e: {  	s13 =	sld [smem:$0x3FDB];
	_ =	sdelay $0x1  }
0x9f: {  	s14 =	simm.s32 $_scs_section_size  }
0xa0: {  	s5 =	simm.s32 $_size__tile_task_arg_handler_lowered;
	s6 =	simm.s32 $_tile_task_arg_handler_lowered  }
0xa1: {  	s17 =	simm.s32 $0x1BFF;
	s16 =	sshll.u32 s6, $0x1;
	s4 =	sadd.s32 s14, s13  }
0xa2: {  	s7 =	simm.s32 $0x60;
	s15 =	sshll.u32 s5, $0x1;
	s5 =	sadd.s32 s16, s4  }
0xa3: {  	[timem:s7], [sflag:s17] =	dma.local [hbm:s5], s15  }
0xa4: {  	_ =	swait.ge [sflag:s17], s15  }
0xa5: {  	s18 =	simm.s32 $_tile_overlayer_lowered;
	s2 =	ssub.s32 $0x0, s15;
	[sflag:s17] =	ssyncset.done $0x0  }
0xa6: {  	s19 =	simm.s32 $_size__tile_overlayer_lowered;
	s5 =	sshll.u32 s18, $0x1;
	[sflag:s17] =	ssyncadd.s32 s2  }
0xa7: {  	s21 =	simm.s32 $0x0;
	s20 =	sshll.u32 s19, $0x1;
	s5 =	sadd.s32 s5, s4  }
0xa8: {  	[timem:s21], [sflag:s17] =	dma.local [hbm:s5], s20  }
0xa9: {  	_ =	swait.ge [sflag:s17], s20  }
0xaa: {  	s22 =	ssub.s32 $0x0, s20;
	[sflag:s17] =	ssyncset.done $0x0  }
0xab: {  	[sflag:s17] =	ssyncadd.s32 s22;
	_ =	sdelay $0x1  }
0xac: {  	s23 =	simm.s32 $0x1B8B  }
0xad: {  	_ =	swait.ge [sflag:s23], $0x1  }
0xae: {  	[sflag:s23] =	ssyncset.done $0x0  }
0xaf: {  	s25 =	simm.s32 $0x1B8E;
	s24 =	sld [smem:$0x3FFE];
	[sflag:s23] =	ssyncadd.s32 $0xFFFFFFFF  }
0xb0: {  	s26 =	simm.s32 $execute0_lowered;
	[smem:$0x3FD2] =	sst s25  }
0xb1: {  	s6 =	sshll.u32 s26, $0x1;
	_ =	strace $0x80000046;
	[dreg:$0x1] =	wrdreg $0xFFFFFFFF  }
0xb2: {  	s28 =	simm.s32 $_size_execute0_lowered;
	s4 =	sadd.s32 s4, s6;
	[dreg:$0x0] =	wrdreg $0x0  }
0xb3: {  	s6 =	sshll.u32 s28, $0x1;
	[dreg:$0x2] =	wrdreg s4  }
0xb4: {  	[dreg:$0x3] =	wrdreg s6  }
0xb5: {  	[dreg:$0x4] =	wrdreg $0xC0  }
0xb6: {  	_ =	task [dreg:s21], $0x5FFFF  }
0xb7: {  	[dreg:$0x1] =	wrdreg $0xFFFFFFFF  }
0xb8: {  	[dreg:$0x0] =	wrdreg $0x30  }
0xb9: {  	[dreg:$0x2] =	wrdreg $0x0  }
0xba: {  	[dreg:$0x3] =	wrdreg $0x7800  }
0xbb: {  	[dreg:$0x4] =	wrdreg $0xA000  }
0xbc: {  	[dreg:$0x5] =	wrdreg $0xC800  }
0xbd: {  	[dreg:$0x6] =	wrdreg $0xF000  }
0xbe: {  	[dreg:$0x7] =	wrdreg $0x20800  }
0xbf: {  	[dreg:$0x8] =	wrdreg $0x23000  }
0xc0: {  	[dreg:$0x9] =	wrdreg $0x25800  }
0xc1: {  	[dreg:$0xa] =	wrdreg $0x9  }
0xc2: {  	_ =	task [dreg:s21], $0xBFFFF  }
0xc3: {  	[dreg:$0x1] =	wrdreg $0xFFFFFFFF  }
0xc4: {  	[dreg:$0x0] =	wrdreg $0x60  }
0xc5: {  	[dreg:$0x2] =	wrdreg s24  }
0xc6: {  	[dreg:$0x3] =	wrdreg s11  }
0xc7: {  	[dreg:$0x4] =	wrdreg $0x0  }
0xc8: {  	[dreg:$0x5] =	wrdreg $0x11800  }
0xc9: {  	[dreg:$0x6] =	wrdreg $0x14000  }
0xca: {  	[dreg:$0x7] =	wrdreg $0x16800  }
0xcb: {  	[dreg:$0x8] =	wrdreg $0x19000  }
0xcc: {  	[dreg:$0x9] =	wrdreg $0x1B800  }
0xcd: {  	[dreg:$0xa] =	wrdreg $0x1E000  }
0xce: {  	[dreg:$0xb] =	wrdreg $0x28000  }
0xcf: {  	[dreg:$0xc] =	wrdreg $0x2A800  }
0xd0: {  	[dreg:$0xd] =	wrdreg $0x2D000  }
0xd1: {  	[dreg:$0xe] =	wrdreg $0x2800  }
0xd2: {  	[dreg:$0xf] =	wrdreg $0x5000  }
0xd3: {  	_ =	task.clear_ibuf [dreg:s21], $0x10FFFF;
	_ =	strace $0x90000046  }
0xd4: {  	s29 =	simm.s32 $0x9;
	_ =	strace $0x80000048  }
0xd5: {  	_ =	swait.ge [sflag:s29], $0x1  }
0xd6: {  	[sflag:s29] =	ssyncadd.s32 $0xFFFFFFFF  }
0xd7: {  	_ =	strace $0x90000048  }
0xd8: {  	_ =	sfence  }
0xd9: {  	s30 =	sld [smem:$0x0];
	_ =	sdelay $0x2  }
0xda: {  	s31 =	sshll.u32 s1, $0xD;
	s1 =	sshrl.u32 s1, $0x2  }
0xdb: {  	s4 =	sand.u32 $0x4000, s31;
	s1 =	sadd.s32 s1, s30  }
0xdc: {  	s0 =	sor.u32 s4, s0;
	s1 =	sshll.u32 s1, $0x11  }
0xdd: {  	s0 =	sor.u32 s1, s0  }
0xde: {  	s0 =	sadd.s32 $0x8F2B, s0  }
0xdf: {  	[sflag:s0] =	ssyncadd.remote.s32 $0x1  }
0xe0: {  	_ =	sfence.sel $0xFFFF  }
0xe1: {  	[dreg:$0x0] =	wrdreg $0xFFFFFFFF;
	(pc) =	sbr.abs _section_cstart, $3  }
0xe2: {  	[dreg:$0x1] =	wrdreg $0xFFFFFFFF  }
0xe3: {  	_ =	task.clear_ibuf [dreg:s21], $0x2FFFF;
	_ =	strace $0x9FFFFFFF  }
0xe4: {  	(tm) =	ssettm $0x7FFFFFFF  }
0xe5: {  	_ =	shalt  }
tec
_tile_task_arg_handler_lowered:
.L_overlay_start_1:
0x0: {  	(tag) =	ssettag $0x1  }
0x1: {  	s0 =	rddreg [dreg:$0x0]  }
0x2: {  	s1 =	rddreg [dreg:$0x1]  }
0x3: {  	s2 =	rddreg [dreg:$0x2]  }
0x4: {  	s3 =	rddreg [dreg:$0x3]  }
0x5: {  	s4 =	rddreg [dreg:$0x4]  }
0x6: {  	s5 =	rddreg [dreg:$0x5]  }
0x7: {  	s6 =	rddreg [dreg:$0x6]  }
0x8: {  	s7 =	rddreg [dreg:$0x7]  }
0x9: {  	s8 =	rddreg [dreg:$0x8]  }
0xa: {  	s9 =	rddreg [dreg:$0x9]  }
0xb: {  	s10 =	rddreg [dreg:$0xa]  }
0xc: {  	s11 =	rddreg [dreg:$0xb]  }
0xd: {  	s12 =	rddreg [dreg:$0xc]  }
0xe: {  	s13 =	rddreg [dreg:$0xd]  }
0xf: {  	[smem:s0] =	sst s1  }
0x10: {  	[smem:s0+$0x1] =	sst s2  }
0x11: {  	[smem:s0+$0x2] =	sst s3  }
0x12: {  	[smem:s0+$0x3] =	sst s4  }
0x13: {  	[smem:s0+$0x4] =	sst s5  }
0x14: {  	[smem:s0+$0x5] =	sst s6  }
0x15: {  	[smem:s0+$0x6] =	sst s7  }
0x16: {  	[smem:s0+$0x7] =	sst s8  }
0x17: {  	[smem:s0+$0x8] =	sst s9  }
0x18: {  	[smem:s0+$0x9] =	sst s10  }
0x19: {  	[smem:s0+$0xA] =	sst s11  }
0x1a: {  	[smem:s0+$0xB] =	sst s12  }
0x1b: {  	[smem:s0+$0xC] =	sst s13;
	_ =	shalt  }
.Lfunc_end2:
execute0_lowered:
.L_overlay_start_2:
0x1c: {  	(tag) =	ssettag $0x2  }
0x1d: {  	s0 =	rddreg [dreg:$0x0]  }
0x1e: {  	s8 =	rddreg [dreg:$0x2]  }
0x1f: {  	s11 =	rddreg [dreg:$0x3]  }
0x20: {  	s9 =	rddreg [dreg:$0x4]  }
0x21: {  	s10 =	rddreg [dreg:$0x5]  }
0x22: {  	s13 =	rddreg [dreg:$0x6]  }
0x23: {  	s12 =	rddreg [dreg:$0x7]  }
0x24: {  	s28 =	rddreg [dreg:$0x8]  }
0x25: {  	s15 =	rddreg [dreg:$0x9]  }
0x26: {  	s20 =	rddreg [dreg:$0xa]  }
0x27: {  	s23 =	rddreg [dreg:$0xb]  }
0x28: {  	s24 =	rddreg [dreg:$0xc]  }
0x29: {  	s25 =	rddreg [dreg:$0xd];
	s1 =	simm.s32 $0x0  }
0x2a: {  	[smem:$0x7FF] =	sst s1  }
0x2b: {  	s14 =	sld [smem:$0x0]  }
0x2c: {  	s16 =	sld [smem:$0x1]  }
0x2d: {  	s26 =	stileid.u32;
	s17 =	sld [smem:$0x2]  }
0x2e: {  	s6 =	srdreg.scid;
	s18 =	sld [smem:$0x3]  }
0x2f: {  	s2 =	smul.u32 $0x4E20, s26;
	s1 =	sand.u32 $0x1, s6;
	s19 =	sld [smem:$0x4]  }
0x30: {  	s3 =	smul.u32 $0x280, s26;
	s29 =	sadd.s32 $0x3400, s0;
	s5 =	sld [smem:$0x7]  }
0x31: {  	s21 =	sld [smem:$0x5];
	s4 =	ssub.s32 $0x2, s1;
	s7 =	smul.u32 $0x16800, s1  }
0x32: {  	s22 =	sld [smem:$0x6];
	s1 =	smul.u32 $0x7800, s1;
	s6 =	sshrl.u32 s4, $0x1  }
0x33: {  	s2 =	sshrl.u32 s2, $0x3;
	s4 =	ssub.s32 s4, s6;
	[dreg:$0xe] =	wrdreg s5  }
0x34: {  	s6 =	smul.u32 $0x9C4, s26;
	_ =	strace $0x80000047;
	[dreg:$0x10] =	wrdreg s29  }
0x35: {  	s1 =	sadd.s32 s3, s1;
	s5 =	sadd.s32 s3, s7;
	[smem:$0x7FB] =	sst s19  }
0x36: {  	s7 =	sadd.s32 $0x17000, s0;
	s1 =	sshrl.u32 s1, $0x3;
	[smem:$0x7FC] =	sst s21  }
0x37: {  	s5 =	sshrl.u32 s5, $0x3;
	s6 =	sadd.s32 s6, s7;
	[smem:$0x7FD] =	sst s22  }
0x38: {  	s1 =	sadd.s32 s1, s0;
	[dreg:$0xf] =	wrdreg s6;
	s6 =	sadd.s32 s7, s2  }
0x39: {  	s2 =	sadd.s32 s2, s0;
	s5 =	sadd.s32 s5, s0;
	s0 =	sadd.s32 $0x26800, s0  }
0x3a: {  	[dreg:$0x11] =	wrdreg s0;
	s0 =	sadd.s32 $0x20E00, s5  }
0x3b: {  	s2 =	sadd.s32 $0xD200, s2;
	[dreg:$0x12] =	wrdreg s0  }
0x3c: {  	s0 =	sadd.s32 $0x21300, s5;
	[dreg:$0x1c] =	wrdreg s2  }
0x3d: {  	s2 =	sadd.s32 s3, s9;
	[dreg:$0x13] =	wrdreg s0  }
0x3e: {  	s9 =	sadd.s32 s3, s12;
	s12 =	smov.u32 s24;
	[smem:$0x7E6] =	sst s2  }
0x3f: {  	s24 =	sadd.s32 s3, s15;
	s15 =	sadd.s32 s3, s23;
	[smem:$0x7E9] =	sst s9  }
0x40: {  	s23 =	sadd.s32 s3, s25;
	[smem:$0x7EC] =	sst s15  }
0x41: {  	[smem:$0x7EE] =	sst s23  }
0x42: {  	s0 =	sadd.s32 $0x21800, s5;
	[smem:$0x7FA] =	sst s24  }
0x43: {  	s2 =	sadd.s32 s3, s16;
	[dreg:$0x14] =	wrdreg s0  }
0x44: {  	s9 =	sadd.s32 s3, s19;
	[smem:$0x7F0] =	sst s2  }
0x45: {  	s15 =	sadd.s32 $0x26A00, s1;
	[smem:$0x7F3] =	sst s9  }
0x46: {  	s23 =	sadd.s32 $0x27400, s1;
	[smem:$0x7F6] =	sst s15  }
0x47: {  	s0 =	sadd.s32 $0x21D00, s5;
	[smem:$0x7F8] =	sst s23  }
0x48: {  	[dreg:$0x15] =	wrdreg s0;
	s0 =	sadd.s32 $0x22200, s5  }
0x49: {  	[dreg:$0x16] =	wrdreg s0;
	s0 =	sadd.s32 $0x22700, s5  }
0x4a: {  	[dreg:$0x17] =	wrdreg s0;
	s0 =	sadd.s32 $0x22C00, s5  }
0x4b: {  	[dreg:$0x18] =	wrdreg s0;
	s0 =	sadd.s32 $0x23100, s5  }
0x4c: {  	s26 =	sshll.u32 s26, $0x6;
	s5 =	sadd.s32 $0x23600, s5;
	[dreg:$0x19] =	wrdreg s0  }
0x4d: {  	[dreg:$0x1a] =	wrdreg s5;
	s0 =	sor.u32 $0x1C04, s26  }
0x4e: {  	s5 =	sadd.s32 $0x9C0, s6;
	[dreg:$0x1b] =	wrdreg s0  }
0x4f: {  	s6 =	sadd.s32 s3, s8;
	[dreg:$0x1d] =	wrdreg s5  }
0x50: {  	s26 =	sadd.s32 s3, s11;
	[dreg:$0x1e] =	wrdreg s6  }
0x51: {  	[dreg:$0x1f] =	wrdreg s26;
	s5 =	sadd.s32 s3, s10  }
0x52: {  	s30 =	simm.s32 $0x2;
	s6 =	sadd.s32 s3, s13;
	[smem:$0x7E7] =	sst s5  }
0x53: {  	s31 =	simm.s32 $0xFD80;
	s10 =	sadd.s32 s3, s28;
	[smem:$0x7E8] =	sst s6  }
0x54: {  	s29 =	simm.s32 $0x3;
	s13 =	sadd.s32 s3, s20;
	[smem:$0x7EA] =	sst s10  }
0x55: {  	s7 =	simm.s32 $0x0;
	s20 =	sadd.s32 s3, s12;
	[smem:$0x7EB] =	sst s13  }
0x56: {  	s26 =	smov.u32 s25;
	s25 =	sadd.s32 s3, s14;
	[smem:$0x7ED] =	sst s20  }
0x57: {  	s9 =	simm.s32 $0xCE80;
	[smem:$0x7EF] =	sst s25;
	s5 =	sadd.s32 s3, s17  }
0x58: {  	s15 =	simm.s32 $0xFE00;
	s6 =	sadd.s32 s3, s18;
	[smem:$0x7F1] =	sst s5  }
0x59: {  	s23 =	simm.s32 $0x10080;
	s10 =	sadd.s32 s3, s21;
	[smem:$0x7F2] =	sst s6  }
0x5a: {  	s2 =	simm.s32 $0x0;
	s13 =	sadd.s32 s3, s22;
	[smem:$0x7F4] =	sst s10  }
0x5b: {  	s0 =	simm.s32 $0x10100;
	s20 =	sadd.s32 $0x26F00, s1;
	[smem:$0x7F5] =	sst s13  }
0x5c: {  	s25 =	smax.u32 s4, $0x1;
	s1 =	simm.s32 $0x10180;
	[smem:$0x7F7] =	sst s20  }
0x5d: {  	s3 =	simm.s32 $0x10000;
	[smem:$0x7F9] =	sst s25;
	s10 =	simm.s32 $0x4  }
0x5e: {  	s13 =	simm.s32 $0x7F80;
	s20 =	simm.s32 $0x80;
	s25 =	simm.s32 $0xFE80  }
.LBB3_1:
0x5f: {  	s4 =	rddreg [dreg:$0x12]  }
0x60: {  	s21 =	rddreg [dreg:$0x13]  }
0x61: {  	s5 =	simm.s32 $0xD800;
	s6 =	rddreg [dreg:$0x14]  }
0x62: {  	[tilespmem:s5], [sflag:$0x1] =	stream.linear.gather [hbm4b:s4+s7], $0x280, $0x38;
	[tilespmem:$0x12900] =	vst v63  }
0x63: {  	s22 =	simm.s32 $0xDA80;
	s5 =	rddreg [dreg:$0x11]  }
0x64: {  	[tilespmem:s22], [sflag:$0x1] =	stream.linear.gather [hbm4b:s21+s7], $0x280, $0x38;
	[tilespmem:$0x12900] =	vst v63  }
0x65: {  	s19 =	simm.s32 $0xDD00;
	s21 =	rddreg [dreg:$0x15]  }
0x66: {  	[tilespmem:s19], [sflag:$0x1] =	stream.linear.gather [hbm4b:s6+s7], $0x280, $0x38;
	[tilespmem:$0x12900] =	vst v63  }
0x67: {  	s22 =	simm.s32 $0xDF80;
	s6 =	rddreg [dreg:$0x16]  }
0x68: {  	[tilespmem:s22], [sflag:$0x1] =	stream.linear.gather [hbm4b:s21+s7], $0x280, $0x38;
	[tilespmem:$0x12900] =	vst v63  }
0x69: {  	s19 =	simm.s32 $0xE200;
	s21 =	rddreg [dreg:$0x17]  }
0x6a: {  	[tilespmem:s19], [sflag:$0x1] =	stream.linear.gather [hbm4b:s6+s7], $0x280, $0x38;
	[tilespmem:$0x12900] =	vst v63  }
0x6b: {  	s22 =	simm.s32 $0xE480;
	s6 =	rddreg [dreg:$0x18]  }
0x6c: {  	[tilespmem:s22], [sflag:$0x1] =	stream.linear.gather [hbm4b:s21+s7], $0x280, $0x38;
	[tilespmem:$0x12900] =	vst v63  }
0x6d: {  	s19 =	simm.s32 $0xE700;
	s21 =	rddreg [dreg:$0x19]  }
0x6e: {  	[tilespmem:s19], [sflag:$0x1] =	stream.linear.gather [hbm4b:s6+s7], $0x280, $0x38;
	[tilespmem:$0x12900] =	vst v63  }
0x6f: {  	s22 =	simm.s32 $0xE980;
	s6 =	rddreg [dreg:$0x1a]  }
0x70: {  	[tilespmem:s22], [sflag:$0x1] =	stream.linear.gather [hbm4b:s21+s7], $0x280, $0x38;
	[tilespmem:$0x12900] =	vst v63  }
0x71: {  	s19 =	simm.s32 $0xEC00;
	s21 =	rddreg [dreg:$0x1e]  }
0x72: {  	[tilespmem:s19], [sflag:$0x1] =	stream.linear.gather [hbm4b:s6+s7], $0x280, $0x38;
	[tilespmem:$0x12900] =	vst v63  }
0x73: {  	s4 =	sshrl.u32 s21, $0x3;
	s6 =	rddreg [dreg:$0x1b]  }
0x74: {  	[spmem:s4], [sflag:s6] =	dma.local [hbm:s5], $0x50  }
0x75: {  	_ =	swait.ge [sflag:s10], $0x50  }
0x76: {  	[sflag:s10] =	ssyncset.done $0x0;
	s22 =	rddreg [dreg:$0x1f]  }
0x77: {  	[sflag:s10] =	ssyncadd.s32 $0xFFFFFFB0;
	s4 =	sshrl.u32 s22, $0x3  }
0x78: {  	[spmem:s4], [sflag:s6] =	dma.local [hbm:s5], $0x50  }
0x79: {  	_ =	swait.ge [sflag:s10], $0x50  }
0x7a: {  	s19 =	sld [smem:$0x7E6];
	_ =	sdelay $0x1  }
0x7b: {  	[sflag:s10] =	ssyncset.done $0x0  }
0x7c: {  	[sflag:s10] =	ssyncadd.s32 $0xFFFFFFB0;
	s4 =	sshrl.u32 s19, $0x3  }
0x7d: {  	[spmem:s4], [sflag:s6] =	dma.local [hbm:s5], $0x50  }
0x7e: {  	_ =	swait.ge [sflag:s10], $0x50  }
0x7f: {  	s21 =	sld [smem:$0x7E7];
	_ =	sdelay $0x1  }
0x80: {  	[sflag:s10] =	ssyncset.done $0x0  }
0x81: {  	[sflag:s10] =	ssyncadd.s32 $0xFFFFFFB0;
	s4 =	sshrl.u32 s21, $0x3  }
0x82: {  	[spmem:s4], [sflag:s6] =	dma.local [hbm:s5], $0x50  }
0x83: {  	_ =	swait.ge [sflag:s10], $0x50  }
0x84: {  	s22 =	sld [smem:$0x7E8];
	_ =	sdelay $0x1  }
0x85: {  	[sflag:s10] =	ssyncset.done $0x0  }
0x86: {  	[sflag:s10] =	ssyncadd.s32 $0xFFFFFFB0;
	s4 =	sshrl.u32 s22, $0x3  }
0x87: {  	[spmem:s4], [sflag:s6] =	dma.local [hbm:s5], $0x50  }
0x88: {  	_ =	swait.ge [sflag:s10], $0x50  }
0x89: {  	s19 =	sld [smem:$0x7E9];
	_ =	sdelay $0x1  }
0x8a: {  	[sflag:s10] =	ssyncset.done $0x0  }
0x8b: {  	[sflag:s10] =	ssyncadd.s32 $0xFFFFFFB0;
	s4 =	sshrl.u32 s19, $0x3  }
0x8c: {  	[spmem:s4], [sflag:s6] =	dma.local [hbm:s5], $0x50  }
0x8d: {  	_ =	swait.ge [sflag:s10], $0x50  }
0x8e: {  	s21 =	sld [smem:$0x7EA];
	_ =	sdelay $0x1  }
0x8f: {  	[sflag:s10] =	ssyncset.done $0x0  }
0x90: {  	[sflag:s10] =	ssyncadd.s32 $0xFFFFFFB0;
	s4 =	sshrl.u32 s21, $0x3  }
0x91: {  	[spmem:s4], [sflag:s6] =	dma.local [hbm:s5], $0x50  }
0x92: {  	_ =	swait.ge [sflag:s10], $0x50  }
0x93: {  	[sflag:s10] =	ssyncset.done $0x0  }
0x94: {  	s22 =	sshrl.u32 s24, $0x3;
	[sflag:s10] =	ssyncadd.s32 $0xFFFFFFB0  }
0x95: {  	[spmem:s22], [sflag:s6] =	dma.local [hbm:s5], $0x50  }
0x96: {  	_ =	swait.ge [sflag:s10], $0x50  }
0x97: {  	s24 =	sld [smem:$0x7EB];
	_ =	sdelay $0x1  }
0x98: {  	[sflag:s10] =	ssyncset.done $0x0  }
0x99: {  	[sflag:s10] =	ssyncadd.s32 $0xFFFFFFB0;
	s4 =	sshrl.u32 s24, $0x3  }
0x9a: {  	[spmem:s4], [sflag:s6] =	dma.local [hbm:s5], $0x50  }
0x9b: {  	_ =	swait.ge [sflag:s10], $0x50  }
0x9c: {  	s19 =	sld [smem:$0x7EC];
	_ =	sdelay $0x1  }
0x9d: {  	[sflag:s10] =	ssyncset.done $0x0  }
0x9e: {  	[sflag:s10] =	ssyncadd.s32 $0xFFFFFFB0;
	s4 =	sshrl.u32 s19, $0x3  }
0x9f: {  	[spmem:s4], [sflag:s6] =	dma.local [hbm:s5], $0x50  }
0xa0: {  	_ =	swait.ge [sflag:s10], $0x50  }
0xa1: {  	[sflag:s10] =	ssyncset.done $0x0  }
0xa2: {  	[sflag:s10] =	ssyncadd.s32 $0xFFFFFFB0  }
0xa3: {  	s21 =	rddreg [dreg:$0x1]  }
0xa4: {  	[tilespmem:s9], [sflag:$0x4] =	stream.linear.gather [hbm4b:s21+s7], $0x80, $0x38;
	[tilespmem:$0x12900] =	vst v63  }
0xa5: {  	_ =	swait.ge [sflag:s10], $0x80  }
0xa6: {  	[sflag:s10] =	ssyncset.done $0x0  }
0xa7: {  	s24 =	simm.s32 $0x8000;
	s22 =	rddreg [dreg:$0x1c];
	[sflag:s10] =	ssyncadd.s32 $0xFFFFFF80  }
0xa8: {  	[tilespmem:s24], [sflag:$0x4] =	stream.linear.gather [hbm4b:s22+s7], $0x4E20, $0x38;
	[tilespmem:$0x12900] =	vst v63  }
0xa9: {  	_ =	swait.ge [sflag:s10], $0x4E20  }
0xaa: {  	s4 =	simm.s32 $0x2F80;
	[sflag:s10] =	ssyncset.done $0x0  }
0xab: {  	s5 =	simm.s32 $0x0;
	s9 =	rddreg [dreg:$0xf];
	[sflag:s10] =	ssyncadd.s32 $0xFFFFB1E0  }
.LBB3_2:
0xac: {  	p0 =	sne.s32 s5, $0x9B0  }
.Ltmp0:
0xad: {  	_ = 	snop;
	(pc) =	sbr.rel @p0 .LBB3_2-.Ltmp0, $4  }
0xae: {  	_ = 	snop  }
0xaf: {  	s6 =	sadd.s32 s5, s9  }
0xb0: {  	[tilespmem:s4], [sflag:$0x2] =	stream.linear.gather [hbm4b:s6+s7], $0x80, $0x38;
	[tilespmem:$0x12900] =	vst v63  }
0xb1: {  	s5 =	sadd.s32 $0x10, s5;
	s4 =	sadd.s32 $0x80, s4  }
0xb2: {  	_ =	swait.ge [sflag:s30], $0x80  }
0xb3: {  	s4 =	simm.s32 $0x9B;
	[sflag:s30] =	ssyncset.done $0x0  }
.LBB3_4:
0xb4: {  	p0 =	sne.s32 s4, $0x1;
	s4 =	sadd.s32 $0xFFFFFFFF, s4;
	[sflag:s30] =	ssyncadd.s32 $0xFFFFFF80  }
.Ltmp1:
0xb5: {  	(pc) =	sbr.rel @p0 .LBB3_4-.Ltmp1, $3  }
0xb6: {  	_ =	sdelay $0x1  }
0xb7: {  	_ =	swait.ge [sflag:s30], $0x80  }
0xb8: {  	[sflag:s30] =	ssyncset.done $0x0  }
0xb9: {  	[sflag:s30] =	ssyncadd.s32 $0xFFFFFF80;
	s4 =	simm.s32 $0x0;
	s5 =	rddreg [dreg:$0x1d]  }
0xba: {  	[tilespmem:s13], [sflag:$0x4] =	stream.linear.gather [hbm4b:s5+s4], $0x20, $0x38;
	[tilespmem:$0x12900] =	vst v63  }
0xbb: {  	_ =	swait.ge [sflag:s10], $0x20  }
0xbc: {  	[sflag:s10] =	ssyncset.done $0x0  }
0xbd: {  	s6 =	simm.s32 $0xCE80;
	[sflag:s10] =	ssyncadd.s32 $0xFFFFFFE0  }
0xbe: {  	s4 =	simm.s32 $0x200;
	s5 =	simm.s32 $0x2F80;
	[bflag:$0x0] =	sbarrier.arrive $0xFFFF  }
.LBB3_6:
0xbf: {  	[spmem:s8] =	stream.indirect.scatter.add.f32 [tilespmem:s6], [sflag:$0x3], $0x1, s5, s20, $0xb8;
	[tilespmem:$0x12900] =	vst v63  }
0xc0: {  	s5 =	smov.u32 s4;
	p0 =	sne.s32 s4, $0x13600  }
.Ltmp2:
0xc1: {  	s4 =	sadd.s32 $0x200, s4;
	(pc) =	sbr.rel @p0 .LBB3_6-.Ltmp2, $3  }
0xc2: {  	_ =	sdelay $0x1  }
0xc3: {  	s5 =	sshra.s32 s5, $0x2  }
0xc4: {  	s5 =	sadd.s32 $0x2F80, s5  }
0xc5: {  	[spmem:s8] =	stream.indirect.scatter.add.f32 [tilespmem:s6], [sflag:$0x3], $0x1, s5, s20, $0xb8;
	[tilespmem:$0x12900] =	vst v63  }
0xc6: {  	s4 =	simm.s32 $0x20  }
0xc7: {  	[spmem:s8] =	stream.indirect.scatter.add.f32 [tilespmem:s6], [sflag:$0x4], $0x1, s13, s4, $0xb8;
	[tilespmem:$0x12900] =	vst v63  }
0xc8: {  	_ =	swait.ge [sflag:s10], $0x20  }
0xc9: {  	[sflag:s10] =	ssyncset.done $0x0  }
0xca: {  	[sflag:s10] =	ssyncadd.s32 $0xFFFFFFE0  }
0xcb: {  	_ =	swait.ge [sflag:s29], $0x80  }
0xcc: {  	s4 =	simm.s32 $0x9B;
	[sflag:s29] =	ssyncset.done $0x0  }
.LBB3_8:
0xcd: {  	p0 =	sne.s32 s4, $0x1;
	s4 =	sadd.s32 $0xFFFFFFFF, s4;
	[sflag:s29] =	ssyncadd.s32 $0xFFFFFF80  }
.Ltmp3:
0xce: {  	(pc) =	sbr.rel @p0 .LBB3_8-.Ltmp3, $3  }
0xcf: {  	_ =	sdelay $0x1  }
0xd0: {  	_ =	swait.ge [sflag:s29], $0x80  }
0xd1: {  	[sflag:s29] =	ssyncset.done $0x0  }
0xd2: {  	[sflag:s29] =	ssyncadd.s32 $0xFFFFFF80  }
0xd3: {  	[bflag:$0x0] =	sbarrier.arrive $0xFFFF  }
0xd4: {  	s4 =	simm.s32 $0xCF00;
	s5 =	rddreg [dreg:$0x1e]  }
0xd5: {  	[tilespmem:s4], [sflag:$0x4] =	stream.linear.gather [spmem:s5], $0x280, $0x38;
	[tilespmem:$0x12900] =	vst v63  }
0xd6: {  	_ =	swait.ge [sflag:s10], $0x280  }
0xd7: {  	[sflag:s10] =	ssyncset.done $0x0  }
0xd8: {  	[sflag:s10] =	ssyncadd.s32 $0xFFFFFD80  }
0xd9: {  	v0 =	vld [tilespmem:s4+$0x0];
	_ =	sdelay $0x1  }
0xda: {  	s22 =	simm.s32 $0x0  }
0xdb: {  	s24 =	sand.u32 $0xFFFFFF80, s22  }
0xdc: {  	s6 =	ssub.s32 $0x0, s24  }
0xdd: {  	s6 =	sand.u32 $0xFFFFFF80, s6;
	s5 =	sand.u32 $0x3FFFFF80, s22;
	s4 =	simm.s32 $0x0;
	v0 =	vtrunc.f32 v0  }
0xde: {  	s5 =	sadd.s32 s6, s5;
	s7 =	sand.u32 $0x70, s4;
	v0 =	vcvt.f32.s32 v0  }
0xdf: {  	s5 =	sor.u32 s7, s5  }
0xe0: {  	[tilespmem:s5+$0xD180] =	vst v0;
	s5 =	simm.s32 $0xCF10  }
0xe1: {  	s13 =	simm.s32 $0x10200;
	s6 =	simm.s32 $0x1;
	s7 =	simm.s32 $0x2;
	v0 =	vld [tilespmem:s5+$0x0]  }
.LBB3_10:
0xe2: {  	p0 =	sne.s32 s7, $0x27  }
0xe3: {  	s8 =	sshll.u32 s6, $0x4;
	s6 =	smov.u32 s7  }
0xe4: {  	s4 =	sadd.s32 $0x10, s4;
	s9 =	sand.u32 $0xFFFFFF80, s8  }
0xe5: {  	s9 =	ssub.s32 s4, s9  }
.Ltmp4:
0xe6: {  	s8 =	sand.u32 $0x3FFFFF80, s8;
	s9 =	sand.u32 $0xFFFFFF80, s9;
	v0 =	vtrunc.f32 v0;
	(pc) =	sbr.rel @p0 .LBB3_10-.Ltmp4, $4  }
0xe7: {  	s10 =	sand.u32 $0x70, s4;
	s8 =	sadd.s32 s9, s8;
	v0 =	vcvt.f32.s32 v0  }
0xe8: {  	s8 =	sor.u32 s10, s8  }
0xe9: {  	s5 =	sadd.s32 $0x10, s5;
	[tilespmem:s8+$0xD180] =	vst v0  }
0xea: {  	s7 =	sadd.s32 $0x1, s7;
	v0 =	vld [tilespmem:s5+$0x0]  }
0xeb: {  	_ = 	snop  }
0xec: {  	s5 =	sshll.u32 s6, $0x4  }
0xed: {  	s4 =	sadd.s32 $0x10, s4;
	s6 =	sand.u32 $0xFFFFFF80, s5  }
0xee: {  	s6 =	ssub.s32 s4, s6  }
0xef: {  	s5 =	sand.u32 $0x3FFFFF80, s5;
	s6 =	sand.u32 $0xFFFFFF80, s6;
	v0 =	vtrunc.f32 v0  }
0xf0: {  	s4 =	sand.u32 $0x70, s4;
	s5 =	sadd.s32 s6, s5;
	v0 =	vcvt.f32.s32 v0  }
0xf1: {  	s4 =	sor.u32 s4, s5  }
0xf2: {  	s22 =	rddreg [dreg:$0x10];
	s24 =	simm.s32 $0xD180;
	[tilespmem:s4+$0xD180] =	vst v0;
	s4 =	simm.s32 $0xD580  }
0xf3: {  	[tilespmem:s4], [sflag:$0x2] =	stream.indirect.gather [hbm4b:s22+s20], $0x1, s24, s20, $0xb8;
	[tilespmem:$0x12900] =	vst v63  }
0xf4: {  	[smem:$0x7E5] =	sst s2;
	s2 =	simm.s32 $0xD200;
	s7 =	simm.s32 $0xD600  }
0xf5: {  	[tilespmem:s7], [sflag:$0x2] =	stream.indirect.gather [hbm4b:s22+s20], $0x1, s2, s20, $0xb8;
	[tilespmem:$0x12900] =	vst v63  }
0xf6: {  	s8 =	simm.s32 $0xD680;
	s7 =	simm.s32 $0xD280  }
0xf7: {  	[tilespmem:s8], [sflag:$0x2] =	stream.indirect.gather [hbm4b:s22+s20], $0x1, s7, s20, $0xb8;
	[tilespmem:$0x12900] =	vst v63  }
0xf8: {  	s9 =	simm.s32 $0xD300;
	s10 =	simm.s32 $0xD700  }
0xf9: {  	[tilespmem:s10], [sflag:$0x2] =	stream.indirect.gather [hbm4b:s22+s20], $0x1, s9, s20, $0xb8;
	[tilespmem:$0x12900] =	vst v63  }
0xfa: {  	s19 =	simm.s32 $0xD380;
	s21 =	simm.s32 $0xD780  }
0xfb: {  	[tilespmem:s21], [sflag:$0x2] =	stream.indirect.gather [hbm4b:s22+s20], $0x1, s19, s20, $0xb8;
	[tilespmem:$0x12900] =	vst v63  }
0xfc: {  	_ =	swait.ge [sflag:s30], $0x80  }
0xfd: {  	[sflag:s30] =	ssyncset.done $0x0  }
0xfe: {  	[sflag:s30] =	ssyncadd.s32 $0xFFFFFF80  }
0xff: {  	_ =	swait.ge [sflag:s30], $0x80  }
0x100: {  	[sflag:s30] =	ssyncset.done $0x0  }
0x101: {  	[sflag:s30] =	ssyncadd.s32 $0xFFFFFF80  }
0x102: {  	_ =	swait.ge [sflag:s30], $0x80  }
0x103: {  	[sflag:s30] =	ssyncset.done $0x0  }
0x104: {  	[sflag:s30] =	ssyncadd.s32 $0xFFFFFF80  }
0x105: {  	_ =	swait.ge [sflag:s30], $0x80  }
0x106: {  	[sflag:s30] =	ssyncset.done $0x0  }
0x107: {  	[sflag:s30] =	ssyncadd.s32 $0xFFFFFF80  }
0x108: {  	_ =	swait.ge [sflag:s30], $0x80  }
0x109: {  	[sflag:s30] =	ssyncset.done $0x0  }
0x10a: {  	s22 =	simm.s32 $0x1;
	[sflag:s30] =	ssyncadd.s32 $0xFFFFFF80  }
0x10b: {  	_ =	swait.ge [sflag:s22], $0x280  }
0x10c: {  	[sflag:s22] =	ssyncset.done $0x0  }
0x10d: {  	[sflag:s22] =	ssyncadd.s32 $0xFFFFFD80  }
0x10e: {  	_ =	swait.ge [sflag:s22], $0x280  }
0x10f: {  	[sflag:s22] =	ssyncset.done $0x0  }
0x110: {  	[sflag:s22] =	ssyncadd.s32 $0xFFFFFD80  }
0x111: {  	_ =	swait.ge [sflag:s22], $0x280  }
0x112: {  	[sflag:s22] =	ssyncset.done $0x0  }
0x113: {  	[sflag:s22] =	ssyncadd.s32 $0xFFFFFD80  }
0x114: {  	_ =	swait.ge [sflag:s22], $0x280  }
0x115: {  	[sflag:s22] =	ssyncset.done $0x0  }
0x116: {  	[sflag:s22] =	ssyncadd.s32 $0xFFFFFD80  }
0x117: {  	_ =	swait.ge [sflag:s22], $0x280  }
0x118: {  	[sflag:s22] =	ssyncset.done $0x0  }
0x119: {  	[sflag:s22] =	ssyncadd.s32 $0xFFFFFD80  }
0x11a: {  	_ =	swait.ge [sflag:s22], $0x280  }
0x11b: {  	[sflag:s22] =	ssyncset.done $0x0  }
0x11c: {  	[sflag:s22] =	ssyncadd.s32 $0xFFFFFD80  }
0x11d: {  	_ =	swait.ge [sflag:s22], $0x280  }
0x11e: {  	[sflag:s22] =	ssyncset.done $0x0  }
0x11f: {  	[sflag:s22] =	ssyncadd.s32 $0xFFFFFD80  }
0x120: {  	_ =	swait.ge [sflag:s22], $0x280  }
0x121: {  	[sflag:s22] =	ssyncset.done $0x0  }
0x122: {  	[sflag:s22] =	ssyncadd.s32 $0xFFFFFD80  }
0x123: {  	_ =	swait.ge [sflag:s22], $0x280  }
0x124: {  	s24 =	simm.s32 $0x0;
	[sflag:s22] =	ssyncset.done $0x0  }
0x125: {  	s5 =	sand.u32 $0x3F0, s24;
	[sflag:s22] =	ssyncadd.s32 $0xFFFFFD80  }
0x126: {  	v1 =	vld [tilespmem:s5+$0xDF80]  }
0x127: {  	v0 =	vld [tilespmem:s4+$0x0];
	_ =	sdelay $0x4  }
0x128: {  	v1 =	vmul.f32 v1, v0  }
0x129: {  	s6 =	simm.s32 $0xEE80  }
0x12a: {  	[tilespmem:s6+$0x0] =	vst v1  }
0x12b: {  	v4 =	vld [tilespmem:s5+$0xE480]  }
0x12c: {  	v3 =	vld [tilespmem:s5+$0xE200]  }
0x12d: {  	v2 =	vld [tilespmem:s5+$0xE980]  }
0x12e: {  	s7 =	simm.s32 $0x10;
	v1 =	vld [tilespmem:s5+$0xEC00]  }
.LBB3_12:
0x12f: {  	p0 =	sne.s32 s7, $0x270;
	v5 =	vld [tilespmem:s5+$0xE700];
	s4 =	sadd.s32 $0x10, s4;
	s6 =	sadd.s32 $0x10, s6  }
0x130: {  	s8 =	smov.u32 s7;
	s7 =	sadd.s32 $0x10, s7;
	v4 =	vmul.f32 v4, v0  }
0x131: {  	v3 =	vmul.f32 v3, v0  }
0x132: {  	[tilespmem:s5+$0xF380] =	vst v4;
	v2 =	vmul.f32 v2, v0  }
0x133: {  	s8 =	sand.u32 $0x3F0, s8;
	[tilespmem:s5+$0xF100] =	vst v3;
	v1 =	vmul.f32 v1, v0  }
0x134: {  	v3 =	vld [tilespmem:s8+$0xDF80];
	v0 =	vmul.f32 v5, v0;
	[tilespmem:s5+$0xF880] =	vst v2  }
0x135: {  	[tilespmem:s5+$0xFB00] =	vst v1  }
0x136: {  	[tilespmem:s5+$0xF600] =	vst v0;
	s5 =	smov.u32 s8  }
0x137: {  	v0 =	vld [tilespmem:s4+$0x0];
	_ =	sdelay $0x4  }
0x138: {  	v1 =	vmul.f32 v3, v0;
	_ =	sdelay $0x1  }
.Ltmp5:
0x139: {  	[tilespmem:s6+$0x0] =	vst v1;
	(pc) =	sbr.rel @p0 .LBB3_12-.Ltmp5, $4  }
0x13a: {  	v4 =	vld [tilespmem:s5+$0xE480]  }
0x13b: {  	v3 =	vld [tilespmem:s5+$0xE200]  }
0x13c: {  	v2 =	vld [tilespmem:s5+$0xE980]  }
0x13d: {  	v1 =	vld [tilespmem:s5+$0xEC00]  }
0x13e: {  	v5 =	vld [tilespmem:s5+$0xE700]  }
0x13f: {  	v4 =	vmul.f32 v4, v0  }
0x140: {  	v3 =	vmul.f32 v3, v0  }
0x141: {  	[tilespmem:s5+$0xF380] =	vst v4;
	v2 =	vmul.f32 v2, v0  }
0x142: {  	[tilespmem:s5+$0xF100] =	vst v3;
	v1 =	vmul.f32 v1, v0  }
0x143: {  	s4 =	sld [smem:$0x7ED];
	v63 =	vmul.f32 v5, v0;
	[tilespmem:s5+$0xF880] =	vst v2  }
0x144: {  	[tilespmem:s5+$0xFB00] =	vst v1  }
0x145: {  	s21 =	simm.s32 $0xEE80;
	[tilespmem:s5+$0xF600] =	vst v63;
	s5 =	simm.s32 $0x4  }
0x146: {  	[spmem:s4] =	stream.linear.scatter [tilespmem:s21], [sflag:$0x4], $0x280, $0x38;
	[tilespmem:$0x12900] =	vst v63  }
0x147: {  	_ =	swait.ge [sflag:s5], $0x280  }
0x148: {  	s22 =	sld [smem:$0x7EE]  }
0x149: {  	[sflag:s5] =	ssyncset.done $0x0  }
0x14a: {  	s6 =	simm.s32 $0xF100;
	[sflag:s5] =	ssyncadd.s32 $0xFFFFFD80  }
0x14b: {  	[spmem:s22] =	stream.linear.scatter [tilespmem:s6], [sflag:$0x4], $0x280, $0x38;
	[tilespmem:$0x12900] =	vst v63  }
0x14c: {  	_ =	swait.ge [sflag:s5], $0x280  }
0x14d: {  	s24 =	sld [smem:$0x7EF]  }
0x14e: {  	[sflag:s5] =	ssyncset.done $0x0  }
0x14f: {  	s2 =	simm.s32 $0xF380;
	[sflag:s5] =	ssyncadd.s32 $0xFFFFFD80  }
0x150: {  	[spmem:s24] =	stream.linear.scatter [tilespmem:s2], [sflag:$0x4], $0x280, $0x38;
	[tilespmem:$0x12900] =	vst v63  }
0x151: {  	_ =	swait.ge [sflag:s5], $0x280  }
0x152: {  	s7 =	sld [smem:$0x7F0]  }
0x153: {  	[sflag:s5] =	ssyncset.done $0x0  }
0x154: {  	s8 =	simm.s32 $0xF600;
	[sflag:s5] =	ssyncadd.s32 $0xFFFFFD80  }
0x155: {  	[spmem:s7] =	stream.linear.scatter [tilespmem:s8], [sflag:$0x4], $0x280, $0x38;
	[tilespmem:$0x12900] =	vst v63  }
0x156: {  	_ =	swait.ge [sflag:s5], $0x280  }
0x157: {  	s9 =	sld [smem:$0x7F1]  }
0x158: {  	[sflag:s5] =	ssyncset.done $0x0  }
0x159: {  	s10 =	simm.s32 $0xF880;
	[sflag:s5] =	ssyncadd.s32 $0xFFFFFD80  }
0x15a: {  	[spmem:s9] =	stream.linear.scatter [tilespmem:s10], [sflag:$0x4], $0x280, $0x38;
	[tilespmem:$0x12900] =	vst v63  }
0x15b: {  	_ =	swait.ge [sflag:s5], $0x280  }
0x15c: {  	s19 =	sld [smem:$0x7F2]  }
0x15d: {  	[sflag:s5] =	ssyncset.done $0x0  }
0x15e: {  	s21 =	simm.s32 $0xFB00;
	[sflag:s5] =	ssyncadd.s32 $0xFFFFFD80  }
0x15f: {  	[spmem:s19] =	stream.linear.scatter [tilespmem:s21], [sflag:$0x4], $0x280, $0x38;
	[tilespmem:$0x12900] =	vst v63  }
0x160: {  	_ =	swait.ge [sflag:s5], $0x280  }
0x161: {  	p0 =	por $0x1, $0x1;
	[sflag:s5] =	ssyncset.done $0x0  }
0x162: {  	p0 =	por p0, p0;
	[sflag:s5] =	ssyncadd.s32 $0xFFFFFD80  }
0x163: {  	s4 =	simm.s32 @!p0 $0x3;
	[bflag:$0x0] =	sbarrier.arrive $0xFFFF  }
0x164: {  	_ =	swait.ge @!p0 [sflag:s4], $0x80  }
0x165: {  	[sflag:s4] =	ssyncset.done @!p0 $0x0  }
0x166: {  	[sflag:s4] =	ssyncadd.s32 @!p0 $0xFFFFFF80  }
0x167: {  	_ =	swait.ge @!p0 [sflag:s4], $0x80  }
0x168: {  	[sflag:s4] =	ssyncset.done @!p0 $0x0  }
0x169: {  	[sflag:s4] =	ssyncadd.s32 @!p0 $0xFFFFFF80  }
0x16a: {  	_ =	swait.ge @!p0 [sflag:s4], $0x80  }
0x16b: {  	[sflag:s4] =	ssyncset.done @!p0 $0x0  }
0x16c: {  	[sflag:s4] =	ssyncadd.s32 @!p0 $0xFFFFFF80  }
0x16d: {  	_ =	swait.ge @!p0 [sflag:s4], $0x80  }
0x16e: {  	[sflag:s4] =	ssyncset.done @!p0 $0x0  }
0x16f: {  	[sflag:s4] =	ssyncadd.s32 @!p0 $0xFFFFFF80  }
0x170: {  	_ =	swait.ge @!p0 [sflag:s4], $0x80  }
0x171: {  	[sflag:s4] =	ssyncset.done @!p0 $0x0  }
0x172: {  	[sflag:s4] =	ssyncadd.s32 @!p0 $0xFFFFFF80  }
0x173: {  	_ =	swait.ge @!p0 [sflag:s4], $0x80  }
0x174: {  	[sflag:s4] =	ssyncset.done @!p0 $0x0  }
0x175: {  	[sflag:s4] =	ssyncadd.s32 @!p0 $0xFFFFFF80  }
0x176: {  	_ =	swait.ge @!p0 [sflag:s4], $0x80  }
0x177: {  	[sflag:s4] =	ssyncset.done @!p0 $0x0  }
0x178: {  	[sflag:s4] =	ssyncadd.s32 @!p0 $0xFFFFFF80  }
0x179: {  	_ =	swait.ge @!p0 [sflag:s4], $0x80  }
0x17a: {  	[sflag:s4] =	ssyncset.done @!p0 $0x0  }
0x17b: {  	[sflag:s4] =	ssyncadd.s32 @!p0 $0xFFFFFF80  }
0x17c: {  	_ =	swait.ge @!p0 [sflag:s4], $0x80  }
0x17d: {  	[sflag:s4] =	ssyncset.done @!p0 $0x0  }
0x17e: {  	[sflag:s4] =	ssyncadd.s32 @!p0 $0xFFFFFF80  }
0x17f: {  	_ =	swait.ge @!p0 [sflag:s4], $0x80  }
0x180: {  	[sflag:s4] =	ssyncset.done @!p0 $0x0  }
0x181: {  	[sflag:s4] =	ssyncadd.s32 @!p0 $0xFFFFFF80  }
0x182: {  	_ =	swait.ge @!p0 [sflag:s4], $0x80  }
0x183: {  	[sflag:s4] =	ssyncset.done @!p0 $0x0  }
0x184: {  	[sflag:s4] =	ssyncadd.s32 @!p0 $0xFFFFFF80  }
0x185: {  	_ =	swait.ge @!p0 [sflag:s4], $0x80  }
0x186: {  	[sflag:s4] =	ssyncset.done @!p0 $0x0  }
0x187: {  	s22 =	simm.s32 $0x8000;
	[sflag:s4] =	ssyncadd.s32 @!p0 $0xFFFFFF80  }
0x188: {  	[tilespmem:s31], [sflag:$0x2] =	stream.indirect.gather [spmem:s12], $0x1, s22, s20, $0xb8;
	[tilespmem:$0x12900] =	vst v63  }
0x189: {  	_ = 	snop  }
0x18a: {  	[tilespmem:s15], [sflag:$0x2] =	stream.indirect.gather [spmem:s26], $0x1, s22, s20, $0xb8;
	[tilespmem:$0x12900] =	vst v63  }
0x18b: {  	_ = 	snop  }
0x18c: {  	[tilespmem:s25], [sflag:$0x2] =	stream.indirect.gather [spmem:s14], $0x1, s22, s20, $0xb8;
	[tilespmem:$0x12900] =	vst v63  }
0x18d: {  	s24 =	smov.u32 s26;
	s26 =	simm.s32 $0xFF00  }
0x18e: {  	[tilespmem:s26], [sflag:$0x2] =	stream.indirect.gather [spmem:s16], $0x1, s22, s20, $0xb8;
	[tilespmem:$0x12900] =	vst v63  }
0x18f: {  	s2 =	simm.s32 $0xFF80  }
0x190: {  	[tilespmem:s2], [sflag:$0x2] =	stream.indirect.gather [spmem:s17], $0x1, s22, s20, $0xb8;
	[tilespmem:$0x12900] =	vst v63  }
0x191: {  	_ = 	snop  }
0x192: {  	[tilespmem:s3], [sflag:$0x2] =	stream.indirect.gather [spmem:s18], $0x1, s22, s20, $0xb8;
	[tilespmem:$0x12900] =	vst v63  }
0x193: {  	s5 =	simm.s32 $0x8080  }
0x194: {  	[tilespmem:s23], [sflag:$0x2] =	stream.indirect.gather [spmem:s12], $0x1, s5, s20, $0xb8;
	[tilespmem:$0x12900] =	vst v63  }
0x195: {  	_ = 	snop  }
0x196: {  	[tilespmem:s0], [sflag:$0x2] =	stream.indirect.gather [spmem:s24], $0x1, s5, s20, $0xb8;
	[tilespmem:$0x12900] =	vst v63  }
0x197: {  	_ = 	snop  }
0x198: {  	[tilespmem:s1], [sflag:$0x2] =	stream.indirect.gather [spmem:s14], $0x1, s5, s20, $0xb8;
	[tilespmem:$0x12900] =	vst v63  }
0x199: {  	_ = 	snop  }
0x19a: {  	[tilespmem:s13], [sflag:$0x2] =	stream.indirect.gather [spmem:s16], $0x1, s5, s20, $0xb8;
	[tilespmem:$0x12900] =	vst v63  }
0x19b: {  	s21 =	simm.s32 $0x10280  }
0x19c: {  	[tilespmem:s21], [sflag:$0x2] =	stream.indirect.gather [spmem:s17], $0x1, s5, s20, $0xb8;
	[tilespmem:$0x12900] =	vst v63  }
0x19d: {  	s22 =	simm.s32 $0x10300  }
0x19e: {  	[tilespmem:s22], [sflag:$0x2] =	stream.indirect.gather [spmem:s18], $0x1, s5, s20, $0xb8;
	[tilespmem:$0x12900] =	vst v63  }
0x19f: {  	_ =	swait.ge [sflag:s30], $0x80  }
0x1a0: {  	[sflag:s30] =	ssyncset.done $0x0  }
0x1a1: {  	[sflag:s30] =	ssyncadd.s32 $0xFFFFFF80  }
0x1a2: {  	_ =	swait.ge [sflag:s30], $0x80  }
0x1a3: {  	[sflag:s30] =	ssyncset.done $0x0  }
0x1a4: {  	[sflag:s30] =	ssyncadd.s32 $0xFFFFFF80  }
0x1a5: {  	_ =	swait.ge [sflag:s30], $0x80  }
0x1a6: {  	[sflag:s30] =	ssyncset.done $0x0  }
0x1a7: {  	[sflag:s30] =	ssyncadd.s32 $0xFFFFFF80  }
0x1a8: {  	_ =	swait.ge [sflag:s30], $0x80  }
0x1a9: {  	[sflag:s30] =	ssyncset.done $0x0  }
0x1aa: {  	[sflag:s30] =	ssyncadd.s32 $0xFFFFFF80  }
0x1ab: {  	_ =	swait.ge [sflag:s30], $0x80  }
0x1ac: {  	[sflag:s30] =	ssyncset.done $0x0  }
0x1ad: {  	[sflag:s30] =	ssyncadd.s32 $0xFFFFFF80  }
0x1ae: {  	_ =	swait.ge [sflag:s30], $0x80  }
0x1af: {  	[sflag:s30] =	ssyncset.done $0x0  }
0x1b0: {  	s6 =	simm.s32 $0x2F80;
	[sflag:s30] =	ssyncadd.s32 $0xFFFFFF80  }
0x1b1: {  	[spmem:s11] =	stream.indirect.scatter.add.f32 [tilespmem:s31], [sflag:$0x3], $0x1, s6, s20, $0xb8;
	[tilespmem:$0x12900] =	vst v63  }
0x1b2: {  	s9 =	rddreg [dreg:$0x4]  }
0x1b3: {  	[spmem:s9] =	stream.indirect.scatter.add.f32 [tilespmem:s15], [sflag:$0x3], $0x1, s6, s20, $0xb8;
	[tilespmem:$0x12900] =	vst v63  }
0x1b4: {  	s10 =	rddreg [dreg:$0x5]  }
0x1b5: {  	[spmem:s10] =	stream.indirect.scatter.add.f32 [tilespmem:s25], [sflag:$0x3], $0x1, s6, s20, $0xb8;
	[tilespmem:$0x12900] =	vst v63  }
0x1b6: {  	s8 =	rddreg [dreg:$0x6]  }
0x1b7: {  	[spmem:s8] =	stream.indirect.scatter.add.f32 [tilespmem:s26], [sflag:$0x3], $0x1, s6, s20, $0xb8;
	[tilespmem:$0x12900] =	vst v63  }
0x1b8: {  	s13 =	smov.u32 s12;
	s12 =	rddreg [dreg:$0x7]  }
0x1b9: {  	[spmem:s12] =	stream.indirect.scatter.add.f32 [tilespmem:s2], [sflag:$0x3], $0x1, s6, s20, $0xb8;
	[tilespmem:$0x12900] =	vst v63  }
0x1ba: {  	_ = 	snop  }
0x1bb: {  	[spmem:s28] =	stream.indirect.scatter.add.f32 [tilespmem:s3], [sflag:$0x3], $0x1, s6, s20, $0xb8;
	[tilespmem:$0x12900] =	vst v63  }
0x1bc: {  	_ =	swait.ge [sflag:s30], $0x80  }
0x1bd: {  	[sflag:s30] =	ssyncset.done $0x0  }
0x1be: {  	[sflag:s30] =	ssyncadd.s32 $0xFFFFFF80  }
0x1bf: {  	_ =	swait.ge [sflag:s30], $0x80  }
0x1c0: {  	[sflag:s30] =	ssyncset.done $0x0  }
0x1c1: {  	[sflag:s30] =	ssyncadd.s32 $0xFFFFFF80  }
0x1c2: {  	_ =	swait.ge [sflag:s30], $0x80  }
0x1c3: {  	[sflag:s30] =	ssyncset.done $0x0  }
0x1c4: {  	[sflag:s30] =	ssyncadd.s32 $0xFFFFFF80  }
0x1c5: {  	_ =	swait.ge [sflag:s30], $0x80  }
0x1c6: {  	[sflag:s30] =	ssyncset.done $0x0  }
0x1c7: {  	[sflag:s30] =	ssyncadd.s32 $0xFFFFFF80  }
0x1c8: {  	_ =	swait.ge [sflag:s30], $0x80  }
0x1c9: {  	[sflag:s30] =	ssyncset.done $0x0  }
0x1ca: {  	[sflag:s30] =	ssyncadd.s32 $0xFFFFFF80  }
0x1cb: {  	_ =	swait.ge [sflag:s30], $0x80  }
0x1cc: {  	[sflag:s30] =	ssyncset.done $0x0  }
0x1cd: {  	s6 =	simm.s32 $0x3000;
	[sflag:s30] =	ssyncadd.s32 $0xFFFFFF80  }
0x1ce: {  	[spmem:s11] =	stream.indirect.scatter.add.f32 [tilespmem:s23], [sflag:$0x3], $0x1, s6, s20, $0xb8;
	[tilespmem:$0x12900] =	vst v63  }
0x1cf: {  	_ = 	snop  }
0x1d0: {  	[spmem:s9] =	stream.indirect.scatter.add.f32 [tilespmem:s0], [sflag:$0x3], $0x1, s6, s20, $0xb8;
	[tilespmem:$0x12900] =	vst v63  }
0x1d1: {  	_ = 	snop  }
0x1d2: {  	[spmem:s10] =	stream.indirect.scatter.add.f32 [tilespmem:s1], [sflag:$0x3], $0x1, s6, s20, $0xb8;
	[tilespmem:$0x12900] =	vst v63  }
0x1d3: {  	p6 =	por $0x0, $0x0;
	s7 =	smov.u32 s28;
	s19 =	simm.s32 $0x10200  }
0x1d4: {  	[spmem:s8] =	stream.indirect.scatter.add.f32 [tilespmem:s19], [sflag:$0x3], $0x1, s6, s20, $0xb8;
	[tilespmem:$0x12900] =	vst v63  }
0x1d5: {  	s4 =	simm.s32 $0x400;
	p0 =	por p6, p6;
	s5 =	simm.s32 $0x800  }
0x1d6: {  	[spmem:s12] =	stream.indirect.scatter.add.f32 [tilespmem:s21], [sflag:$0x3], $0x1, s6, s20, $0xb8;
	[tilespmem:$0x12900] =	vst v63  }
.LBB3_14:
0x1d7: {  	[spmem:s7] =	stream.indirect.scatter.add.f32 [tilespmem:s22], [sflag:$0x3], $0x1, s6, s20, $0xb8;
	[tilespmem:$0x12900] =	vst v63  }
0x1d8: {  	s8 =	simm.s32 @!p0 $0x3  }
0x1d9: {  	_ =	swait.ge @!p0 [sflag:s8], $0x80  }
0x1da: {  	[sflag:s8] =	ssyncset.done @!p0 $0x0  }
0x1db: {  	[sflag:s8] =	ssyncadd.s32 @!p0 $0xFFFFFF80  }
0x1dc: {  	_ =	swait.ge @!p0 [sflag:s8], $0x80  }
0x1dd: {  	[sflag:s8] =	ssyncset.done @!p0 $0x0  }
0x1de: {  	[sflag:s8] =	ssyncadd.s32 @!p0 $0xFFFFFF80  }
0x1df: {  	_ =	swait.ge @!p0 [sflag:s8], $0x80  }
0x1e0: {  	[sflag:s8] =	ssyncset.done @!p0 $0x0  }
0x1e1: {  	[sflag:s8] =	ssyncadd.s32 @!p0 $0xFFFFFF80  }
0x1e2: {  	_ =	swait.ge @!p0 [sflag:s8], $0x80  }
0x1e3: {  	[sflag:s8] =	ssyncset.done @!p0 $0x0  }
0x1e4: {  	[sflag:s8] =	ssyncadd.s32 @!p0 $0xFFFFFF80  }
0x1e5: {  	_ =	swait.ge @!p0 [sflag:s8], $0x80  }
0x1e6: {  	[sflag:s8] =	ssyncset.done @!p0 $0x0  }
0x1e7: {  	[sflag:s8] =	ssyncadd.s32 @!p0 $0xFFFFFF80  }
0x1e8: {  	_ =	swait.ge @!p0 [sflag:s8], $0x80  }
0x1e9: {  	[sflag:s8] =	ssyncset.done @!p0 $0x0  }
0x1ea: {  	[sflag:s8] =	ssyncadd.s32 @!p0 $0xFFFFFF80  }
0x1eb: {  	_ =	swait.ge @!p0 [sflag:s8], $0x80  }
0x1ec: {  	[sflag:s8] =	ssyncset.done @!p0 $0x0  }
0x1ed: {  	[sflag:s8] =	ssyncadd.s32 @!p0 $0xFFFFFF80  }
0x1ee: {  	_ =	swait.ge @!p0 [sflag:s8], $0x80  }
0x1ef: {  	[sflag:s8] =	ssyncset.done @!p0 $0x0  }
0x1f0: {  	[sflag:s8] =	ssyncadd.s32 @!p0 $0xFFFFFF80  }
0x1f1: {  	_ =	swait.ge @!p0 [sflag:s8], $0x80  }
0x1f2: {  	[sflag:s8] =	ssyncset.done @!p0 $0x0  }
0x1f3: {  	[sflag:s8] =	ssyncadd.s32 @!p0 $0xFFFFFF80  }
0x1f4: {  	_ =	swait.ge @!p0 [sflag:s8], $0x80  }
0x1f5: {  	[sflag:s8] =	ssyncset.done @!p0 $0x0  }
0x1f6: {  	[sflag:s8] =	ssyncadd.s32 @!p0 $0xFFFFFF80  }
0x1f7: {  	_ =	swait.ge @!p0 [sflag:s8], $0x80  }
0x1f8: {  	[sflag:s8] =	ssyncset.done @!p0 $0x0  }
0x1f9: {  	[sflag:s8] =	ssyncadd.s32 @!p0 $0xFFFFFF80  }
0x1fa: {  	s7 =	smov.u32 s5;
	_ =	swait.ge @!p0 [sflag:s8], $0x80  }
0x1fb: {  	s6 =	sshra.s32 s4, $0x2;
	p2 =	seq.s32 s7, $0x0;
	[sflag:s8] =	ssyncset.done @!p0 $0x0  }
0x1fc: {  	s4 =	smov.u32 s7;
	s7 =	sadd.s32 $0x8000, s6;
	[sflag:s8] =	ssyncadd.s32 @!p0 $0xFFFFFF80  }
0x1fd: {  	[tilespmem:s31], [sflag:$0x2] =	stream.indirect.gather [spmem:s13], $0x1, s7, s20, $0xb8;
	[tilespmem:$0x12900] =	vst v63  }
0x1fe: {  	_ = 	snop  }
0x1ff: {  	[tilespmem:s15], [sflag:$0x2] =	stream.indirect.gather [spmem:s24], $0x1, s7, s20, $0xb8;
	[tilespmem:$0x12900] =	vst v63  }
0x200: {  	_ = 	snop  }
0x201: {  	[tilespmem:s25], [sflag:$0x2] =	stream.indirect.gather [spmem:s14], $0x1, s7, s20, $0xb8;
	[tilespmem:$0x12900] =	vst v63  }
0x202: {  	_ = 	snop  }
0x203: {  	[tilespmem:s26], [sflag:$0x2] =	stream.indirect.gather [spmem:s16], $0x1, s7, s20, $0xb8;
	[tilespmem:$0x12900] =	vst v63  }
0x204: {  	_ = 	snop  }
0x205: {  	[tilespmem:s2], [sflag:$0x2] =	stream.indirect.gather [spmem:s17], $0x1, s7, s20, $0xb8;
	[tilespmem:$0x12900] =	vst v63  }
0x206: {  	_ = 	snop  }
0x207: {  	[tilespmem:s3], [sflag:$0x2] =	stream.indirect.gather [spmem:s18], $0x1, s7, s20, $0xb8;
	[tilespmem:$0x12900] =	vst v63  }
0x208: {  	s7 =	sadd.s32 $0x8080, s6  }
0x209: {  	[tilespmem:s23], [sflag:$0x2] =	stream.indirect.gather [spmem:s13], $0x1, s7, s20, $0xb8;
	[tilespmem:$0x12900] =	vst v63  }
0x20a: {  	_ = 	snop  }
0x20b: {  	[tilespmem:s0], [sflag:$0x2] =	stream.indirect.gather [spmem:s24], $0x1, s7, s20, $0xb8;
	[tilespmem:$0x12900] =	vst v63  }
0x20c: {  	_ = 	snop  }
0x20d: {  	[tilespmem:s1], [sflag:$0x2] =	stream.indirect.gather [spmem:s14], $0x1, s7, s20, $0xb8;
	[tilespmem:$0x12900] =	vst v63  }
0x20e: {  	_ = 	snop  }
0x20f: {  	[tilespmem:s19], [sflag:$0x2] =	stream.indirect.gather [spmem:s16], $0x1, s7, s20, $0xb8;
	[tilespmem:$0x12900] =	vst v63  }
0x210: {  	_ = 	snop  }
0x211: {  	[tilespmem:s21], [sflag:$0x2] =	stream.indirect.gather [spmem:s17], $0x1, s7, s20, $0xb8;
	[tilespmem:$0x12900] =	vst v63  }
0x212: {  	_ = 	snop  }
0x213: {  	[tilespmem:s22], [sflag:$0x2] =	stream.indirect.gather [spmem:s18], $0x1, s7, s20, $0xb8;
	[tilespmem:$0x12900] =	vst v63  }
0x214: {  	s8 =	rddreg [dreg:$0x6];
	_ =	swait.ge [sflag:s30], $0x80  }
0x215: {  	[sflag:s30] =	ssyncset.done $0x0  }
0x216: {  	[sflag:s30] =	ssyncadd.s32 $0xFFFFFF80  }
0x217: {  	_ =	swait.ge [sflag:s30], $0x80  }
0x218: {  	[sflag:s30] =	ssyncset.done $0x0  }
0x219: {  	[sflag:s30] =	ssyncadd.s32 $0xFFFFFF80  }
0x21a: {  	_ =	swait.ge [sflag:s30], $0x80  }
0x21b: {  	[sflag:s30] =	ssyncset.done $0x0  }
0x21c: {  	[sflag:s30] =	ssyncadd.s32 $0xFFFFFF80  }
0x21d: {  	_ =	swait.ge [sflag:s30], $0x80  }
0x21e: {  	[sflag:s30] =	ssyncset.done $0x0  }
0x21f: {  	[sflag:s30] =	ssyncadd.s32 $0xFFFFFF80  }
0x220: {  	_ =	swait.ge [sflag:s30], $0x80  }
0x221: {  	[sflag:s30] =	ssyncset.done $0x0  }
0x222: {  	[sflag:s30] =	ssyncadd.s32 $0xFFFFFF80  }
0x223: {  	_ =	swait.ge [sflag:s30], $0x80  }
0x224: {  	[sflag:s30] =	ssyncset.done $0x0  }
0x225: {  	s7 =	sadd.s32 $0x2F80, s6;
	[sflag:s30] =	ssyncadd.s32 $0xFFFFFF80  }
0x226: {  	[spmem:s11] =	stream.indirect.scatter.add.f32 [tilespmem:s31], [sflag:$0x3], $0x1, s7, s20, $0xb8;
	[tilespmem:$0x12900] =	vst v63  }
0x227: {  	_ = 	snop  }
0x228: {  	[spmem:s9] =	stream.indirect.scatter.add.f32 [tilespmem:s15], [sflag:$0x3], $0x1, s7, s20, $0xb8;
	[tilespmem:$0x12900] =	vst v63  }
0x229: {  	_ = 	snop  }
0x22a: {  	[spmem:s10] =	stream.indirect.scatter.add.f32 [tilespmem:s25], [sflag:$0x3], $0x1, s7, s20, $0xb8;
	[tilespmem:$0x12900] =	vst v63  }
0x22b: {  	_ = 	snop  }
0x22c: {  	[spmem:s8] =	stream.indirect.scatter.add.f32 [tilespmem:s26], [sflag:$0x3], $0x1, s7, s20, $0xb8;
	[tilespmem:$0x12900] =	vst v63  }
0x22d: {  	_ = 	snop  }
0x22e: {  	[spmem:s12] =	stream.indirect.scatter.add.f32 [tilespmem:s2], [sflag:$0x3], $0x1, s7, s20, $0xb8;
	[tilespmem:$0x12900] =	vst v63  }
0x22f: {  	_ = 	snop  }
0x230: {  	[spmem:s28] =	stream.indirect.scatter.add.f32 [tilespmem:s3], [sflag:$0x3], $0x1, s7, s20, $0xb8;
	[tilespmem:$0x12900] =	vst v63  }
0x231: {  	_ =	swait.ge [sflag:s30], $0x80  }
0x232: {  	[sflag:s30] =	ssyncset.done $0x0  }
0x233: {  	[sflag:s30] =	ssyncadd.s32 $0xFFFFFF80  }
0x234: {  	_ =	swait.ge [sflag:s30], $0x80  }
0x235: {  	[sflag:s30] =	ssyncset.done $0x0  }
0x236: {  	[sflag:s30] =	ssyncadd.s32 $0xFFFFFF80  }
0x237: {  	_ =	swait.ge [sflag:s30], $0x80  }
0x238: {  	[sflag:s30] =	ssyncset.done $0x0  }
0x239: {  	[sflag:s30] =	ssyncadd.s32 $0xFFFFFF80  }
0x23a: {  	_ =	swait.ge [sflag:s30], $0x80  }
0x23b: {  	[sflag:s30] =	ssyncset.done $0x0  }
0x23c: {  	[sflag:s30] =	ssyncadd.s32 $0xFFFFFF80  }
0x23d: {  	_ =	swait.ge [sflag:s30], $0x80  }
0x23e: {  	[sflag:s30] =	ssyncset.done $0x0  }
0x23f: {  	[sflag:s30] =	ssyncadd.s32 $0xFFFFFF80  }
0x240: {  	_ =	swait.ge [sflag:s30], $0x80  }
0x241: {  	[sflag:s30] =	ssyncset.done $0x0  }
0x242: {  	s6 =	sadd.s32 $0x3000, s6;
	[sflag:s30] =	ssyncadd.s32 $0xFFFFFF80  }
0x243: {  	[spmem:s11] =	stream.indirect.scatter.add.f32 [tilespmem:s23], [sflag:$0x3], $0x1, s6, s20, $0xb8;
	[tilespmem:$0x12900] =	vst v63  }
0x244: {  	s5 =	sadd.s32 $0x400, s5  }
0x245: {  	[spmem:s9] =	stream.indirect.scatter.add.f32 [tilespmem:s0], [sflag:$0x3], $0x1, s6, s20, $0xb8;
	[tilespmem:$0x12900] =	vst v63  }
0x246: {  	p1 =	sne.s32 s5, $0x13800  }
0x247: {  	[spmem:s10] =	stream.indirect.scatter.add.f32 [tilespmem:s1], [sflag:$0x3], $0x1, s6, s20, $0xb8;
	[tilespmem:$0x12900] =	vst v63  }
.Ltmp6:
0x248: {  	_ = 	snop;
	(pc) =	sbr.rel @p1 .LBB3_14-.Ltmp6, $4  }
0x249: {  	_ = 	snop  }
0x24a: {  	[spmem:s8] =	stream.indirect.scatter.add.f32 [tilespmem:s19], [sflag:$0x3], $0x1, s6, s20, $0xb8;
	[tilespmem:$0x12900] =	vst v63  }
0x24b: {  	p0 =	por p2, p2;
	s7 =	smov.u32 s28  }
0x24c: {  	[spmem:s12] =	stream.indirect.scatter.add.f32 [tilespmem:s21], [sflag:$0x3], $0x1, s6, s20, $0xb8;
	[tilespmem:$0x12900] =	vst v63  }
0x24d: {  	[spmem:s7] =	stream.indirect.scatter.add.f32 [tilespmem:s22], [sflag:$0x3], $0x1, s6, s20, $0xb8;
	[tilespmem:$0x12900] =	vst v63  }
0x24e: {  	s5 =	simm.s32 @!p0 $0x3  }
0x24f: {  	_ =	swait.ge @!p0 [sflag:s5], $0x80  }
0x250: {  	[sflag:s5] =	ssyncset.done @!p0 $0x0  }
0x251: {  	[sflag:s5] =	ssyncadd.s32 @!p0 $0xFFFFFF80  }
0x252: {  	_ =	swait.ge @!p0 [sflag:s5], $0x80  }
0x253: {  	[sflag:s5] =	ssyncset.done @!p0 $0x0  }
0x254: {  	[sflag:s5] =	ssyncadd.s32 @!p0 $0xFFFFFF80  }
0x255: {  	_ =	swait.ge @!p0 [sflag:s5], $0x80  }
0x256: {  	[sflag:s5] =	ssyncset.done @!p0 $0x0  }
0x257: {  	[sflag:s5] =	ssyncadd.s32 @!p0 $0xFFFFFF80  }
0x258: {  	_ =	swait.ge @!p0 [sflag:s5], $0x80  }
0x259: {  	[sflag:s5] =	ssyncset.done @!p0 $0x0  }
0x25a: {  	[sflag:s5] =	ssyncadd.s32 @!p0 $0xFFFFFF80  }
0x25b: {  	_ =	swait.ge @!p0 [sflag:s5], $0x80  }
0x25c: {  	[sflag:s5] =	ssyncset.done @!p0 $0x0  }
0x25d: {  	[sflag:s5] =	ssyncadd.s32 @!p0 $0xFFFFFF80  }
0x25e: {  	_ =	swait.ge @!p0 [sflag:s5], $0x80  }
0x25f: {  	[sflag:s5] =	ssyncset.done @!p0 $0x0  }
0x260: {  	[sflag:s5] =	ssyncadd.s32 @!p0 $0xFFFFFF80  }
0x261: {  	_ =	swait.ge @!p0 [sflag:s5], $0x80  }
0x262: {  	[sflag:s5] =	ssyncset.done @!p0 $0x0  }
0x263: {  	[sflag:s5] =	ssyncadd.s32 @!p0 $0xFFFFFF80  }
0x264: {  	_ =	swait.ge @!p0 [sflag:s5], $0x80  }
0x265: {  	[sflag:s5] =	ssyncset.done @!p0 $0x0  }
0x266: {  	[sflag:s5] =	ssyncadd.s32 @!p0 $0xFFFFFF80  }
0x267: {  	_ =	swait.ge @!p0 [sflag:s5], $0x80  }
0x268: {  	[sflag:s5] =	ssyncset.done @!p0 $0x0  }
0x269: {  	[sflag:s5] =	ssyncadd.s32 @!p0 $0xFFFFFF80  }
0x26a: {  	_ =	swait.ge @!p0 [sflag:s5], $0x80  }
0x26b: {  	[sflag:s5] =	ssyncset.done @!p0 $0x0  }
0x26c: {  	[sflag:s5] =	ssyncadd.s32 @!p0 $0xFFFFFF80  }
0x26d: {  	_ =	swait.ge @!p0 [sflag:s5], $0x80  }
0x26e: {  	[sflag:s5] =	ssyncset.done @!p0 $0x0  }
0x26f: {  	[sflag:s5] =	ssyncadd.s32 @!p0 $0xFFFFFF80  }
0x270: {  	_ =	swait.ge @!p0 [sflag:s5], $0x80  }
0x271: {  	s4 =	sshra.s32 s4, $0x2;
	[sflag:s5] =	ssyncset.done @!p0 $0x0  }
0x272: {  	s6 =	sadd.s32 $0x8000, s4;
	[sflag:s5] =	ssyncadd.s32 @!p0 $0xFFFFFF80  }
0x273: {  	[tilespmem:s31], [sflag:$0x2] =	stream.indirect.gather [spmem:s13], $0x1, s6, s20, $0xb8;
	[tilespmem:$0x12900] =	vst v63  }
0x274: {  	_ = 	snop  }
0x275: {  	[tilespmem:s15], [sflag:$0x2] =	stream.indirect.gather [spmem:s24], $0x1, s6, s20, $0xb8;
	[tilespmem:$0x12900] =	vst v63  }
0x276: {  	_ = 	snop  }
0x277: {  	[tilespmem:s25], [sflag:$0x2] =	stream.indirect.gather [spmem:s14], $0x1, s6, s20, $0xb8;
	[tilespmem:$0x12900] =	vst v63  }
0x278: {  	_ = 	snop  }
0x279: {  	[tilespmem:s26], [sflag:$0x2] =	stream.indirect.gather [spmem:s16], $0x1, s6, s20, $0xb8;
	[tilespmem:$0x12900] =	vst v63  }
0x27a: {  	_ = 	snop  }
0x27b: {  	[tilespmem:s2], [sflag:$0x2] =	stream.indirect.gather [spmem:s17], $0x1, s6, s20, $0xb8;
	[tilespmem:$0x12900] =	vst v63  }
0x27c: {  	_ = 	snop  }
0x27d: {  	[tilespmem:s3], [sflag:$0x2] =	stream.indirect.gather [spmem:s18], $0x1, s6, s20, $0xb8;
	[tilespmem:$0x12900] =	vst v63  }
0x27e: {  	s6 =	sadd.s32 $0x8080, s4  }
0x27f: {  	[tilespmem:s23], [sflag:$0x2] =	stream.indirect.gather [spmem:s13], $0x1, s6, s20, $0xb8;
	[tilespmem:$0x12900] =	vst v63  }
0x280: {  	_ = 	snop  }
0x281: {  	[tilespmem:s0], [sflag:$0x2] =	stream.indirect.gather [spmem:s24], $0x1, s6, s20, $0xb8;
	[tilespmem:$0x12900] =	vst v63  }
0x282: {  	_ = 	snop  }
0x283: {  	[tilespmem:s1], [sflag:$0x2] =	stream.indirect.gather [spmem:s14], $0x1, s6, s20, $0xb8;
	[tilespmem:$0x12900] =	vst v63  }
0x284: {  	_ = 	snop  }
0x285: {  	[tilespmem:s19], [sflag:$0x2] =	stream.indirect.gather [spmem:s16], $0x1, s6, s20, $0xb8;
	[tilespmem:$0x12900] =	vst v63  }
0x286: {  	_ = 	snop  }
0x287: {  	[tilespmem:s21], [sflag:$0x2] =	stream.indirect.gather [spmem:s17], $0x1, s6, s20, $0xb8;
	[tilespmem:$0x12900] =	vst v63  }
0x288: {  	_ = 	snop  }
0x289: {  	[tilespmem:s22], [sflag:$0x2] =	stream.indirect.gather [spmem:s18], $0x1, s6, s20, $0xb8;
	[tilespmem:$0x12900] =	vst v63  }
0x28a: {  	_ =	swait.ge [sflag:s30], $0x80  }
0x28b: {  	[sflag:s30] =	ssyncset.done $0x0  }
0x28c: {  	[sflag:s30] =	ssyncadd.s32 $0xFFFFFF80  }
0x28d: {  	_ =	swait.ge [sflag:s30], $0x80  }
0x28e: {  	[sflag:s30] =	ssyncset.done $0x0  }
0x28f: {  	[sflag:s30] =	ssyncadd.s32 $0xFFFFFF80  }
0x290: {  	_ =	swait.ge [sflag:s30], $0x80  }
0x291: {  	[sflag:s30] =	ssyncset.done $0x0  }
0x292: {  	[sflag:s30] =	ssyncadd.s32 $0xFFFFFF80  }
0x293: {  	_ =	swait.ge [sflag:s30], $0x80  }
0x294: {  	[sflag:s30] =	ssyncset.done $0x0  }
0x295: {  	[sflag:s30] =	ssyncadd.s32 $0xFFFFFF80  }
0x296: {  	_ =	swait.ge [sflag:s30], $0x80  }
0x297: {  	[sflag:s30] =	ssyncset.done $0x0  }
0x298: {  	[sflag:s30] =	ssyncadd.s32 $0xFFFFFF80  }
0x299: {  	_ =	swait.ge [sflag:s30], $0x80  }
0x29a: {  	[sflag:s30] =	ssyncset.done $0x0  }
0x29b: {  	s6 =	sadd.s32 $0x2F80, s4;
	[sflag:s30] =	ssyncadd.s32 $0xFFFFFF80  }
0x29c: {  	[spmem:s11] =	stream.indirect.scatter.add.f32 [tilespmem:s31], [sflag:$0x3], $0x1, s6, s20, $0xb8;
	[tilespmem:$0x12900] =	vst v63  }
0x29d: {  	_ = 	snop  }
0x29e: {  	[spmem:s9] =	stream.indirect.scatter.add.f32 [tilespmem:s15], [sflag:$0x3], $0x1, s6, s20, $0xb8;
	[tilespmem:$0x12900] =	vst v63  }
0x29f: {  	_ = 	snop  }
0x2a0: {  	[spmem:s10] =	stream.indirect.scatter.add.f32 [tilespmem:s25], [sflag:$0x3], $0x1, s6, s20, $0xb8;
	[tilespmem:$0x12900] =	vst v63  }
0x2a1: {  	_ = 	snop  }
0x2a2: {  	[spmem:s8] =	stream.indirect.scatter.add.f32 [tilespmem:s26], [sflag:$0x3], $0x1, s6, s20, $0xb8;
	[tilespmem:$0x12900] =	vst v63  }
0x2a3: {  	_ = 	snop  }
0x2a4: {  	[spmem:s12] =	stream.indirect.scatter.add.f32 [tilespmem:s2], [sflag:$0x3], $0x1, s6, s20, $0xb8;
	[tilespmem:$0x12900] =	vst v63  }
0x2a5: {  	_ = 	snop  }
0x2a6: {  	[spmem:s7] =	stream.indirect.scatter.add.f32 [tilespmem:s3], [sflag:$0x3], $0x1, s6, s20, $0xb8;
	[tilespmem:$0x12900] =	vst v63  }
0x2a7: {  	_ =	swait.ge [sflag:s30], $0x80  }
0x2a8: {  	[sflag:s30] =	ssyncset.done $0x0  }
0x2a9: {  	[sflag:s30] =	ssyncadd.s32 $0xFFFFFF80  }
0x2aa: {  	_ =	swait.ge [sflag:s30], $0x80  }
0x2ab: {  	[sflag:s30] =	ssyncset.done $0x0  }
0x2ac: {  	[sflag:s30] =	ssyncadd.s32 $0xFFFFFF80  }
0x2ad: {  	_ =	swait.ge [sflag:s30], $0x80  }
0x2ae: {  	[sflag:s30] =	ssyncset.done $0x0  }
0x2af: {  	[sflag:s30] =	ssyncadd.s32 $0xFFFFFF80  }
0x2b0: {  	_ =	swait.ge [sflag:s30], $0x80  }
0x2b1: {  	[sflag:s30] =	ssyncset.done $0x0  }
0x2b2: {  	[sflag:s30] =	ssyncadd.s32 $0xFFFFFF80  }
0x2b3: {  	_ =	swait.ge [sflag:s30], $0x80  }
0x2b4: {  	[sflag:s30] =	ssyncset.done $0x0  }
0x2b5: {  	[sflag:s30] =	ssyncadd.s32 $0xFFFFFF80  }
0x2b6: {  	_ =	swait.ge [sflag:s30], $0x80  }
0x2b7: {  	[sflag:s30] =	ssyncset.done $0x0  }
0x2b8: {  	s4 =	sadd.s32 $0x3000, s4;
	[sflag:s30] =	ssyncadd.s32 $0xFFFFFF80  }
0x2b9: {  	[spmem:s11] =	stream.indirect.scatter.add.f32 [tilespmem:s23], [sflag:$0x3], $0x1, s4, s20, $0xb8;
	[tilespmem:$0x12900] =	vst v63  }
0x2ba: {  	_ = 	snop  }
0x2bb: {  	[spmem:s9] =	stream.indirect.scatter.add.f32 [tilespmem:s0], [sflag:$0x3], $0x1, s4, s20, $0xb8;
	[tilespmem:$0x12900] =	vst v63  }
0x2bc: {  	_ = 	snop  }
0x2bd: {  	[spmem:s10] =	stream.indirect.scatter.add.f32 [tilespmem:s1], [sflag:$0x3], $0x1, s4, s20, $0xb8;
	[tilespmem:$0x12900] =	vst v63  }
0x2be: {  	_ = 	snop  }
0x2bf: {  	[spmem:s8] =	stream.indirect.scatter.add.f32 [tilespmem:s19], [sflag:$0x3], $0x1, s4, s20, $0xb8;
	[tilespmem:$0x12900] =	vst v63  }
0x2c0: {  	_ = 	snop  }
0x2c1: {  	[spmem:s12] =	stream.indirect.scatter.add.f32 [tilespmem:s21], [sflag:$0x3], $0x1, s4, s20, $0xb8;
	[tilespmem:$0x12900] =	vst v63  }
0x2c2: {  	_ = 	snop  }
0x2c3: {  	[spmem:s7] =	stream.indirect.scatter.add.f32 [tilespmem:s22], [sflag:$0x3], $0x1, s4, s20, $0xb8;
	[tilespmem:$0x12900] =	vst v63  }
0x2c4: {  	_ =	swait.ge [sflag:s29], $0x80  }
0x2c5: {  	[sflag:s29] =	ssyncset.done $0x0  }
0x2c6: {  	[sflag:s29] =	ssyncadd.s32 $0xFFFFFF80  }
0x2c7: {  	_ =	swait.ge [sflag:s29], $0x80  }
0x2c8: {  	[sflag:s29] =	ssyncset.done $0x0  }
0x2c9: {  	[sflag:s29] =	ssyncadd.s32 $0xFFFFFF80  }
0x2ca: {  	_ =	swait.ge [sflag:s29], $0x80  }
0x2cb: {  	[sflag:s29] =	ssyncset.done $0x0  }
0x2cc: {  	[sflag:s29] =	ssyncadd.s32 $0xFFFFFF80  }
0x2cd: {  	_ =	swait.ge [sflag:s29], $0x80  }
0x2ce: {  	[sflag:s29] =	ssyncset.done $0x0  }
0x2cf: {  	[sflag:s29] =	ssyncadd.s32 $0xFFFFFF80  }
0x2d0: {  	_ =	swait.ge [sflag:s29], $0x80  }
0x2d1: {  	[sflag:s29] =	ssyncset.done $0x0  }
0x2d2: {  	[sflag:s29] =	ssyncadd.s32 $0xFFFFFF80  }
0x2d3: {  	_ =	swait.ge [sflag:s29], $0x80  }
0x2d4: {  	[sflag:s29] =	ssyncset.done $0x0  }
0x2d5: {  	[sflag:s29] =	ssyncadd.s32 $0xFFFFFF80  }
0x2d6: {  	_ =	swait.ge [sflag:s29], $0x80  }
0x2d7: {  	[sflag:s29] =	ssyncset.done $0x0  }
0x2d8: {  	[sflag:s29] =	ssyncadd.s32 $0xFFFFFF80  }
0x2d9: {  	_ =	swait.ge [sflag:s29], $0x80  }
0x2da: {  	[sflag:s29] =	ssyncset.done $0x0  }
0x2db: {  	[sflag:s29] =	ssyncadd.s32 $0xFFFFFF80  }
0x2dc: {  	_ =	swait.ge [sflag:s29], $0x80  }
0x2dd: {  	[sflag:s29] =	ssyncset.done $0x0  }
0x2de: {  	[sflag:s29] =	ssyncadd.s32 $0xFFFFFF80  }
0x2df: {  	_ =	swait.ge [sflag:s29], $0x80  }
0x2e0: {  	[sflag:s29] =	ssyncset.done $0x0  }
0x2e1: {  	[sflag:s29] =	ssyncadd.s32 $0xFFFFFF80  }
0x2e2: {  	_ =	swait.ge [sflag:s29], $0x80  }
0x2e3: {  	[sflag:s29] =	ssyncset.done $0x0  }
0x2e4: {  	[sflag:s29] =	ssyncadd.s32 $0xFFFFFF80  }
0x2e5: {  	_ =	swait.ge [sflag:s29], $0x80  }
0x2e6: {  	[sflag:s29] =	ssyncset.done $0x0  }
0x2e7: {  	s5 =	simm.s32 $0xCE00;
	s22 =	simm.s32 $0x20;
	[sflag:s29] =	ssyncadd.s32 $0xFFFFFF80  }
0x2e8: {  	[tilespmem:s31], [sflag:$0x4] =	stream.indirect.gather [spmem:s13], $0x1, s5, s22, $0xb8;
	[tilespmem:$0x12900] =	vst v63  }
0x2e9: {  	s13 =	simm.s32 $0x4  }
0x2ea: {  	_ =	swait.ge [sflag:s13], $0x20  }
0x2eb: {  	[sflag:s13] =	ssyncset.done $0x0  }
0x2ec: {  	s21 =	simm.s32 $0x7F80;
	[sflag:s13] =	ssyncadd.s32 $0xFFFFFFE0  }
0x2ed: {  	[spmem:s11] =	stream.indirect.scatter.add.f32 [tilespmem:s31], [sflag:$0x4], $0x1, s21, s22, $0xb8;
	[tilespmem:$0x12900] =	vst v63  }
0x2ee: {  	_ =	swait.ge [sflag:s13], $0x20  }
0x2ef: {  	[sflag:s13] =	ssyncset.done $0x0  }
0x2f0: {  	[sflag:s13] =	ssyncadd.s32 $0xFFFFFFE0  }
0x2f1: {  	[tilespmem:s15], [sflag:$0x4] =	stream.indirect.gather [spmem:s24], $0x1, s5, s22, $0xb8;
	[tilespmem:$0x12900] =	vst v63  }
0x2f2: {  	_ =	swait.ge [sflag:s13], $0x20  }
0x2f3: {  	[sflag:s13] =	ssyncset.done $0x0  }
0x2f4: {  	[sflag:s13] =	ssyncadd.s32 $0xFFFFFFE0  }
0x2f5: {  	[spmem:s9] =	stream.indirect.scatter.add.f32 [tilespmem:s15], [sflag:$0x4], $0x1, s21, s22, $0xb8;
	[tilespmem:$0x12900] =	vst v63  }
0x2f6: {  	_ =	swait.ge [sflag:s13], $0x20  }
0x2f7: {  	[sflag:s13] =	ssyncset.done $0x0  }
0x2f8: {  	[sflag:s13] =	ssyncadd.s32 $0xFFFFFFE0  }
0x2f9: {  	[tilespmem:s25], [sflag:$0x4] =	stream.indirect.gather [spmem:s14], $0x1, s5, s22, $0xb8;
	[tilespmem:$0x12900] =	vst v63  }
0x2fa: {  	_ =	swait.ge [sflag:s13], $0x20  }
0x2fb: {  	[sflag:s13] =	ssyncset.done $0x0  }
0x2fc: {  	[sflag:s13] =	ssyncadd.s32 $0xFFFFFFE0  }
0x2fd: {  	[spmem:s10] =	stream.indirect.scatter.add.f32 [tilespmem:s25], [sflag:$0x4], $0x1, s21, s22, $0xb8;
	[tilespmem:$0x12900] =	vst v63  }
0x2fe: {  	s10 =	simm.s32 $0x4  }
0x2ff: {  	_ =	swait.ge [sflag:s10], $0x20  }
0x300: {  	[sflag:s10] =	ssyncset.done $0x0  }
0x301: {  	[sflag:s10] =	ssyncadd.s32 $0xFFFFFFE0  }
0x302: {  	[tilespmem:s26], [sflag:$0x4] =	stream.indirect.gather [spmem:s16], $0x1, s5, s22, $0xb8;
	[tilespmem:$0x12900] =	vst v63  }
0x303: {  	_ =	swait.ge [sflag:s10], $0x20  }
0x304: {  	[sflag:s10] =	ssyncset.done $0x0  }
0x305: {  	[sflag:s10] =	ssyncadd.s32 $0xFFFFFFE0  }
0x306: {  	[spmem:s8] =	stream.indirect.scatter.add.f32 [tilespmem:s26], [sflag:$0x4], $0x1, s21, s22, $0xb8;
	[tilespmem:$0x12900] =	vst v63  }
0x307: {  	_ =	swait.ge [sflag:s10], $0x20  }
0x308: {  	[sflag:s10] =	ssyncset.done $0x0  }
0x309: {  	[sflag:s10] =	ssyncadd.s32 $0xFFFFFFE0  }
0x30a: {  	[tilespmem:s2], [sflag:$0x4] =	stream.indirect.gather [spmem:s17], $0x1, s5, s22, $0xb8;
	[tilespmem:$0x12900] =	vst v63  }
0x30b: {  	_ =	swait.ge [sflag:s10], $0x20  }
0x30c: {  	[sflag:s10] =	ssyncset.done $0x0  }
0x30d: {  	[sflag:s10] =	ssyncadd.s32 $0xFFFFFFE0  }
0x30e: {  	[spmem:s12] =	stream.indirect.scatter.add.f32 [tilespmem:s2], [sflag:$0x4], $0x1, s21, s22, $0xb8;
	[tilespmem:$0x12900] =	vst v63  }
0x30f: {  	_ =	swait.ge [sflag:s10], $0x20  }
0x310: {  	[sflag:s10] =	ssyncset.done $0x0  }
0x311: {  	[sflag:s10] =	ssyncadd.s32 $0xFFFFFFE0  }
0x312: {  	[tilespmem:s3], [sflag:$0x4] =	stream.indirect.gather [spmem:s18], $0x1, s5, s22, $0xb8;
	[tilespmem:$0x12900] =	vst v63  }
0x313: {  	_ =	swait.ge [sflag:s10], $0x20  }
0x314: {  	[sflag:s10] =	ssyncset.done $0x0  }
0x315: {  	[sflag:s10] =	ssyncadd.s32 $0xFFFFFFE0  }
0x316: {  	[spmem:s7] =	stream.indirect.scatter.add.f32 [tilespmem:s3], [sflag:$0x4], $0x1, s21, s22, $0xb8;
	[tilespmem:$0x12900] =	vst v63  }
0x317: {  	_ =	swait.ge [sflag:s10], $0x20  }
0x318: {  	[sflag:s10] =	ssyncset.done $0x0  }
0x319: {  	[sflag:s10] =	ssyncadd.s32 $0xFFFFFFE0  }
0x31a: {  	[bflag:$0x0] =	sbarrier.arrive $0xFFFF  }
0x31b: {  	s22 =	rddreg [dreg:$0x1f]  }
0x31c: {  	s26 =	simm.s32 $0x10380;
	s5 =	sld [smem:$0x7E6]  }
0x31d: {  	[tilespmem:s26], [sflag:$0x1] =	stream.linear.gather [spmem:s22], $0x280, $0x38;
	[tilespmem:$0x12900] =	vst v63  }
0x31e: {  	s6 =	simm.s32 $0x10600;
	s7 =	sld [smem:$0x7E7]  }
0x31f: {  	[tilespmem:s6], [sflag:$0x1] =	stream.linear.gather [spmem:s5], $0x280, $0x38;
	[tilespmem:$0x12900] =	vst v63  }
0x320: {  	s8 =	simm.s32 $0x10880;
	s9 =	sld [smem:$0x7E8]  }
0x321: {  	[tilespmem:s8], [sflag:$0x1] =	stream.linear.gather [spmem:s7], $0x280, $0x38;
	[tilespmem:$0x12900] =	vst v63  }
0x322: {  	s11 =	simm.s32 $0x10B00;
	s12 =	sld [smem:$0x7E9]  }
0x323: {  	[tilespmem:s11], [sflag:$0x1] =	stream.linear.gather [spmem:s9], $0x280, $0x38;
	[tilespmem:$0x12900] =	vst v63  }
0x324: {  	s13 =	simm.s32 $0x10D80;
	s19 =	sld [smem:$0x7EA]  }
0x325: {  	[tilespmem:s13], [sflag:$0x1] =	stream.linear.gather [spmem:s12], $0x280, $0x38;
	[tilespmem:$0x12900] =	vst v63  }
0x326: {  	s21 =	simm.s32 $0x11000;
	s22 =	simm.s32 $0x1  }
0x327: {  	[tilespmem:s21], [sflag:$0x1] =	stream.linear.gather [spmem:s19], $0x280, $0x38;
	[tilespmem:$0x12900] =	vst v63  }
0x328: {  	_ =	swait.ge [sflag:s22], $0x280  }
0x329: {  	[sflag:s22] =	ssyncset.done $0x0  }
0x32a: {  	[sflag:s22] =	ssyncadd.s32 $0xFFFFFD80  }
0x32b: {  	_ =	swait.ge [sflag:s22], $0x280  }
0x32c: {  	[sflag:s22] =	ssyncset.done $0x0  }
0x32d: {  	[sflag:s22] =	ssyncadd.s32 $0xFFFFFD80  }
0x32e: {  	_ =	swait.ge [sflag:s22], $0x280  }
0x32f: {  	[sflag:s22] =	ssyncset.done $0x0  }
0x330: {  	[sflag:s22] =	ssyncadd.s32 $0xFFFFFD80  }
0x331: {  	_ =	swait.ge [sflag:s22], $0x280  }
0x332: {  	[sflag:s22] =	ssyncset.done $0x0  }
0x333: {  	[sflag:s22] =	ssyncadd.s32 $0xFFFFFD80  }
0x334: {  	_ =	swait.ge [sflag:s22], $0x280  }
0x335: {  	[sflag:s22] =	ssyncset.done $0x0  }
0x336: {  	[sflag:s22] =	ssyncadd.s32 $0xFFFFFD80  }
0x337: {  	_ =	swait.ge [sflag:s22], $0x280  }
0x338: {  	[sflag:s22] =	ssyncset.done $0x0  }
0x339: {  	s4 =	simm.s32 $0xD580;
	[sflag:s22] =	ssyncadd.s32 $0xFFFFFD80  }
0x33a: {  	s26 =	simm.s32 $0x0;
	v0 =	vld [tilespmem:s4+$0x0]  }
0x33b: {  	s5 =	sand.u32 $0x3F0, s26  }
0x33c: {  	v1 =	vld [tilespmem:s5+$0x10B00];
	_ =	sdelay $0x2  }
0x33d: {  	v0 =	vmul.f32 v0, v0;
	_ =	sdelay $0x1  }
0x33e: {  	v1 =	vmul.f32 v1, v0  }
0x33f: {  	s6 =	simm.s32 $0x11280  }
0x340: {  	[tilespmem:s6+$0x0] =	vst v1  }
0x341: {  	v1 =	vld [tilespmem:s5+$0x10D80]  }
0x342: {  	v2 =	vld [tilespmem:s5+$0x11000];
	_ =	sdelay $0x3  }
0x343: {  	v1 =	vmul.f32 v1, v0  }
0x344: {  	s26 =	smov.u32 s24;
	s7 =	simm.s32 $0x10;
	v0 =	vmul.f32 v2, v0  }
.LBB3_16:
0x345: {  	p0 =	sne.s32 s7, $0x270;
	[tilespmem:s5+$0x11500] =	vst v1;
	s4 =	sadd.s32 $0x10, s4;
	s6 =	sadd.s32 $0x10, s6  }
0x346: {  	[tilespmem:s5+$0x11780] =	vst v0;
	s5 =	smov.u32 s7;
	s7 =	sadd.s32 $0x10, s7  }
0x347: {  	v0 =	vld [tilespmem:s4+$0x0]  }
0x348: {  	s5 =	sand.u32 $0x3F0, s5  }
0x349: {  	v1 =	vld [tilespmem:s5+$0x10B00];
	_ =	sdelay $0x2  }
0x34a: {  	v0 =	vmul.f32 v0, v0;
	_ =	sdelay $0x1  }
0x34b: {  	v1 =	vmul.f32 v1, v0;
	_ =	sdelay $0x1  }
0x34c: {  	[tilespmem:s6+$0x0] =	vst v1  }
0x34d: {  	v1 =	vld [tilespmem:s5+$0x10D80]  }
0x34e: {  	v2 =	vld [tilespmem:s5+$0x11000]  }
.Ltmp7:
0x34f: {  	(pc) =	sbr.rel @p0 .LBB3_16-.Ltmp7, $3  }
0x350: {  	_ =	sdelay $0x1  }
0x351: {  	v1 =	vmul.f32 v1, v0  }
0x352: {  	v0 =	vmul.f32 v2, v0  }
0x353: {  	s4 =	sld [smem:$0x7F3]  }
0x354: {  	[tilespmem:s5+$0x11500] =	vst v1  }
0x355: {  	s2 =	simm.s32 $0x11280;
	[tilespmem:s5+$0x11780] =	vst v0  }
0x356: {  	[spmem:s4] =	stream.linear.scatter [tilespmem:s2], [sflag:$0x4], $0x280, $0x38;
	[tilespmem:$0x12900] =	vst v63  }
0x357: {  	_ =	swait.ge [sflag:s10], $0x280  }
0x358: {  	s19 =	sld [smem:$0x7F4]  }
0x359: {  	[sflag:s10] =	ssyncset.done $0x0  }
0x35a: {  	s21 =	simm.s32 $0x11500;
	[sflag:s10] =	ssyncadd.s32 $0xFFFFFD80  }
0x35b: {  	[spmem:s19] =	stream.linear.scatter [tilespmem:s21], [sflag:$0x4], $0x280, $0x38;
	[tilespmem:$0x12900] =	vst v63  }
0x35c: {  	_ =	swait.ge [sflag:s10], $0x280  }
0x35d: {  	s22 =	sld [smem:$0x7F5]  }
0x35e: {  	[sflag:s10] =	ssyncset.done $0x0  }
0x35f: {  	s24 =	simm.s32 $0x11780;
	[sflag:s10] =	ssyncadd.s32 $0xFFFFFD80  }
0x360: {  	[spmem:s22] =	stream.linear.scatter [tilespmem:s24], [sflag:$0x4], $0x280, $0x38;
	[tilespmem:$0x12900] =	vst v63  }
0x361: {  	_ =	swait.ge [sflag:s10], $0x280  }
0x362: {  	[sflag:s10] =	ssyncset.done $0x0  }
0x363: {  	[sflag:s10] =	ssyncadd.s32 $0xFFFFFD80  }
0x364: {  	[bflag:$0x0] =	sbarrier.arrive $0xFFFF  }
0x365: {  	s19 =	sld [smem:$0x7FB];
	_ =	sdelay $0x1  }
0x366: {  	s2 =	simm.s32 $0x8000;
	s21 =	sld [smem:$0x7FC]  }
0x367: {  	[tilespmem:s31], [sflag:$0x2] =	stream.indirect.gather [spmem:s19], $0x1, s2, s20, $0xb8;
	[tilespmem:$0x12900] =	vst v63  }
0x368: {  	s22 =	sld [smem:$0x7FD]  }
0x369: {  	[tilespmem:s15], [sflag:$0x2] =	stream.indirect.gather [spmem:s21], $0x1, s2, s20, $0xb8;
	[tilespmem:$0x12900] =	vst v63  }
0x36a: {  	_ = 	snop  }
0x36b: {  	[tilespmem:s25], [sflag:$0x2] =	stream.indirect.gather [spmem:s22], $0x1, s2, s20, $0xb8;
	[tilespmem:$0x12900] =	vst v63  }
0x36c: {  	s5 =	simm.s32 $0x8080  }
0x36d: {  	[tilespmem:s23], [sflag:$0x2] =	stream.indirect.gather [spmem:s19], $0x1, s5, s20, $0xb8;
	[tilespmem:$0x12900] =	vst v63  }
0x36e: {  	_ = 	snop  }
0x36f: {  	[tilespmem:s0], [sflag:$0x2] =	stream.indirect.gather [spmem:s21], $0x1, s5, s20, $0xb8;
	[tilespmem:$0x12900] =	vst v63  }
0x370: {  	_ = 	snop  }
0x371: {  	[tilespmem:s1], [sflag:$0x2] =	stream.indirect.gather [spmem:s22], $0x1, s5, s20, $0xb8;
	[tilespmem:$0x12900] =	vst v63  }
0x372: {  	_ =	swait.ge [sflag:s30], $0x80  }
0x373: {  	[sflag:s30] =	ssyncset.done $0x0  }
0x374: {  	[sflag:s30] =	ssyncadd.s32 $0xFFFFFF80  }
0x375: {  	_ =	swait.ge [sflag:s30], $0x80  }
0x376: {  	[sflag:s30] =	ssyncset.done $0x0  }
0x377: {  	[sflag:s30] =	ssyncadd.s32 $0xFFFFFF80  }
0x378: {  	_ =	swait.ge [sflag:s30], $0x80  }
0x379: {  	[sflag:s30] =	ssyncset.done $0x0  }
0x37a: {  	[sflag:s30] =	ssyncadd.s32 $0xFFFFFF80  }
0x37b: {  	s6 =	simm.s32 $0x2F80;
	s7 =	rddreg [dreg:$0x9]  }
0x37c: {  	[spmem:s7] =	stream.indirect.scatter.add.f32 [tilespmem:s31], [sflag:$0x3], $0x1, s6, s20, $0xb8;
	[tilespmem:$0x12900] =	vst v63  }
0x37d: {  	s8 =	rddreg [dreg:$0xa]  }
0x37e: {  	[spmem:s8] =	stream.indirect.scatter.add.f32 [tilespmem:s15], [sflag:$0x3], $0x1, s6, s20, $0xb8;
	[tilespmem:$0x12900] =	vst v63  }
0x37f: {  	s9 =	rddreg [dreg:$0xb]  }
0x380: {  	[spmem:s9] =	stream.indirect.scatter.add.f32 [tilespmem:s25], [sflag:$0x3], $0x1, s6, s20, $0xb8;
	[tilespmem:$0x12900] =	vst v63  }
0x381: {  	_ =	swait.ge [sflag:s30], $0x80  }
0x382: {  	[sflag:s30] =	ssyncset.done $0x0  }
0x383: {  	[sflag:s30] =	ssyncadd.s32 $0xFFFFFF80  }
0x384: {  	_ =	swait.ge [sflag:s30], $0x80  }
0x385: {  	[sflag:s30] =	ssyncset.done $0x0  }
0x386: {  	[sflag:s30] =	ssyncadd.s32 $0xFFFFFF80  }
0x387: {  	_ =	swait.ge [sflag:s30], $0x80  }
0x388: {  	[sflag:s30] =	ssyncset.done $0x0  }
0x389: {  	s11 =	simm.s32 $0x3000;
	[sflag:s30] =	ssyncadd.s32 $0xFFFFFF80  }
0x38a: {  	[spmem:s7] =	stream.indirect.scatter.add.f32 [tilespmem:s23], [sflag:$0x3], $0x1, s11, s20, $0xb8;
	[tilespmem:$0x12900] =	vst v63  }
0x38b: {  	_ = 	snop  }
0x38c: {  	[spmem:s8] =	stream.indirect.scatter.add.f32 [tilespmem:s0], [sflag:$0x3], $0x1, s11, s20, $0xb8;
	[tilespmem:$0x12900] =	vst v63  }
0x38d: {  	_ = 	snop  }
0x38e: {  	[spmem:s9] =	stream.indirect.scatter.add.f32 [tilespmem:s1], [sflag:$0x3], $0x1, s11, s20, $0xb8;
	[tilespmem:$0x12900] =	vst v63  }
0x38f: {  	_ =	swait.ge [sflag:s29], $0x80  }
0x390: {  	[sflag:s29] =	ssyncset.done $0x0  }
0x391: {  	[sflag:s29] =	ssyncadd.s32 $0xFFFFFF80  }
0x392: {  	_ =	swait.ge [sflag:s29], $0x80  }
0x393: {  	[sflag:s29] =	ssyncset.done $0x0  }
0x394: {  	[sflag:s29] =	ssyncadd.s32 $0xFFFFFF80  }
0x395: {  	_ =	swait.ge [sflag:s29], $0x80  }
0x396: {  	[sflag:s29] =	ssyncset.done $0x0  }
0x397: {  	[sflag:s29] =	ssyncadd.s32 $0xFFFFFF80  }
0x398: {  	_ =	swait.ge [sflag:s29], $0x80  }
0x399: {  	[sflag:s29] =	ssyncset.done $0x0  }
0x39a: {  	[sflag:s29] =	ssyncadd.s32 $0xFFFFFF80  }
0x39b: {  	_ =	swait.ge [sflag:s29], $0x80  }
0x39c: {  	[sflag:s29] =	ssyncset.done $0x0  }
0x39d: {  	[sflag:s29] =	ssyncadd.s32 $0xFFFFFF80  }
0x39e: {  	_ =	swait.ge [sflag:s29], $0x80  }
0x39f: {  	[sflag:s29] =	ssyncset.done $0x0  }
0x3a0: {  	s12 =	simm.s32 $0x8100;
	[sflag:s29] =	ssyncadd.s32 $0xFFFFFF80  }
0x3a1: {  	[tilespmem:s31], [sflag:$0x2] =	stream.indirect.gather [spmem:s19], $0x1, s12, s20, $0xb8;
	[tilespmem:$0x12900] =	vst v63  }
0x3a2: {  	_ = 	snop  }
0x3a3: {  	[tilespmem:s15], [sflag:$0x2] =	stream.indirect.gather [spmem:s21], $0x1, s12, s20, $0xb8;
	[tilespmem:$0x12900] =	vst v63  }
0x3a4: {  	_ = 	snop  }
0x3a5: {  	[tilespmem:s25], [sflag:$0x2] =	stream.indirect.gather [spmem:s22], $0x1, s12, s20, $0xb8;
	[tilespmem:$0x12900] =	vst v63  }
0x3a6: {  	s13 =	simm.s32 $0x8180  }
0x3a7: {  	[tilespmem:s23], [sflag:$0x2] =	stream.indirect.gather [spmem:s19], $0x1, s13, s20, $0xb8;
	[tilespmem:$0x12900] =	vst v63  }
0x3a8: {  	_ = 	snop  }
0x3a9: {  	[tilespmem:s0], [sflag:$0x2] =	stream.indirect.gather [spmem:s21], $0x1, s13, s20, $0xb8;
	[tilespmem:$0x12900] =	vst v63  }
0x3aa: {  	_ = 	snop  }
0x3ab: {  	[tilespmem:s1], [sflag:$0x2] =	stream.indirect.gather [spmem:s22], $0x1, s13, s20, $0xb8;
	[tilespmem:$0x12900] =	vst v63  }
0x3ac: {  	_ =	swait.ge [sflag:s30], $0x80  }
0x3ad: {  	[sflag:s30] =	ssyncset.done $0x0  }
0x3ae: {  	[sflag:s30] =	ssyncadd.s32 $0xFFFFFF80  }
0x3af: {  	_ =	swait.ge [sflag:s30], $0x80  }
0x3b0: {  	[sflag:s30] =	ssyncset.done $0x0  }
0x3b1: {  	[sflag:s30] =	ssyncadd.s32 $0xFFFFFF80  }
0x3b2: {  	_ =	swait.ge [sflag:s30], $0x80  }
0x3b3: {  	[sflag:s30] =	ssyncset.done $0x0  }
0x3b4: {  	s24 =	simm.s32 $0x3080;
	[sflag:s30] =	ssyncadd.s32 $0xFFFFFF80  }
0x3b5: {  	[spmem:s7] =	stream.indirect.scatter.add.f32 [tilespmem:s31], [sflag:$0x3], $0x1, s24, s20, $0xb8;
	[tilespmem:$0x12900] =	vst v63  }
0x3b6: {  	_ = 	snop  }
0x3b7: {  	[spmem:s8] =	stream.indirect.scatter.add.f32 [tilespmem:s15], [sflag:$0x3], $0x1, s24, s20, $0xb8;
	[tilespmem:$0x12900] =	vst v63  }
0x3b8: {  	_ = 	snop  }
0x3b9: {  	[spmem:s9] =	stream.indirect.scatter.add.f32 [tilespmem:s25], [sflag:$0x3], $0x1, s24, s20, $0xb8;
	[tilespmem:$0x12900] =	vst v63  }
0x3ba: {  	_ =	swait.ge [sflag:s30], $0x80  }
0x3bb: {  	[sflag:s30] =	ssyncset.done $0x0  }
0x3bc: {  	[sflag:s30] =	ssyncadd.s32 $0xFFFFFF80  }
0x3bd: {  	_ =	swait.ge [sflag:s30], $0x80  }
0x3be: {  	[sflag:s30] =	ssyncset.done $0x0  }
0x3bf: {  	[sflag:s30] =	ssyncadd.s32 $0xFFFFFF80  }
0x3c0: {  	_ =	swait.ge [sflag:s30], $0x80  }
0x3c1: {  	[sflag:s30] =	ssyncset.done $0x0  }
0x3c2: {  	s5 =	simm.s32 $0x3100;
	[sflag:s30] =	ssyncadd.s32 $0xFFFFFF80  }
0x3c3: {  	[spmem:s7] =	stream.indirect.scatter.add.f32 [tilespmem:s23], [sflag:$0x3], $0x1, s5, s20, $0xb8;
	[tilespmem:$0x12900] =	vst v63  }
0x3c4: {  	s4 =	simm.s32 $0xFFFED000;
	s24 =	sld [smem:$0x7FA]  }
0x3c5: {  	[spmem:s8] =	stream.indirect.scatter.add.f32 [tilespmem:s0], [sflag:$0x3], $0x1, s5, s20, $0xb8;
	[tilespmem:$0x12900] =	vst v63  }
.LBB3_18:
0x3c6: {  	[spmem:s9] =	stream.indirect.scatter.add.f32 [tilespmem:s1], [sflag:$0x3], $0x1, s5, s20, $0xb8;
	[tilespmem:$0x12900] =	vst v63  }
0x3c7: {  	s5 =	smov.u32 s4  }
0x3c8: {  	p0 =	sne.s32 s4, $0xFFFFFC00;
	s4 =	sadd.s32 $0x400, s4;
	_ =	swait.ge [sflag:s29], $0x80  }
0x3c9: {  	[sflag:s29] =	ssyncset.done $0x0  }
0x3ca: {  	[sflag:s29] =	ssyncadd.s32 $0xFFFFFF80  }
0x3cb: {  	_ =	swait.ge [sflag:s29], $0x80  }
0x3cc: {  	[sflag:s29] =	ssyncset.done $0x0  }
0x3cd: {  	[sflag:s29] =	ssyncadd.s32 $0xFFFFFF80  }
0x3ce: {  	_ =	swait.ge [sflag:s29], $0x80  }
0x3cf: {  	[sflag:s29] =	ssyncset.done $0x0  }
0x3d0: {  	[sflag:s29] =	ssyncadd.s32 $0xFFFFFF80  }
0x3d1: {  	_ =	swait.ge [sflag:s29], $0x80  }
0x3d2: {  	[sflag:s29] =	ssyncset.done $0x0  }
0x3d3: {  	[sflag:s29] =	ssyncadd.s32 $0xFFFFFF80  }
0x3d4: {  	_ =	swait.ge [sflag:s29], $0x80  }
0x3d5: {  	[sflag:s29] =	ssyncset.done $0x0  }
0x3d6: {  	[sflag:s29] =	ssyncadd.s32 $0xFFFFFF80  }
0x3d7: {  	_ =	swait.ge [sflag:s29], $0x80  }
0x3d8: {  	s5 =	sshra.s32 s5, $0x2;
	[sflag:s29] =	ssyncset.done $0x0  }
0x3d9: {  	s6 =	sadd.s32 $0xCE00, s5;
	[sflag:s29] =	ssyncadd.s32 $0xFFFFFF80  }
0x3da: {  	[tilespmem:s31], [sflag:$0x2] =	stream.indirect.gather [spmem:s19], $0x1, s6, s20, $0xb8;
	[tilespmem:$0x12900] =	vst v63  }
0x3db: {  	_ = 	snop  }
0x3dc: {  	[tilespmem:s15], [sflag:$0x2] =	stream.indirect.gather [spmem:s21], $0x1, s6, s20, $0xb8;
	[tilespmem:$0x12900] =	vst v63  }
0x3dd: {  	_ = 	snop  }
0x3de: {  	[tilespmem:s25], [sflag:$0x2] =	stream.indirect.gather [spmem:s22], $0x1, s6, s20, $0xb8;
	[tilespmem:$0x12900] =	vst v63  }
0x3df: {  	s6 =	sadd.s32 $0xCE80, s5  }
0x3e0: {  	[tilespmem:s23], [sflag:$0x2] =	stream.indirect.gather [spmem:s19], $0x1, s6, s20, $0xb8;
	[tilespmem:$0x12900] =	vst v63  }
0x3e1: {  	_ = 	snop  }
0x3e2: {  	[tilespmem:s0], [sflag:$0x2] =	stream.indirect.gather [spmem:s21], $0x1, s6, s20, $0xb8;
	[tilespmem:$0x12900] =	vst v63  }
0x3e3: {  	_ = 	snop  }
0x3e4: {  	[tilespmem:s1], [sflag:$0x2] =	stream.indirect.gather [spmem:s22], $0x1, s6, s20, $0xb8;
	[tilespmem:$0x12900] =	vst v63  }
0x3e5: {  	_ =	swait.ge [sflag:s30], $0x80  }
0x3e6: {  	[sflag:s30] =	ssyncset.done $0x0  }
0x3e7: {  	[sflag:s30] =	ssyncadd.s32 $0xFFFFFF80  }
0x3e8: {  	_ =	swait.ge [sflag:s30], $0x80  }
0x3e9: {  	[sflag:s30] =	ssyncset.done $0x0  }
0x3ea: {  	[sflag:s30] =	ssyncadd.s32 $0xFFFFFF80  }
0x3eb: {  	_ =	swait.ge [sflag:s30], $0x80  }
0x3ec: {  	[sflag:s30] =	ssyncset.done $0x0  }
0x3ed: {  	s6 =	sadd.s32 $0x7D80, s5;
	[sflag:s30] =	ssyncadd.s32 $0xFFFFFF80  }
0x3ee: {  	[spmem:s7] =	stream.indirect.scatter.add.f32 [tilespmem:s31], [sflag:$0x3], $0x1, s6, s20, $0xb8;
	[tilespmem:$0x12900] =	vst v63  }
0x3ef: {  	_ = 	snop  }
0x3f0: {  	[spmem:s8] =	stream.indirect.scatter.add.f32 [tilespmem:s15], [sflag:$0x3], $0x1, s6, s20, $0xb8;
	[tilespmem:$0x12900] =	vst v63  }
0x3f1: {  	_ = 	snop  }
0x3f2: {  	[spmem:s9] =	stream.indirect.scatter.add.f32 [tilespmem:s25], [sflag:$0x3], $0x1, s6, s20, $0xb8;
	[tilespmem:$0x12900] =	vst v63  }
0x3f3: {  	_ =	swait.ge [sflag:s30], $0x80  }
0x3f4: {  	[sflag:s30] =	ssyncset.done $0x0  }
0x3f5: {  	[sflag:s30] =	ssyncadd.s32 $0xFFFFFF80  }
0x3f6: {  	_ =	swait.ge [sflag:s30], $0x80  }
0x3f7: {  	[sflag:s30] =	ssyncset.done $0x0  }
0x3f8: {  	[sflag:s30] =	ssyncadd.s32 $0xFFFFFF80  }
0x3f9: {  	_ =	swait.ge [sflag:s30], $0x80  }
.Ltmp8:
0x3fa: {  	[sflag:s30] =	ssyncset.done $0x0;
	(pc) =	sbr.rel @p0 .LBB3_18-.Ltmp8, $4  }
0x3fb: {  	s5 =	sadd.s32 $0x7E00, s5;
	[sflag:s30] =	ssyncadd.s32 $0xFFFFFF80  }
0x3fc: {  	[spmem:s7] =	stream.indirect.scatter.add.f32 [tilespmem:s23], [sflag:$0x3], $0x1, s5, s20, $0xb8;
	[tilespmem:$0x12900] =	vst v63  }
0x3fd: {  	_ = 	snop  }
0x3fe: {  	[spmem:s8] =	stream.indirect.scatter.add.f32 [tilespmem:s0], [sflag:$0x3], $0x1, s5, s20, $0xb8;
	[tilespmem:$0x12900] =	vst v63  }
0x3ff: {  	[spmem:s9] =	stream.indirect.scatter.add.f32 [tilespmem:s1], [sflag:$0x3], $0x1, s5, s20, $0xb8;
	[tilespmem:$0x12900] =	vst v63  }
0x400: {  	_ =	swait.ge [sflag:s29], $0x80  }
0x401: {  	[sflag:s29] =	ssyncset.done $0x0  }
0x402: {  	[sflag:s29] =	ssyncadd.s32 $0xFFFFFF80  }
0x403: {  	_ =	swait.ge [sflag:s29], $0x80  }
0x404: {  	[sflag:s29] =	ssyncset.done $0x0  }
0x405: {  	[sflag:s29] =	ssyncadd.s32 $0xFFFFFF80  }
0x406: {  	_ =	swait.ge [sflag:s29], $0x80  }
0x407: {  	[sflag:s29] =	ssyncset.done $0x0  }
0x408: {  	[sflag:s29] =	ssyncadd.s32 $0xFFFFFF80  }
0x409: {  	_ =	swait.ge [sflag:s29], $0x80  }
0x40a: {  	[sflag:s29] =	ssyncset.done $0x0  }
0x40b: {  	[sflag:s29] =	ssyncadd.s32 $0xFFFFFF80  }
0x40c: {  	_ =	swait.ge [sflag:s29], $0x80  }
0x40d: {  	[sflag:s29] =	ssyncset.done $0x0  }
0x40e: {  	[sflag:s29] =	ssyncadd.s32 $0xFFFFFF80  }
0x40f: {  	_ =	swait.ge [sflag:s29], $0x80  }
0x410: {  	[sflag:s29] =	ssyncset.done $0x0  }
0x411: {  	s12 =	simm.s32 $0x20;
	s2 =	simm.s32 $0xCE00;
	[sflag:s29] =	ssyncadd.s32 $0xFFFFFF80  }
0x412: {  	[tilespmem:s31], [sflag:$0x4] =	stream.indirect.gather [spmem:s19], $0x1, s2, s12, $0xb8;
	[tilespmem:$0x12900] =	vst v63  }
0x413: {  	_ =	swait.ge [sflag:s10], $0x20  }
0x414: {  	[sflag:s10] =	ssyncset.done $0x0  }
0x415: {  	s4 =	simm.s32 $0x7F80;
	[sflag:s10] =	ssyncadd.s32 $0xFFFFFFE0  }
0x416: {  	[spmem:s7] =	stream.indirect.scatter.add.f32 [tilespmem:s31], [sflag:$0x4], $0x1, s4, s12, $0xb8;
	[tilespmem:$0x12900] =	vst v63  }
0x417: {  	_ =	swait.ge [sflag:s10], $0x20  }
0x418: {  	[sflag:s10] =	ssyncset.done $0x0  }
0x419: {  	[sflag:s10] =	ssyncadd.s32 $0xFFFFFFE0  }
0x41a: {  	[tilespmem:s15], [sflag:$0x4] =	stream.indirect.gather [spmem:s21], $0x1, s2, s12, $0xb8;
	[tilespmem:$0x12900] =	vst v63  }
0x41b: {  	_ =	swait.ge [sflag:s10], $0x20  }
0x41c: {  	[sflag:s10] =	ssyncset.done $0x0  }
0x41d: {  	[sflag:s10] =	ssyncadd.s32 $0xFFFFFFE0  }
0x41e: {  	[spmem:s8] =	stream.indirect.scatter.add.f32 [tilespmem:s15], [sflag:$0x4], $0x1, s4, s12, $0xb8;
	[tilespmem:$0x12900] =	vst v63  }
0x41f: {  	_ =	swait.ge [sflag:s10], $0x20  }
0x420: {  	[sflag:s10] =	ssyncset.done $0x0  }
0x421: {  	[sflag:s10] =	ssyncadd.s32 $0xFFFFFFE0  }
0x422: {  	[tilespmem:s25], [sflag:$0x4] =	stream.indirect.gather [spmem:s22], $0x1, s2, s12, $0xb8;
	[tilespmem:$0x12900] =	vst v63  }
0x423: {  	_ =	swait.ge [sflag:s10], $0x20  }
0x424: {  	[sflag:s10] =	ssyncset.done $0x0  }
0x425: {  	[sflag:s10] =	ssyncadd.s32 $0xFFFFFFE0  }
0x426: {  	[spmem:s9] =	stream.indirect.scatter.add.f32 [tilespmem:s25], [sflag:$0x4], $0x1, s4, s12, $0xb8;
	[tilespmem:$0x12900] =	vst v63  }
0x427: {  	_ =	swait.ge [sflag:s10], $0x20  }
0x428: {  	[sflag:s10] =	ssyncset.done $0x0  }
0x429: {  	[sflag:s10] =	ssyncadd.s32 $0xFFFFFFE0  }
0x42a: {  	s22 =	simm.s32 $0x11A00;
	[bflag:$0x0] =	sbarrier.arrive $0xFFFF  }
0x42b: {  	[tilespmem:s22], [sflag:$0x4] =	stream.linear.gather [spmem:s24], $0x280, $0x38;
	[tilespmem:$0x12900] =	vst v63  }
0x42c: {  	_ =	swait.ge [sflag:s10], $0x280  }
0x42d: {  	s9 =	sld [smem:$0x7EB]  }
0x42e: {  	[sflag:s10] =	ssyncset.done $0x0  }
0x42f: {  	s11 =	simm.s32 $0x11C80;
	[sflag:s10] =	ssyncadd.s32 $0xFFFFFD80  }
0x430: {  	[tilespmem:s11], [sflag:$0x4] =	stream.linear.gather [spmem:s9], $0x280, $0x38;
	[tilespmem:$0x12900] =	vst v63  }
0x431: {  	_ =	swait.ge [sflag:s10], $0x280  }
0x432: {  	s12 =	sld [smem:$0x7EC]  }
0x433: {  	[sflag:s10] =	ssyncset.done $0x0  }
0x434: {  	s19 =	simm.s32 $0x11F00;
	[sflag:s10] =	ssyncadd.s32 $0xFFFFFD80  }
0x435: {  	[tilespmem:s19], [sflag:$0x4] =	stream.linear.gather [spmem:s12], $0x280, $0x38;
	[tilespmem:$0x12900] =	vst v63  }
0x436: {  	_ =	swait.ge [sflag:s10], $0x280  }
0x437: {  	s21 =	simm.s32 $0x0;
	[sflag:s10] =	ssyncset.done $0x0  }
0x438: {  	s4 =	sand.u32 $0x3F0, s21;
	[sflag:s10] =	ssyncadd.s32 $0xFFFFFD80  }
0x439: {  	s5 =	simm.s32 $0xD800;
	v0 =	vld [tilespmem:s4+$0xE700]  }
0x43a: {  	s6 =	simm.s32 $0x10380;
	v1 =	vld [tilespmem:s5+$0x0]  }
0x43b: {  	s7 =	simm.s32 $0xD580;
	v2 =	vld [tilespmem:s6+$0x0]  }
0x43c: {  	v7 =	vld [tilespmem:s7+$0x0];
	_ =	sdelay $0x1  }
0x43d: {  	v3 =	vld [tilespmem:s22+$0x0];
	_ =	sdelay $0x2  }
0x43e: {  	v1 =	vsub.f32 v1, v0;
	v2 =	vmul.f32 v2, v7;
	v0 =	vadd.f32 v7, v7;
	_ =	sdelay $0x1  }
0x43f: {  	v1 =	vsub.f32 v1, v2;
	v2 =	vmul.f32 v3, v0;
	_ =	sdelay $0x1  }
0x440: {  	v1 =	vadd.f32 v2, v1;
	_ =	sdelay $0x1  }
0x441: {  	v1 =	vadd.f32 v1, v1;
	_ =	sdelay $0x1  }
0x442: {  	v1 =	vmul.f32 $1.442695020e+00, v1;
	_ =	sdelay $0x1  }
0x443: {  	(erf) = vpow2.f32 v1;
	_ =	sdelay $0x8  }
0x444: {  	v1 =	vpop (erf)  }
0x445: {  	v1 =	vadd.f32 $1.000000000e+00, v1;
	_ =	sdelay $0x1  }
0x446: {  	(erf) = vrcp.f32 v1;
	_ =	sdelay $0x8  }
0x447: {  	v1 =	vpop (erf)  }
0x448: {  	v1 =	vadd.f32 v1, v1;
	_ =	sdelay $0x1  }
0x449: {  	v1 =	vsub.f32 $1.000000000e+00, v1  }
0x44a: {  	s22 =	simm.s32 $0x12180  }
0x44b: {  	[tilespmem:s22+$0x0] =	vst v1  }
0x44c: {  	v4 =	vld [tilespmem:s4+$0xEC00]  }
0x44d: {  	v6 =	vld [tilespmem:s4+$0xDD00]  }
0x44e: {  	v8 =	vld [tilespmem:s4+$0x10600]  }
0x44f: {  	v9 =	vld [tilespmem:s4+$0x10880]  }
0x450: {  	v1 =	vld [tilespmem:s4+$0xDA80]  }
0x451: {  	v5 =	vld [tilespmem:s4+$0xE980]  }
0x452: {  	v3 =	vld [tilespmem:s4+$0x11F00]  }
0x453: {  	v2 =	vld [tilespmem:s4+$0x11C80]  }
0x454: {  	s13 =	simm.s32 $0x7F80;
	s8 =	simm.s32 $0x10  }
0x455: {  	s9 =	simm.s32 $0x11A10;
	s10 =	simm.s32 $0x12190;
	s12 =	rddreg [dreg:$0xc];
	v6 =	vsub.f32 v6, v4;
	v4 =	vmul.f32 v8, v7;
	v7 =	vmul.f32 v9, v7  }
.LBB3_20:
0x456: {  	v1 =	vsub.f32 v1, v5;
	s7 =	sadd.s32 $0x10, s7;
	s5 =	sadd.s32 $0x10, s5;
	s6 =	sadd.s32 $0x10, s6  }
0x457: {  	p0 =	sne.s32 s8, $0x270;
	s11 =	smov.u32 s8;
	s8 =	sadd.s32 $0x10, s8;
	v5 =	vsub.f32 v6, v7;
	v3 =	vmul.f32 v3, v0  }
0x458: {  	v1 =	vsub.f32 v1, v4;
	v0 =	vmul.f32 v2, v0  }
0x459: {  	v2 =	vadd.f32 v3, v5  }
0x45a: {  	v0 =	vadd.f32 v0, v1  }
0x45b: {  	v1 =	vadd.f32 v2, v2  }
0x45c: {  	v0 =	vadd.f32 v0, v0  }
0x45d: {  	s11 =	sand.u32 $0x3F0, s11;
	v1 =	vmul.f32 $1.442695020e+00, v1  }
0x45e: {  	v2 =	vld [tilespmem:s11+$0xE700];
	v0 =	vmul.f32 $1.442695020e+00, v0  }
0x45f: {  	(erf) = vpow2.f32 v1  }
0x460: {  	(erf) = vpow2.f32 v0;
	_ =	sdelay $0x7  }
0x461: {  	v0 =	vpop (erf)  }
0x462: {  	v0 =	vadd.f32 $1.000000000e+00, v0;
	v1 =	vpop (erf)  }
0x463: {  	v1 =	vadd.f32 $1.000000000e+00, v1  }
0x464: {  	(erf) = vrcp.f32 v0  }
0x465: {  	(erf) = vrcp.f32 v1;
	_ =	sdelay $0x7  }
0x466: {  	v0 =	vpop (erf)  }
0x467: {  	v0 =	vadd.f32 v0, v0;
	v1 =	vpop (erf)  }
0x468: {  	v1 =	vadd.f32 v1, v1  }
0x469: {  	v0 =	vsub.f32 $1.000000000e+00, v0  }
0x46a: {  	v1 =	vsub.f32 $1.000000000e+00, v1  }
0x46b: {  	[tilespmem:s4+$0x12680] =	vst v0  }
0x46c: {  	[tilespmem:s4+$0x12400] =	vst v1;
	s4 =	smov.u32 s11  }
0x46d: {  	v0 =	vld [tilespmem:s5+$0x0]  }
0x46e: {  	v1 =	vld [tilespmem:s6+$0x0]  }
0x46f: {  	v7 =	vld [tilespmem:s7+$0x0]  }
0x470: {  	v3 =	vld [tilespmem:s9+$0x0];
	_ =	sdelay $0x1  }
0x471: {  	v2 =	vsub.f32 v0, v2;
	_ =	sdelay $0x1  }
0x472: {  	v1 =	vmul.f32 v1, v7;
	v0 =	vadd.f32 v7, v7;
	_ =	sdelay $0x1  }
0x473: {  	v1 =	vsub.f32 v2, v1;
	v2 =	vmul.f32 v3, v0;
	_ =	sdelay $0x1  }
0x474: {  	v1 =	vadd.f32 v2, v1;
	_ =	sdelay $0x1  }
0x475: {  	v1 =	vadd.f32 v1, v1;
	_ =	sdelay $0x1  }
0x476: {  	v1 =	vmul.f32 $1.442695020e+00, v1;
	_ =	sdelay $0x1  }
0x477: {  	(erf) = vpow2.f32 v1;
	_ =	sdelay $0x8  }
0x478: {  	v1 =	vpop (erf)  }
0x479: {  	v1 =	vadd.f32 $1.000000000e+00, v1;
	_ =	sdelay $0x1  }
0x47a: {  	(erf) = vrcp.f32 v1;
	_ =	sdelay $0x8  }
0x47b: {  	v1 =	vpop (erf)  }
0x47c: {  	v1 =	vadd.f32 v1, v1;
	_ =	sdelay $0x1  }
0x47d: {  	v1 =	vsub.f32 $1.000000000e+00, v1;
	_ =	sdelay $0x1  }
0x47e: {  	[tilespmem:s10+$0x0] =	vst v1  }
0x47f: {  	v1 =	vld [tilespmem:s4+$0xDA80]  }
0x480: {  	v4 =	vld [tilespmem:s4+$0xEC00]  }
0x481: {  	v6 =	vld [tilespmem:s4+$0xDD00]  }
0x482: {  	v8 =	vld [tilespmem:s4+$0x10600]  }
0x483: {  	v9 =	vld [tilespmem:s4+$0x10880]  }
.Ltmp9:
0x484: {  	v5 =	vld [tilespmem:s4+$0xE980];
	(pc) =	sbr.rel @p0 .LBB3_20-.Ltmp9, $4  }
0x485: {  	v3 =	vld [tilespmem:s4+$0x11F00]  }
0x486: {  	v2 =	vld [tilespmem:s4+$0x11C80];
	v6 =	vsub.f32 v6, v4  }
0x487: {  	v4 =	vmul.f32 v8, v7  }
0x488: {  	s9 =	sadd.s32 $0x10, s9;
	s10 =	sadd.s32 $0x10, s10;
	v7 =	vmul.f32 v9, v7  }
0x489: {  	v1 =	vsub.f32 v1, v5  }
0x48a: {  	v58 =	vsub.f32 v6, v7;
	v3 =	vmul.f32 v3, v0  }
0x48b: {  	v1 =	vsub.f32 v1, v4;
	v59 =	vmul.f32 v2, v0  }
0x48c: {  	v60 =	vadd.f32 v3, v58  }
0x48d: {  	v0 =	vadd.f32 v59, v1  }
0x48e: {  	v61 =	vadd.f32 v60, v60  }
0x48f: {  	v0 =	vadd.f32 v0, v0  }
0x490: {  	v1 =	vmul.f32 $1.442695020e+00, v61  }
0x491: {  	v0 =	vmul.f32 $1.442695020e+00, v0  }
0x492: {  	(erf) = vpow2.f32 v1  }
0x493: {  	(erf) = vpow2.f32 v0;
	_ =	sdelay $0x7  }
0x494: {  	v62 =	vpop (erf)  }
0x495: {  	v0 =	vadd.f32 $1.000000000e+00, v62;
	v63 =	vpop (erf)  }
0x496: {  	v1 =	vadd.f32 $1.000000000e+00, v63  }
0x497: {  	(erf) = vrcp.f32 v0  }
0x498: {  	(erf) = vrcp.f32 v1;
	_ =	sdelay $0x7  }
0x499: {  	v0 =	vpop (erf)  }
0x49a: {  	v0 =	vadd.f32 v0, v0;
	v1 =	vpop (erf)  }
0x49b: {  	v1 =	vadd.f32 v1, v1  }
0x49c: {  	v0 =	vsub.f32 $1.000000000e+00, v0  }
0x49d: {  	s6 =	sld [smem:$0x7F6];
	v1 =	vsub.f32 $1.000000000e+00, v1  }
0x49e: {  	[tilespmem:s4+$0x12680] =	vst v0  }
0x49f: {  	s7 =	simm.s32 $0x0;
	s2 =	simm.s32 $0x12180;
	s10 =	simm.s32 $0x4;
	[tilespmem:s4+$0x12400] =	vst v1  }
0x4a0: {  	[hbm4b:s6+s7] =	stream.linear.scatter [tilespmem:s2], [sflag:$0x4], $0x280, $0x38;
	[tilespmem:$0x12900] =	vst v63  }
0x4a1: {  	_ =	swait.ge [sflag:s10], $0x280  }
0x4a2: {  	s8 =	sld [smem:$0x7F7]  }
0x4a3: {  	[sflag:s10] =	ssyncset.done $0x0  }
0x4a4: {  	s9 =	simm.s32 $0x12400;
	[sflag:s10] =	ssyncadd.s32 $0xFFFFFD80  }
0x4a5: {  	[hbm4b:s8+s7] =	stream.linear.scatter [tilespmem:s9], [sflag:$0x4], $0x280, $0x38;
	[tilespmem:$0x12900] =	vst v63  }
0x4a6: {  	_ =	swait.ge [sflag:s10], $0x280  }
0x4a7: {  	s11 =	sld [smem:$0x7F8]  }
0x4a8: {  	[sflag:s10] =	ssyncset.done $0x0  }
0x4a9: {  	s19 =	simm.s32 $0x12680;
	[sflag:s10] =	ssyncadd.s32 $0xFFFFFD80  }
0x4aa: {  	[hbm4b:s11+s7] =	stream.linear.scatter [tilespmem:s19], [sflag:$0x4], $0x280, $0x38;
	[tilespmem:$0x12900] =	vst v63  }
0x4ab: {  	_ =	swait.ge [sflag:s10], $0x280  }
0x4ac: {  	s21 =	sld [smem:$0x7E5]  }
0x4ad: {  	s22 =	sld [smem:$0x7F9];
	_ =	sdelay $0x1  }
0x4ae: {  	s2 =	sadd.s32 $0x1, s21  }
0x4af: {  	p0 =	sne.s32 s2, s22  }
.Ltmp10:
0x4b0: {  	_ = 	snop;
	(pc) =	sbr.rel @p0 .LBB3_1-.Ltmp10, $4  }
0x4b1: {  	[sflag:s10] =	ssyncset.done $0x0  }
0x4b2: {  	[sflag:s10] =	ssyncadd.s32 $0xFFFFFD80  }
0x4b3: {  	s8 =	rddreg [dreg:$0x2]  }
0x4b4: {  	s9 =	simm.s32 $0xCE80;
	s11 =	rddreg [dreg:$0x3]  }
0x4b5: {  	_ =	sfence.sel $0x180000  }
0x4b6: {  	[bflag:$0x0] =	sbarrier.arrive $0xFFFF  }
0x4b7: {  	_ =	strace $0x90000047  }
0x4b8: {  	s0 =	stileid.u32;
	[bflag:$0x2] =	sbarrier.arrive $0xFFFF  }
0x4b9: {  	p0 =	sne.s32 s0, $0x0;
	s0 =	rddreg [dreg:$0xe]  }
0x4ba: {  	s0 =	sadd.s32 @!p0 $0x100000, s0  }
0x4bb: {  	[sflag:s0] =	ssyncadd.tile.s32 @!p0 $0x1;
	_ =	shalt  }
.Lfunc_end3:
_tile_overlayer_lowered:
.L_overlay_start_3:
0x4bc: {  	(tag) =	ssettag $0x3  }
0x4bd: {  	s0 =	rddreg [dreg:$0x0];
	s2 =	stileid.u32  }
0x4be: {  	s1 =	rddreg [dreg:$0x1];
	p0 =	sne.s32 s2, $0x0  }
0x4bf: {  	s3 =	rddreg [dreg:$0x2];
	[bflag:$0x3] =	sbarrier.arrive $0xFFFF;
	s2 =	simm.s32 @!p0 $0x1C04  }
0x4c0: {  	[timem:s3], [sflag:s2] =	dma.local @!p0 [hbm:s0], s1  }
0x4c1: {  	s0 =	simm.s32 @!p0 $0x4  }
0x4c2: {  	_ =	swait.ge @!p0 [sflag:s0], s1  }
0x4c3: {  	s1 =	ssub.s32 @!p0 $0x0, s1;
	[sflag:s0] =	ssyncset.done @!p0 $0x0  }
0x4c4: {  	[sflag:s0] =	ssyncadd.s32 @!p0 s1  }
0x4c5: {  	[bflag:$0x3] =	sbarrier.arrive $0xFFFF  }
0x4c6: {  	_ =	shalt  }

</sc_bundles>
